<compile_context>
chip_gen: v7x
topology: tpu7x:2x2x1
jax: 0.10.2.dev20260603
libtpu: 0.0.44.dev20260713+nightly
codegen_flags: <defaults>
</compile_context>

<pallas_src>
import functools

import jax
import jax.numpy as jnp
from jax import lax
from jax.experimental import pallas as pl
from jax.experimental.pallas import tpu as pltpu
from jax.experimental.pallas import tpu_sc as plsc

B = 16
A = 4096
FD = 128
L = 16
NK = FD // L
CHUNK = 256
MOLC = A // CHUNK
SCB = 2
TCB = B - SCB
MPC = SCB // 2
NSUB = 16
MAXSLOT = max(1, MPC * MOLC // NSUB)
UNROLL = 8
PARTROWS = MPC * MOLC


def _sc_mol_kernel(nf_hbm, ds_hbm, out_hbm,
                   buf0, buf1, buf2, stage, rowp, comb, row_buf, shared,
                   sem0, sem1, sem2, sem_r):
    core = lax.axis_index("c")
    sub = lax.axis_index("s")
    idx16 = lax.iota(jnp.int32, L)

    pltpu.async_copy(ds_hbm, stage.at[pl.ds(0, 2 * B)], sem_r)
    pltpu.make_async_copy(ds_hbm, stage.at[pl.ds(0, 2 * B)], sem_r).wait()

    def va_of(j):
        return stage[pl.ds(MPC * core + j, L)][0]

    va_l = [va_of(j) for j in range(MPC)]
    cum = [jnp.int32(0)]
    for j in range(MPC):
        cum.append(cum[j] + (va_l[j] + CHUNK - 1) // CHUNK)
    total = cum[MPC]

    q = total // NSUB
    r = total % NSUB
    my_cnt = q + jnp.where(sub < r, 1, 0)
    my_start = sub * q + jnp.minimum(sub, r)

    def chunk_info(i):
        g = my_start + i
        lb = jnp.int32(0)
        ce = jnp.int32(0)
        va = va_l[0]
        for j in range(1, MPC):
            after = cum[j] <= g
            lb = lb + after.astype(jnp.int32)
            ce = jnp.where(after, cum[j], ce)
            va = jnp.where(after, va_l[j], va)
        jc = g - ce
        m = jnp.clip(va - jc * CHUNK, 0, CHUNK)
        return g, MPC * core + lb, jc, m

    bufs = [buf0, buf1, buf2]
    sems = [sem0, sem1, sem2]
    NBUF = 3

    def dma_start(i):
        g, b, jc, m = chunk_info(i)

        @pl.when(i < my_cnt)
        def _():
            pltpu.async_copy(
                nf_hbm.at[b, pl.ds(jc * CHUNK, CHUNK), :], bufs[i % NBUF],
                sems[i % NBUF])

    dma_start(0)
    if MAXSLOT > 1:
        dma_start(1)
    for i in range(MAXSLOT):
        if i + 2 < MAXSLOT:
            dma_start(i + 2)
        g, b, jc, m = chunk_info(i)
        buf = bufs[i % NBUF]

        @pl.when(i < my_cnt)
        def _(buf=buf, g=g, b=b, jc=jc, m=m, i=i):
            pltpu.make_async_copy(
                nf_hbm.at[b, pl.ds(jc * CHUNK, CHUNK), :], buf,
                sems[i % NBUF]).wait()
            accs = tuple(jnp.zeros((L,), jnp.float32) for _ in range(NK))

            def body(it, acc, buf=buf, m=m):
                base = it * UNROLL
                for rr in range(UNROLL):
                    j = base + rr
                    keep = j < m
                    acc = tuple(
                        acc[k] + jnp.where(keep, buf[j, pl.ds(k * L, L)],
                                           jnp.float32(0.0))
                        for k in range(NK))
                return acc

            ngroups = (m + UNROLL - 1) // UNROLL
            accs = lax.fori_loop(0, ngroups, body, accs)
            for k in range(NK):
                rowp[i, pl.ds(k * L, L)] = accs[k]
            pltpu.async_copy(rowp.at[i], shared.at[g], sem_r)

    for i in range(MAXSLOT):
        g, b, jc, m = chunk_info(i)

        @pl.when(i < my_cnt)
        def _(g=g, i=i):
            pltpu.make_async_copy(rowp.at[i], shared.at[g], sem_r).wait()
    plsc.subcore_barrier()

    @pl.when(sub < MPC)
    def _():
        b_out = MPC * core + sub
        cs = jnp.int32(0)
        n = jnp.int32(0)
        for j in range(MPC):
            here = sub == j
            cs = jnp.where(here, cum[j], cs)
            n = jnp.where(here, cum[j + 1] - cum[j], n)
        vf_b = stage[pl.ds(B + b_out, L)][0]
        pltpu.sync_copy(shared.at[pl.ds(cs, MOLC)], comb)
        accs = tuple(jnp.zeros((L,), jnp.float32) for _ in range(NK))
        for rr in range(MOLC):
            keep = rr < n
            accs = tuple(
                accs[k] + jnp.where(keep, comb[rr, pl.ds(k * L, L)],
                                    jnp.float32(0.0))
                for k in range(NK))
        for k in range(NK):
            fkeep = (idx16 + k * L) < vf_b
            row_buf[pl.ds(k * L, L)] = jnp.maximum(
                jnp.where(fkeep, accs[k], jnp.float32(0.0)), jnp.float32(0.0))
        pltpu.sync_copy(row_buf, out_hbm.at[b_out])


TCNBUF = 4
RG = CHUNK // 8


def _tc_mol_kernel(lc_ref, va_ref, vf_ref, nf_hbm, out_ref,
                   tb0, tb1, tb2, tb3, acc, ts0, ts1, ts2, ts3):
    b = pl.program_id(0)
    mb = b + SCB
    va = va_ref[mb]
    n = lc_ref[mb] + 1
    bufs = [tb0, tb1, tb2, tb3]
    sems = [ts0, ts1, ts2, ts3]

    def start(i):
        @pl.when(i < n)
        def _():
            pltpu.async_copy(nf_hbm.at[mb, pl.ds(i * CHUNK, CHUNK), :],
                             bufs[i % TCNBUF], sems[i % TCNBUF])

    start(0)
    start(1)
    start(2)
    acc[...] = jnp.zeros((CHUNK, FD), jnp.float32)
    for i in range(MOLC):
        if i + 3 < MOLC:
            start(i + 3)
        buf = bufs[i % TCNBUF]
        sem = sems[i % TCNBUF]

        @pl.when(i < n)
        def _(buf=buf, sem=sem, i=i):
            pltpu.make_async_copy(
                nf_hbm.at[mb, pl.ds(i * CHUNK, CHUNK), :], buf, sem).wait()

            @pl.when((i + 1) * CHUNK <= va)
            def _():
                acc[...] += buf[...]

            @pl.when(((i + 1) * CHUNK > va) & (i * CHUNK < va))
            def _():
                ri = (jax.lax.broadcasted_iota(jnp.int32, (CHUNK, 1), 0)
                      + i * CHUNK)
                acc[...] += jnp.where(ri < va, buf[...], jnp.float32(0.0))

    vf = vf_ref[mb]
    row = jnp.sum(acc[...], axis=0)
    feat = jax.lax.broadcasted_iota(jnp.int32, (FD,), 0)
    row = jnp.maximum(jnp.where(feat < vf, row, jnp.float32(0.0)),
                      jnp.float32(0.0))
    out_ref[...] = jnp.broadcast_to(row[None, None, :], (1, 8, FD))


@jax.jit
def _run(node_features, ds_flat):
    va = ds_flat[:B]
    vf = ds_flat[B:]
    last_chunk = jnp.maximum((va + CHUNK - 1) // CHUNK - 1, 0)

    grid_spec = pltpu.PrefetchScalarGridSpec(
        num_scalar_prefetch=3,
        grid=(TCB,),
        in_specs=[pl.BlockSpec(memory_space=pl.ANY)],
        out_specs=pl.BlockSpec((1, 8, FD), lambda b, lc, va, vf: (b, 0, 0)),
        scratch_shapes=[
            pltpu.VMEM((CHUNK, FD), jnp.float32),
            pltpu.VMEM((CHUNK, FD), jnp.float32),
            pltpu.VMEM((CHUNK, FD), jnp.float32),
            pltpu.VMEM((CHUNK, FD), jnp.float32),
            pltpu.VMEM((CHUNK, FD), jnp.float32),
            pltpu.SemaphoreType.DMA,
            pltpu.SemaphoreType.DMA,
            pltpu.SemaphoreType.DMA,
            pltpu.SemaphoreType.DMA,
        ],
    )
    out_tc = pl.pallas_call(
        _tc_mol_kernel,
        grid_spec=grid_spec,
        out_shape=jax.ShapeDtypeStruct((TCB, 8, FD), jnp.float32),
        compiler_params=pltpu.CompilerParams(
            dimension_semantics=("arbitrary",)),
    )(last_chunk, va, vf, node_features)
    out_tc = out_tc[:, 0, :]

    mesh = plsc.VectorSubcoreMesh(core_axis_name="c", subcore_axis_name="s")
    sc_fn = functools.partial(
        pl.kernel,
        mesh=mesh,
        out_type=jax.ShapeDtypeStruct((SCB, FD), jnp.float32),
        scratch_types=[
            pltpu.VMEM((CHUNK, FD), jnp.float32),
            pltpu.VMEM((CHUNK, FD), jnp.float32),
            pltpu.VMEM((CHUNK, FD), jnp.float32),
            pltpu.VMEM((2 * B + L,), jnp.int32),
            pltpu.VMEM((MAXSLOT, FD), jnp.float32),
            pltpu.VMEM((MOLC, FD), jnp.float32),
            pltpu.VMEM((FD,), jnp.float32),
            pltpu.VMEM_SHARED((PARTROWS + MOLC, FD), jnp.float32),
            pltpu.SemaphoreType.DMA,
            pltpu.SemaphoreType.DMA,
            pltpu.SemaphoreType.DMA,
            pltpu.SemaphoreType.DMA,
        ],
    )(_sc_mol_kernel)
    out_sc = sc_fn(node_features, ds_flat)

    return jnp.concatenate([out_sc, out_tc], axis=0)


def kernel(node_features, data_slice):
    ds = data_slice.astype(jnp.int32)
    ds_flat = jnp.concatenate([ds[:, 0], ds[:, 1]])
    return _run(node_features, ds_flat)

# --- scband reference (transcript-rebuilt; emitter-appended) ---
"""Pipeline reference for scband-graph-gather-mol-89489938579864 (READ-ONLY COPY).

The authoritative reference and input builder live on the scoring server;
editing this copy changes nothing except your own understanding.
"""

import jax, jax.numpy as jnp
import numpy as np

B = 16
A = 4096
FD = 128

def setup_inputs(seed: int = 0) -> dict:
    key = jax.random.key(seed)
    k1, k2 = jax.random.split(key)
    node_features = jax.random.normal(k1, (B, A, FD), dtype=jnp.float32)
    # data_slice[:, 0] = valid_atoms, data_slice[:, 1] = valid_features
    data_slice = jax.random.randint(k2, (B, 2), 0, A, dtype=jnp.int64)
    return {"node_features": node_features, "data_slice": data_slice}

def reference(node_features, data_slice):
    # Faithful translation of GraphGatherMol.forward with a stacked node_features
    # tensor standing in for the list of per-molecule tensors (all same shape).
    # For each molecule: x = atoms[i][:valid_atoms, :valid_features]; sum over atoms.
    # Slicing beyond the actual dim size in torch just keeps the full dim, which the
    # arange-based masks reproduce exactly (mask is all-True when valid >= dim size).
    b, a, f = node_features.shape
    valid_atoms = data_slice[:, 0]
    valid_feats = data_slice[:, 1]
    atom_mask = (jnp.arange(a)[None, :] < valid_atoms[:, None]).astype(node_features.dtype)  # [B, A]
    feat_mask = (jnp.arange(f)[None, :] < valid_feats[:, None]).astype(node_features.dtype)  # [B, F]
    masked = node_features * atom_mask[:, :, None]
    mol_reps = jnp.sum(masked, axis=1) * feat_mask  # [B, F]
    return jax.nn.relu(mol_reps)

if __name__ == "__main__":
    import jax
    _d = setup_inputs()
    print(jax.jit(kernel)(*tuple(_d.values())))

</pallas_src>

<mosaic_0001>
#map = affine_map<(d0, d1) -> (0, 0, 0)>
#map1 = affine_map<(d0, d1) -> (0)>
#map2 = affine_map<(d0, d1) -> (0, 0)>
module attributes {stable_mosaic.version = 14 : i64} {
  func.func @_sc_mol_kernel(%arg0: i32, %arg1: i32, %arg2: memref<16x4096x128xf32, #tpu.memory_space<hbm>>, %arg3: memref<32xi32, #tpu.memory_space<hbm>>, %arg4: memref<2x128xf32, #tpu.memory_space<hbm>>, %arg5: memref<256x128xf32, #tpu.memory_space<vmem>>, %arg6: memref<256x128xf32, #tpu.memory_space<vmem>>, %arg7: memref<256x128xf32, #tpu.memory_space<vmem>>, %arg8: memref<48xi32, #tpu.memory_space<vmem>>, %arg9: memref<1x128xf32, #tpu.memory_space<vmem>>, %arg10: memref<16x128xf32, #tpu.memory_space<vmem>>, %arg11: memref<128xf32, #tpu.memory_space<vmem>>, %arg12: memref<32x128xf32, #tpu.memory_space<vmem_shared>>, %arg13: memref<!tpu.dma_semaphore, #tpu.memory_space<semaphore_mem>>, %arg14: memref<!tpu.dma_semaphore, #tpu.memory_space<semaphore_mem>>, %arg15: memref<!tpu.dma_semaphore, #tpu.memory_space<semaphore_mem>>, %arg16: memref<!tpu.dma_semaphore, #tpu.memory_space<semaphore_mem>>) attributes {dimension_semantics = [#tpu.dimension_semantics<core_parallel>, #tpu.dimension_semantics<subcore_parallel>], iteration_bounds = array<i64: 2, 16>, scalar_prefetch = 0 : i64, scratch_operands = 12 : i64, tpu.core_type = #tpu.core_type<sc_vector_subcore>, window_params = [{transform_indices = #map}, {transform_indices = #map1}, {transform_indices = #map2}]} {
    %iota3A = tpu.iota {dimensions = array<i32: 0>} : vector<16xi32>
    %dma_start3A = arith.constant 0 : i32
    %dma_start3A_0 = tpu.memref_slice %arg8[%dma_start3A] : memref<48xi32, #tpu.memory_space<vmem>> -> memref<32xi32, #tpu.memory_space<vmem>>
    %dma_start3A_1 = arith.constant 0 : i32
    %dma_start3A_2 = tpu.memref_slice %arg8[%dma_start3A_1] : memref<48xi32, #tpu.memory_space<vmem>> -> memref<32xi32, #tpu.memory_space<vmem>>
    tpu.enqueue_dma source(%arg3 : memref<32xi32, #tpu.memory_space<hbm>>) target(%dma_start3A_2 : memref<32xi32, #tpu.memory_space<vmem>>) target_semaphore(%arg16 : memref<!tpu.dma_semaphore, #tpu.memory_space<semaphore_mem>>)
    %dma_wait3A = arith.constant 0 : i32
    %dma_wait3A_3 = tpu.memref_slice %arg8[%dma_wait3A] : memref<48xi32, #tpu.memory_space<vmem>> -> memref<32xi32, #tpu.memory_space<vmem>>
    %dma_wait3A_4 = arith.constant 0 : i32
    %dma_wait3A_5 = tpu.memref_slice %arg8[%dma_wait3A_4] : memref<48xi32, #tpu.memory_space<vmem>> -> memref<32xi32, #tpu.memory_space<vmem>>
    tpu.wait_dma2 semaphore(%arg16 : memref<!tpu.dma_semaphore, #tpu.memory_space<semaphore_mem>>) src(%arg3 : memref<32xi32, #tpu.memory_space<hbm>>) dst(%dma_wait3A_5 : memref<32xi32, #tpu.memory_space<vmem>>)
    %mul3A = arith.constant 1 : i32
    %mul3A_6 = arith.muli %mul3A, %arg0 : i32
    %add3A = arith.constant 0 : i32
    %add3A_7 = arith.addi %mul3A_6, %add3A : i32
    %get3A = arith.index_cast %add3A_7 : i32 to index
    %get3A_8 = tpu.vector_load %arg8[%get3A] {strides = array<i32>} : memref<48xi32, #tpu.memory_space<vmem>>, vector<16xi32>,
    %get3A_9 = vector.shape_cast %get3A_8 : vector<16xi32> to vector<16xi32>
    %slice3A = vector.extract_strided_slice %get3A_9 {offsets = [0], sizes = [1], strides = [1]} : vector<16xi32> to vector<1xi32>
    %squeeze3A = vector.extract %slice3A[0] : i32 from vector<1xi32>
    %add3A_10 = arith.constant 256 : i32
    %add3A_11 = arith.addi %squeeze3A, %add3A_10 : i32
    %sub3A = arith.constant 1 : i32
    %sub3A_12 = arith.subi %add3A_11, %sub3A : i32
    %jit3A = arith.constant 256 : i32
    %div3A = arith.divsi %sub3A_12, %jit3A : i32
    %sign3A = arith.constant 0 : i32
    %sign3A_13 = arith.cmpi sgt, %sub3A_12, %sign3A : i32
    %sign3A_14 = arith.extui %sign3A_13 : i1 to i32
    %sign3A_15 = arith.constant 0 : i32
    %sign3A_16 = arith.cmpi slt, %sub3A_12, %sign3A_15 : i32
    %sign3A_17 = arith.extui %sign3A_16 : i1 to i32
    %sign3A_18 = arith.subi %sign3A_14, %sign3A_17 : i32
    %sign3A_19 = arith.constant 0 : i32
    %sign3A_20 = arith.cmpi sgt, %jit3A, %sign3A_19 : i32
    %sign3A_21 = arith.extui %sign3A_20 : i1 to i32
    %sign3A_22 = arith.constant 0 : i32
    %sign3A_23 = arith.cmpi slt, %jit3A, %sign3A_22 : i32
    %sign3A_24 = arith.extui %sign3A_23 : i1 to i32
    %sign3A_25 = arith.subi %sign3A_21, %sign3A_24 : i32
    %ne3A = arith.cmpi ne, %sign3A_18, %sign3A_25 : i32
    %rem3A = arith.remsi %sub3A_12, %jit3A : i32
    %ne3A_26 = arith.constant 0 : i32
    %ne3A_27 = arith.cmpi ne, %rem3A, %ne3A_26 : i32
    %and3A = arith.andi %ne3A, %ne3A_27 : i1
    %sub3A_28 = arith.constant 1 : i32
    %sub3A_29 = arith.subi %div3A, %sub3A_28 : i32
    %select_n3A = arith.select %and3A, %sub3A_29, %div3A : i32
    %add3A_30 = arith.constant 0 : i32
    %add3A_31 = arith.addi %add3A_30, %select_n3A : i32
    %jit3A_32 = arith.constant 16 : i32
    %div3A_33 = arith.divsi %add3A_31, %jit3A_32 : i32
    %sign3A_34 = arith.constant 0 : i32
    %sign3A_35 = arith.cmpi sgt, %add3A_31, %sign3A_34 : i32
    %sign3A_36 = arith.extui %sign3A_35 : i1 to i32
    %sign3A_37 = arith.constant 0 : i32
    %sign3A_38 = arith.cmpi slt, %add3A_31, %sign3A_37 : i32
    %sign3A_39 = arith.extui %sign3A_38 : i1 to i32
    %sign3A_40 = arith.subi %sign3A_36, %sign3A_39 : i32
    %sign3A_41 = arith.constant 0 : i32
    %sign3A_42 = arith.cmpi sgt, %jit3A_32, %sign3A_41 : i32
    %sign3A_43 = arith.extui %sign3A_42 : i1 to i32
    %sign3A_44 = arith.constant 0 : i32
    %sign3A_45 = arith.cmpi slt, %jit3A_32, %sign3A_44 : i32
    %sign3A_46 = arith.extui %sign3A_45 : i1 to i32
    %sign3A_47 = arith.subi %sign3A_43, %sign3A_46 : i32
    %ne3A_48 = arith.cmpi ne, %sign3A_40, %sign3A_47 : i32
    %rem3A_49 = arith.remsi %add3A_31, %jit3A_32 : i32
    %ne3A_50 = arith.constant 0 : i32
    %ne3A_51 = arith.cmpi ne, %rem3A_49, %ne3A_50 : i32
    %and3A_52 = arith.andi %ne3A_48, %ne3A_51 : i1
    %sub3A_53 = arith.constant 1 : i32
    %sub3A_54 = arith.subi %div3A_33, %sub3A_53 : i32
    %select_n3A_55 = arith.select %and3A_52, %sub3A_54, %div3A_33 : i32
    %jit3A_56 = arith.constant 16 : i32
    %eq3A = arith.constant 0 : i32
    %eq3A_57 = arith.cmpi eq, %jit3A_56, %eq3A : i32
    %jit3A_58 = arith.constant 1 : i32
    %select_n3A_59 = arith.select %eq3A_57, %jit3A_58, %jit3A_56 : i32
    %rem3A_60 = arith.remsi %add3A_31, %select_n3A_59 : i32
    %ne3A_61 = arith.constant 0 : i32
    %ne3A_62 = arith.cmpi ne, %rem3A_60, %ne3A_61 : i32
    %lt3A = arith.constant 0 : i32
    %lt3A_63 = arith.cmpi slt, %rem3A_60, %lt3A : i32
    %lt3A_64 = arith.constant 0 : i32
    %lt3A_65 = arith.cmpi slt, %select_n3A_59, %lt3A_64 : i32
    %ne3A_66 = arith.xori %lt3A_63, %lt3A_65 : i1
    %and3A_67 = arith.andi %ne3A_66, %ne3A_62 : i1
    %add3A_68 = arith.addi %rem3A_60, %select_n3A_59 : i32
    %select_n3A_69 = arith.select %and3A_67, %add3A_68, %rem3A_60 : i32
    %lt3A_70 = arith.cmpi slt, %arg1, %select_n3A_69 : i32
    %jit3A_71 = arith.constant 1 : i32
    %jit3A_72 = arith.constant 0 : i32
    %select_n3A_73 = arith.select %lt3A_70, %jit3A_71, %jit3A_72 : i32
    %add3A_74 = arith.addi %select_n3A_55, %select_n3A_73 : i32
    %mul3A_75 = arith.muli %arg1, %select_n3A_55 : i32
    %min3A = arith.minsi %arg1, %select_n3A_69 : i32
    %add3A_76 = arith.addi %mul3A_75, %min3A : i32
    %add3A_77 = arith.constant 0 : i32
    %add3A_78 = arith.addi %add3A_76, %add3A_77 : i32
    %sub3A_79 = arith.constant 0 : i32
    %sub3A_80 = arith.subi %add3A_78, %sub3A_79 : i32
    %mul3A_81 = arith.constant 256 : i32
    %mul3A_82 = arith.muli %sub3A_80, %mul3A_81 : i32
    %sub3A_83 = arith.subi %squeeze3A, %mul3A_82 : i32
    %jit3A_84 = arith.constant 0 : i32
    %jit3A_85 = arith.constant 256 : i32
    %max3A = arith.maxsi %jit3A_84, %sub3A_83 : i32
    %min3A_86 = arith.minsi %jit3A_85, %max3A : i32
    %mul3A_87 = arith.constant 1 : i32
    %mul3A_88 = arith.muli %mul3A_87, %arg0 : i32
    %add3A_89 = arith.constant 0 : i32
    %add3A_90 = arith.addi %mul3A_88, %add3A_89 : i32
    %gt3A = arith.constant 0 : i32
    %gt3A_91 = arith.cmpi sgt, %add3A_74, %gt3A : i32
    %convert_element_type3A = arith.extui %gt3A_91 : i1 to i32
    %cond3A = arith.constant 0 : i32
    %cond3A_92 = arith.cmpi ne, %convert_element_type3A, %cond3A : i32
    scf.if %cond3A_92 {
      %mul3A_139 = arith.constant 256 : i32
      %mul3A_140 = arith.muli %sub3A_80, %mul3A_139 : i32
      %dma_start3A_141 = arith.constant 0 : i32
      %dma_start3A_142 = tpu.memref_slice %arg2[%add3A_90, %mul3A_140, %dma_start3A_141] : memref<16x4096x128xf32, #tpu.memory_space<hbm>> -> memref<1x256x128xf32, #tpu.memory_space<hbm>>
      %dma_start3A_143 = tpu.memref_squeeze %dma_start3A_142 : memref<1x256x128xf32, #tpu.memory_space<hbm>> -> memref<256x128xf32, #tpu.memory_space<hbm>>
      %dma_start3A_144 = arith.constant 0 : i32
      %dma_start3A_145 = tpu.memref_slice %arg2[%add3A_90, %mul3A_140, %dma_start3A_144] : memref<16x4096x128xf32, #tpu.memory_space<hbm>> -> memref<1x256x128xf32, #tpu.memory_space<hbm>>
      %dma_start3A_146 = tpu.memref_squeeze %dma_start3A_145 : memref<1x256x128xf32, #tpu.memory_space<hbm>> -> memref<256x128xf32, #tpu.memory_space<hbm>>
      tpu.enqueue_dma source(%dma_start3A_146 : memref<256x128xf32, #tpu.memory_space<hbm>>) target(%arg5 : memref<256x128xf32, #tpu.memory_space<vmem>>) target_semaphore(%arg13 : memref<!tpu.dma_semaphore, #tpu.memory_space<semaphore_mem>>)
    } else {
    }
    %add3A_93 = arith.constant 0 : i32
    %add3A_94 = arith.addi %add3A_76, %add3A_93 : i32
    %sub3A_95 = arith.constant 0 : i32
    %sub3A_96 = arith.subi %add3A_94, %sub3A_95 : i32
    %mul3A_97 = arith.constant 256 : i32
    %mul3A_98 = arith.muli %sub3A_96, %mul3A_97 : i32
    %sub3A_99 = arith.subi %squeeze3A, %mul3A_98 : i32
    %jit3A_100 = arith.constant 0 : i32
    %jit3A_101 = arith.constant 256 : i32
    %max3A_102 = arith.maxsi %jit3A_100, %sub3A_99 : i32
    %min3A_103 = arith.minsi %jit3A_101, %max3A_102 : i32
    %mul3A_104 = arith.constant 1 : i32
    %mul3A_105 = arith.muli %mul3A_104, %arg0 : i32
    %add3A_106 = arith.constant 0 : i32
    %add3A_107 = arith.addi %mul3A_105, %add3A_106 : i32
    %gt3A_108 = arith.constant 0 : i32
    %gt3A_109 = arith.cmpi sgt, %add3A_74, %gt3A_108 : i32
    %convert_element_type3A_110 = arith.extui %gt3A_109 : i1 to i32
    %cond3A_111 = arith.constant 0 : i32
    %cond3A_112 = arith.cmpi ne, %convert_element_type3A_110, %cond3A_111 : i32
    scf.if %cond3A_112 {
      %mul3A_139 = arith.constant 256 : i32
      %mul3A_140 = arith.muli %sub3A_96, %mul3A_139 : i32
      %dma_wait3A_141 = arith.constant 0 : i32
      %dma_wait3A_142 = tpu.memref_slice %arg2[%add3A_107, %mul3A_140, %dma_wait3A_141] : memref<16x4096x128xf32, #tpu.memory_space<hbm>> -> memref<1x256x128xf32, #tpu.memory_space<hbm>>
      %dma_wait3A_143 = tpu.memref_squeeze %dma_wait3A_142 : memref<1x256x128xf32, #tpu.memory_space<hbm>> -> memref<256x128xf32, #tpu.memory_space<hbm>>
      %dma_wait3A_144 = arith.constant 0 : i32
      %dma_wait3A_145 = tpu.memref_slice %arg2[%add3A_107, %mul3A_140, %dma_wait3A_144] : memref<16x4096x128xf32, #tpu.memory_space<hbm>> -> memref<1x256x128xf32, #tpu.memory_space<hbm>>
      %dma_wait3A_146 = tpu.memref_squeeze %dma_wait3A_145 : memref<1x256x128xf32, #tpu.memory_space<hbm>> -> memref<256x128xf32, #tpu.memory_space<hbm>>
      tpu.wait_dma2 semaphore(%arg13 : memref<!tpu.dma_semaphore, #tpu.memory_space<semaphore_mem>>) src(%dma_wait3A_146 : memref<256x128xf32, #tpu.memory_space<hbm>>) dst(%arg5 : memref<256x128xf32, #tpu.memory_space<vmem>>)
      %broadcast_in_dim3A = arith.constant 0.000000e+00 : f32
      %broadcast_in_dim3A_147 = vector.broadcast %broadcast_in_dim3A : f32 to vector<16xf32>
      %broadcast_in_dim3A_148 = arith.constant 0.000000e+00 : f32
      %broadcast_in_dim3A_149 = vector.broadcast %broadcast_in_dim3A_148 : f32 to vector<16xf32>
      %broadcast_in_dim3A_150 = arith.constant 0.000000e+00 : f32
      %broadcast_in_dim3A_151 = vector.broadcast %broadcast_in_dim3A_150 : f32 to vector<16xf32>
      %broadcast_in_dim3A_152 = arith.constant 0.000000e+00 : f32
      %broadcast_in_dim3A_153 = vector.broadcast %broadcast_in_dim3A_152 : f32 to vector<16xf32>
      %broadcast_in_dim3A_154 = arith.constant 0.000000e+00 : f32
      %broadcast_in_dim3A_155 = vector.broadcast %broadcast_in_dim3A_154 : f32 to vector<16xf32>
      %broadcast_in_dim3A_156 = arith.constant 0.000000e+00 : f32
      %broadcast_in_dim3A_157 = vector.broadcast %broadcast_in_dim3A_156 : f32 to vector<16xf32>
      %broadcast_in_dim3A_158 = arith.constant 0.000000e+00 : f32
      %broadcast_in_dim3A_159 = vector.broadcast %broadcast_in_dim3A_158 : f32 to vector<16xf32>
      %broadcast_in_dim3A_160 = arith.constant 0.000000e+00 : f32
      %broadcast_in_dim3A_161 = vector.broadcast %broadcast_in_dim3A_160 : f32 to vector<16xf32>
      %add3A_162 = arith.constant 8 : i32
      %add3A_163 = arith.addi %min3A_103, %add3A_162 : i32
      %sub3A_164 = arith.constant 1 : i32
      %sub3A_165 = arith.subi %add3A_163, %sub3A_164 : i32
      %jit3A_166 = arith.constant 8 : i32
      %div3A_167 = arith.divsi %sub3A_165, %jit3A_166 : i32
      %sign3A_168 = arith.constant 0 : i32
      %sign3A_169 = arith.cmpi sgt, %sub3A_165, %sign3A_168 : i32
      %sign3A_170 = arith.extui %sign3A_169 : i1 to i32
      %sign3A_171 = arith.constant 0 : i32
      %sign3A_172 = arith.cmpi slt, %sub3A_165, %sign3A_171 : i32
      %sign3A_173 = arith.extui %sign3A_172 : i1 to i32
      %sign3A_174 = arith.subi %sign3A_170, %sign3A_173 : i32
      %sign3A_175 = arith.constant 0 : i32
      %sign3A_176 = arith.cmpi sgt, %jit3A_166, %sign3A_175 : i32
      %sign3A_177 = arith.extui %sign3A_176 : i1 to i32
      %sign3A_178 = arith.constant 0 : i32
      %sign3A_179 = arith.cmpi slt, %jit3A_166, %sign3A_178 : i32
      %sign3A_180 = arith.extui %sign3A_179 : i1 to i32
      %sign3A_181 = arith.subi %sign3A_177, %sign3A_180 : i32
      %ne3A_182 = arith.cmpi ne, %sign3A_174, %sign3A_181 : i32
      %rem3A_183 = arith.remsi %sub3A_165, %jit3A_166 : i32
      %ne3A_184 = arith.constant 0 : i32
      %ne3A_185 = arith.cmpi ne, %rem3A_183, %ne3A_184 : i32
      %and3A_186 = arith.andi %ne3A_182, %ne3A_185 : i1
      %sub3A_187 = arith.constant 1 : i32
      %sub3A_188 = arith.subi %div3A_167, %sub3A_187 : i32
      %select_n3A_189 = arith.select %and3A_186, %sub3A_188, %div3A_167 : i32
      %while3A = arith.constant 0 : i32
      %while3A_190 = arith.subi %select_n3A_189, %while3A : i32
      %while3A_191 = arith.addi %while3A, %while3A_190 : i32
      %while3A_192 = arith.constant 1 : i32
      %while3A_193 = arith.divsi %while3A_190, %while3A_192 : i32
      %while3A_194 = arith.muli %while3A_193, %while3A_192 : i32
      %while3A_195 = arith.addi %while3A, %while3A_194 : i32
      %while3A_196 = arith.constant 1 : i32
      %while3A_197:8 = scf.for %while3A_260 = %while3A to %while3A_195 step %while3A_196 iter_args(%while3A_261 = %broadcast_in_dim3A_147, %while3A_262 = %broadcast_in_dim3A_149, %while3A_263 = %broadcast_in_dim3A_151, %while3A_264 = %broadcast_in_dim3A_153, %while3A_265 = %broadcast_in_dim3A_155, %while3A_266 = %broadcast_in_dim3A_157, %while3A_267 = %broadcast_in_dim3A_159, %while3A_268 = %broadcast_in_dim3A_161) -> (vector<16xf32>, vector<16xf32>, vector<16xf32>, vector<16xf32>, vector<16xf32>, vector<16xf32>, vector<16xf32>, vector<16xf32>)  : i32 {
        %mul3A_269 = arith.constant 8 : i32
        %mul3A_270 = arith.muli %while3A_260, %mul3A_269 : i32
        %add3A_271 = arith.constant 0 : i32
        %add3A_272 = arith.addi %mul3A_270, %add3A_271 : i32
        %lt3A_273 = arith.cmpi slt, %add3A_272, %min3A_103 : i32
        %get3A_274 = arith.index_cast %add3A_272 : i32 to index
        %get3A_275 = arith.constant 0 : index
        %get3A_276 = tpu.vector_load %arg5[%get3A_274, %get3A_275] {strides = array<i32>} : memref<256x128xf32, #tpu.memory_space<vmem>>, vector<1x16xf32>,
        %get3A_277 = vector.shape_cast %get3A_276 : vector<1x16xf32> to vector<16xf32>
        %jit3A_278 = arith.constant 0.000000e+00 : f32
        %broadcast_in_dim3A_279 = vector.broadcast %jit3A_278 : f32 to vector<16xf32>
        %select_n3A_280 = arith.select %lt3A_273, %get3A_277, %broadcast_in_dim3A_279 : vector<16xf32>
        %add3A_281 = arith.addf %while3A_261, %select_n3A_280 : vector<16xf32>
        %get3A_282 = arith.index_cast %add3A_272 : i32 to index
        %get3A_283 = arith.constant 16 : index
        %get3A_284 = tpu.vector_load %arg5[%get3A_282, %get3A_283] {strides = array<i32>} : memref<256x128xf32, #tpu.memory_space<vmem>>, vector<1x16xf32>,
        %get3A_285 = vector.shape_cast %get3A_284 : vector<1x16xf32> to vector<16xf32>
        %jit3A_286 = arith.constant 0.000000e+00 : f32
        %broadcast_in_dim3A_287 = vector.broadcast %jit3A_286 : f32 to vector<16xf32>
        %select_n3A_288 = arith.select %lt3A_273, %get3A_285, %broadcast_in_dim3A_287 : vector<16xf32>
        %add3A_289 = arith.addf %while3A_262, %select_n3A_288 : vector<16xf32>
        %get3A_290 = arith.index_cast %add3A_272 : i32 to index
        %get3A_291 = arith.constant 32 : index
        %get3A_292 = tpu.vector_load %arg5[%get3A_290, %get3A_291] {strides = array<i32>} : memref<256x128xf32, #tpu.memory_space<vmem>>, vector<1x16xf32>,
        %get3A_293 = vector.shape_cast %get3A_292 : vector<1x16xf32> to vector<16xf32>
        %jit3A_294 = arith.constant 0.000000e+00 : f32
        %broadcast_in_dim3A_295 = vector.broadcast %jit3A_294 : f32 to vector<16xf32>
        %select_n3A_296 = arith.select %lt3A_273, %get3A_293, %broadcast_in_dim3A_295 : vector<16xf32>
        %add3A_297 = arith.addf %while3A_263, %select_n3A_296 : vector<16xf32>
        %get3A_298 = arith.index_cast %add3A_272 : i32 to index
        %get3A_299 = arith.constant 48 : index
        %get3A_300 = tpu.vector_load %arg5[%get3A_298, %get3A_299] {strides = array<i32>} : memref<256x128xf32, #tpu.memory_space<vmem>>, vector<1x16xf32>,
        %get3A_301 = vector.shape_cast %get3A_300 : vector<1x16xf32> to vector<16xf32>
        %jit3A_302 = arith.constant 0.000000e+00 : f32
        %broadcast_in_dim3A_303 = vector.broadcast %jit3A_302 : f32 to vector<16xf32>
        %select_n3A_304 = arith.select %lt3A_273, %get3A_301, %broadcast_in_dim3A_303 : vector<16xf32>
        %add3A_305 = arith.addf %while3A_264, %select_n3A_304 : vector<16xf32>
        %get3A_306 = arith.index_cast %add3A_272 : i32 to index
        %get3A_307 = arith.constant 64 : index
        %get3A_308 = tpu.vector_load %arg5[%get3A_306, %get3A_307] {strides = array<i32>} : memref<256x128xf32, #tpu.memory_space<vmem>>, vector<1x16xf32>,
        %get3A_309 = vector.shape_cast %get3A_308 : vector<1x16xf32> to vector<16xf32>
        %jit3A_310 = arith.constant 0.000000e+00 : f32
        %broadcast_in_dim3A_311 = vector.broadcast %jit3A_310 : f32 to vector<16xf32>
        %select_n3A_312 = arith.select %lt3A_273, %get3A_309, %broadcast_in_dim3A_311 : vector<16xf32>
        %add3A_313 = arith.addf %while3A_265, %select_n3A_312 : vector<16xf32>
        %get3A_314 = arith.index_cast %add3A_272 : i32 to index
        %get3A_315 = arith.constant 80 : index
        %get3A_316 = tpu.vector_load %arg5[%get3A_314, %get3A_315] {strides = array<i32>} : memref<256x128xf32, #tpu.memory_space<vmem>>, vector<1x16xf32>,
        %get3A_317 = vector.shape_cast %get3A_316 : vector<1x16xf32> to vector<16xf32>
        %jit3A_318 = arith.constant 0.000000e+00 : f32
        %broadcast_in_dim3A_319 = vector.broadcast %jit3A_318 : f32 to vector<16xf32>
        %select_n3A_320 = arith.select %lt3A_273, %get3A_317, %broadcast_in_dim3A_319 : vector<16xf32>
        %add3A_321 = arith.addf %while3A_266, %select_n3A_320 : vector<16xf32>
        %get3A_322 = arith.index_cast %add3A_272 : i32 to index
        %get3A_323 = arith.constant 96 : index
        %get3A_324 = tpu.vector_load %arg5[%get3A_322, %get3A_323] {strides = array<i32>} : memref<256x128xf32, #tpu.memory_space<vmem>>, vector<1x16xf32>,
        %get3A_325 = vector.shape_cast %get3A_324 : vector<1x16xf32> to vector<16xf32>
        %jit3A_326 = arith.constant 0.000000e+00 : f32
        %broadcast_in_dim3A_327 = vector.broadcast %jit3A_326 : f32 to vector<16xf32>
        %select_n3A_328 = arith.select %lt3A_273, %get3A_325, %broadcast_in_dim3A_327 : vector<16xf32>
        %add3A_329 = arith.addf %while3A_267, %select_n3A_328 : vector<16xf32>
        %get3A_330 = arith.index_cast %add3A_272 : i32 to index
        %get3A_331 = arith.constant 112 : index
        %get3A_332 = tpu.vector_load %arg5[%get3A_330, %get3A_331] {strides = array<i32>} : memref<256x128xf32, #tpu.memory_space<vmem>>, vector<1x16xf32>,
        %get3A_333 = vector.shape_cast %get3A_332 : vector<1x16xf32> to vector<16xf32>
        %jit3A_334 = arith.constant 0.000000e+00 : f32
        %broadcast_in_dim3A_335 = vector.broadcast %jit3A_334 : f32 to vector<16xf32>
        %select_n3A_336 = arith.select %lt3A_273, %get3A_333, %broadcast_in_dim3A_335 : vector<16xf32>
        %add3A_337 = arith.addf %while3A_268, %select_n3A_336 : vector<16xf32>
        %add3A_338 = arith.constant 1 : i32
        %add3A_339 = arith.addi %mul3A_270, %add3A_338 : i32
        %lt3A_340 = arith.cmpi slt, %add3A_339, %min3A_103 : i32
        %get3A_341 = arith.index_cast %add3A_339 : i32 to index
        %get3A_342 = arith.constant 0 : index
        %get3A_343 = tpu.vector_load %arg5[%get3A_341, %get3A_342] {strides = array<i32>} : memref<256x128xf32, #tpu.memory_space<vmem>>, vector<1x16xf32>,
        %get3A_344 = vector.shape_cast %get3A_343 : vector<1x16xf32> to vector<16xf32>
        %jit3A_345 = arith.constant 0.000000e+00 : f32
        %broadcast_in_dim3A_346 = vector.broadcast %jit3A_345 : f32 to vector<16xf32>
        %select_n3A_347 = arith.select %lt3A_340, %get3A_344, %broadcast_in_dim3A_346 : vector<16xf32>
        %add3A_348 = arith.addf %add3A_281, %select_n3A_347 : vector<16xf32>
        %get3A_349 = arith.index_cast %add3A_339 : i32 to index
        %get3A_350 = arith.constant 16 : index
        %get3A_351 = tpu.vector_load %arg5[%get3A_349, %get3A_350] {strides = array<i32>} : memref<256x128xf32, #tpu.memory_space<vmem>>, vector<1x16xf32>,
        %get3A_352 = vector.shape_cast %get3A_351 : vector<1x16xf32> to vector<16xf32>
        %jit3A_353 = arith.constant 0.000000e+00 : f32
        %broadcast_in_dim3A_354 = vector.broadcast %jit3A_353 : f32 to vector<16xf32>
        %select_n3A_355 = arith.select %lt3A_340, %get3A_352, %broadcast_in_dim3A_354 : vector<16xf32>
        %add3A_356 = arith.addf %add3A_289, %select_n3A_355 : vector<16xf32>
        %get3A_357 = arith.index_cast %add3A_339 : i32 to index
        %get3A_358 = arith.constant 32 : index
        %get3A_359 = tpu.vector_load %arg5[%get3A_357, %get3A_358] {strides = array<i32>} : memref<256x128xf32, #tpu.memory_space<vmem>>, vector<1x16xf32>,
        %get3A_360 = vector.shape_cast %get3A_359 : vector<1x16xf32> to vector<16xf32>
        %jit3A_361 = arith.constant 0.000000e+00 : f32
        %broadcast_in_dim3A_362 = vector.broadcast %jit3A_361 : f32 to vector<16xf32>
        %select_n3A_363 = arith.select %lt3A_340, %get3A_360, %broadcast_in_dim3A_362 : vector<16xf32>
        %add3A_364 = arith.addf %add3A_297, %select_n3A_363 : vector<16xf32>
        %get3A_365 = arith.index_cast %add3A_339 : i32 to index
        %get3A_366 = arith.constant 48 : index
        %get3A_367 = tpu.vector_load %arg5[%get3A_365, %get3A_366] {strides = array<i32>} : memref<256x128xf32, #tpu.memory_space<vmem>>, vector<1x16xf32>,
        %get3A_368 = vector.shape_cast %get3A_367 : vector<1x16xf32> to vector<16xf32>
        %jit3A_369 = arith.constant 0.000000e+00 : f32
        %broadcast_in_dim3A_370 = vector.broadcast %jit3A_369 : f32 to vector<16xf32>
        %select_n3A_371 = arith.select %lt3A_340, %get3A_368, %broadcast_in_dim3A_370 : vector<16xf32>
        %add3A_372 = arith.addf %add3A_305, %select_n3A_371 : vector<16xf32>
        %get3A_373 = arith.index_cast %add3A_339 : i32 to index
        %get3A_374 = arith.constant 64 : index
        %get3A_375 = tpu.vector_load %arg5[%get3A_373, %get3A_374] {strides = array<i32>} : memref<256x128xf32, #tpu.memory_space<vmem>>, vector<1x16xf32>,
        %get3A_376 = vector.shape_cast %get3A_375 : vector<1x16xf32> to vector<16xf32>
        %jit3A_377 = arith.constant 0.000000e+00 : f32
        %broadcast_in_dim3A_378 = vector.broadcast %jit3A_377 : f32 to vector<16xf32>
        %select_n3A_379 = arith.select %lt3A_340, %get3A_376, %broadcast_in_dim3A_378 : vector<16xf32>
        %add3A_380 = arith.addf %add3A_313, %select_n3A_379 : vector<16xf32>
        %get3A_381 = arith.index_cast %add3A_339 : i32 to index
        %get3A_382 = arith.constant 80 : index
        %get3A_383 = tpu.vector_load %arg5[%get3A_381, %get3A_382] {strides = array<i32>} : memref<256x128xf32, #tpu.memory_space<vmem>>, vector<1x16xf32>,
        %get3A_384 = vector.shape_cast %get3A_383 : vector<1x16xf32> to vector<16xf32>
        %jit3A_385 = arith.constant 0.000000e+00 : f32
        %broadcast_in_dim3A_386 = vector.broadcast %jit3A_385 : f32 to vector<16xf32>
        %select_n3A_387 = arith.select %lt3A_340, %get3A_384, %broadcast_in_dim3A_386 : vector<16xf32>
        %add3A_388 = arith.addf %add3A_321, %select_n3A_387 : vector<16xf32>
        %get3A_389 = arith.index_cast %add3A_339 : i32 to index
        %get3A_390 = arith.constant 96 : index
        %get3A_391 = tpu.vector_load %arg5[%get3A_389, %get3A_390] {strides = array<i32>} : memref<256x128xf32, #tpu.memory_space<vmem>>, vector<1x16xf32>,
        %get3A_392 = vector.shape_cast %get3A_391 : vector<1x16xf32> to vector<16xf32>
        %jit3A_393 = arith.constant 0.000000e+00 : f32
        %broadcast_in_dim3A_394 = vector.broadcast %jit3A_393 : f32 to vector<16xf32>
        %select_n3A_395 = arith.select %lt3A_340, %get3A_392, %broadcast_in_dim3A_394 : vector<16xf32>
        %add3A_396 = arith.addf %add3A_329, %select_n3A_395 : vector<16xf32>
        %get3A_397 = arith.index_cast %add3A_339 : i32 to index
        %get3A_398 = arith.constant 112 : index
        %get3A_399 = tpu.vector_load %arg5[%get3A_397, %get3A_398] {strides = array<i32>} : memref<256x128xf32, #tpu.memory_space<vmem>>, vector<1x16xf32>,
        %get3A_400 = vector.shape_cast %get3A_399 : vector<1x16xf32> to vector<16xf32>
        %jit3A_401 = arith.constant 0.000000e+00 : f32
        %broadcast_in_dim3A_402 = vector.broadcast %jit3A_401 : f32 to vector<16xf32>
        %select_n3A_403 = arith.select %lt3A_340, %get3A_400, %broadcast_in_dim3A_402 : vector<16xf32>
        %add3A_404 = arith.addf %add3A_337, %select_n3A_403 : vector<16xf32>
        %add3A_405 = arith.constant 2 : i32
        %add3A_406 = arith.addi %mul3A_270, %add3A_405 : i32
        %lt3A_407 = arith.cmpi slt, %add3A_406, %min3A_103 : i32
        %get3A_408 = arith.index_cast %add3A_406 : i32 to index
        %get3A_409 = arith.constant 0 : index
        %get3A_410 = tpu.vector_load %arg5[%get3A_408, %get3A_409] {strides = array<i32>} : memref<256x128xf32, #tpu.memory_space<vmem>>, vector<1x16xf32>,
        %get3A_411 = vector.shape_cast %get3A_410 : vector<1x16xf32> to vector<16xf32>
        %jit3A_412 = arith.constant 0.000000e+00 : f32
        %broadcast_in_dim3A_413 = vector.broadcast %jit3A_412 : f32 to vector<16xf32>
        %select_n3A_414 = arith.select %lt3A_407, %get3A_411, %broadcast_in_dim3A_413 : vector<16xf32>
        %add3A_415 = arith.addf %add3A_348, %select_n3A_414 : vector<16xf32>
        %get3A_416 = arith.index_cast %add3A_406 : i32 to index
        %get3A_417 = arith.constant 16 : index
        %get3A_418 = tpu.vector_load %arg5[%get3A_416, %get3A_417] {strides = array<i32>} : memref<256x128xf32, #tpu.memory_space<vmem>>, vector<1x16xf32>,
        %get3A_419 = vector.shape_cast %get3A_418 : vector<1x16xf32> to vector<16xf32>
        %jit3A_420 = arith.constant 0.000000e+00 : f32
        %broadcast_in_dim3A_421 = vector.broadcast %jit3A_420 : f32 to vector<16xf32>
        %select_n3A_422 = arith.select %lt3A_407, %get3A_419, %broadcast_in_dim3A_421 : vector<16xf32>
        %add3A_423 = arith.addf %add3A_356, %select_n3A_422 : vector<16xf32>
        %get3A_424 = arith.index_cast %add3A_406 : i32 to index
        %get3A_425 = arith.constant 32 : index
        %get3A_426 = tpu.vector_load %arg5[%get3A_424, %get3A_425] {strides = array<i32>} : memref<256x128xf32, #tpu.memory_space<vmem>>, vector<1x16xf32>,
        %get3A_427 = vector.shape_cast %get3A_426 : vector<1x16xf32> to vector<16xf32>
        %jit3A_428 = arith.constant 0.000000e+00 : f32
        %broadcast_in_dim3A_429 = vector.broadcast %jit3A_428 : f32 to vector<16xf32>
        %select_n3A_430 = arith.select %lt3A_407, %get3A_427, %broadcast_in_dim3A_429 : vector<16xf32>
        %add3A_431 = arith.addf %add3A_364, %select_n3A_430 : vector<16xf32>
        %get3A_432 = arith.index_cast %add3A_406 : i32 to index
        %get3A_433 = arith.constant 48 : index
        %get3A_434 = tpu.vector_load %arg5[%get3A_432, %get3A_433] {strides = array<i32>} : memref<256x128xf32, #tpu.memory_space<vmem>>, vector<1x16xf32>,
        %get3A_435 = vector.shape_cast %get3A_434 : vector<1x16xf32> to vector<16xf32>
        %jit3A_436 = arith.constant 0.000000e+00 : f32
        %broadcast_in_dim3A_437 = vector.broadcast %jit3A_436 : f32 to vector<16xf32>
        %select_n3A_438 = arith.select %lt3A_407, %get3A_435, %broadcast_in_dim3A_437 : vector<16xf32>
        %add3A_439 = arith.addf %add3A_372, %select_n3A_438 : vector<16xf32>
        %get3A_440 = arith.index_cast %add3A_406 : i32 to index
        %get3A_441 = arith.constant 64 : index
        %get3A_442 = tpu.vector_load %arg5[%get3A_440, %get3A_441] {strides = array<i32>} : memref<256x128xf32, #tpu.memory_space<vmem>>, vector<1x16xf32>,
        %get3A_443 = vector.shape_cast %get3A_442 : vector<1x16xf32> to vector<16xf32>
        %jit3A_444 = arith.constant 0.000000e+00 : f32
        %broadcast_in_dim3A_445 = vector.broadcast %jit3A_444 : f32 to vector<16xf32>
        %select_n3A_446 = arith.select %lt3A_407, %get3A_443, %broadcast_in_dim3A_445 : vector<16xf32>
        %add3A_447 = arith.addf %add3A_380, %select_n3A_446 : vector<16xf32>
        %get3A_448 = arith.index_cast %add3A_406 : i32 to index
        %get3A_449 = arith.constant 80 : index
        %get3A_450 = tpu.vector_load %arg5[%get3A_448, %get3A_449] {strides = array<i32>} : memref<256x128xf32, #tpu.memory_space<vmem>>, vector<1x16xf32>,
        %get3A_451 = vector.shape_cast %get3A_450 : vector<1x16xf32> to vector<16xf32>
        %jit3A_452 = arith.constant 0.000000e+00 : f32
        %broadcast_in_dim3A_453 = vector.broadcast %jit3A_452 : f32 to vector<16xf32>
        %select_n3A_454 = arith.select %lt3A_407, %get3A_451, %broadcast_in_dim3A_453 : vector<16xf32>
        %add3A_455 = arith.addf %add3A_388, %select_n3A_454 : vector<16xf32>
        %get3A_456 = arith.index_cast %add3A_406 : i32 to index
        %get3A_457 = arith.constant 96 : index
        %get3A_458 = tpu.vector_load %arg5[%get3A_456, %get3A_457] {strides = array<i32>} : memref<256x128xf32, #tpu.memory_space<vmem>>, vector<1x16xf32>,
        %get3A_459 = vector.shape_cast %get3A_458 : vector<1x16xf32> to vector<16xf32>
        %jit3A_460 = arith.constant 0.000000e+00 : f32
        %broadcast_in_dim3A_461 = vector.broadcast %jit3A_460 : f32 to vector<16xf32>
        %select_n3A_462 = arith.select %lt3A_407, %get3A_459, %broadcast_in_dim3A_461 : vector<16xf32>
        %add3A_463 = arith.addf %add3A_396, %select_n3A_462 : vector<16xf32>
        %get3A_464 = arith.index_cast %add3A_406 : i32 to index
        %get3A_465 = arith.constant 112 : index
        %get3A_466 = tpu.vector_load %arg5[%get3A_464, %get3A_465] {strides = array<i32>} : memref<256x128xf32, #tpu.memory_space<vmem>>, vector<1x16xf32>,
        %get3A_467 = vector.shape_cast %get3A_466 : vector<1x16xf32> to vector<16xf32>
        %jit3A_468 = arith.constant 0.000000e+00 : f32
        %broadcast_in_dim3A_469 = vector.broadcast %jit3A_468 : f32 to vector<16xf32>
        %select_n3A_470 = arith.select %lt3A_407, %get3A_467, %broadcast_in_dim3A_469 : vector<16xf32>
        %add3A_471 = arith.addf %add3A_404, %select_n3A_470 : vector<16xf32>
        %add3A_472 = arith.constant 3 : i32
        %add3A_473 = arith.addi %mul3A_270, %add3A_472 : i32
        %lt3A_474 = arith.cmpi slt, %add3A_473, %min3A_103 : i32
        %get3A_475 = arith.index_cast %add3A_473 : i32 to index
        %get3A_476 = arith.constant 0 : index
        %get3A_477 = tpu.vector_load %arg5[%get3A_475, %get3A_476] {strides = array<i32>} : memref<256x128xf32, #tpu.memory_space<vmem>>, vector<1x16xf32>,
        %get3A_478 = vector.shape_cast %get3A_477 : vector<1x16xf32> to vector<16xf32>
        %jit3A_479 = arith.constant 0.000000e+00 : f32
        %broadcast_in_dim3A_480 = vector.broadcast %jit3A_479 : f32 to vector<16xf32>
        %select_n3A_481 = arith.select %lt3A_474, %get3A_478, %broadcast_in_dim3A_480 : vector<16xf32>
        %add3A_482 = arith.addf %add3A_415, %select_n3A_481 : vector<16xf32>
        %get3A_483 = arith.index_cast %add3A_473 : i32 to index
        %get3A_484 = arith.constant 16 : index
        %get3A_485 = tpu.vector_load %arg5[%get3A_483, %get3A_484] {strides = array<i32>} : memref<256x128xf32, #tpu.memory_space<vmem>>, vector<1x16xf32>,
        %get3A_486 = vector.shape_cast %get3A_485 : vector<1x16xf32> to vector<16xf32>
        %jit3A_487 = arith.constant 0.000000e+00 : f32
        %broadcast_in_dim3A_488 = vector.broadcast %jit3A_487 : f32 to vector<16xf32>
        %select_n3A_489 = arith.select %lt3A_474, %get3A_486, %broadcast_in_dim3A_488 : vector<16xf32>
        %add3A_490 = arith.addf %add3A_423, %select_n3A_489 : vector<16xf32>
        %get3A_491 = arith.index_cast %add3A_473 : i32 to index
        %get3A_492 = arith.constant 32 : index
        %get3A_493 = tpu.vector_load %arg5[%get3A_491, %get3A_492] {strides = array<i32>} : memref<256x128xf32, #tpu.memory_space<vmem>>, vector<1x16xf32>,
        %get3A_494 = vector.shape_cast %get3A_493 : vector<1x16xf32> to vector<16xf32>
        %jit3A_495 = arith.constant 0.000000e+00 : f32
        %broadcast_in_dim3A_496 = vector.broadcast %jit3A_495 : f32 to vector<16xf32>
        %select_n3A_497 = arith.select %lt3A_474, %get3A_494, %broadcast_in_dim3A_496 : vector<16xf32>
        %add3A_498 = arith.addf %add3A_431, %select_n3A_497 : vector<16xf32>
        %get3A_499 = arith.index_cast %add3A_473 : i32 to index
        %get3A_500 = arith.constant 48 : index
        %get3A_501 = tpu.vector_load %arg5[%get3A_499, %get3A_500] {strides = array<i32>} : memref<256x128xf32, #tpu.memory_space<vmem>>, vector<1x16xf32>,
        %get3A_502 = vector.shape_cast %get3A_501 : vector<1x16xf32> to vector<16xf32>
        %jit3A_503 = arith.constant 0.000000e+00 : f32
        %broadcast_in_dim3A_504 = vector.broadcast %jit3A_503 : f32 to vector<16xf32>
        %select_n3A_505 = arith.select %lt3A_474, %get3A_502, %broadcast_in_dim3A_504 : vector<16xf32>
        %add3A_506 = arith.addf %add3A_439, %select_n3A_505 : vector<16xf32>
        %get3A_507 = arith.index_cast %add3A_473 : i32 to index
        %get3A_508 = arith.constant 64 : index
        %get3A_509 = tpu.vector_load %arg5[%get3A_507, %get3A_508] {strides = array<i32>} : memref<256x128xf32, #tpu.memory_space<vmem>>, vector<1x16xf32>,
        %get3A_510 = vector.shape_cast %get3A_509 : vector<1x16xf32> to vector<16xf32>
        %jit3A_511 = arith.constant 0.000000e+00 : f32
        %broadcast_in_dim3A_512 = vector.broadcast %jit3A_511 : f32 to vector<16xf32>
        %select_n3A_513 = arith.select %lt3A_474, %get3A_510, %broadcast_in_dim3A_512 : vector<16xf32>
        %add3A_514 = arith.addf %add3A_447, %select_n3A_513 : vector<16xf32>
        %get3A_515 = arith.index_cast %add3A_473 : i32 to index
        %get3A_516 = arith.constant 80 : index
        %get3A_517 = tpu.vector_load %arg5[%get3A_515, %get3A_516] {strides = array<i32>} : memref<256x128xf32, #tpu.memory_space<vmem>>, vector<1x16xf32>,
        %get3A_518 = vector.shape_cast %get3A_517 : vector<1x16xf32> to vector<16xf32>
        %jit3A_519 = arith.constant 0.000000e+00 : f32
        %broadcast_in_dim3A_520 = vector.broadcast %jit3A_519 : f32 to vector<16xf32>
        %select_n3A_521 = arith.select %lt3A_474, %get3A_518, %broadcast_in_dim3A_520 : vector<16xf32>
        %add3A_522 = arith.addf %add3A_455, %select_n3A_521 : vector<16xf32>
        %get3A_523 = arith.index_cast %add3A_473 : i32 to index
        %get3A_524 = arith.constant 96 : index
        %get3A_525 = tpu.vector_load %arg5[%get3A_523, %get3A_524] {strides = array<i32>} : memref<256x128xf32, #tpu.memory_space<vmem>>, vector<1x16xf32>,
        %get3A_526 = vector.shape_cast %get3A_525 : vector<1x16xf32> to vector<16xf32>
        %jit3A_527 = arith.constant 0.000000e+00 : f32
        %broadcast_in_dim3A_528 = vector.broadcast %jit3A_527 : f32 to vector<16xf32>
        %select_n3A_529 = arith.select %lt3A_474, %get3A_526, %broadcast_in_dim3A_528 : vector<16xf32>
        %add3A_530 = arith.addf %add3A_463, %select_n3A_529 : vector<16xf32>
        %get3A_531 = arith.index_cast %add3A_473 : i32 to index
        %get3A_532 = arith.constant 112 : index
        %get3A_533 = tpu.vector_load %arg5[%get3A_531, %get3A_532] {strides = array<i32>} : memref<256x128xf32, #tpu.memory_space<vmem>>, vector<1x16xf32>,
        %get3A_534 = vector.shape_cast %get3A_533 : vector<1x16xf32> to vector<16xf32>
        %jit3A_535 = arith.constant 0.000000e+00 : f32
        %broadcast_in_dim3A_536 = vector.broadcast %jit3A_535 : f32 to vector<16xf32>
        %select_n3A_537 = arith.select %lt3A_474, %get3A_534, %broadcast_in_dim3A_536 : vector<16xf32>
        %add3A_538 = arith.addf %add3A_471, %select_n3A_537 : vector<16xf32>
        %add3A_539 = arith.constant 4 : i32
        %add3A_540 = arith.addi %mul3A_270, %add3A_539 : i32
        %lt3A_541 = arith.cmpi slt, %add3A_540, %min3A_103 : i32
        %get3A_542 = arith.index_cast %add3A_540 : i32 to index
        %get3A_543 = arith.constant 0 : index
        %get3A_544 = tpu.vector_load %arg5[%get3A_542, %get3A_543] {strides = array<i32>} : memref<256x128xf32, #tpu.memory_space<vmem>>, vector<1x16xf32>,
        %get3A_545 = vector.shape_cast %get3A_544 : vector<1x16xf32> to vector<16xf32>
        %jit3A_546 = arith.constant 0.000000e+00 : f32
        %broadcast_in_dim3A_547 = vector.broadcast %jit3A_546 : f32 to vector<16xf32>
        %select_n3A_548 = arith.select %lt3A_541, %get3A_545, %broadcast_in_dim3A_547 : vector<16xf32>
        %add3A_549 = arith.addf %add3A_482, %select_n3A_548 : vector<16xf32>
        %get3A_550 = arith.index_cast %add3A_540 : i32 to index
        %get3A_551 = arith.constant 16 : index
        %get3A_552 = tpu.vector_load %arg5[%get3A_550, %get3A_551] {strides = array<i32>} : memref<256x128xf32, #tpu.memory_space<vmem>>, vector<1x16xf32>,
        %get3A_553 = vector.shape_cast %get3A_552 : vector<1x16xf32> to vector<16xf32>
        %jit3A_554 = arith.constant 0.000000e+00 : f32
        %broadcast_in_dim3A_555 = vector.broadcast %jit3A_554 : f32 to vector<16xf32>
        %select_n3A_556 = arith.select %lt3A_541, %get3A_553, %broadcast_in_dim3A_555 : vector<16xf32>
        %add3A_557 = arith.addf %add3A_490, %select_n3A_556 : vector<16xf32>
        %get3A_558 = arith.index_cast %add3A_540 : i32 to index
        %get3A_559 = arith.constant 32 : index
        %get3A_560 = tpu.vector_load %arg5[%get3A_558, %get3A_559] {strides = array<i32>} : memref<256x128xf32, #tpu.memory_space<vmem>>, vector<1x16xf32>,
        %get3A_561 = vector.shape_cast %get3A_560 : vector<1x16xf32> to vector<16xf32>
        %jit3A_562 = arith.constant 0.000000e+00 : f32
        %broadcast_in_dim3A_563 = vector.broadcast %jit3A_562 : f32 to vector<16xf32>
        %select_n3A_564 = arith.select %lt3A_541, %get3A_561, %broadcast_in_dim3A_563 : vector<16xf32>
        %add3A_565 = arith.addf %add3A_498, %select_n3A_564 : vector<16xf32>
        %get3A_566 = arith.index_cast %add3A_540 : i32 to index
        %get3A_567 = arith.constant 48 : index
        %get3A_568 = tpu.vector_load %arg5[%get3A_566, %get3A_567] {strides = array<i32>} : memref<256x128xf32, #tpu.memory_space<vmem>>, vector<1x16xf32>,
        %get3A_569 = vector.shape_cast %get3A_568 : vector<1x16xf32> to vector<16xf32>
        %jit3A_570 = arith.constant 0.000000e+00 : f32
        %broadcast_in_dim3A_571 = vector.broadcast %jit3A_570 : f32 to vector<16xf32>
        %select_n3A_572 = arith.select %lt3A_541, %get3A_569, %broadcast_in_dim3A_571 : vector<16xf32>
        %add3A_573 = arith.addf %add3A_506, %select_n3A_572 : vector<16xf32>
        %get3A_574 = arith.index_cast %add3A_540 : i32 to index
        %get3A_575 = arith.constant 64 : index
        %get3A_576 = tpu.vector_load %arg5[%get3A_574, %get3A_575] {strides = array<i32>} : memref<256x128xf32, #tpu.memory_space<vmem>>, vector<1x16xf32>,
        %get3A_577 = vector.shape_cast %get3A_576 : vector<1x16xf32> to vector<16xf32>
        %jit3A_578 = arith.constant 0.000000e+00 : f32
        %broadcast_in_dim3A_579 = vector.broadcast %jit3A_578 : f32 to vector<16xf32>
        %select_n3A_580 = arith.select %lt3A_541, %get3A_577, %broadcast_in_dim3A_579 : vector<16xf32>
        %add3A_581 = arith.addf %add3A_514, %select_n3A_580 : vector<16xf32>
        %get3A_582 = arith.index_cast %add3A_540 : i32 to index
        %get3A_583 = arith.constant 80 : index
        %get3A_584 = tpu.vector_load %arg5[%get3A_582, %get3A_583] {strides = array<i32>} : memref<256x128xf32, #tpu.memory_space<vmem>>, vector<1x16xf32>,
        %get3A_585 = vector.shape_cast %get3A_584 : vector<1x16xf32> to vector<16xf32>
        %jit3A_586 = arith.constant 0.000000e+00 : f32
        %broadcast_in_dim3A_587 = vector.broadcast %jit3A_586 : f32 to vector<16xf32>
        %select_n3A_588 = arith.select %lt3A_541, %get3A_585, %broadcast_in_dim3A_587 : vector<16xf32>
        %add3A_589 = arith.addf %add3A_522, %select_n3A_588 : vector<16xf32>
        %get3A_590 = arith.index_cast %add3A_540 : i32 to index
        %get3A_591 = arith.constant 96 : index
        %get3A_592 = tpu.vector_load %arg5[%get3A_590, %get3A_591] {strides = array<i32>} : memref<256x128xf32, #tpu.memory_space<vmem>>, vector<1x16xf32>,
        %get3A_593 = vector.shape_cast %get3A_592 : vector<1x16xf32> to vector<16xf32>
        %jit3A_594 = arith.constant 0.000000e+00 : f32
        %broadcast_in_dim3A_595 = vector.broadcast %jit3A_594 : f32 to vector<16xf32>
        %select_n3A_596 = arith.select %lt3A_541, %get3A_593, %broadcast_in_dim3A_595 : vector<16xf32>
        %add3A_597 = arith.addf %add3A_530, %select_n3A_596 : vector<16xf32>
        %get3A_598 = arith.index_cast %add3A_540 : i32 to index
        %get3A_599 = arith.constant 112 : index
        %get3A_600 = tpu.vector_load %arg5[%get3A_598, %get3A_599] {strides = array<i32>} : memref<256x128xf32, #tpu.memory_space<vmem>>, vector<1x16xf32>,
        %get3A_601 = vector.shape_cast %get3A_600 : vector<1x16xf32> to vector<16xf32>
        %jit3A_602 = arith.constant 0.000000e+00 : f32
        %broadcast_in_dim3A_603 = vector.broadcast %jit3A_602 : f32 to vector<16xf32>
        %select_n3A_604 = arith.select %lt3A_541, %get3A_601, %broadcast_in_dim3A_603 : vector<16xf32>
        %add3A_605 = arith.addf %add3A_538, %select_n3A_604 : vector<16xf32>
        %add3A_606 = arith.constant 5 : i32
        %add3A_607 = arith.addi %mul3A_270, %add3A_606 : i32
        %lt3A_608 = arith.cmpi slt, %add3A_607, %min3A_103 : i32
        %get3A_609 = arith.index_cast %add3A_607 : i32 to index
        %get3A_610 = arith.constant 0 : index
        %get3A_611 = tpu.vector_load %arg5[%get3A_609, %get3A_610] {strides = array<i32>} : memref<256x128xf32, #tpu.memory_space<vmem>>, vector<1x16xf32>,
        %get3A_612 = vector.shape_cast %get3A_611 : vector<1x16xf32> to vector<16xf32>
        %jit3A_613 = arith.constant 0.000000e+00 : f32
        %broadcast_in_dim3A_614 = vector.broadcast %jit3A_613 : f32 to vector<16xf32>
        %select_n3A_615 = arith.select %lt3A_608, %get3A_612, %broadcast_in_dim3A_614 : vector<16xf32>
        %add3A_616 = arith.addf %add3A_549, %select_n3A_615 : vector<16xf32>
        %get3A_617 = arith.index_cast %add3A_607 : i32 to index
        %get3A_618 = arith.constant 16 : index
        %get3A_619 = tpu.vector_load %arg5[%get3A_617, %get3A_618] {strides = array<i32>} : memref<256x128xf32, #tpu.memory_space<vmem>>, vector<1x16xf32>,
        %get3A_620 = vector.shape_cast %get3A_619 : vector<1x16xf32> to vector<16xf32>
        %jit3A_621 = arith.constant 0.000000e+00 : f32
        %broadcast_in_dim3A_622 = vector.broadcast %jit3A_621 : f32 to vector<16xf32>
        %select_n3A_623 = arith.select %lt3A_608, %get3A_620, %broadcast_in_dim3A_622 : vector<16xf32>
        %add3A_624 = arith.addf %add3A_557, %select_n3A_623 : vector<16xf32>
        %get3A_625 = arith.index_cast %add3A_607 : i32 to index
        %get3A_626 = arith.constant 32 : index
        %get3A_627 = tpu.vector_load %arg5[%get3A_625, %get3A_626] {strides = array<i32>} : memref<256x128xf32, #tpu.memory_space<vmem>>, vector<1x16xf32>,
        %get3A_628 = vector.shape_cast %get3A_627 : vector<1x16xf32> to vector<16xf32>
        %jit3A_629 = arith.constant 0.000000e+00 : f32
        %broadcast_in_dim3A_630 = vector.broadcast %jit3A_629 : f32 to vector<16xf32>
        %select_n3A_631 = arith.select %lt3A_608, %get3A_628, %broadcast_in_dim3A_630 : vector<16xf32>
        %add3A_632 = arith.addf %add3A_565, %select_n3A_631 : vector<16xf32>
        %get3A_633 = arith.index_cast %add3A_607 : i32 to index
        %get3A_634 = arith.constant 48 : index
        %get3A_635 = tpu.vector_load %arg5[%get3A_633, %get3A_634] {strides = array<i32>} : memref<256x128xf32, #tpu.memory_space<vmem>>, vector<1x16xf32>,
        %get3A_636 = vector.shape_cast %get3A_635 : vector<1x16xf32> to vector<16xf32>
        %jit3A_637 = arith.constant 0.000000e+00 : f32
        %broadcast_in_dim3A_638 = vector.broadcast %jit3A_637 : f32 to vector<16xf32>
        %select_n3A_639 = arith.select %lt3A_608, %get3A_636, %broadcast_in_dim3A_638 : vector<16xf32>
        %add3A_640 = arith.addf %add3A_573, %select_n3A_639 : vector<16xf32>
        %get3A_641 = arith.index_cast %add3A_607 : i32 to index
        %get3A_642 = arith.constant 64 : index
        %get3A_643 = tpu.vector_load %arg5[%get3A_641, %get3A_642] {strides = array<i32>} : memref<256x128xf32, #tpu.memory_space<vmem>>, vector<1x16xf32>,
        %get3A_644 = vector.shape_cast %get3A_643 : vector<1x16xf32> to vector<16xf32>
        %jit3A_645 = arith.constant 0.000000e+00 : f32
        %broadcast_in_dim3A_646 = vector.broadcast %jit3A_645 : f32 to vector<16xf32>
        %select_n3A_647 = arith.select %lt3A_608, %get3A_644, %broadcast_in_dim3A_646 : vector<16xf32>
        %add3A_648 = arith.addf %add3A_581, %select_n3A_647 : vector<16xf32>
        %get3A_649 = arith.index_cast %add3A_607 : i32 to index
        %get3A_650 = arith.constant 80 : index
        %get3A_651 = tpu.vector_load %arg5[%get3A_649, %get3A_650] {strides = array<i32>} : memref<256x128xf32, #tpu.memory_space<vmem>>, vector<1x16xf32>,
        %get3A_652 = vector.shape_cast %get3A_651 : vector<1x16xf32> to vector<16xf32>
        %jit3A_653 = arith.constant 0.000000e+00 : f32
        %broadcast_in_dim3A_654 = vector.broadcast %jit3A_653 : f32 to vector<16xf32>
        %select_n3A_655 = arith.select %lt3A_608, %get3A_652, %broadcast_in_dim3A_654 : vector<16xf32>
        %add3A_656 = arith.addf %add3A_589, %select_n3A_655 : vector<16xf32>
        %get3A_657 = arith.index_cast %add3A_607 : i32 to index
        %get3A_658 = arith.constant 96 : index
        %get3A_659 = tpu.vector_load %arg5[%get3A_657, %get3A_658] {strides = array<i32>} : memref<256x128xf32, #tpu.memory_space<vmem>>, vector<1x16xf32>,
        %get3A_660 = vector.shape_cast %get3A_659 : vector<1x16xf32> to vector<16xf32>
        %jit3A_661 = arith.constant 0.000000e+00 : f32
        %broadcast_in_dim3A_662 = vector.broadcast %jit3A_661 : f32 to vector<16xf32>
        %select_n3A_663 = arith.select %lt3A_608, %get3A_660, %broadcast_in_dim3A_662 : vector<16xf32>
        %add3A_664 = arith.addf %add3A_597, %select_n3A_663 : vector<16xf32>
        %get3A_665 = arith.index_cast %add3A_607 : i32 to index
        %get3A_666 = arith.constant 112 : index
        %get3A_667 = tpu.vector_load %arg5[%get3A_665, %get3A_666] {strides = array<i32>} : memref<256x128xf32, #tpu.memory_space<vmem>>, vector<1x16xf32>,
        %get3A_668 = vector.shape_cast %get3A_667 : vector<1x16xf32> to vector<16xf32>
        %jit3A_669 = arith.constant 0.000000e+00 : f32
        %broadcast_in_dim3A_670 = vector.broadcast %jit3A_669 : f32 to vector<16xf32>
        %select_n3A_671 = arith.select %lt3A_608, %get3A_668, %broadcast_in_dim3A_670 : vector<16xf32>
        %add3A_672 = arith.addf %add3A_605, %select_n3A_671 : vector<16xf32>
        %add3A_673 = arith.constant 6 : i32
        %add3A_674 = arith.addi %mul3A_270, %add3A_673 : i32
        %lt3A_675 = arith.cmpi slt, %add3A_674, %min3A_103 : i32
        %get3A_676 = arith.index_cast %add3A_674 : i32 to index
        %get3A_677 = arith.constant 0 : index
        %get3A_678 = tpu.vector_load %arg5[%get3A_676, %get3A_677] {strides = array<i32>} : memref<256x128xf32, #tpu.memory_space<vmem>>, vector<1x16xf32>,
        %get3A_679 = vector.shape_cast %get3A_678 : vector<1x16xf32> to vector<16xf32>
        %jit3A_680 = arith.constant 0.000000e+00 : f32
        %broadcast_in_dim3A_681 = vector.broadcast %jit3A_680 : f32 to vector<16xf32>
        %select_n3A_682 = arith.select %lt3A_675, %get3A_679, %broadcast_in_dim3A_681 : vector<16xf32>
        %add3A_683 = arith.addf %add3A_616, %select_n3A_682 : vector<16xf32>
        %get3A_684 = arith.index_cast %add3A_674 : i32 to index
        %get3A_685 = arith.constant 16 : index
        %get3A_686 = tpu.vector_load %arg5[%get3A_684, %get3A_685] {strides = array<i32>} : memref<256x128xf32, #tpu.memory_space<vmem>>, vector<1x16xf32>,
        %get3A_687 = vector.shape_cast %get3A_686 : vector<1x16xf32> to vector<16xf32>
        %jit3A_688 = arith.constant 0.000000e+00 : f32
        %broadcast_in_dim3A_689 = vector.broadcast %jit3A_688 : f32 to vector<16xf32>
        %select_n3A_690 = arith.select %lt3A_675, %get3A_687, %broadcast_in_dim3A_689 : vector<16xf32>
        %add3A_691 = arith.addf %add3A_624, %select_n3A_690 : vector<16xf32>
        %get3A_692 = arith.index_cast %add3A_674 : i32 to index
        %get3A_693 = arith.constant 32 : index
        %get3A_694 = tpu.vector_load %arg5[%get3A_692, %get3A_693] {strides = array<i32>} : memref<256x128xf32, #tpu.memory_space<vmem>>, vector<1x16xf32>,
        %get3A_695 = vector.shape_cast %get3A_694 : vector<1x16xf32> to vector<16xf32>
        %jit3A_696 = arith.constant 0.000000e+00 : f32
        %broadcast_in_dim3A_697 = vector.broadcast %jit3A_696 : f32 to vector<16xf32>
        %select_n3A_698 = arith.select %lt3A_675, %get3A_695, %broadcast_in_dim3A_697 : vector<16xf32>
        %add3A_699 = arith.addf %add3A_632, %select_n3A_698 : vector<16xf32>
        %get3A_700 = arith.index_cast %add3A_674 : i32 to index
        %get3A_701 = arith.constant 48 : index
        %get3A_702 = tpu.vector_load %arg5[%get3A_700, %get3A_701] {strides = array<i32>} : memref<256x128xf32, #tpu.memory_space<vmem>>, vector<1x16xf32>,
        %get3A_703 = vector.shape_cast %get3A_702 : vector<1x16xf32> to vector<16xf32>
        %jit3A_704 = arith.constant 0.000000e+00 : f32
        %broadcast_in_dim3A_705 = vector.broadcast %jit3A_704 : f32 to vector<16xf32>
        %select_n3A_706 = arith.select %lt3A_675, %get3A_703, %broadcast_in_dim3A_705 : vector<16xf32>
        %add3A_707 = arith.addf %add3A_640, %select_n3A_706 : vector<16xf32>
        %get3A_708 = arith.index_cast %add3A_674 : i32 to index
        %get3A_709 = arith.constant 64 : index
        %get3A_710 = tpu.vector_load %arg5[%get3A_708, %get3A_709] {strides = array<i32>} : memref<256x128xf32, #tpu.memory_space<vmem>>, vector<1x16xf32>,
        %get3A_711 = vector.shape_cast %get3A_710 : vector<1x16xf32> to vector<16xf32>
        %jit3A_712 = arith.constant 0.000000e+00 : f32
        %broadcast_in_dim3A_713 = vector.broadcast %jit3A_712 : f32 to vector<16xf32>
        %select_n3A_714 = arith.select %lt3A_675, %get3A_711, %broadcast_in_dim3A_713 : vector<16xf32>
        %add3A_715 = arith.addf %add3A_648, %select_n3A_714 : vector<16xf32>
        %get3A_716 = arith.index_cast %add3A_674 : i32 to index
        %get3A_717 = arith.constant 80 : index
        %get3A_718 = tpu.vector_load %arg5[%get3A_716, %get3A_717] {strides = array<i32>} : memref<256x128xf32, #tpu.memory_space<vmem>>, vector<1x16xf32>,
        %get3A_719 = vector.shape_cast %get3A_718 : vector<1x16xf32> to vector<16xf32>
        %jit3A_720 = arith.constant 0.000000e+00 : f32
        %broadcast_in_dim3A_721 = vector.broadcast %jit3A_720 : f32 to vector<16xf32>
        %select_n3A_722 = arith.select %lt3A_675, %get3A_719, %broadcast_in_dim3A_721 : vector<16xf32>
        %add3A_723 = arith.addf %add3A_656, %select_n3A_722 : vector<16xf32>
        %get3A_724 = arith.index_cast %add3A_674 : i32 to index
        %get3A_725 = arith.constant 96 : index
        %get3A_726 = tpu.vector_load %arg5[%get3A_724, %get3A_725] {strides = array<i32>} : memref<256x128xf32, #tpu.memory_space<vmem>>, vector<1x16xf32>,
        %get3A_727 = vector.shape_cast %get3A_726 : vector<1x16xf32> to vector<16xf32>
        %jit3A_728 = arith.constant 0.000000e+00 : f32
        %broadcast_in_dim3A_729 = vector.broadcast %jit3A_728 : f32 to vector<16xf32>
        %select_n3A_730 = arith.select %lt3A_675, %get3A_727, %broadcast_in_dim3A_729 : vector<16xf32>
        %add3A_731 = arith.addf %add3A_664, %select_n3A_730 : vector<16xf32>
        %get3A_732 = arith.index_cast %add3A_674 : i32 to index
        %get3A_733 = arith.constant 112 : index
        %get3A_734 = tpu.vector_load %arg5[%get3A_732, %get3A_733] {strides = array<i32>} : memref<256x128xf32, #tpu.memory_space<vmem>>, vector<1x16xf32>,
        %get3A_735 = vector.shape_cast %get3A_734 : vector<1x16xf32> to vector<16xf32>
        %jit3A_736 = arith.constant 0.000000e+00 : f32
        %broadcast_in_dim3A_737 = vector.broadcast %jit3A_736 : f32 to vector<16xf32>
        %select_n3A_738 = arith.select %lt3A_675, %get3A_735, %broadcast_in_dim3A_737 : vector<16xf32>
        %add3A_739 = arith.addf %add3A_672, %select_n3A_738 : vector<16xf32>
        %add3A_740 = arith.constant 7 : i32
        %add3A_741 = arith.addi %mul3A_270, %add3A_740 : i32
        %lt3A_742 = arith.cmpi slt, %add3A_741, %min3A_103 : i32
        %get3A_743 = arith.index_cast %add3A_741 : i32 to index
        %get3A_744 = arith.constant 0 : index
        %get3A_745 = tpu.vector_load %arg5[%get3A_743, %get3A_744] {strides = array<i32>} : memref<256x128xf32, #tpu.memory_space<vmem>>, vector<1x16xf32>,
        %get3A_746 = vector.shape_cast %get3A_745 : vector<1x16xf32> to vector<16xf32>
        %jit3A_747 = arith.constant 0.000000e+00 : f32
        %broadcast_in_dim3A_748 = vector.broadcast %jit3A_747 : f32 to vector<16xf32>
        %select_n3A_749 = arith.select %lt3A_742, %get3A_746, %broadcast_in_dim3A_748 : vector<16xf32>
        %add3A_750 = arith.addf %add3A_683, %select_n3A_749 : vector<16xf32>
        %get3A_751 = arith.index_cast %add3A_741 : i32 to index
        %get3A_752 = arith.constant 16 : index
        %get3A_753 = tpu.vector_load %arg5[%get3A_751, %get3A_752] {strides = array<i32>} : memref<256x128xf32, #tpu.memory_space<vmem>>, vector<1x16xf32>,
        %get3A_754 = vector.shape_cast %get3A_753 : vector<1x16xf32> to vector<16xf32>
        %jit3A_755 = arith.constant 0.000000e+00 : f32
        %broadcast_in_dim3A_756 = vector.broadcast %jit3A_755 : f32 to vector<16xf32>
        %select_n3A_757 = arith.select %lt3A_742, %get3A_754, %broadcast_in_dim3A_756 : vector<16xf32>
        %add3A_758 = arith.addf %add3A_691, %select_n3A_757 : vector<16xf32>
        %get3A_759 = arith.index_cast %add3A_741 : i32 to index
        %get3A_760 = arith.constant 32 : index
        %get3A_761 = tpu.vector_load %arg5[%get3A_759, %get3A_760] {strides = array<i32>} : memref<256x128xf32, #tpu.memory_space<vmem>>, vector<1x16xf32>,
        %get3A_762 = vector.shape_cast %get3A_761 : vector<1x16xf32> to vector<16xf32>
        %jit3A_763 = arith.constant 0.000000e+00 : f32
        %broadcast_in_dim3A_764 = vector.broadcast %jit3A_763 : f32 to vector<16xf32>
        %select_n3A_765 = arith.select %lt3A_742, %get3A_762, %broadcast_in_dim3A_764 : vector<16xf32>
        %add3A_766 = arith.addf %add3A_699, %select_n3A_765 : vector<16xf32>
        %get3A_767 = arith.index_cast %add3A_741 : i32 to index
        %get3A_768 = arith.constant 48 : index
        %get3A_769 = tpu.vector_load %arg5[%get3A_767, %get3A_768] {strides = array<i32>} : memref<256x128xf32, #tpu.memory_space<vmem>>, vector<1x16xf32>,
        %get3A_770 = vector.shape_cast %get3A_769 : vector<1x16xf32> to vector<16xf32>
        %jit3A_771 = arith.constant 0.000000e+00 : f32
        %broadcast_in_dim3A_772 = vector.broadcast %jit3A_771 : f32 to vector<16xf32>
        %select_n3A_773 = arith.select %lt3A_742, %get3A_770, %broadcast_in_dim3A_772 : vector<16xf32>
        %add3A_774 = arith.addf %add3A_707, %select_n3A_773 : vector<16xf32>
        %get3A_775 = arith.index_cast %add3A_741 : i32 to index
        %get3A_776 = arith.constant 64 : index
        %get3A_777 = tpu.vector_load %arg5[%get3A_775, %get3A_776] {strides = array<i32>} : memref<256x128xf32, #tpu.memory_space<vmem>>, vector<1x16xf32>,
        %get3A_778 = vector.shape_cast %get3A_777 : vector<1x16xf32> to vector<16xf32>
        %jit3A_779 = arith.constant 0.000000e+00 : f32
        %broadcast_in_dim3A_780 = vector.broadcast %jit3A_779 : f32 to vector<16xf32>
        %select_n3A_781 = arith.select %lt3A_742, %get3A_778, %broadcast_in_dim3A_780 : vector<16xf32>
        %add3A_782 = arith.addf %add3A_715, %select_n3A_781 : vector<16xf32>
        %get3A_783 = arith.index_cast %add3A_741 : i32 to index
        %get3A_784 = arith.constant 80 : index
        %get3A_785 = tpu.vector_load %arg5[%get3A_783, %get3A_784] {strides = array<i32>} : memref<256x128xf32, #tpu.memory_space<vmem>>, vector<1x16xf32>,
        %get3A_786 = vector.shape_cast %get3A_785 : vector<1x16xf32> to vector<16xf32>
        %jit3A_787 = arith.constant 0.000000e+00 : f32
        %broadcast_in_dim3A_788 = vector.broadcast %jit3A_787 : f32 to vector<16xf32>
        %select_n3A_789 = arith.select %lt3A_742, %get3A_786, %broadcast_in_dim3A_788 : vector<16xf32>
        %add3A_790 = arith.addf %add3A_723, %select_n3A_789 : vector<16xf32>
        %get3A_791 = arith.index_cast %add3A_741 : i32 to index
        %get3A_792 = arith.constant 96 : index
        %get3A_793 = tpu.vector_load %arg5[%get3A_791, %get3A_792] {strides = array<i32>} : memref<256x128xf32, #tpu.memory_space<vmem>>, vector<1x16xf32>,
        %get3A_794 = vector.shape_cast %get3A_793 : vector<1x16xf32> to vector<16xf32>
        %jit3A_795 = arith.constant 0.000000e+00 : f32
        %broadcast_in_dim3A_796 = vector.broadcast %jit3A_795 : f32 to vector<16xf32>
        %select_n3A_797 = arith.select %lt3A_742, %get3A_794, %broadcast_in_dim3A_796 : vector<16xf32>
        %add3A_798 = arith.addf %add3A_731, %select_n3A_797 : vector<16xf32>
        %get3A_799 = arith.index_cast %add3A_741 : i32 to index
        %get3A_800 = arith.constant 112 : index
        %get3A_801 = tpu.vector_load %arg5[%get3A_799, %get3A_800] {strides = array<i32>} : memref<256x128xf32, #tpu.memory_space<vmem>>, vector<1x16xf32>,
        %get3A_802 = vector.shape_cast %get3A_801 : vector<1x16xf32> to vector<16xf32>
        %jit3A_803 = arith.constant 0.000000e+00 : f32
        %broadcast_in_dim3A_804 = vector.broadcast %jit3A_803 : f32 to vector<16xf32>
        %select_n3A_805 = arith.select %lt3A_742, %get3A_802, %broadcast_in_dim3A_804 : vector<16xf32>
        %add3A_806 = arith.addf %add3A_739, %select_n3A_805 : vector<16xf32>
        scf.yield %add3A_750, %add3A_758, %add3A_766, %add3A_774, %add3A_782, %add3A_790, %add3A_798, %add3A_806 : vector<16xf32>, vector<16xf32>, vector<16xf32>, vector<16xf32>, vector<16xf32>, vector<16xf32>, vector<16xf32>, vector<16xf32>
      }
      %while3A_198 = arith.constant 1 : i32
      %while3A_199:8 = scf.for %while3A_260 = %while3A_195 to %while3A_191 step %while3A_198 iter_args(%while3A_261 = %while3A_197#0, %while3A_262 = %while3A_197#1, %while3A_263 = %while3A_197#2, %while3A_264 = %while3A_197#3, %while3A_265 = %while3A_197#4, %while3A_266 = %while3A_197#5, %while3A_267 = %while3A_197#6, %while3A_268 = %while3A_197#7) -> (vector<16xf32>, vector<16xf32>, vector<16xf32>, vector<16xf32>, vector<16xf32>, vector<16xf32>, vector<16xf32>, vector<16xf32>)  : i32 {
        %mul3A_269 = arith.constant 8 : i32
        %mul3A_270 = arith.muli %while3A_260, %mul3A_269 : i32
        %add3A_271 = arith.constant 0 : i32
        %add3A_272 = arith.addi %mul3A_270, %add3A_271 : i32
        %lt3A_273 = arith.cmpi slt, %add3A_272, %min3A_103 : i32
        %get3A_274 = arith.index_cast %add3A_272 : i32 to index
        %get3A_275 = arith.constant 0 : index
        %get3A_276 = tpu.vector_load %arg5[%get3A_274, %get3A_275] {strides = array<i32>} : memref<256x128xf32, #tpu.memory_space<vmem>>, vector<1x16xf32>,
        %get3A_277 = vector.shape_cast %get3A_276 : vector<1x16xf32> to vector<16xf32>
        %jit3A_278 = arith.constant 0.000000e+00 : f32
        %broadcast_in_dim3A_279 = vector.broadcast %jit3A_278 : f32 to vector<16xf32>
        %select_n3A_280 = arith.select %lt3A_273, %get3A_277, %broadcast_in_dim3A_279 : vector<16xf32>
        %add3A_281 = arith.addf %while3A_261, %select_n3A_280 : vector<16xf32>
        %get3A_282 = arith.index_cast %add3A_272 : i32 to index
        %get3A_283 = arith.constant 16 : index
        %get3A_284 = tpu.vector_load %arg5[%get3A_282, %get3A_283] {strides = array<i32>} : memref<256x128xf32, #tpu.memory_space<vmem>>, vector<1x16xf32>,
        %get3A_285 = vector.shape_cast %get3A_284 : vector<1x16xf32> to vector<16xf32>
        %jit3A_286 = arith.constant 0.000000e+00 : f32
        %broadcast_in_dim3A_287 = vector.broadcast %jit3A_286 : f32 to vector<16xf32>
        %select_n3A_288 = arith.select %lt3A_273, %get3A_285, %broadcast_in_dim3A_287 : vector<16xf32>
        %add3A_289 = arith.addf %while3A_262, %select_n3A_288 : vector<16xf32>
        %get3A_290 = arith.index_cast %add3A_272 : i32 to index
        %get3A_291 = arith.constant 32 : index
        %get3A_292 = tpu.vector_load %arg5[%get3A_290, %get3A_291] {strides = array<i32>} : memref<256x128xf32, #tpu.memory_space<vmem>>, vector<1x16xf32>,
        %get3A_293 = vector.shape_cast %get3A_292 : vector<1x16xf32> to vector<16xf32>
        %jit3A_294 = arith.constant 0.000000e+00 : f32
        %broadcast_in_dim3A_295 = vector.broadcast %jit3A_294 : f32 to vector<16xf32>
        %select_n3A_296 = arith.select %lt3A_273, %get3A_293, %broadcast_in_dim3A_295 : vector<16xf32>
        %add3A_297 = arith.addf %while3A_263, %select_n3A_296 : vector<16xf32>
        %get3A_298 = arith.index_cast %add3A_272 : i32 to index
        %get3A_299 = arith.constant 48 : index
        %get3A_300 = tpu.vector_load %arg5[%get3A_298, %get3A_299] {strides = array<i32>} : memref<256x128xf32, #tpu.memory_space<vmem>>, vector<1x16xf32>,
        %get3A_301 = vector.shape_cast %get3A_300 : vector<1x16xf32> to vector<16xf32>
        %jit3A_302 = arith.constant 0.000000e+00 : f32
        %broadcast_in_dim3A_303 = vector.broadcast %jit3A_302 : f32 to vector<16xf32>
        %select_n3A_304 = arith.select %lt3A_273, %get3A_301, %broadcast_in_dim3A_303 : vector<16xf32>
        %add3A_305 = arith.addf %while3A_264, %select_n3A_304 : vector<16xf32>
        %get3A_306 = arith.index_cast %add3A_272 : i32 to index
        %get3A_307 = arith.constant 64 : index
        %get3A_308 = tpu.vector_load %arg5[%get3A_306, %get3A_307] {strides = array<i32>} : memref<256x128xf32, #tpu.memory_space<vmem>>, vector<1x16xf32>,
        %get3A_309 = vector.shape_cast %get3A_308 : vector<1x16xf32> to vector<16xf32>
        %jit3A_310 = arith.constant 0.000000e+00 : f32
        %broadcast_in_dim3A_311 = vector.broadcast %jit3A_310 : f32 to vector<16xf32>
        %select_n3A_312 = arith.select %lt3A_273, %get3A_309, %broadcast_in_dim3A_311 : vector<16xf32>
        %add3A_313 = arith.addf %while3A_265, %select_n3A_312 : vector<16xf32>
        %get3A_314 = arith.index_cast %add3A_272 : i32 to index
        %get3A_315 = arith.constant 80 : index
        %get3A_316 = tpu.vector_load %arg5[%get3A_314, %get3A_315] {strides = array<i32>} : memref<256x128xf32, #tpu.memory_space<vmem>>, vector<1x16xf32>,
        %get3A_317 = vector.shape_cast %get3A_316 : vector<1x16xf32> to vector<16xf32>
        %jit3A_318 = arith.constant 0.000000e+00 : f32
        %broadcast_in_dim3A_319 = vector.broadcast %jit3A_318 : f32 to vector<16xf32>
        %select_n3A_320 = arith.select %lt3A_273, %get3A_317, %broadcast_in_dim3A_319 : vector<16xf32>
        %add3A_321 = arith.addf %while3A_266, %select_n3A_320 : vector<16xf32>
        %get3A_322 = arith.index_cast %add3A_272 : i32 to index
        %get3A_323 = arith.constant 96 : index
        %get3A_324 = tpu.vector_load %arg5[%get3A_322, %get3A_323] {strides = array<i32>} : memref<256x128xf32, #tpu.memory_space<vmem>>, vector<1x16xf32>,
        %get3A_325 = vector.shape_cast %get3A_324 : vector<1x16xf32> to vector<16xf32>
        %jit3A_326 = arith.constant 0.000000e+00 : f32
        %broadcast_in_dim3A_327 = vector.broadcast %jit3A_326 : f32 to vector<16xf32>
        %select_n3A_328 = arith.select %lt3A_273, %get3A_325, %broadcast_in_dim3A_327 : vector<16xf32>
        %add3A_329 = arith.addf %while3A_267, %select_n3A_328 : vector<16xf32>
        %get3A_330 = arith.index_cast %add3A_272 : i32 to index
        %get3A_331 = arith.constant 112 : index
        %get3A_332 = tpu.vector_load %arg5[%get3A_330, %get3A_331] {strides = array<i32>} : memref<256x128xf32, #tpu.memory_space<vmem>>, vector<1x16xf32>,
        %get3A_333 = vector.shape_cast %get3A_332 : vector<1x16xf32> to vector<16xf32>
        %jit3A_334 = arith.constant 0.000000e+00 : f32
        %broadcast_in_dim3A_335 = vector.broadcast %jit3A_334 : f32 to vector<16xf32>
        %select_n3A_336 = arith.select %lt3A_273, %get3A_333, %broadcast_in_dim3A_335 : vector<16xf32>
        %add3A_337 = arith.addf %while3A_268, %select_n3A_336 : vector<16xf32>
        %add3A_338 = arith.constant 1 : i32
        %add3A_339 = arith.addi %mul3A_270, %add3A_338 : i32
        %lt3A_340 = arith.cmpi slt, %add3A_339, %min3A_103 : i32
        %get3A_341 = arith.index_cast %add3A_339 : i32 to index
        %get3A_342 = arith.constant 0 : index
        %get3A_343 = tpu.vector_load %arg5[%get3A_341, %get3A_342] {strides = array<i32>} : memref<256x128xf32, #tpu.memory_space<vmem>>, vector<1x16xf32>,
        %get3A_344 = vector.shape_cast %get3A_343 : vector<1x16xf32> to vector<16xf32>
        %jit3A_345 = arith.constant 0.000000e+00 : f32
        %broadcast_in_dim3A_346 = vector.broadcast %jit3A_345 : f32 to vector<16xf32>
        %select_n3A_347 = arith.select %lt3A_340, %get3A_344, %broadcast_in_dim3A_346 : vector<16xf32>
        %add3A_348 = arith.addf %add3A_281, %select_n3A_347 : vector<16xf32>
        %get3A_349 = arith.index_cast %add3A_339 : i32 to index
        %get3A_350 = arith.constant 16 : index
        %get3A_351 = tpu.vector_load %arg5[%get3A_349, %get3A_350] {strides = array<i32>} : memref<256x128xf32, #tpu.memory_space<vmem>>, vector<1x16xf32>,
        %get3A_352 = vector.shape_cast %get3A_351 : vector<1x16xf32> to vector<16xf32>
        %jit3A_353 = arith.constant 0.000000e+00 : f32
        %broadcast_in_dim3A_354 = vector.broadcast %jit3A_353 : f32 to vector<16xf32>
        %select_n3A_355 = arith.select %lt3A_340, %get3A_352, %broadcast_in_dim3A_354 : vector<16xf32>
        %add3A_356 = arith.addf %add3A_289, %select_n3A_355 : vector<16xf32>
        %get3A_357 = arith.index_cast %add3A_339 : i32 to index
        %get3A_358 = arith.constant 32 : index
        %get3A_359 = tpu.vector_load %arg5[%get3A_357, %get3A_358] {strides = array<i32>} : memref<256x128xf32, #tpu.memory_space<vmem>>, vector<1x16xf32>,
        %get3A_360 = vector.shape_cast %get3A_359 : vector<1x16xf32> to vector<16xf32>
        %jit3A_361 = arith.constant 0.000000e+00 : f32
        %broadcast_in_dim3A_362 = vector.broadcast %jit3A_361 : f32 to vector<16xf32>
        %select_n3A_363 = arith.select %lt3A_340, %get3A_360, %broadcast_in_dim3A_362 : vector<16xf32>
        %add3A_364 = arith.addf %add3A_297, %select_n3A_363 : vector<16xf32>
        %get3A_365 = arith.index_cast %add3A_339 : i32 to index
        %get3A_366 = arith.constant 48 : index
        %get3A_367 = tpu.vector_load %arg5[%get3A_365, %get3A_366] {strides = array<i32>} : memref<256x128xf32, #tpu.memory_space<vmem>>, vector<1x16xf32>,
        %get3A_368 = vector.shape_cast %get3A_367 : vector<1x16xf32> to vector<16xf32>
        %jit3A_369 = arith.constant 0.000000e+00 : f32
        %broadcast_in_dim3A_370 = vector.broadcast %jit3A_369 : f32 to vector<16xf32>
        %select_n3A_371 = arith.select %lt3A_340, %get3A_368, %broadcast_in_dim3A_370 : vector<16xf32>
        %add3A_372 = arith.addf %add3A_305, %select_n3A_371 : vector<16xf32>
        %get3A_373 = arith.index_cast %add3A_339 : i32 to index
        %get3A_374 = arith.constant 64 : index
        %get3A_375 = tpu.vector_load %arg5[%get3A_373, %get3A_374] {strides = array<i32>} : memref<256x128xf32, #tpu.memory_space<vmem>>, vector<1x16xf32>,
        %get3A_376 = vector.shape_cast %get3A_375 : vector<1x16xf32> to vector<16xf32>
        %jit3A_377 = arith.constant 0.000000e+00 : f32
        %broadcast_in_dim3A_378 = vector.broadcast %jit3A_377 : f32 to vector<16xf32>
        %select_n3A_379 = arith.select %lt3A_340, %get3A_376, %broadcast_in_dim3A_378 : vector<16xf32>
        %add3A_380 = arith.addf %add3A_313, %select_n3A_379 : vector<16xf32>
        %get3A_381 = arith.index_cast %add3A_339 : i32 to index
        %get3A_382 = arith.constant 80 : index
        %get3A_383 = tpu.vector_load %arg5[%get3A_381, %get3A_382] {strides = array<i32>} : memref<256x128xf32, #tpu.memory_space<vmem>>, vector<1x16xf32>,
        %get3A_384 = vector.shape_cast %get3A_383 : vector<1x16xf32> to vector<16xf32>
        %jit3A_385 = arith.constant 0.000000e+00 : f32
        %broadcast_in_dim3A_386 = vector.broadcast %jit3A_385 : f32 to vector<16xf32>
        %select_n3A_387 = arith.select %lt3A_340, %get3A_384, %broadcast_in_dim3A_386 : vector<16xf32>
        %add3A_388 = arith.addf %add3A_321, %select_n3A_387 : vector<16xf32>
        %get3A_389 = arith.index_cast %add3A_339 : i32 to index
        %get3A_390 = arith.constant 96 : index
        %get3A_391 = tpu.vector_load %arg5[%get3A_389, %get3A_390] {strides = array<i32>} : memref<256x128xf32, #tpu.memory_space<vmem>>, vector<1x16xf32>,
        %get3A_392 = vector.shape_cast %get3A_391 : vector<1x16xf32> to vector<16xf32>
        %jit3A_393 = arith.constant 0.000000e+00 : f32
        %broadcast_in_dim3A_394 = vector.broadcast %jit3A_393 : f32 to vector<16xf32>
        %select_n3A_395 = arith.select %lt3A_340, %get3A_392, %broadcast_in_dim3A_394 : vector<16xf32>
        %add3A_396 = arith.addf %add3A_329, %select_n3A_395 : vector<16xf32>
        %get3A_397 = arith.index_cast %add3A_339 : i32 to index
        %get3A_398 = arith.constant 112 : index
        %get3A_399 = tpu.vector_load %arg5[%get3A_397, %get3A_398] {strides = array<i32>} : memref<256x128xf32, #tpu.memory_space<vmem>>, vector<1x16xf32>,
        %get3A_400 = vector.shape_cast %get3A_399 : vector<1x16xf32> to vector<16xf32>
        %jit3A_401 = arith.constant 0.000000e+00 : f32
        %broadcast_in_dim3A_402 = vector.broadcast %jit3A_401 : f32 to vector<16xf32>
        %select_n3A_403 = arith.select %lt3A_340, %get3A_400, %broadcast_in_dim3A_402 : vector<16xf32>
        %add3A_404 = arith.addf %add3A_337, %select_n3A_403 : vector<16xf32>
        %add3A_405 = arith.constant 2 : i32
        %add3A_406 = arith.addi %mul3A_270, %add3A_405 : i32
        %lt3A_407 = arith.cmpi slt, %add3A_406, %min3A_103 : i32
        %get3A_408 = arith.index_cast %add3A_406 : i32 to index
        %get3A_409 = arith.constant 0 : index
        %get3A_410 = tpu.vector_load %arg5[%get3A_408, %get3A_409] {strides = array<i32>} : memref<256x128xf32, #tpu.memory_space<vmem>>, vector<1x16xf32>,
        %get3A_411 = vector.shape_cast %get3A_410 : vector<1x16xf32> to vector<16xf32>
        %jit3A_412 = arith.constant 0.000000e+00 : f32
        %broadcast_in_dim3A_413 = vector.broadcast %jit3A_412 : f32 to vector<16xf32>
        %select_n3A_414 = arith.select %lt3A_407, %get3A_411, %broadcast_in_dim3A_413 : vector<16xf32>
        %add3A_415 = arith.addf %add3A_348, %select_n3A_414 : vector<16xf32>
        %get3A_416 = arith.index_cast %add3A_406 : i32 to index
        %get3A_417 = arith.constant 16 : index
        %get3A_418 = tpu.vector_load %arg5[%get3A_416, %get3A_417] {strides = array<i32>} : memref<256x128xf32, #tpu.memory_space<vmem>>, vector<1x16xf32>,
        %get3A_419 = vector.shape_cast %get3A_418 : vector<1x16xf32> to vector<16xf32>
        %jit3A_420 = arith.constant 0.000000e+00 : f32
        %broadcast_in_dim3A_421 = vector.broadcast %jit3A_420 : f32 to vector<16xf32>
        %select_n3A_422 = arith.select %lt3A_407, %get3A_419, %broadcast_in_dim3A_421 : vector<16xf32>
        %add3A_423 = arith.addf %add3A_356, %select_n3A_422 : vector<16xf32>
        %get3A_424 = arith.index_cast %add3A_406 : i32 to index
        %get3A_425 = arith.constant 32 : index
        %get3A_426 = tpu.vector_load %arg5[%get3A_424, %get3A_425] {strides = array<i32>} : memref<256x128xf32, #tpu.memory_space<vmem>>, vector<1x16xf32>,
        %get3A_427 = vector.shape_cast %get3A_426 : vector<1x16xf32> to vector<16xf32>
        %jit3A_428 = arith.constant 0.000000e+00 : f32
        %broadcast_in_dim3A_429 = vector.broadcast %jit3A_428 : f32 to vector<16xf32>
        %select_n3A_430 = arith.select %lt3A_407, %get3A_427, %broadcast_in_dim3A_429 : vector<16xf32>
        %add3A_431 = arith.addf %add3A_364, %select_n3A_430 : vector<16xf32>
        %get3A_432 = arith.index_cast %add3A_406 : i32 to index
        %get3A_433 = arith.constant 48 : index
        %get3A_434 = tpu.vector_load %arg5[%get3A_432, %get3A_433] {strides = array<i32>} : memref<256x128xf32, #tpu.memory_space<vmem>>, vector<1x16xf32>,
        %get3A_435 = vector.shape_cast %get3A_434 : vector<1x16xf32> to vector<16xf32>
        %jit3A_436 = arith.constant 0.000000e+00 : f32
        %broadcast_in_dim3A_437 = vector.broadcast %jit3A_436 : f32 to vector<16xf32>
        %select_n3A_438 = arith.select %lt3A_407, %get3A_435, %broadcast_in_dim3A_437 : vector<16xf32>
        %add3A_439 = arith.addf %add3A_372, %select_n3A_438 : vector<16xf32>
        %get3A_440 = arith.index_cast %add3A_406 : i32 to index
        %get3A_441 = arith.constant 64 : index
        %get3A_442 = tpu.vector_load %arg5[%get3A_440, %get3A_441] {strides = array<i32>} : memref<256x128xf32, #tpu.memory_space<vmem>>, vector<1x16xf32>,
        %get3A_443 = vector.shape_cast %get3A_442 : vector<1x16xf32> to vector<16xf32>
        %jit3A_444 = arith.constant 0.000000e+00 : f32
        %broadcast_in_dim3A_445 = vector.broadcast %jit3A_444 : f32 to vector<16xf32>
        %select_n3A_446 = arith.select %lt3A_407, %get3A_443, %broadcast_in_dim3A_445 : vector<16xf32>
        %add3A_447 = arith.addf %add3A_380, %select_n3A_446 : vector<16xf32>
        %get3A_448 = arith.index_cast %add3A_406 : i32 to index
        %get3A_449 = arith.constant 80 : index
        %get3A_450 = tpu.vector_load %arg5[%get3A_448, %get3A_449] {strides = array<i32>} : memref<256x128xf32, #tpu.memory_space<vmem>>, vector<1x16xf32>,
        %get3A_451 = vector.shape_cast %get3A_450 : vector<1x16xf32> to vector<16xf32>
        %jit3A_452 = arith.constant 0.000000e+00 : f32
        %broadcast_in_dim3A_453 = vector.broadcast %jit3A_452 : f32 to vector<16xf32>
        %select_n3A_454 = arith.select %lt3A_407, %get3A_451, %broadcast_in_dim3A_453 : vector<16xf32>
        %add3A_455 = arith.addf %add3A_388, %select_n3A_454 : vector<16xf32>
        %get3A_456 = arith.index_cast %add3A_406 : i32 to index
        %get3A_457 = arith.constant 96 : index
        %get3A_458 = tpu.vector_load %arg5[%get3A_456, %get3A_457] {strides = array<i32>} : memref<256x128xf32, #tpu.memory_space<vmem>>, vector<1x16xf32>,
        %get3A_459 = vector.shape_cast %get3A_458 : vector<1x16xf32> to vector<16xf32>
        %jit3A_460 = arith.constant 0.000000e+00 : f32
        %broadcast_in_dim3A_461 = vector.broadcast %jit3A_460 : f32 to vector<16xf32>
        %select_n3A_462 = arith.select %lt3A_407, %get3A_459, %broadcast_in_dim3A_461 : vector<16xf32>
        %add3A_463 = arith.addf %add3A_396, %select_n3A_462 : vector<16xf32>
        %get3A_464 = arith.index_cast %add3A_406 : i32 to index
        %get3A_465 = arith.constant 112 : index
        %get3A_466 = tpu.vector_load %arg5[%get3A_464, %get3A_465] {strides = array<i32>} : memref<256x128xf32, #tpu.memory_space<vmem>>, vector<1x16xf32>,
        %get3A_467 = vector.shape_cast %get3A_466 : vector<1x16xf32> to vector<16xf32>
        %jit3A_468 = arith.constant 0.000000e+00 : f32
        %broadcast_in_dim3A_469 = vector.broadcast %jit3A_468 : f32 to vector<16xf32>
        %select_n3A_470 = arith.select %lt3A_407, %get3A_467, %broadcast_in_dim3A_469 : vector<16xf32>
        %add3A_471 = arith.addf %add3A_404, %select_n3A_470 : vector<16xf32>
        %add3A_472 = arith.constant 3 : i32
        %add3A_473 = arith.addi %mul3A_270, %add3A_472 : i32
        %lt3A_474 = arith.cmpi slt, %add3A_473, %min3A_103 : i32
        %get3A_475 = arith.index_cast %add3A_473 : i32 to index
        %get3A_476 = arith.constant 0 : index
        %get3A_477 = tpu.vector_load %arg5[%get3A_475, %get3A_476] {strides = array<i32>} : memref<256x128xf32, #tpu.memory_space<vmem>>, vector<1x16xf32>,
        %get3A_478 = vector.shape_cast %get3A_477 : vector<1x16xf32> to vector<16xf32>
        %jit3A_479 = arith.constant 0.000000e+00 : f32
        %broadcast_in_dim3A_480 = vector.broadcast %jit3A_479 : f32 to vector<16xf32>
        %select_n3A_481 = arith.select %lt3A_474, %get3A_478, %broadcast_in_dim3A_480 : vector<16xf32>
        %add3A_482 = arith.addf %add3A_415, %select_n3A_481 : vector<16xf32>
        %get3A_483 = arith.index_cast %add3A_473 : i32 to index
        %get3A_484 = arith.constant 16 : index
        %get3A_485 = tpu.vector_load %arg5[%get3A_483, %get3A_484] {strides = array<i32>} : memref<256x128xf32, #tpu.memory_space<vmem>>, vector<1x16xf32>,
        %get3A_486 = vector.shape_cast %get3A_485 : vector<1x16xf32> to vector<16xf32>
        %jit3A_487 = arith.constant 0.000000e+00 : f32
        %broadcast_in_dim3A_488 = vector.broadcast %jit3A_487 : f32 to vector<16xf32>
        %select_n3A_489 = arith.select %lt3A_474, %get3A_486, %broadcast_in_dim3A_488 : vector<16xf32>
        %add3A_490 = arith.addf %add3A_423, %select_n3A_489 : vector<16xf32>
        %get3A_491 = arith.index_cast %add3A_473 : i32 to index
        %get3A_492 = arith.constant 32 : index
        %get3A_493 = tpu.vector_load %arg5[%get3A_491, %get3A_492] {strides = array<i32>} : memref<256x128xf32, #tpu.memory_space<vmem>>, vector<1x16xf32>,
        %get3A_494 = vector.shape_cast %get3A_493 : vector<1x16xf32> to vector<16xf32>
        %jit3A_495 = arith.constant 0.000000e+00 : f32
        %broadcast_in_dim3A_496 = vector.broadcast %jit3A_495 : f32 to vector<16xf32>
        %select_n3A_497 = arith.select %lt3A_474, %get3A_494, %broadcast_in_dim3A_496 : vector<16xf32>
        %add3A_498 = arith.addf %add3A_431, %select_n3A_497 : vector<16xf32>
        %get3A_499 = arith.index_cast %add3A_473 : i32 to index
        %get3A_500 = arith.constant 48 : index
        %get3A_501 = tpu.vector_load %arg5[%get3A_499, %get3A_500] {strides = array<i32>} : memref<256x128xf32, #tpu.memory_space<vmem>>, vector<1x16xf32>,
        %get3A_502 = vector.shape_cast %get3A_501 : vector<1x16xf32> to vector<16xf32>
        %jit3A_503 = arith.constant 0.000000e+00 : f32
        %broadcast_in_dim3A_504 = vector.broadcast %jit3A_503 : f32 to vector<16xf32>
        %select_n3A_505 = arith.select %lt3A_474, %get3A_502, %broadcast_in_dim3A_504 : vector<16xf32>
        %add3A_506 = arith.addf %add3A_439, %select_n3A_505 : vector<16xf32>
        %get3A_507 = arith.index_cast %add3A_473 : i32 to index
        %get3A_508 = arith.constant 64 : index
        %get3A_509 = tpu.vector_load %arg5[%get3A_507, %get3A_508] {strides = array<i32>} : memref<256x128xf32, #tpu.memory_space<vmem>>, vector<1x16xf32>,
        %get3A_510 = vector.shape_cast %get3A_509 : vector<1x16xf32> to vector<16xf32>
        %jit3A_511 = arith.constant 0.000000e+00 : f32
        %broadcast_in_dim3A_512 = vector.broadcast %jit3A_511 : f32 to vector<16xf32>
        %select_n3A_513 = arith.select %lt3A_474, %get3A_510, %broadcast_in_dim3A_512 : vector<16xf32>
        %add3A_514 = arith.addf %add3A_447, %select_n3A_513 : vector<16xf32>
        %get3A_515 = arith.index_cast %add3A_473 : i32 to index
        %get3A_516 = arith.constant 80 : index
        %get3A_517 = tpu.vector_load %arg5[%get3A_515, %get3A_516] {strides = array<i32>} : memref<256x128xf32, #tpu.memory_space<vmem>>, vector<1x16xf32>,
        %get3A_518 = vector.shape_cast %get3A_517 : vector<1x16xf32> to vector<16xf32>
        %jit3A_519 = arith.constant 0.000000e+00 : f32
        %broadcast_in_dim3A_520 = vector.broadcast %jit3A_519 : f32 to vector<16xf32>
        %select_n3A_521 = arith.select %lt3A_474, %get3A_518, %broadcast_in_dim3A_520 : vector<16xf32>
        %add3A_522 = arith.addf %add3A_455, %select_n3A_521 : vector<16xf32>
        %get3A_523 = arith.index_cast %add3A_473 : i32 to index
        %get3A_524 = arith.constant 96 : index
        %get3A_525 = tpu.vector_load %arg5[%get3A_523, %get3A_524] {strides = array<i32>} : memref<256x128xf32, #tpu.memory_space<vmem>>, vector<1x16xf32>,
        %get3A_526 = vector.shape_cast %get3A_525 : vector<1x16xf32> to vector<16xf32>
        %jit3A_527 = arith.constant 0.000000e+00 : f32
        %broadcast_in_dim3A_528 = vector.broadcast %jit3A_527 : f32 to vector<16xf32>
        %select_n3A_529 = arith.select %lt3A_474, %get3A_526, %broadcast_in_dim3A_528 : vector<16xf32>
        %add3A_530 = arith.addf %add3A_463, %select_n3A_529 : vector<16xf32>
        %get3A_531 = arith.index_cast %add3A_473 : i32 to index
        %get3A_532 = arith.constant 112 : index
        %get3A_533 = tpu.vector_load %arg5[%get3A_531, %get3A_532] {strides = array<i32>} : memref<256x128xf32, #tpu.memory_space<vmem>>, vector<1x16xf32>,
        %get3A_534 = vector.shape_cast %get3A_533 : vector<1x16xf32> to vector<16xf32>
        %jit3A_535 = arith.constant 0.000000e+00 : f32
        %broadcast_in_dim3A_536 = vector.broadcast %jit3A_535 : f32 to vector<16xf32>
        %select_n3A_537 = arith.select %lt3A_474, %get3A_534, %broadcast_in_dim3A_536 : vector<16xf32>
        %add3A_538 = arith.addf %add3A_471, %select_n3A_537 : vector<16xf32>
        %add3A_539 = arith.constant 4 : i32
        %add3A_540 = arith.addi %mul3A_270, %add3A_539 : i32
        %lt3A_541 = arith.cmpi slt, %add3A_540, %min3A_103 : i32
        %get3A_542 = arith.index_cast %add3A_540 : i32 to index
        %get3A_543 = arith.constant 0 : index
        %get3A_544 = tpu.vector_load %arg5[%get3A_542, %get3A_543] {strides = array<i32>} : memref<256x128xf32, #tpu.memory_space<vmem>>, vector<1x16xf32>,
        %get3A_545 = vector.shape_cast %get3A_544 : vector<1x16xf32> to vector<16xf32>
        %jit3A_546 = arith.constant 0.000000e+00 : f32
        %broadcast_in_dim3A_547 = vector.broadcast %jit3A_546 : f32 to vector<16xf32>
        %select_n3A_548 = arith.select %lt3A_541, %get3A_545, %broadcast_in_dim3A_547 : vector<16xf32>
        %add3A_549 = arith.addf %add3A_482, %select_n3A_548 : vector<16xf32>
        %get3A_550 = arith.index_cast %add3A_540 : i32 to index
        %get3A_551 = arith.constant 16 : index
        %get3A_552 = tpu.vector_load %arg5[%get3A_550, %get3A_551] {strides = array<i32>} : memref<256x128xf32, #tpu.memory_space<vmem>>, vector<1x16xf32>,
        %get3A_553 = vector.shape_cast %get3A_552 : vector<1x16xf32> to vector<16xf32>
        %jit3A_554 = arith.constant 0.000000e+00 : f32
        %broadcast_in_dim3A_555 = vector.broadcast %jit3A_554 : f32 to vector<16xf32>
        %select_n3A_556 = arith.select %lt3A_541, %get3A_553, %broadcast_in_dim3A_555 : vector<16xf32>
        %add3A_557 = arith.addf %add3A_490, %select_n3A_556 : vector<16xf32>
        %get3A_558 = arith.index_cast %add3A_540 : i32 to index
        %get3A_559 = arith.constant 32 : index
        %get3A_560 = tpu.vector_load %arg5[%get3A_558, %get3A_559] {strides = array<i32>} : memref<256x128xf32, #tpu.memory_space<vmem>>, vector<1x16xf32>,
        %get3A_561 = vector.shape_cast %get3A_560 : vector<1x16xf32> to vector<16xf32>
        %jit3A_562 = arith.constant 0.000000e+00 : f32
        %broadcast_in_dim3A_563 = vector.broadcast %jit3A_562 : f32 to vector<16xf32>
        %select_n3A_564 = arith.select %lt3A_541, %get3A_561, %broadcast_in_dim3A_563 : vector<16xf32>
        %add3A_565 = arith.addf %add3A_498, %select_n3A_564 : vector<16xf32>
        %get3A_566 = arith.index_cast %add3A_540 : i32 to index
        %get3A_567 = arith.constant 48 : index
        %get3A_568 = tpu.vector_load %arg5[%get3A_566, %get3A_567] {strides = array<i32>} : memref<256x128xf32, #tpu.memory_space<vmem>>, vector<1x16xf32>,
        %get3A_569 = vector.shape_cast %get3A_568 : vector<1x16xf32> to vector<16xf32>
        %jit3A_570 = arith.constant 0.000000e+00 : f32
        %broadcast_in_dim3A_571 = vector.broadcast %jit3A_570 : f32 to vector<16xf32>
        %select_n3A_572 = arith.select %lt3A_541, %get3A_569, %broadcast_in_dim3A_571 : vector<16xf32>
        %add3A_573 = arith.addf %add3A_506, %select_n3A_572 : vector<16xf32>
        %get3A_574 = arith.index_cast %add3A_540 : i32 to index
        %get3A_575 = arith.constant 64 : index
        %get3A_576 = tpu.vector_load %arg5[%get3A_574, %get3A_575] {strides = array<i32>} : memref<256x128xf32, #tpu.memory_space<vmem>>, vector<1x16xf32>,
        %get3A_577 = vector.shape_cast %get3A_576 : vector<1x16xf32> to vector<16xf32>
        %jit3A_578 = arith.constant 0.000000e+00 : f32
        %broadcast_in_dim3A_579 = vector.broadcast %jit3A_578 : f32 to vector<16xf32>
        %select_n3A_580 = arith.select %lt3A_541, %get3A_577, %broadcast_in_dim3A_579 : vector<16xf32>
        %add3A_581 = arith.addf %add3A_514, %select_n3A_580 : vector<16xf32>
        %get3A_582 = arith.index_cast %add3A_540 : i32 to index
        %get3A_583 = arith.constant 80 : index
        %get3A_584 = tpu.vector_load %arg5[%get3A_582, %get3A_583] {strides = array<i32>} : memref<256x128xf32, #tpu.memory_space<vmem>>, vector<1x16xf32>,
        %get3A_585 = vector.shape_cast %get3A_584 : vector<1x16xf32> to vector<16xf32>
        %jit3A_586 = arith.constant 0.000000e+00 : f32
        %broadcast_in_dim3A_587 = vector.broadcast %jit3A_586 : f32 to vector<16xf32>
        %select_n3A_588 = arith.select %lt3A_541, %get3A_585, %broadcast_in_dim3A_587 : vector<16xf32>
        %add3A_589 = arith.addf %add3A_522, %select_n3A_588 : vector<16xf32>
        %get3A_590 = arith.index_cast %add3A_540 : i32 to index
        %get3A_591 = arith.constant 96 : index
        %get3A_592 = tpu.vector_load %arg5[%get3A_590, %get3A_591] {strides = array<i32>} : memref<256x128xf32, #tpu.memory_space<vmem>>, vector<1x16xf32>,
        %get3A_593 = vector.shape_cast %get3A_592 : vector<1x16xf32> to vector<16xf32>
        %jit3A_594 = arith.constant 0.000000e+00 : f32
        %broadcast_in_dim3A_595 = vector.broadcast %jit3A_594 : f32 to vector<16xf32>
        %select_n3A_596 = arith.select %lt3A_541, %get3A_593, %broadcast_in_dim3A_595 : vector<16xf32>
        %add3A_597 = arith.addf %add3A_530, %select_n3A_596 : vector<16xf32>
        %get3A_598 = arith.index_cast %add3A_540 : i32 to index
        %get3A_599 = arith.constant 112 : index
        %get3A_600 = tpu.vector_load %arg5[%get3A_598, %get3A_599] {strides = array<i32>} : memref<256x128xf32, #tpu.memory_space<vmem>>, vector<1x16xf32>,
        %get3A_601 = vector.shape_cast %get3A_600 : vector<1x16xf32> to vector<16xf32>
        %jit3A_602 = arith.constant 0.000000e+00 : f32
        %broadcast_in_dim3A_603 = vector.broadcast %jit3A_602 : f32 to vector<16xf32>
        %select_n3A_604 = arith.select %lt3A_541, %get3A_601, %broadcast_in_dim3A_603 : vector<16xf32>
        %add3A_605 = arith.addf %add3A_538, %select_n3A_604 : vector<16xf32>
        %add3A_606 = arith.constant 5 : i32
        %add3A_607 = arith.addi %mul3A_270, %add3A_606 : i32
        %lt3A_608 = arith.cmpi slt, %add3A_607, %min3A_103 : i32
        %get3A_609 = arith.index_cast %add3A_607 : i32 to index
        %get3A_610 = arith.constant 0 : index
        %get3A_611 = tpu.vector_load %arg5[%get3A_609, %get3A_610] {strides = array<i32>} : memref<256x128xf32, #tpu.memory_space<vmem>>, vector<1x16xf32>,
        %get3A_612 = vector.shape_cast %get3A_611 : vector<1x16xf32> to vector<16xf32>
        %jit3A_613 = arith.constant 0.000000e+00 : f32
        %broadcast_in_dim3A_614 = vector.broadcast %jit3A_613 : f32 to vector<16xf32>
        %select_n3A_615 = arith.select %lt3A_608, %get3A_612, %broadcast_in_dim3A_614 : vector<16xf32>
        %add3A_616 = arith.addf %add3A_549, %select_n3A_615 : vector<16xf32>
        %get3A_617 = arith.index_cast %add3A_607 : i32 to index
        %get3A_618 = arith.constant 16 : index
        %get3A_619 = tpu.vector_load %arg5[%get3A_617, %get3A_618] {strides = array<i32>} : memref<256x128xf32, #tpu.memory_space<vmem>>, vector<1x16xf32>,
        %get3A_620 = vector.shape_cast %get3A_619 : vector<1x16xf32> to vector<16xf32>
        %jit3A_621 = arith.constant 0.000000e+00 : f32
        %broadcast_in_dim3A_622 = vector.broadcast %jit3A_621 : f32 to vector<16xf32>
        %select_n3A_623 = arith.select %lt3A_608, %get3A_620, %broadcast_in_dim3A_622 : vector<16xf32>
        %add3A_624 = arith.addf %add3A_557, %select_n3A_623 : vector<16xf32>
        %get3A_625 = arith.index_cast %add3A_607 : i32 to index
        %get3A_626 = arith.constant 32 : index
        %get3A_627 = tpu.vector_load %arg5[%get3A_625, %get3A_626] {strides = array<i32>} : memref<256x128xf32, #tpu.memory_space<vmem>>, vector<1x16xf32>,
        %get3A_628 = vector.shape_cast %get3A_627 : vector<1x16xf32> to vector<16xf32>
        %jit3A_629 = arith.constant 0.000000e+00 : f32
        %broadcast_in_dim3A_630 = vector.broadcast %jit3A_629 : f32 to vector<16xf32>
        %select_n3A_631 = arith.select %lt3A_608, %get3A_628, %broadcast_in_dim3A_630 : vector<16xf32>
        %add3A_632 = arith.addf %add3A_565, %select_n3A_631 : vector<16xf32>
        %get3A_633 = arith.index_cast %add3A_607 : i32 to index
        %get3A_634 = arith.constant 48 : index
        %get3A_635 = tpu.vector_load %arg5[%get3A_633, %get3A_634] {strides = array<i32>} : memref<256x128xf32, #tpu.memory_space<vmem>>, vector<1x16xf32>,
        %get3A_636 = vector.shape_cast %get3A_635 : vector<1x16xf32> to vector<16xf32>
        %jit3A_637 = arith.constant 0.000000e+00 : f32
        %broadcast_in_dim3A_638 = vector.broadcast %jit3A_637 : f32 to vector<16xf32>
        %select_n3A_639 = arith.select %lt3A_608, %get3A_636, %broadcast_in_dim3A_638 : vector<16xf32>
        %add3A_640 = arith.addf %add3A_573, %select_n3A_639 : vector<16xf32>
        %get3A_641 = arith.index_cast %add3A_607 : i32 to index
        %get3A_642 = arith.constant 64 : index
        %get3A_643 = tpu.vector_load %arg5[%get3A_641, %get3A_642] {strides = array<i32>} : memref<256x128xf32, #tpu.memory_space<vmem>>, vector<1x16xf32>,
        %get3A_644 = vector.shape_cast %get3A_643 : vector<1x16xf32> to vector<16xf32>
        %jit3A_645 = arith.constant 0.000000e+00 : f32
        %broadcast_in_dim3A_646 = vector.broadcast %jit3A_645 : f32 to vector<16xf32>
        %select_n3A_647 = arith.select %lt3A_608, %get3A_644, %broadcast_in_dim3A_646 : vector<16xf32>
        %add3A_648 = arith.addf %add3A_581, %select_n3A_647 : vector<16xf32>
        %get3A_649 = arith.index_cast %add3A_607 : i32 to index
        %get3A_650 = arith.constant 80 : index
        %get3A_651 = tpu.vector_load %arg5[%get3A_649, %get3A_650] {strides = array<i32>} : memref<256x128xf32, #tpu.memory_space<vmem>>, vector<1x16xf32>,
        %get3A_652 = vector.shape_cast %get3A_651 : vector<1x16xf32> to vector<16xf32>
        %jit3A_653 = arith.constant 0.000000e+00 : f32
        %broadcast_in_dim3A_654 = vector.broadcast %jit3A_653 : f32 to vector<16xf32>
        %select_n3A_655 = arith.select %lt3A_608, %get3A_652, %broadcast_in_dim3A_654 : vector<16xf32>
        %add3A_656 = arith.addf %add3A_589, %select_n3A_655 : vector<16xf32>
        %get3A_657 = arith.index_cast %add3A_607 : i32 to index
        %get3A_658 = arith.constant 96 : index
        %get3A_659 = tpu.vector_load %arg5[%get3A_657, %get3A_658] {strides = array<i32>} : memref<256x128xf32, #tpu.memory_space<vmem>>, vector<1x16xf32>,
        %get3A_660 = vector.shape_cast %get3A_659 : vector<1x16xf32> to vector<16xf32>
        %jit3A_661 = arith.constant 0.000000e+00 : f32
        %broadcast_in_dim3A_662 = vector.broadcast %jit3A_661 : f32 to vector<16xf32>
        %select_n3A_663 = arith.select %lt3A_608, %get3A_660, %broadcast_in_dim3A_662 : vector<16xf32>
        %add3A_664 = arith.addf %add3A_597, %select_n3A_663 : vector<16xf32>
        %get3A_665 = arith.index_cast %add3A_607 : i32 to index
        %get3A_666 = arith.constant 112 : index
        %get3A_667 = tpu.vector_load %arg5[%get3A_665, %get3A_666] {strides = array<i32>} : memref<256x128xf32, #tpu.memory_space<vmem>>, vector<1x16xf32>,
        %get3A_668 = vector.shape_cast %get3A_667 : vector<1x16xf32> to vector<16xf32>
        %jit3A_669 = arith.constant 0.000000e+00 : f32
        %broadcast_in_dim3A_670 = vector.broadcast %jit3A_669 : f32 to vector<16xf32>
        %select_n3A_671 = arith.select %lt3A_608, %get3A_668, %broadcast_in_dim3A_670 : vector<16xf32>
        %add3A_672 = arith.addf %add3A_605, %select_n3A_671 : vector<16xf32>
        %add3A_673 = arith.constant 6 : i32
        %add3A_674 = arith.addi %mul3A_270, %add3A_673 : i32
        %lt3A_675 = arith.cmpi slt, %add3A_674, %min3A_103 : i32
        %get3A_676 = arith.index_cast %add3A_674 : i32 to index
        %get3A_677 = arith.constant 0 : index
        %get3A_678 = tpu.vector_load %arg5[%get3A_676, %get3A_677] {strides = array<i32>} : memref<256x128xf32, #tpu.memory_space<vmem>>, vector<1x16xf32>,
        %get3A_679 = vector.shape_cast %get3A_678 : vector<1x16xf32> to vector<16xf32>
        %jit3A_680 = arith.constant 0.000000e+00 : f32
        %broadcast_in_dim3A_681 = vector.broadcast %jit3A_680 : f32 to vector<16xf32>
        %select_n3A_682 = arith.select %lt3A_675, %get3A_679, %broadcast_in_dim3A_681 : vector<16xf32>
        %add3A_683 = arith.addf %add3A_616, %select_n3A_682 : vector<16xf32>
        %get3A_684 = arith.index_cast %add3A_674 : i32 to index
        %get3A_685 = arith.constant 16 : index
        %get3A_686 = tpu.vector_load %arg5[%get3A_684, %get3A_685] {strides = array<i32>} : memref<256x128xf32, #tpu.memory_space<vmem>>, vector<1x16xf32>,
        %get3A_687 = vector.shape_cast %get3A_686 : vector<1x16xf32> to vector<16xf32>
        %jit3A_688 = arith.constant 0.000000e+00 : f32
        %broadcast_in_dim3A_689 = vector.broadcast %jit3A_688 : f32 to vector<16xf32>
        %select_n3A_690 = arith.select %lt3A_675, %get3A_687, %broadcast_in_dim3A_689 : vector<16xf32>
        %add3A_691 = arith.addf %add3A_624, %select_n3A_690 : vector<16xf32>
        %get3A_692 = arith.index_cast %add3A_674 : i32 to index
        %get3A_693 = arith.constant 32 : index
        %get3A_694 = tpu.vector_load %arg5[%get3A_692, %get3A_693] {strides = array<i32>} : memref<256x128xf32, #tpu.memory_space<vmem>>, vector<1x16xf32>,
        %get3A_695 = vector.shape_cast %get3A_694 : vector<1x16xf32> to vector<16xf32>
        %jit3A_696 = arith.constant 0.000000e+00 : f32
        %broadcast_in_dim3A_697 = vector.broadcast %jit3A_696 : f32 to vector<16xf32>
        %select_n3A_698 = arith.select %lt3A_675, %get3A_695, %broadcast_in_dim3A_697 : vector<16xf32>
        %add3A_699 = arith.addf %add3A_632, %select_n3A_698 : vector<16xf32>
        %get3A_700 = arith.index_cast %add3A_674 : i32 to index
        %get3A_701 = arith.constant 48 : index
        %get3A_702 = tpu.vector_load %arg5[%get3A_700, %get3A_701] {strides = array<i32>} : memref<256x128xf32, #tpu.memory_space<vmem>>, vector<1x16xf32>,
        %get3A_703 = vector.shape_cast %get3A_702 : vector<1x16xf32> to vector<16xf32>
        %jit3A_704 = arith.constant 0.000000e+00 : f32
        %broadcast_in_dim3A_705 = vector.broadcast %jit3A_704 : f32 to vector<16xf32>
        %select_n3A_706 = arith.select %lt3A_675, %get3A_703, %broadcast_in_dim3A_705 : vector<16xf32>
        %add3A_707 = arith.addf %add3A_640, %select_n3A_706 : vector<16xf32>
        %get3A_708 = arith.index_cast %add3A_674 : i32 to index
        %get3A_709 = arith.constant 64 : index
        %get3A_710 = tpu.vector_load %arg5[%get3A_708, %get3A_709] {strides = array<i32>} : memref<256x128xf32, #tpu.memory_space<vmem>>, vector<1x16xf32>,
        %get3A_711 = vector.shape_cast %get3A_710 : vector<1x16xf32> to vector<16xf32>
        %jit3A_712 = arith.constant 0.000000e+00 : f32
        %broadcast_in_dim3A_713 = vector.broadcast %jit3A_712 : f32 to vector<16xf32>
        %select_n3A_714 = arith.select %lt3A_675, %get3A_711, %broadcast_in_dim3A_713 : vector<16xf32>
        %add3A_715 = arith.addf %add3A_648, %select_n3A_714 : vector<16xf32>
        %get3A_716 = arith.index_cast %add3A_674 : i32 to index
        %get3A_717 = arith.constant 80 : index
        %get3A_718 = tpu.vector_load %arg5[%get3A_716, %get3A_717] {strides = array<i32>} : memref<256x128xf32, #tpu.memory_space<vmem>>, vector<1x16xf32>,
        %get3A_719 = vector.shape_cast %get3A_718 : vector<1x16xf32> to vector<16xf32>
        %jit3A_720 = arith.constant 0.000000e+00 : f32
        %broadcast_in_dim3A_721 = vector.broadcast %jit3A_720 : f32 to vector<16xf32>
        %select_n3A_722 = arith.select %lt3A_675, %get3A_719, %broadcast_in_dim3A_721 : vector<16xf32>
        %add3A_723 = arith.addf %add3A_656, %select_n3A_722 : vector<16xf32>
        %get3A_724 = arith.index_cast %add3A_674 : i32 to index
        %get3A_725 = arith.constant 96 : index
        %get3A_726 = tpu.vector_load %arg5[%get3A_724, %get3A_725] {strides = array<i32>} : memref<256x128xf32, #tpu.memory_space<vmem>>, vector<1x16xf32>,
        %get3A_727 = vector.shape_cast %get3A_726 : vector<1x16xf32> to vector<16xf32>
        %jit3A_728 = arith.constant 0.000000e+00 : f32
        %broadcast_in_dim3A_729 = vector.broadcast %jit3A_728 : f32 to vector<16xf32>
        %select_n3A_730 = arith.select %lt3A_675, %get3A_727, %broadcast_in_dim3A_729 : vector<16xf32>
        %add3A_731 = arith.addf %add3A_664, %select_n3A_730 : vector<16xf32>
        %get3A_732 = arith.index_cast %add3A_674 : i32 to index
        %get3A_733 = arith.constant 112 : index
        %get3A_734 = tpu.vector_load %arg5[%get3A_732, %get3A_733] {strides = array<i32>} : memref<256x128xf32, #tpu.memory_space<vmem>>, vector<1x16xf32>,
        %get3A_735 = vector.shape_cast %get3A_734 : vector<1x16xf32> to vector<16xf32>
        %jit3A_736 = arith.constant 0.000000e+00 : f32
        %broadcast_in_dim3A_737 = vector.broadcast %jit3A_736 : f32 to vector<16xf32>
        %select_n3A_738 = arith.select %lt3A_675, %get3A_735, %broadcast_in_dim3A_737 : vector<16xf32>
        %add3A_739 = arith.addf %add3A_672, %select_n3A_738 : vector<16xf32>
        %add3A_740 = arith.constant 7 : i32
        %add3A_741 = arith.addi %mul3A_270, %add3A_740 : i32
        %lt3A_742 = arith.cmpi slt, %add3A_741, %min3A_103 : i32
        %get3A_743 = arith.index_cast %add3A_741 : i32 to index
        %get3A_744 = arith.constant 0 : index
        %get3A_745 = tpu.vector_load %arg5[%get3A_743, %get3A_744] {strides = array<i32>} : memref<256x128xf32, #tpu.memory_space<vmem>>, vector<1x16xf32>,
        %get3A_746 = vector.shape_cast %get3A_745 : vector<1x16xf32> to vector<16xf32>
        %jit3A_747 = arith.constant 0.000000e+00 : f32
        %broadcast_in_dim3A_748 = vector.broadcast %jit3A_747 : f32 to vector<16xf32>
        %select_n3A_749 = arith.select %lt3A_742, %get3A_746, %broadcast_in_dim3A_748 : vector<16xf32>
        %add3A_750 = arith.addf %add3A_683, %select_n3A_749 : vector<16xf32>
        %get3A_751 = arith.index_cast %add3A_741 : i32 to index
        %get3A_752 = arith.constant 16 : index
        %get3A_753 = tpu.vector_load %arg5[%get3A_751, %get3A_752] {strides = array<i32>} : memref<256x128xf32, #tpu.memory_space<vmem>>, vector<1x16xf32>,
        %get3A_754 = vector.shape_cast %get3A_753 : vector<1x16xf32> to vector<16xf32>
        %jit3A_755 = arith.constant 0.000000e+00 : f32
        %broadcast_in_dim3A_756 = vector.broadcast %jit3A_755 : f32 to vector<16xf32>
        %select_n3A_757 = arith.select %lt3A_742, %get3A_754, %broadcast_in_dim3A_756 : vector<16xf32>
        %add3A_758 = arith.addf %add3A_691, %select_n3A_757 : vector<16xf32>
        %get3A_759 = arith.index_cast %add3A_741 : i32 to index
        %get3A_760 = arith.constant 32 : index
        %get3A_761 = tpu.vector_load %arg5[%get3A_759, %get3A_760] {strides = array<i32>} : memref<256x128xf32, #tpu.memory_space<vmem>>, vector<1x16xf32>,
        %get3A_762 = vector.shape_cast %get3A_761 : vector<1x16xf32> to vector<16xf32>
        %jit3A_763 = arith.constant 0.000000e+00 : f32
        %broadcast_in_dim3A_764 = vector.broadcast %jit3A_763 : f32 to vector<16xf32>
        %select_n3A_765 = arith.select %lt3A_742, %get3A_762, %broadcast_in_dim3A_764 : vector<16xf32>
        %add3A_766 = arith.addf %add3A_699, %select_n3A_765 : vector<16xf32>
        %get3A_767 = arith.index_cast %add3A_741 : i32 to index
        %get3A_768 = arith.constant 48 : index
        %get3A_769 = tpu.vector_load %arg5[%get3A_767, %get3A_768] {strides = array<i32>} : memref<256x128xf32, #tpu.memory_space<vmem>>, vector<1x16xf32>,
        %get3A_770 = vector.shape_cast %get3A_769 : vector<1x16xf32> to vector<16xf32>
        %jit3A_771 = arith.constant 0.000000e+00 : f32
        %broadcast_in_dim3A_772 = vector.broadcast %jit3A_771 : f32 to vector<16xf32>
        %select_n3A_773 = arith.select %lt3A_742, %get3A_770, %broadcast_in_dim3A_772 : vector<16xf32>
        %add3A_774 = arith.addf %add3A_707, %select_n3A_773 : vector<16xf32>
        %get3A_775 = arith.index_cast %add3A_741 : i32 to index
        %get3A_776 = arith.constant 64 : index
        %get3A_777 = tpu.vector_load %arg5[%get3A_775, %get3A_776] {strides = array<i32>} : memref<256x128xf32, #tpu.memory_space<vmem>>, vector<1x16xf32>,
        %get3A_778 = vector.shape_cast %get3A_777 : vector<1x16xf32> to vector<16xf32>
        %jit3A_779 = arith.constant 0.000000e+00 : f32
        %broadcast_in_dim3A_780 = vector.broadcast %jit3A_779 : f32 to vector<16xf32>
        %select_n3A_781 = arith.select %lt3A_742, %get3A_778, %broadcast_in_dim3A_780 : vector<16xf32>
        %add3A_782 = arith.addf %add3A_715, %select_n3A_781 : vector<16xf32>
        %get3A_783 = arith.index_cast %add3A_741 : i32 to index
        %get3A_784 = arith.constant 80 : index
        %get3A_785 = tpu.vector_load %arg5[%get3A_783, %get3A_784] {strides = array<i32>} : memref<256x128xf32, #tpu.memory_space<vmem>>, vector<1x16xf32>,
        %get3A_786 = vector.shape_cast %get3A_785 : vector<1x16xf32> to vector<16xf32>
        %jit3A_787 = arith.constant 0.000000e+00 : f32
        %broadcast_in_dim3A_788 = vector.broadcast %jit3A_787 : f32 to vector<16xf32>
        %select_n3A_789 = arith.select %lt3A_742, %get3A_786, %broadcast_in_dim3A_788 : vector<16xf32>
        %add3A_790 = arith.addf %add3A_723, %select_n3A_789 : vector<16xf32>
        %get3A_791 = arith.index_cast %add3A_741 : i32 to index
        %get3A_792 = arith.constant 96 : index
        %get3A_793 = tpu.vector_load %arg5[%get3A_791, %get3A_792] {strides = array<i32>} : memref<256x128xf32, #tpu.memory_space<vmem>>, vector<1x16xf32>,
        %get3A_794 = vector.shape_cast %get3A_793 : vector<1x16xf32> to vector<16xf32>
        %jit3A_795 = arith.constant 0.000000e+00 : f32
        %broadcast_in_dim3A_796 = vector.broadcast %jit3A_795 : f32 to vector<16xf32>
        %select_n3A_797 = arith.select %lt3A_742, %get3A_794, %broadcast_in_dim3A_796 : vector<16xf32>
        %add3A_798 = arith.addf %add3A_731, %select_n3A_797 : vector<16xf32>
        %get3A_799 = arith.index_cast %add3A_741 : i32 to index
        %get3A_800 = arith.constant 112 : index
        %get3A_801 = tpu.vector_load %arg5[%get3A_799, %get3A_800] {strides = array<i32>} : memref<256x128xf32, #tpu.memory_space<vmem>>, vector<1x16xf32>,
        %get3A_802 = vector.shape_cast %get3A_801 : vector<1x16xf32> to vector<16xf32>
        %jit3A_803 = arith.constant 0.000000e+00 : f32
        %broadcast_in_dim3A_804 = vector.broadcast %jit3A_803 : f32 to vector<16xf32>
        %select_n3A_805 = arith.select %lt3A_742, %get3A_802, %broadcast_in_dim3A_804 : vector<16xf32>
        %add3A_806 = arith.addf %add3A_739, %select_n3A_805 : vector<16xf32>
        scf.yield %add3A_750, %add3A_758, %add3A_766, %add3A_774, %add3A_782, %add3A_790, %add3A_798, %add3A_806 : vector<16xf32>, vector<16xf32>, vector<16xf32>, vector<16xf32>, vector<16xf32>, vector<16xf32>, vector<16xf32>, vector<16xf32>
      }
      %swap3A = arith.constant 0 : i32
      %swap3A_200 = arith.index_cast %swap3A : i32 to index
      %swap3A_201 = arith.constant 0 : index
      %swap3A_202 = tpu.vector_load %arg9[%swap3A_200, %swap3A_201] {strides = array<i32>} : memref<1x128xf32, #tpu.memory_space<vmem>>, vector<1x16xf32>,
      %swap3A_203 = vector.shape_cast %swap3A_202 : vector<1x16xf32> to vector<16xf32>
      %swap3A_204 = vector.shape_cast %while3A_199#0 : vector<16xf32> to vector<1x16xf32>
      tpu.vector_store %arg9[%swap3A_200, %swap3A_201], %swap3A_204 {strides = array<i32>} : memref<1x128xf32, #tpu.memory_space<vmem>>, vector<1x16xf32>,
      %swap3A_205 = arith.constant 0 : i32
      %swap3A_206 = arith.index_cast %swap3A_205 : i32 to index
      %swap3A_207 = arith.constant 16 : index
      %swap3A_208 = tpu.vector_load %arg9[%swap3A_206, %swap3A_207] {strides = array<i32>} : memref<1x128xf32, #tpu.memory_space<vmem>>, vector<1x16xf32>,
      %swap3A_209 = vector.shape_cast %swap3A_208 : vector<1x16xf32> to vector<16xf32>
      %swap3A_210 = vector.shape_cast %while3A_199#1 : vector<16xf32> to vector<1x16xf32>
      tpu.vector_store %arg9[%swap3A_206, %swap3A_207], %swap3A_210 {strides = array<i32>} : memref<1x128xf32, #tpu.memory_space<vmem>>, vector<1x16xf32>,
      %swap3A_211 = arith.constant 0 : i32
      %swap3A_212 = arith.index_cast %swap3A_211 : i32 to index
      %swap3A_213 = arith.constant 32 : index
      %swap3A_214 = tpu.vector_load %arg9[%swap3A_212, %swap3A_213] {strides = array<i32>} : memref<1x128xf32, #tpu.memory_space<vmem>>, vector<1x16xf32>,
      %swap3A_215 = vector.shape_cast %swap3A_214 : vector<1x16xf32> to vector<16xf32>
      %swap3A_216 = vector.shape_cast %while3A_199#2 : vector<16xf32> to vector<1x16xf32>
      tpu.vector_store %arg9[%swap3A_212, %swap3A_213], %swap3A_216 {strides = array<i32>} : memref<1x128xf32, #tpu.memory_space<vmem>>, vector<1x16xf32>,
      %swap3A_217 = arith.constant 0 : i32
      %swap3A_218 = arith.index_cast %swap3A_217 : i32 to index
      %swap3A_219 = arith.constant 48 : index
      %swap3A_220 = tpu.vector_load %arg9[%swap3A_218, %swap3A_219] {strides = array<i32>} : memref<1x128xf32, #tpu.memory_space<vmem>>, vector<1x16xf32>,
      %swap3A_221 = vector.shape_cast %swap3A_220 : vector<1x16xf32> to vector<16xf32>
      %swap3A_222 = vector.shape_cast %while3A_199#3 : vector<16xf32> to vector<1x16xf32>
      tpu.vector_store %arg9[%swap3A_218, %swap3A_219], %swap3A_222 {strides = array<i32>} : memref<1x128xf32, #tpu.memory_space<vmem>>, vector<1x16xf32>,
      %swap3A_223 = arith.constant 0 : i32
      %swap3A_224 = arith.index_cast %swap3A_223 : i32 to index
      %swap3A_225 = arith.constant 64 : index
      %swap3A_226 = tpu.vector_load %arg9[%swap3A_224, %swap3A_225] {strides = array<i32>} : memref<1x128xf32, #tpu.memory_space<vmem>>, vector<1x16xf32>,
      %swap3A_227 = vector.shape_cast %swap3A_226 : vector<1x16xf32> to vector<16xf32>
      %swap3A_228 = vector.shape_cast %while3A_199#4 : vector<16xf32> to vector<1x16xf32>
      tpu.vector_store %arg9[%swap3A_224, %swap3A_225], %swap3A_228 {strides = array<i32>} : memref<1x128xf32, #tpu.memory_space<vmem>>, vector<1x16xf32>,
      %swap3A_229 = arith.constant 0 : i32
      %swap3A_230 = arith.index_cast %swap3A_229 : i32 to index
      %swap3A_231 = arith.constant 80 : index
      %swap3A_232 = tpu.vector_load %arg9[%swap3A_230, %swap3A_231] {strides = array<i32>} : memref<1x128xf32, #tpu.memory_space<vmem>>, vector<1x16xf32>,
      %swap3A_233 = vector.shape_cast %swap3A_232 : vector<1x16xf32> to vector<16xf32>
      %swap3A_234 = vector.shape_cast %while3A_199#5 : vector<16xf32> to vector<1x16xf32>
      tpu.vector_store %arg9[%swap3A_230, %swap3A_231], %swap3A_234 {strides = array<i32>} : memref<1x128xf32, #tpu.memory_space<vmem>>, vector<1x16xf32>,
      %swap3A_235 = arith.constant 0 : i32
      %swap3A_236 = arith.index_cast %swap3A_235 : i32 to index
      %swap3A_237 = arith.constant 96 : index
      %swap3A_238 = tpu.vector_load %arg9[%swap3A_236, %swap3A_237] {strides = array<i32>} : memref<1x128xf32, #tpu.memory_space<vmem>>, vector<1x16xf32>,
      %swap3A_239 = vector.shape_cast %swap3A_238 : vector<1x16xf32> to vector<16xf32>
      %swap3A_240 = vector.shape_cast %while3A_199#6 : vector<16xf32> to vector<1x16xf32>
      tpu.vector_store %arg9[%swap3A_236, %swap3A_237], %swap3A_240 {strides = array<i32>} : memref<1x128xf32, #tpu.memory_space<vmem>>, vector<1x16xf32>,
      %swap3A_241 = arith.constant 0 : i32
      %swap3A_242 = arith.index_cast %swap3A_241 : i32 to index
      %swap3A_243 = arith.constant 112 : index
      %swap3A_244 = tpu.vector_load %arg9[%swap3A_242, %swap3A_243] {strides = array<i32>} : memref<1x128xf32, #tpu.memory_space<vmem>>, vector<1x16xf32>,
      %swap3A_245 = vector.shape_cast %swap3A_244 : vector<1x16xf32> to vector<16xf32>
      %swap3A_246 = vector.shape_cast %while3A_199#7 : vector<16xf32> to vector<1x16xf32>
      tpu.vector_store %arg9[%swap3A_242, %swap3A_243], %swap3A_246 {strides = array<i32>} : memref<1x128xf32, #tpu.memory_space<vmem>>, vector<1x16xf32>,
      %dma_start3A_247 = arith.constant 0 : i32
      %dma_start3A_248 = arith.constant 0 : i32
      %dma_start3A_249 = tpu.memref_slice %arg9[%dma_start3A_247, %dma_start3A_248] : memref<1x128xf32, #tpu.memory_space<vmem>> -> memref<1x128xf32, #tpu.memory_space<vmem>>
      %dma_start3A_250 = tpu.memref_squeeze %dma_start3A_249 : memref<1x128xf32, #tpu.memory_space<vmem>> -> memref<128xf32, #tpu.memory_space<vmem>>
      %dma_start3A_251 = arith.constant 0 : i32
      %dma_start3A_252 = tpu.memref_slice %arg12[%add3A_94, %dma_start3A_251] : memref<32x128xf32, #tpu.memory_space<vmem_shared>> -> memref<1x128xf32, #tpu.memory_space<vmem_shared>>
      %dma_start3A_253 = tpu.memref_squeeze %dma_start3A_252 : memref<1x128xf32, #tpu.memory_space<vmem_shared>> -> memref<128xf32, #tpu.memory_space<vmem_shared>>
      %dma_start3A_254 = arith.constant 0 : i32
      %dma_start3A_255 = tpu.memref_slice %arg12[%add3A_94, %dma_start3A_254] : memref<32x128xf32, #tpu.memory_space<vmem_shared>> -> memref<1x128xf32, #tpu.memory_space<vmem_shared>>
      %dma_start3A_256 = tpu.memref_squeeze %dma_start3A_255 : memref<1x128xf32, #tpu.memory_space<vmem_shared>> -> memref<128xf32, #tpu.memory_space<vmem_shared>>
      %dma_start3A_257 = arith.constant 0 : i32
      %dma_start3A_258 = tpu.memref_slice %arg9[%dma_start3A_247, %dma_start3A_257] : memref<1x128xf32, #tpu.memory_space<vmem>> -> memref<1x128xf32, #tpu.memory_space<vmem>>
      %dma_start3A_259 = tpu.memref_squeeze %dma_start3A_258 : memref<1x128xf32, #tpu.memory_space<vmem>> -> memref<128xf32, #tpu.memory_space<vmem>>
      tpu.enqueue_dma source(%dma_start3A_259 : memref<128xf32, #tpu.memory_space<vmem>>) target(%dma_start3A_256 : memref<128xf32, #tpu.memory_space<vmem_shared>>) target_semaphore(%arg16 : memref<!tpu.dma_semaphore, #tpu.memory_space<semaphore_mem>>)
    } else {
    }
    %add3A_113 = arith.constant 0 : i32
    %add3A_114 = arith.addi %add3A_76, %add3A_113 : i32
    %sub3A_115 = arith.constant 0 : i32
    %sub3A_116 = arith.subi %add3A_114, %sub3A_115 : i32
    %mul3A_117 = arith.constant 256 : i32
    %mul3A_118 = arith.muli %sub3A_116, %mul3A_117 : i32
    %sub3A_119 = arith.subi %squeeze3A, %mul3A_118 : i32
    %jit3A_120 = arith.constant 0 : i32
    %jit3A_121 = arith.constant 256 : i32
    %max3A_122 = arith.maxsi %jit3A_120, %sub3A_119 : i32
    %min3A_123 = arith.minsi %jit3A_121, %max3A_122 : i32
    %mul3A_124 = arith.constant 1 : i32
    %mul3A_125 = arith.muli %mul3A_124, %arg0 : i32
    %add3A_126 = arith.constant 0 : i32
    %add3A_127 = arith.addi %mul3A_125, %add3A_126 : i32
    %gt3A_128 = arith.constant 0 : i32
    %gt3A_129 = arith.cmpi sgt, %add3A_74, %gt3A_128 : i32
    %convert_element_type3A_130 = arith.extui %gt3A_129 : i1 to i32
    %cond3A_131 = arith.constant 0 : i32
    %cond3A_132 = arith.cmpi ne, %convert_element_type3A_130, %cond3A_131 : i32
    scf.if %cond3A_132 {
      %dma_wait3A_139 = arith.constant 0 : i32
      %dma_wait3A_140 = arith.constant 0 : i32
      %dma_wait3A_141 = tpu.memref_slice %arg9[%dma_wait3A_139, %dma_wait3A_140] : memref<1x128xf32, #tpu.memory_space<vmem>> -> memref<1x128xf32, #tpu.memory_space<vmem>>
      %dma_wait3A_142 = tpu.memref_squeeze %dma_wait3A_141 : memref<1x128xf32, #tpu.memory_space<vmem>> -> memref<128xf32, #tpu.memory_space<vmem>>
      %dma_wait3A_143 = arith.constant 0 : i32
      %dma_wait3A_144 = tpu.memref_slice %arg12[%add3A_114, %dma_wait3A_143] : memref<32x128xf32, #tpu.memory_space<vmem_shared>> -> memref<1x128xf32, #tpu.memory_space<vmem_shared>>
      %dma_wait3A_145 = tpu.memref_squeeze %dma_wait3A_144 : memref<1x128xf32, #tpu.memory_space<vmem_shared>> -> memref<128xf32, #tpu.memory_space<vmem_shared>>
      %dma_wait3A_146 = arith.constant 0 : i32
      %dma_wait3A_147 = tpu.memref_slice %arg12[%add3A_114, %dma_wait3A_146] : memref<32x128xf32, #tpu.memory_space<vmem_shared>> -> memref<1x128xf32, #tpu.memory_space<vmem_shared>>
      %dma_wait3A_148 = tpu.memref_squeeze %dma_wait3A_147 : memref<1x128xf32, #tpu.memory_space<vmem_shared>> -> memref<128xf32, #tpu.memory_space<vmem_shared>>
      %dma_wait3A_149 = arith.constant 0 : i32
      %dma_wait3A_150 = tpu.memref_slice %arg9[%dma_wait3A_139, %dma_wait3A_149] : memref<1x128xf32, #tpu.memory_space<vmem>> -> memref<1x128xf32, #tpu.memory_space<vmem>>
      %dma_wait3A_151 = tpu.memref_squeeze %dma_wait3A_150 : memref<1x128xf32, #tpu.memory_space<vmem>> -> memref<128xf32, #tpu.memory_space<vmem>>
      tpu.wait_dma2 semaphore(%arg16 : memref<!tpu.dma_semaphore, #tpu.memory_space<semaphore_mem>>) src(%dma_wait3A_151 : memref<128xf32, #tpu.memory_space<vmem>>) dst(%dma_wait3A_148 : memref<128xf32, #tpu.memory_space<vmem_shared>>)
    } else {
    }
    %barrier3A = arith.constant 0 : index
    tpu.barrier barrier_id(%barrier3A)
    %lt3A_133 = arith.constant 1 : i32
    %lt3A_134 = arith.cmpi slt, %arg1, %lt3A_133 : i32
    %convert_element_type3A_135 = arith.extui %lt3A_134 : i1 to i32
    %cond3A_136 = arith.constant 0 : i32
    %cond3A_137 = arith.constant 0 : i32
    %cond3A_138 = arith.cmpi ne, %convert_element_type3A_135, %cond3A_137 : i32
    scf.if %cond3A_138 {
      %mul3A_139 = arith.constant 1 : i32
      %mul3A_140 = arith.muli %mul3A_139, %arg0 : i32
      %add3A_141 = arith.addi %mul3A_140, %arg1 : i32
      %eq3A_142 = arith.constant 0 : i32
      %eq3A_143 = arith.cmpi eq, %arg1, %eq3A_142 : i32
      %jit3A_144 = arith.constant 0 : i32
      %select_n3A_145 = arith.select %eq3A_143, %cond3A_136, %jit3A_144 : i32
      %sub3A_146 = arith.subi %add3A_31, %cond3A_136 : i32
      %jit3A_147 = arith.constant 0 : i32
      %select_n3A_148 = arith.select %eq3A_143, %sub3A_146, %jit3A_147 : i32
      %add3A_149 = arith.constant 16 : i32
      %add3A_150 = arith.addi %add3A_149, %add3A_141 : i32
      %get3A_151 = arith.index_cast %add3A_150 : i32 to index
      %get3A_152 = tpu.vector_load %arg8[%get3A_151] {strides = array<i32>} : memref<48xi32, #tpu.memory_space<vmem>>, vector<16xi32>,
      %get3A_153 = vector.shape_cast %get3A_152 : vector<16xi32> to vector<16xi32>
      %slice3A_154 = vector.extract_strided_slice %get3A_153 {offsets = [0], sizes = [1], strides = [1]} : vector<16xi32> to vector<1xi32>
      %squeeze3A_155 = vector.extract %slice3A_154[0] : i32 from vector<1xi32>
      "tpu.region"() ({
        %run_scoped3A = tpu.sem_alloc : memref<!tpu.dma_semaphore, #tpu.memory_space<semaphore_mem>>
        %dma_start3A_1474 = arith.constant 0 : i32
        %dma_start3A_1475 = tpu.memref_slice %arg12[%select_n3A_145, %dma_start3A_1474] : memref<32x128xf32, #tpu.memory_space<vmem_shared>> -> memref<16x128xf32, #tpu.memory_space<vmem_shared>>
        %dma_start3A_1476 = arith.constant 0 : i32
        %dma_start3A_1477 = tpu.memref_slice %arg12[%select_n3A_145, %dma_start3A_1476] : memref<32x128xf32, #tpu.memory_space<vmem_shared>> -> memref<16x128xf32, #tpu.memory_space<vmem_shared>>
        tpu.enqueue_dma source(%dma_start3A_1477 : memref<16x128xf32, #tpu.memory_space<vmem_shared>>) target(%arg10 : memref<16x128xf32, #tpu.memory_space<vmem>>) target_semaphore(%run_scoped3A : memref<!tpu.dma_semaphore, #tpu.memory_space<semaphore_mem>>)
        %dma_wait3A_1478 = arith.constant 0 : i32
        %dma_wait3A_1479 = tpu.memref_slice %arg12[%select_n3A_145, %dma_wait3A_1478] : memref<32x128xf32, #tpu.memory_space<vmem_shared>> -> memref<16x128xf32, #tpu.memory_space<vmem_shared>>
        %dma_wait3A_1480 = arith.constant 0 : i32
        %dma_wait3A_1481 = tpu.memref_slice %arg12[%select_n3A_145, %dma_wait3A_1480] : memref<32x128xf32, #tpu.memory_space<vmem_shared>> -> memref<16x128xf32, #tpu.memory_space<vmem_shared>>
        tpu.wait_dma2 semaphore(%run_scoped3A : memref<!tpu.dma_semaphore, #tpu.memory_space<semaphore_mem>>) src(%dma_wait3A_1481 : memref<16x128xf32, #tpu.memory_space<vmem_shared>>) dst(%arg10 : memref<16x128xf32, #tpu.memory_space<vmem>>)
        tpu.yield
      }) : () -> ()
      %broadcast_in_dim3A = arith.constant 0.000000e+00 : f32
      %broadcast_in_dim3A_156 = vector.broadcast %broadcast_in_dim3A : f32 to vector<16xf32>
      %broadcast_in_dim3A_157 = arith.constant 0.000000e+00 : f32
      %broadcast_in_dim3A_158 = vector.broadcast %broadcast_in_dim3A_157 : f32 to vector<16xf32>
      %broadcast_in_dim3A_159 = arith.constant 0.000000e+00 : f32
      %broadcast_in_dim3A_160 = vector.broadcast %broadcast_in_dim3A_159 : f32 to vector<16xf32>
      %broadcast_in_dim3A_161 = arith.constant 0.000000e+00 : f32
      %broadcast_in_dim3A_162 = vector.broadcast %broadcast_in_dim3A_161 : f32 to vector<16xf32>
      %broadcast_in_dim3A_163 = arith.constant 0.000000e+00 : f32
      %broadcast_in_dim3A_164 = vector.broadcast %broadcast_in_dim3A_163 : f32 to vector<16xf32>
      %broadcast_in_dim3A_165 = arith.constant 0.000000e+00 : f32
      %broadcast_in_dim3A_166 = vector.broadcast %broadcast_in_dim3A_165 : f32 to vector<16xf32>
      %broadcast_in_dim3A_167 = arith.constant 0.000000e+00 : f32
      %broadcast_in_dim3A_168 = vector.broadcast %broadcast_in_dim3A_167 : f32 to vector<16xf32>
      %broadcast_in_dim3A_169 = arith.constant 0.000000e+00 : f32
      %broadcast_in_dim3A_170 = vector.broadcast %broadcast_in_dim3A_169 : f32 to vector<16xf32>
      %gt3A_171 = arith.constant 0 : i32
      %gt3A_172 = arith.cmpi sgt, %select_n3A_148, %gt3A_171 : i32
      %get3A_173 = arith.constant 0 : i32
      %get3A_174 = arith.index_cast %get3A_173 : i32 to index
      %get3A_175 = arith.constant 0 : index
      %get3A_176 = tpu.vector_load %arg10[%get3A_174, %get3A_175] {strides = array<i32>} : memref<16x128xf32, #tpu.memory_space<vmem>>, vector<1x16xf32>,
      %get3A_177 = vector.shape_cast %get3A_176 : vector<1x16xf32> to vector<16xf32>
      %jit3A_178 = arith.constant 0.000000e+00 : f32
      %broadcast_in_dim3A_179 = vector.broadcast %jit3A_178 : f32 to vector<16xf32>
      %select_n3A_180 = arith.select %gt3A_172, %get3A_177, %broadcast_in_dim3A_179 : vector<16xf32>
      %add3A_181 = arith.addf %broadcast_in_dim3A_156, %select_n3A_180 : vector<16xf32>
      %get3A_182 = arith.constant 0 : i32
      %get3A_183 = arith.index_cast %get3A_182 : i32 to index
      %get3A_184 = arith.constant 16 : index
      %get3A_185 = tpu.vector_load %arg10[%get3A_183, %get3A_184] {strides = array<i32>} : memref<16x128xf32, #tpu.memory_space<vmem>>, vector<1x16xf32>,
      %get3A_186 = vector.shape_cast %get3A_185 : vector<1x16xf32> to vector<16xf32>
      %jit3A_187 = arith.constant 0.000000e+00 : f32
      %broadcast_in_dim3A_188 = vector.broadcast %jit3A_187 : f32 to vector<16xf32>
      %select_n3A_189 = arith.select %gt3A_172, %get3A_186, %broadcast_in_dim3A_188 : vector<16xf32>
      %add3A_190 = arith.addf %broadcast_in_dim3A_158, %select_n3A_189 : vector<16xf32>
      %get3A_191 = arith.constant 0 : i32
      %get3A_192 = arith.index_cast %get3A_191 : i32 to index
      %get3A_193 = arith.constant 32 : index
      %get3A_194 = tpu.vector_load %arg10[%get3A_192, %get3A_193] {strides = array<i32>} : memref<16x128xf32, #tpu.memory_space<vmem>>, vector<1x16xf32>,
      %get3A_195 = vector.shape_cast %get3A_194 : vector<1x16xf32> to vector<16xf32>
      %jit3A_196 = arith.constant 0.000000e+00 : f32
      %broadcast_in_dim3A_197 = vector.broadcast %jit3A_196 : f32 to vector<16xf32>
      %select_n3A_198 = arith.select %gt3A_172, %get3A_195, %broadcast_in_dim3A_197 : vector<16xf32>
      %add3A_199 = arith.addf %broadcast_in_dim3A_160, %select_n3A_198 : vector<16xf32>
      %get3A_200 = arith.constant 0 : i32
      %get3A_201 = arith.index_cast %get3A_200 : i32 to index
      %get3A_202 = arith.constant 48 : index
      %get3A_203 = tpu.vector_load %arg10[%get3A_201, %get3A_202] {strides = array<i32>} : memref<16x128xf32, #tpu.memory_space<vmem>>, vector<1x16xf32>,
      %get3A_204 = vector.shape_cast %get3A_203 : vector<1x16xf32> to vector<16xf32>
      %jit3A_205 = arith.constant 0.000000e+00 : f32
      %broadcast_in_dim3A_206 = vector.broadcast %jit3A_205 : f32 to vector<16xf32>
      %select_n3A_207 = arith.select %gt3A_172, %get3A_204, %broadcast_in_dim3A_206 : vector<16xf32>
      %add3A_208 = arith.addf %broadcast_in_dim3A_162, %select_n3A_207 : vector<16xf32>
      %get3A_209 = arith.constant 0 : i32
      %get3A_210 = arith.index_cast %get3A_209 : i32 to index
      %get3A_211 = arith.constant 64 : index
      %get3A_212 = tpu.vector_load %arg10[%get3A_210, %get3A_211] {strides = array<i32>} : memref<16x128xf32, #tpu.memory_space<vmem>>, vector<1x16xf32>,
      %get3A_213 = vector.shape_cast %get3A_212 : vector<1x16xf32> to vector<16xf32>
      %jit3A_214 = arith.constant 0.000000e+00 : f32
      %broadcast_in_dim3A_215 = vector.broadcast %jit3A_214 : f32 to vector<16xf32>
      %select_n3A_216 = arith.select %gt3A_172, %get3A_213, %broadcast_in_dim3A_215 : vector<16xf32>
      %add3A_217 = arith.addf %broadcast_in_dim3A_164, %select_n3A_216 : vector<16xf32>
      %get3A_218 = arith.constant 0 : i32
      %get3A_219 = arith.index_cast %get3A_218 : i32 to index
      %get3A_220 = arith.constant 80 : index
      %get3A_221 = tpu.vector_load %arg10[%get3A_219, %get3A_220] {strides = array<i32>} : memref<16x128xf32, #tpu.memory_space<vmem>>, vector<1x16xf32>,
      %get3A_222 = vector.shape_cast %get3A_221 : vector<1x16xf32> to vector<16xf32>
      %jit3A_223 = arith.constant 0.000000e+00 : f32
      %broadcast_in_dim3A_224 = vector.broadcast %jit3A_223 : f32 to vector<16xf32>
      %select_n3A_225 = arith.select %gt3A_172, %get3A_222, %broadcast_in_dim3A_224 : vector<16xf32>
      %add3A_226 = arith.addf %broadcast_in_dim3A_166, %select_n3A_225 : vector<16xf32>
      %get3A_227 = arith.constant 0 : i32
      %get3A_228 = arith.index_cast %get3A_227 : i32 to index
      %get3A_229 = arith.constant 96 : index
      %get3A_230 = tpu.vector_load %arg10[%get3A_228, %get3A_229] {strides = array<i32>} : memref<16x128xf32, #tpu.memory_space<vmem>>, vector<1x16xf32>,
      %get3A_231 = vector.shape_cast %get3A_230 : vector<1x16xf32> to vector<16xf32>
      %jit3A_232 = arith.constant 0.000000e+00 : f32
      %broadcast_in_dim3A_233 = vector.broadcast %jit3A_232 : f32 to vector<16xf32>
      %select_n3A_234 = arith.select %gt3A_172, %get3A_231, %broadcast_in_dim3A_233 : vector<16xf32>
      %add3A_235 = arith.addf %broadcast_in_dim3A_168, %select_n3A_234 : vector<16xf32>
      %get3A_236 = arith.constant 0 : i32
      %get3A_237 = arith.index_cast %get3A_236 : i32 to index
      %get3A_238 = arith.constant 112 : index
      %get3A_239 = tpu.vector_load %arg10[%get3A_237, %get3A_238] {strides = array<i32>} : memref<16x128xf32, #tpu.memory_space<vmem>>, vector<1x16xf32>,
      %get3A_240 = vector.shape_cast %get3A_239 : vector<1x16xf32> to vector<16xf32>
      %jit3A_241 = arith.constant 0.000000e+00 : f32
      %broadcast_in_dim3A_242 = vector.broadcast %jit3A_241 : f32 to vector<16xf32>
      %select_n3A_243 = arith.select %gt3A_172, %get3A_240, %broadcast_in_dim3A_242 : vector<16xf32>
      %add3A_244 = arith.addf %broadcast_in_dim3A_170, %select_n3A_243 : vector<16xf32>
      %gt3A_245 = arith.constant 1 : i32
      %gt3A_246 = arith.cmpi sgt, %select_n3A_148, %gt3A_245 : i32
      %get3A_247 = arith.constant 1 : i32
      %get3A_248 = arith.index_cast %get3A_247 : i32 to index
      %get3A_249 = arith.constant 0 : index
      %get3A_250 = tpu.vector_load %arg10[%get3A_248, %get3A_249] {strides = array<i32>} : memref<16x128xf32, #tpu.memory_space<vmem>>, vector<1x16xf32>,
      %get3A_251 = vector.shape_cast %get3A_250 : vector<1x16xf32> to vector<16xf32>
      %jit3A_252 = arith.constant 0.000000e+00 : f32
      %broadcast_in_dim3A_253 = vector.broadcast %jit3A_252 : f32 to vector<16xf32>
      %select_n3A_254 = arith.select %gt3A_246, %get3A_251, %broadcast_in_dim3A_253 : vector<16xf32>
      %add3A_255 = arith.addf %add3A_181, %select_n3A_254 : vector<16xf32>
      %get3A_256 = arith.constant 1 : i32
      %get3A_257 = arith.index_cast %get3A_256 : i32 to index
      %get3A_258 = arith.constant 16 : index
      %get3A_259 = tpu.vector_load %arg10[%get3A_257, %get3A_258] {strides = array<i32>} : memref<16x128xf32, #tpu.memory_space<vmem>>, vector<1x16xf32>,
      %get3A_260 = vector.shape_cast %get3A_259 : vector<1x16xf32> to vector<16xf32>
      %jit3A_261 = arith.constant 0.000000e+00 : f32
      %broadcast_in_dim3A_262 = vector.broadcast %jit3A_261 : f32 to vector<16xf32>
      %select_n3A_263 = arith.select %gt3A_246, %get3A_260, %broadcast_in_dim3A_262 : vector<16xf32>
      %add3A_264 = arith.addf %add3A_190, %select_n3A_263 : vector<16xf32>
      %get3A_265 = arith.constant 1 : i32
      %get3A_266 = arith.index_cast %get3A_265 : i32 to index
      %get3A_267 = arith.constant 32 : index
      %get3A_268 = tpu.vector_load %arg10[%get3A_266, %get3A_267] {strides = array<i32>} : memref<16x128xf32, #tpu.memory_space<vmem>>, vector<1x16xf32>,
      %get3A_269 = vector.shape_cast %get3A_268 : vector<1x16xf32> to vector<16xf32>
      %jit3A_270 = arith.constant 0.000000e+00 : f32
      %broadcast_in_dim3A_271 = vector.broadcast %jit3A_270 : f32 to vector<16xf32>
      %select_n3A_272 = arith.select %gt3A_246, %get3A_269, %broadcast_in_dim3A_271 : vector<16xf32>
      %add3A_273 = arith.addf %add3A_199, %select_n3A_272 : vector<16xf32>
      %get3A_274 = arith.constant 1 : i32
      %get3A_275 = arith.index_cast %get3A_274 : i32 to index
      %get3A_276 = arith.constant 48 : index
      %get3A_277 = tpu.vector_load %arg10[%get3A_275, %get3A_276] {strides = array<i32>} : memref<16x128xf32, #tpu.memory_space<vmem>>, vector<1x16xf32>,
      %get3A_278 = vector.shape_cast %get3A_277 : vector<1x16xf32> to vector<16xf32>
      %jit3A_279 = arith.constant 0.000000e+00 : f32
      %broadcast_in_dim3A_280 = vector.broadcast %jit3A_279 : f32 to vector<16xf32>
      %select_n3A_281 = arith.select %gt3A_246, %get3A_278, %broadcast_in_dim3A_280 : vector<16xf32>
      %add3A_282 = arith.addf %add3A_208, %select_n3A_281 : vector<16xf32>
      %get3A_283 = arith.constant 1 : i32
      %get3A_284 = arith.index_cast %get3A_283 : i32 to index
      %get3A_285 = arith.constant 64 : index
      %get3A_286 = tpu.vector_load %arg10[%get3A_284, %get3A_285] {strides = array<i32>} : memref<16x128xf32, #tpu.memory_space<vmem>>, vector<1x16xf32>,
      %get3A_287 = vector.shape_cast %get3A_286 : vector<1x16xf32> to vector<16xf32>
      %jit3A_288 = arith.constant 0.000000e+00 : f32
      %broadcast_in_dim3A_289 = vector.broadcast %jit3A_288 : f32 to vector<16xf32>
      %select_n3A_290 = arith.select %gt3A_246, %get3A_287, %broadcast_in_dim3A_289 : vector<16xf32>
      %add3A_291 = arith.addf %add3A_217, %select_n3A_290 : vector<16xf32>
      %get3A_292 = arith.constant 1 : i32
      %get3A_293 = arith.index_cast %get3A_292 : i32 to index
      %get3A_294 = arith.constant 80 : index
      %get3A_295 = tpu.vector_load %arg10[%get3A_293, %get3A_294] {strides = array<i32>} : memref<16x128xf32, #tpu.memory_space<vmem>>, vector<1x16xf32>,
      %get3A_296 = vector.shape_cast %get3A_295 : vector<1x16xf32> to vector<16xf32>
      %jit3A_297 = arith.constant 0.000000e+00 : f32
      %broadcast_in_dim3A_298 = vector.broadcast %jit3A_297 : f32 to vector<16xf32>
      %select_n3A_299 = arith.select %gt3A_246, %get3A_296, %broadcast_in_dim3A_298 : vector<16xf32>
      %add3A_300 = arith.addf %add3A_226, %select_n3A_299 : vector<16xf32>
      %get3A_301 = arith.constant 1 : i32
      %get3A_302 = arith.index_cast %get3A_301 : i32 to index
      %get3A_303 = arith.constant 96 : index
      %get3A_304 = tpu.vector_load %arg10[%get3A_302, %get3A_303] {strides = array<i32>} : memref<16x128xf32, #tpu.memory_space<vmem>>, vector<1x16xf32>,
      %get3A_305 = vector.shape_cast %get3A_304 : vector<1x16xf32> to vector<16xf32>
      %jit3A_306 = arith.constant 0.000000e+00 : f32
      %broadcast_in_dim3A_307 = vector.broadcast %jit3A_306 : f32 to vector<16xf32>
      %select_n3A_308 = arith.select %gt3A_246, %get3A_305, %broadcast_in_dim3A_307 : vector<16xf32>
      %add3A_309 = arith.addf %add3A_235, %select_n3A_308 : vector<16xf32>
      %get3A_310 = arith.constant 1 : i32
      %get3A_311 = arith.index_cast %get3A_310 : i32 to index
      %get3A_312 = arith.constant 112 : index
      %get3A_313 = tpu.vector_load %arg10[%get3A_311, %get3A_312] {strides = array<i32>} : memref<16x128xf32, #tpu.memory_space<vmem>>, vector<1x16xf32>,
      %get3A_314 = vector.shape_cast %get3A_313 : vector<1x16xf32> to vector<16xf32>
      %jit3A_315 = arith.constant 0.000000e+00 : f32
      %broadcast_in_dim3A_316 = vector.broadcast %jit3A_315 : f32 to vector<16xf32>
      %select_n3A_317 = arith.select %gt3A_246, %get3A_314, %broadcast_in_dim3A_316 : vector<16xf32>
      %add3A_318 = arith.addf %add3A_244, %select_n3A_317 : vector<16xf32>
      %gt3A_319 = arith.constant 2 : i32
      %gt3A_320 = arith.cmpi sgt, %select_n3A_148, %gt3A_319 : i32
      %get3A_321 = arith.constant 2 : i32
      %get3A_322 = arith.index_cast %get3A_321 : i32 to index
      %get3A_323 = arith.constant 0 : index
      %get3A_324 = tpu.vector_load %arg10[%get3A_322, %get3A_323] {strides = array<i32>} : memref<16x128xf32, #tpu.memory_space<vmem>>, vector<1x16xf32>,
      %get3A_325 = vector.shape_cast %get3A_324 : vector<1x16xf32> to vector<16xf32>
      %jit3A_326 = arith.constant 0.000000e+00 : f32
      %broadcast_in_dim3A_327 = vector.broadcast %jit3A_326 : f32 to vector<16xf32>
      %select_n3A_328 = arith.select %gt3A_320, %get3A_325, %broadcast_in_dim3A_327 : vector<16xf32>
      %add3A_329 = arith.addf %add3A_255, %select_n3A_328 : vector<16xf32>
      %get3A_330 = arith.constant 2 : i32
      %get3A_331 = arith.index_cast %get3A_330 : i32 to index
      %get3A_332 = arith.constant 16 : index
      %get3A_333 = tpu.vector_load %arg10[%get3A_331, %get3A_332] {strides = array<i32>} : memref<16x128xf32, #tpu.memory_space<vmem>>, vector<1x16xf32>,
      %get3A_334 = vector.shape_cast %get3A_333 : vector<1x16xf32> to vector<16xf32>
      %jit3A_335 = arith.constant 0.000000e+00 : f32
      %broadcast_in_dim3A_336 = vector.broadcast %jit3A_335 : f32 to vector<16xf32>
      %select_n3A_337 = arith.select %gt3A_320, %get3A_334, %broadcast_in_dim3A_336 : vector<16xf32>
      %add3A_338 = arith.addf %add3A_264, %select_n3A_337 : vector<16xf32>
      %get3A_339 = arith.constant 2 : i32
      %get3A_340 = arith.index_cast %get3A_339 : i32 to index
      %get3A_341 = arith.constant 32 : index
      %get3A_342 = tpu.vector_load %arg10[%get3A_340, %get3A_341] {strides = array<i32>} : memref<16x128xf32, #tpu.memory_space<vmem>>, vector<1x16xf32>,
      %get3A_343 = vector.shape_cast %get3A_342 : vector<1x16xf32> to vector<16xf32>
      %jit3A_344 = arith.constant 0.000000e+00 : f32
      %broadcast_in_dim3A_345 = vector.broadcast %jit3A_344 : f32 to vector<16xf32>
      %select_n3A_346 = arith.select %gt3A_320, %get3A_343, %broadcast_in_dim3A_345 : vector<16xf32>
      %add3A_347 = arith.addf %add3A_273, %select_n3A_346 : vector<16xf32>
      %get3A_348 = arith.constant 2 : i32
      %get3A_349 = arith.index_cast %get3A_348 : i32 to index
      %get3A_350 = arith.constant 48 : index
      %get3A_351 = tpu.vector_load %arg10[%get3A_349, %get3A_350] {strides = array<i32>} : memref<16x128xf32, #tpu.memory_space<vmem>>, vector<1x16xf32>,
      %get3A_352 = vector.shape_cast %get3A_351 : vector<1x16xf32> to vector<16xf32>
      %jit3A_353 = arith.constant 0.000000e+00 : f32
      %broadcast_in_dim3A_354 = vector.broadcast %jit3A_353 : f32 to vector<16xf32>
      %select_n3A_355 = arith.select %gt3A_320, %get3A_352, %broadcast_in_dim3A_354 : vector<16xf32>
      %add3A_356 = arith.addf %add3A_282, %select_n3A_355 : vector<16xf32>
      %get3A_357 = arith.constant 2 : i32
      %get3A_358 = arith.index_cast %get3A_357 : i32 to index
      %get3A_359 = arith.constant 64 : index
      %get3A_360 = tpu.vector_load %arg10[%get3A_358, %get3A_359] {strides = array<i32>} : memref<16x128xf32, #tpu.memory_space<vmem>>, vector<1x16xf32>,
      %get3A_361 = vector.shape_cast %get3A_360 : vector<1x16xf32> to vector<16xf32>
      %jit3A_362 = arith.constant 0.000000e+00 : f32
      %broadcast_in_dim3A_363 = vector.broadcast %jit3A_362 : f32 to vector<16xf32>
      %select_n3A_364 = arith.select %gt3A_320, %get3A_361, %broadcast_in_dim3A_363 : vector<16xf32>
      %add3A_365 = arith.addf %add3A_291, %select_n3A_364 : vector<16xf32>
      %get3A_366 = arith.constant 2 : i32
      %get3A_367 = arith.index_cast %get3A_366 : i32 to index
      %get3A_368 = arith.constant 80 : index
      %get3A_369 = tpu.vector_load %arg10[%get3A_367, %get3A_368] {strides = array<i32>} : memref<16x128xf32, #tpu.memory_space<vmem>>, vector<1x16xf32>,
      %get3A_370 = vector.shape_cast %get3A_369 : vector<1x16xf32> to vector<16xf32>
      %jit3A_371 = arith.constant 0.000000e+00 : f32
      %broadcast_in_dim3A_372 = vector.broadcast %jit3A_371 : f32 to vector<16xf32>
      %select_n3A_373 = arith.select %gt3A_320, %get3A_370, %broadcast_in_dim3A_372 : vector<16xf32>
      %add3A_374 = arith.addf %add3A_300, %select_n3A_373 : vector<16xf32>
      %get3A_375 = arith.constant 2 : i32
      %get3A_376 = arith.index_cast %get3A_375 : i32 to index
      %get3A_377 = arith.constant 96 : index
      %get3A_378 = tpu.vector_load %arg10[%get3A_376, %get3A_377] {strides = array<i32>} : memref<16x128xf32, #tpu.memory_space<vmem>>, vector<1x16xf32>,
      %get3A_379 = vector.shape_cast %get3A_378 : vector<1x16xf32> to vector<16xf32>
      %jit3A_380 = arith.constant 0.000000e+00 : f32
      %broadcast_in_dim3A_381 = vector.broadcast %jit3A_380 : f32 to vector<16xf32>
      %select_n3A_382 = arith.select %gt3A_320, %get3A_379, %broadcast_in_dim3A_381 : vector<16xf32>
      %add3A_383 = arith.addf %add3A_309, %select_n3A_382 : vector<16xf32>
      %get3A_384 = arith.constant 2 : i32
      %get3A_385 = arith.index_cast %get3A_384 : i32 to index
      %get3A_386 = arith.constant 112 : index
      %get3A_387 = tpu.vector_load %arg10[%get3A_385, %get3A_386] {strides = array<i32>} : memref<16x128xf32, #tpu.memory_space<vmem>>, vector<1x16xf32>,
      %get3A_388 = vector.shape_cast %get3A_387 : vector<1x16xf32> to vector<16xf32>
      %jit3A_389 = arith.constant 0.000000e+00 : f32
      %broadcast_in_dim3A_390 = vector.broadcast %jit3A_389 : f32 to vector<16xf32>
      %select_n3A_391 = arith.select %gt3A_320, %get3A_388, %broadcast_in_dim3A_390 : vector<16xf32>
      %add3A_392 = arith.addf %add3A_318, %select_n3A_391 : vector<16xf32>
      %gt3A_393 = arith.constant 3 : i32
      %gt3A_394 = arith.cmpi sgt, %select_n3A_148, %gt3A_393 : i32
      %get3A_395 = arith.constant 3 : i32
      %get3A_396 = arith.index_cast %get3A_395 : i32 to index
      %get3A_397 = arith.constant 0 : index
      %get3A_398 = tpu.vector_load %arg10[%get3A_396, %get3A_397] {strides = array<i32>} : memref<16x128xf32, #tpu.memory_space<vmem>>, vector<1x16xf32>,
      %get3A_399 = vector.shape_cast %get3A_398 : vector<1x16xf32> to vector<16xf32>
      %jit3A_400 = arith.constant 0.000000e+00 : f32
      %broadcast_in_dim3A_401 = vector.broadcast %jit3A_400 : f32 to vector<16xf32>
      %select_n3A_402 = arith.select %gt3A_394, %get3A_399, %broadcast_in_dim3A_401 : vector<16xf32>
      %add3A_403 = arith.addf %add3A_329, %select_n3A_402 : vector<16xf32>
      %get3A_404 = arith.constant 3 : i32
      %get3A_405 = arith.index_cast %get3A_404 : i32 to index
      %get3A_406 = arith.constant 16 : index
      %get3A_407 = tpu.vector_load %arg10[%get3A_405, %get3A_406] {strides = array<i32>} : memref<16x128xf32, #tpu.memory_space<vmem>>, vector<1x16xf32>,
      %get3A_408 = vector.shape_cast %get3A_407 : vector<1x16xf32> to vector<16xf32>
      %jit3A_409 = arith.constant 0.000000e+00 : f32
      %broadcast_in_dim3A_410 = vector.broadcast %jit3A_409 : f32 to vector<16xf32>
      %select_n3A_411 = arith.select %gt3A_394, %get3A_408, %broadcast_in_dim3A_410 : vector<16xf32>
      %add3A_412 = arith.addf %add3A_338, %select_n3A_411 : vector<16xf32>
      %get3A_413 = arith.constant 3 : i32
      %get3A_414 = arith.index_cast %get3A_413 : i32 to index
      %get3A_415 = arith.constant 32 : index
      %get3A_416 = tpu.vector_load %arg10[%get3A_414, %get3A_415] {strides = array<i32>} : memref<16x128xf32, #tpu.memory_space<vmem>>, vector<1x16xf32>,
      %get3A_417 = vector.shape_cast %get3A_416 : vector<1x16xf32> to vector<16xf32>
      %jit3A_418 = arith.constant 0.000000e+00 : f32
      %broadcast_in_dim3A_419 = vector.broadcast %jit3A_418 : f32 to vector<16xf32>
      %select_n3A_420 = arith.select %gt3A_394, %get3A_417, %broadcast_in_dim3A_419 : vector<16xf32>
      %add3A_421 = arith.addf %add3A_347, %select_n3A_420 : vector<16xf32>
      %get3A_422 = arith.constant 3 : i32
      %get3A_423 = arith.index_cast %get3A_422 : i32 to index
      %get3A_424 = arith.constant 48 : index
      %get3A_425 = tpu.vector_load %arg10[%get3A_423, %get3A_424] {strides = array<i32>} : memref<16x128xf32, #tpu.memory_space<vmem>>, vector<1x16xf32>,
      %get3A_426 = vector.shape_cast %get3A_425 : vector<1x16xf32> to vector<16xf32>
      %jit3A_427 = arith.constant 0.000000e+00 : f32
      %broadcast_in_dim3A_428 = vector.broadcast %jit3A_427 : f32 to vector<16xf32>
      %select_n3A_429 = arith.select %gt3A_394, %get3A_426, %broadcast_in_dim3A_428 : vector<16xf32>
      %add3A_430 = arith.addf %add3A_356, %select_n3A_429 : vector<16xf32>
      %get3A_431 = arith.constant 3 : i32
      %get3A_432 = arith.index_cast %get3A_431 : i32 to index
      %get3A_433 = arith.constant 64 : index
      %get3A_434 = tpu.vector_load %arg10[%get3A_432, %get3A_433] {strides = array<i32>} : memref<16x128xf32, #tpu.memory_space<vmem>>, vector<1x16xf32>,
      %get3A_435 = vector.shape_cast %get3A_434 : vector<1x16xf32> to vector<16xf32>
      %jit3A_436 = arith.constant 0.000000e+00 : f32
      %broadcast_in_dim3A_437 = vector.broadcast %jit3A_436 : f32 to vector<16xf32>
      %select_n3A_438 = arith.select %gt3A_394, %get3A_435, %broadcast_in_dim3A_437 : vector<16xf32>
      %add3A_439 = arith.addf %add3A_365, %select_n3A_438 : vector<16xf32>
      %get3A_440 = arith.constant 3 : i32
      %get3A_441 = arith.index_cast %get3A_440 : i32 to index
      %get3A_442 = arith.constant 80 : index
      %get3A_443 = tpu.vector_load %arg10[%get3A_441, %get3A_442] {strides = array<i32>} : memref<16x128xf32, #tpu.memory_space<vmem>>, vector<1x16xf32>,
      %get3A_444 = vector.shape_cast %get3A_443 : vector<1x16xf32> to vector<16xf32>
      %jit3A_445 = arith.constant 0.000000e+00 : f32
      %broadcast_in_dim3A_446 = vector.broadcast %jit3A_445 : f32 to vector<16xf32>
      %select_n3A_447 = arith.select %gt3A_394, %get3A_444, %broadcast_in_dim3A_446 : vector<16xf32>
      %add3A_448 = arith.addf %add3A_374, %select_n3A_447 : vector<16xf32>
      %get3A_449 = arith.constant 3 : i32
      %get3A_450 = arith.index_cast %get3A_449 : i32 to index
      %get3A_451 = arith.constant 96 : index
      %get3A_452 = tpu.vector_load %arg10[%get3A_450, %get3A_451] {strides = array<i32>} : memref<16x128xf32, #tpu.memory_space<vmem>>, vector<1x16xf32>,
      %get3A_453 = vector.shape_cast %get3A_452 : vector<1x16xf32> to vector<16xf32>
      %jit3A_454 = arith.constant 0.000000e+00 : f32
      %broadcast_in_dim3A_455 = vector.broadcast %jit3A_454 : f32 to vector<16xf32>
      %select_n3A_456 = arith.select %gt3A_394, %get3A_453, %broadcast_in_dim3A_455 : vector<16xf32>
      %add3A_457 = arith.addf %add3A_383, %select_n3A_456 : vector<16xf32>
      %get3A_458 = arith.constant 3 : i32
      %get3A_459 = arith.index_cast %get3A_458 : i32 to index
      %get3A_460 = arith.constant 112 : index
      %get3A_461 = tpu.vector_load %arg10[%get3A_459, %get3A_460] {strides = array<i32>} : memref<16x128xf32, #tpu.memory_space<vmem>>, vector<1x16xf32>,
      %get3A_462 = vector.shape_cast %get3A_461 : vector<1x16xf32> to vector<16xf32>
      %jit3A_463 = arith.constant 0.000000e+00 : f32
      %broadcast_in_dim3A_464 = vector.broadcast %jit3A_463 : f32 to vector<16xf32>
      %select_n3A_465 = arith.select %gt3A_394, %get3A_462, %broadcast_in_dim3A_464 : vector<16xf32>
      %add3A_466 = arith.addf %add3A_392, %select_n3A_465 : vector<16xf32>
      %gt3A_467 = arith.constant 4 : i32
      %gt3A_468 = arith.cmpi sgt, %select_n3A_148, %gt3A_467 : i32
      %get3A_469 = arith.constant 4 : i32
      %get3A_470 = arith.index_cast %get3A_469 : i32 to index
      %get3A_471 = arith.constant 0 : index
      %get3A_472 = tpu.vector_load %arg10[%get3A_470, %get3A_471] {strides = array<i32>} : memref<16x128xf32, #tpu.memory_space<vmem>>, vector<1x16xf32>,
      %get3A_473 = vector.shape_cast %get3A_472 : vector<1x16xf32> to vector<16xf32>
      %jit3A_474 = arith.constant 0.000000e+00 : f32
      %broadcast_in_dim3A_475 = vector.broadcast %jit3A_474 : f32 to vector<16xf32>
      %select_n3A_476 = arith.select %gt3A_468, %get3A_473, %broadcast_in_dim3A_475 : vector<16xf32>
      %add3A_477 = arith.addf %add3A_403, %select_n3A_476 : vector<16xf32>
      %get3A_478 = arith.constant 4 : i32
      %get3A_479 = arith.index_cast %get3A_478 : i32 to index
      %get3A_480 = arith.constant 16 : index
      %get3A_481 = tpu.vector_load %arg10[%get3A_479, %get3A_480] {strides = array<i32>} : memref<16x128xf32, #tpu.memory_space<vmem>>, vector<1x16xf32>,
      %get3A_482 = vector.shape_cast %get3A_481 : vector<1x16xf32> to vector<16xf32>
      %jit3A_483 = arith.constant 0.000000e+00 : f32
      %broadcast_in_dim3A_484 = vector.broadcast %jit3A_483 : f32 to vector<16xf32>
      %select_n3A_485 = arith.select %gt3A_468, %get3A_482, %broadcast_in_dim3A_484 : vector<16xf32>
      %add3A_486 = arith.addf %add3A_412, %select_n3A_485 : vector<16xf32>
      %get3A_487 = arith.constant 4 : i32
      %get3A_488 = arith.index_cast %get3A_487 : i32 to index
      %get3A_489 = arith.constant 32 : index
      %get3A_490 = tpu.vector_load %arg10[%get3A_488, %get3A_489] {strides = array<i32>} : memref<16x128xf32, #tpu.memory_space<vmem>>, vector<1x16xf32>,
      %get3A_491 = vector.shape_cast %get3A_490 : vector<1x16xf32> to vector<16xf32>
      %jit3A_492 = arith.constant 0.000000e+00 : f32
      %broadcast_in_dim3A_493 = vector.broadcast %jit3A_492 : f32 to vector<16xf32>
      %select_n3A_494 = arith.select %gt3A_468, %get3A_491, %broadcast_in_dim3A_493 : vector<16xf32>
      %add3A_495 = arith.addf %add3A_421, %select_n3A_494 : vector<16xf32>
      %get3A_496 = arith.constant 4 : i32
      %get3A_497 = arith.index_cast %get3A_496 : i32 to index
      %get3A_498 = arith.constant 48 : index
      %get3A_499 = tpu.vector_load %arg10[%get3A_497, %get3A_498] {strides = array<i32>} : memref<16x128xf32, #tpu.memory_space<vmem>>, vector<1x16xf32>,
      %get3A_500 = vector.shape_cast %get3A_499 : vector<1x16xf32> to vector<16xf32>
      %jit3A_501 = arith.constant 0.000000e+00 : f32
      %broadcast_in_dim3A_502 = vector.broadcast %jit3A_501 : f32 to vector<16xf32>
      %select_n3A_503 = arith.select %gt3A_468, %get3A_500, %broadcast_in_dim3A_502 : vector<16xf32>
      %add3A_504 = arith.addf %add3A_430, %select_n3A_503 : vector<16xf32>
      %get3A_505 = arith.constant 4 : i32
      %get3A_506 = arith.index_cast %get3A_505 : i32 to index
      %get3A_507 = arith.constant 64 : index
      %get3A_508 = tpu.vector_load %arg10[%get3A_506, %get3A_507] {strides = array<i32>} : memref<16x128xf32, #tpu.memory_space<vmem>>, vector<1x16xf32>,
      %get3A_509 = vector.shape_cast %get3A_508 : vector<1x16xf32> to vector<16xf32>
      %jit3A_510 = arith.constant 0.000000e+00 : f32
      %broadcast_in_dim3A_511 = vector.broadcast %jit3A_510 : f32 to vector<16xf32>
      %select_n3A_512 = arith.select %gt3A_468, %get3A_509, %broadcast_in_dim3A_511 : vector<16xf32>
      %add3A_513 = arith.addf %add3A_439, %select_n3A_512 : vector<16xf32>
      %get3A_514 = arith.constant 4 : i32
      %get3A_515 = arith.index_cast %get3A_514 : i32 to index
      %get3A_516 = arith.constant 80 : index
      %get3A_517 = tpu.vector_load %arg10[%get3A_515, %get3A_516] {strides = array<i32>} : memref<16x128xf32, #tpu.memory_space<vmem>>, vector<1x16xf32>,
      %get3A_518 = vector.shape_cast %get3A_517 : vector<1x16xf32> to vector<16xf32>
      %jit3A_519 = arith.constant 0.000000e+00 : f32
      %broadcast_in_dim3A_520 = vector.broadcast %jit3A_519 : f32 to vector<16xf32>
      %select_n3A_521 = arith.select %gt3A_468, %get3A_518, %broadcast_in_dim3A_520 : vector<16xf32>
      %add3A_522 = arith.addf %add3A_448, %select_n3A_521 : vector<16xf32>
      %get3A_523 = arith.constant 4 : i32
      %get3A_524 = arith.index_cast %get3A_523 : i32 to index
      %get3A_525 = arith.constant 96 : index
      %get3A_526 = tpu.vector_load %arg10[%get3A_524, %get3A_525] {strides = array<i32>} : memref<16x128xf32, #tpu.memory_space<vmem>>, vector<1x16xf32>,
      %get3A_527 = vector.shape_cast %get3A_526 : vector<1x16xf32> to vector<16xf32>
      %jit3A_528 = arith.constant 0.000000e+00 : f32
      %broadcast_in_dim3A_529 = vector.broadcast %jit3A_528 : f32 to vector<16xf32>
      %select_n3A_530 = arith.select %gt3A_468, %get3A_527, %broadcast_in_dim3A_529 : vector<16xf32>
      %add3A_531 = arith.addf %add3A_457, %select_n3A_530 : vector<16xf32>
      %get3A_532 = arith.constant 4 : i32
      %get3A_533 = arith.index_cast %get3A_532 : i32 to index
      %get3A_534 = arith.constant 112 : index
      %get3A_535 = tpu.vector_load %arg10[%get3A_533, %get3A_534] {strides = array<i32>} : memref<16x128xf32, #tpu.memory_space<vmem>>, vector<1x16xf32>,
      %get3A_536 = vector.shape_cast %get3A_535 : vector<1x16xf32> to vector<16xf32>
      %jit3A_537 = arith.constant 0.000000e+00 : f32
      %broadcast_in_dim3A_538 = vector.broadcast %jit3A_537 : f32 to vector<16xf32>
      %select_n3A_539 = arith.select %gt3A_468, %get3A_536, %broadcast_in_dim3A_538 : vector<16xf32>
      %add3A_540 = arith.addf %add3A_466, %select_n3A_539 : vector<16xf32>
      %gt3A_541 = arith.constant 5 : i32
      %gt3A_542 = arith.cmpi sgt, %select_n3A_148, %gt3A_541 : i32
      %get3A_543 = arith.constant 5 : i32
      %get3A_544 = arith.index_cast %get3A_543 : i32 to index
      %get3A_545 = arith.constant 0 : index
      %get3A_546 = tpu.vector_load %arg10[%get3A_544, %get3A_545] {strides = array<i32>} : memref<16x128xf32, #tpu.memory_space<vmem>>, vector<1x16xf32>,
      %get3A_547 = vector.shape_cast %get3A_546 : vector<1x16xf32> to vector<16xf32>
      %jit3A_548 = arith.constant 0.000000e+00 : f32
      %broadcast_in_dim3A_549 = vector.broadcast %jit3A_548 : f32 to vector<16xf32>
      %select_n3A_550 = arith.select %gt3A_542, %get3A_547, %broadcast_in_dim3A_549 : vector<16xf32>
      %add3A_551 = arith.addf %add3A_477, %select_n3A_550 : vector<16xf32>
      %get3A_552 = arith.constant 5 : i32
      %get3A_553 = arith.index_cast %get3A_552 : i32 to index
      %get3A_554 = arith.constant 16 : index
      %get3A_555 = tpu.vector_load %arg10[%get3A_553, %get3A_554] {strides = array<i32>} : memref<16x128xf32, #tpu.memory_space<vmem>>, vector<1x16xf32>,
      %get3A_556 = vector.shape_cast %get3A_555 : vector<1x16xf32> to vector<16xf32>
      %jit3A_557 = arith.constant 0.000000e+00 : f32
      %broadcast_in_dim3A_558 = vector.broadcast %jit3A_557 : f32 to vector<16xf32>
      %select_n3A_559 = arith.select %gt3A_542, %get3A_556, %broadcast_in_dim3A_558 : vector<16xf32>
      %add3A_560 = arith.addf %add3A_486, %select_n3A_559 : vector<16xf32>
      %get3A_561 = arith.constant 5 : i32
      %get3A_562 = arith.index_cast %get3A_561 : i32 to index
      %get3A_563 = arith.constant 32 : index
      %get3A_564 = tpu.vector_load %arg10[%get3A_562, %get3A_563] {strides = array<i32>} : memref<16x128xf32, #tpu.memory_space<vmem>>, vector<1x16xf32>,
      %get3A_565 = vector.shape_cast %get3A_564 : vector<1x16xf32> to vector<16xf32>
      %jit3A_566 = arith.constant 0.000000e+00 : f32
      %broadcast_in_dim3A_567 = vector.broadcast %jit3A_566 : f32 to vector<16xf32>
      %select_n3A_568 = arith.select %gt3A_542, %get3A_565, %broadcast_in_dim3A_567 : vector<16xf32>
      %add3A_569 = arith.addf %add3A_495, %select_n3A_568 : vector<16xf32>
      %get3A_570 = arith.constant 5 : i32
      %get3A_571 = arith.index_cast %get3A_570 : i32 to index
      %get3A_572 = arith.constant 48 : index
      %get3A_573 = tpu.vector_load %arg10[%get3A_571, %get3A_572] {strides = array<i32>} : memref<16x128xf32, #tpu.memory_space<vmem>>, vector<1x16xf32>,
      %get3A_574 = vector.shape_cast %get3A_573 : vector<1x16xf32> to vector<16xf32>
      %jit3A_575 = arith.constant 0.000000e+00 : f32
      %broadcast_in_dim3A_576 = vector.broadcast %jit3A_575 : f32 to vector<16xf32>
      %select_n3A_577 = arith.select %gt3A_542, %get3A_574, %broadcast_in_dim3A_576 : vector<16xf32>
      %add3A_578 = arith.addf %add3A_504, %select_n3A_577 : vector<16xf32>
      %get3A_579 = arith.constant 5 : i32
      %get3A_580 = arith.index_cast %get3A_579 : i32 to index
      %get3A_581 = arith.constant 64 : index
      %get3A_582 = tpu.vector_load %arg10[%get3A_580, %get3A_581] {strides = array<i32>} : memref<16x128xf32, #tpu.memory_space<vmem>>, vector<1x16xf32>,
      %get3A_583 = vector.shape_cast %get3A_582 : vector<1x16xf32> to vector<16xf32>
      %jit3A_584 = arith.constant 0.000000e+00 : f32
      %broadcast_in_dim3A_585 = vector.broadcast %jit3A_584 : f32 to vector<16xf32>
      %select_n3A_586 = arith.select %gt3A_542, %get3A_583, %broadcast_in_dim3A_585 : vector<16xf32>
      %add3A_587 = arith.addf %add3A_513, %select_n3A_586 : vector<16xf32>
      %get3A_588 = arith.constant 5 : i32
      %get3A_589 = arith.index_cast %get3A_588 : i32 to index
      %get3A_590 = arith.constant 80 : index
      %get3A_591 = tpu.vector_load %arg10[%get3A_589, %get3A_590] {strides = array<i32>} : memref<16x128xf32, #tpu.memory_space<vmem>>, vector<1x16xf32>,
      %get3A_592 = vector.shape_cast %get3A_591 : vector<1x16xf32> to vector<16xf32>
      %jit3A_593 = arith.constant 0.000000e+00 : f32
      %broadcast_in_dim3A_594 = vector.broadcast %jit3A_593 : f32 to vector<16xf32>
      %select_n3A_595 = arith.select %gt3A_542, %get3A_592, %broadcast_in_dim3A_594 : vector<16xf32>
      %add3A_596 = arith.addf %add3A_522, %select_n3A_595 : vector<16xf32>
      %get3A_597 = arith.constant 5 : i32
      %get3A_598 = arith.index_cast %get3A_597 : i32 to index
      %get3A_599 = arith.constant 96 : index
      %get3A_600 = tpu.vector_load %arg10[%get3A_598, %get3A_599] {strides = array<i32>} : memref<16x128xf32, #tpu.memory_space<vmem>>, vector<1x16xf32>,
      %get3A_601 = vector.shape_cast %get3A_600 : vector<1x16xf32> to vector<16xf32>
      %jit3A_602 = arith.constant 0.000000e+00 : f32
      %broadcast_in_dim3A_603 = vector.broadcast %jit3A_602 : f32 to vector<16xf32>
      %select_n3A_604 = arith.select %gt3A_542, %get3A_601, %broadcast_in_dim3A_603 : vector<16xf32>
      %add3A_605 = arith.addf %add3A_531, %select_n3A_604 : vector<16xf32>
      %get3A_606 = arith.constant 5 : i32
      %get3A_607 = arith.index_cast %get3A_606 : i32 to index
      %get3A_608 = arith.constant 112 : index
      %get3A_609 = tpu.vector_load %arg10[%get3A_607, %get3A_608] {strides = array<i32>} : memref<16x128xf32, #tpu.memory_space<vmem>>, vector<1x16xf32>,
      %get3A_610 = vector.shape_cast %get3A_609 : vector<1x16xf32> to vector<16xf32>
      %jit3A_611 = arith.constant 0.000000e+00 : f32
      %broadcast_in_dim3A_612 = vector.broadcast %jit3A_611 : f32 to vector<16xf32>
      %select_n3A_613 = arith.select %gt3A_542, %get3A_610, %broadcast_in_dim3A_612 : vector<16xf32>
      %add3A_614 = arith.addf %add3A_540, %select_n3A_613 : vector<16xf32>
      %gt3A_615 = arith.constant 6 : i32
      %gt3A_616 = arith.cmpi sgt, %select_n3A_148, %gt3A_615 : i32
      %get3A_617 = arith.constant 6 : i32
      %get3A_618 = arith.index_cast %get3A_617 : i32 to index
      %get3A_619 = arith.constant 0 : index
      %get3A_620 = tpu.vector_load %arg10[%get3A_618, %get3A_619] {strides = array<i32>} : memref<16x128xf32, #tpu.memory_space<vmem>>, vector<1x16xf32>,
      %get3A_621 = vector.shape_cast %get3A_620 : vector<1x16xf32> to vector<16xf32>
      %jit3A_622 = arith.constant 0.000000e+00 : f32
      %broadcast_in_dim3A_623 = vector.broadcast %jit3A_622 : f32 to vector<16xf32>
      %select_n3A_624 = arith.select %gt3A_616, %get3A_621, %broadcast_in_dim3A_623 : vector<16xf32>
      %add3A_625 = arith.addf %add3A_551, %select_n3A_624 : vector<16xf32>
      %get3A_626 = arith.constant 6 : i32
      %get3A_627 = arith.index_cast %get3A_626 : i32 to index
      %get3A_628 = arith.constant 16 : index
      %get3A_629 = tpu.vector_load %arg10[%get3A_627, %get3A_628] {strides = array<i32>} : memref<16x128xf32, #tpu.memory_space<vmem>>, vector<1x16xf32>,
      %get3A_630 = vector.shape_cast %get3A_629 : vector<1x16xf32> to vector<16xf32>
      %jit3A_631 = arith.constant 0.000000e+00 : f32
      %broadcast_in_dim3A_632 = vector.broadcast %jit3A_631 : f32 to vector<16xf32>
      %select_n3A_633 = arith.select %gt3A_616, %get3A_630, %broadcast_in_dim3A_632 : vector<16xf32>
      %add3A_634 = arith.addf %add3A_560, %select_n3A_633 : vector<16xf32>
      %get3A_635 = arith.constant 6 : i32
      %get3A_636 = arith.index_cast %get3A_635 : i32 to index
      %get3A_637 = arith.constant 32 : index
      %get3A_638 = tpu.vector_load %arg10[%get3A_636, %get3A_637] {strides = array<i32>} : memref<16x128xf32, #tpu.memory_space<vmem>>, vector<1x16xf32>,
      %get3A_639 = vector.shape_cast %get3A_638 : vector<1x16xf32> to vector<16xf32>
      %jit3A_640 = arith.constant 0.000000e+00 : f32
      %broadcast_in_dim3A_641 = vector.broadcast %jit3A_640 : f32 to vector<16xf32>
      %select_n3A_642 = arith.select %gt3A_616, %get3A_639, %broadcast_in_dim3A_641 : vector<16xf32>
      %add3A_643 = arith.addf %add3A_569, %select_n3A_642 : vector<16xf32>
      %get3A_644 = arith.constant 6 : i32
      %get3A_645 = arith.index_cast %get3A_644 : i32 to index
      %get3A_646 = arith.constant 48 : index
      %get3A_647 = tpu.vector_load %arg10[%get3A_645, %get3A_646] {strides = array<i32>} : memref<16x128xf32, #tpu.memory_space<vmem>>, vector<1x16xf32>,
      %get3A_648 = vector.shape_cast %get3A_647 : vector<1x16xf32> to vector<16xf32>
      %jit3A_649 = arith.constant 0.000000e+00 : f32
      %broadcast_in_dim3A_650 = vector.broadcast %jit3A_649 : f32 to vector<16xf32>
      %select_n3A_651 = arith.select %gt3A_616, %get3A_648, %broadcast_in_dim3A_650 : vector<16xf32>
      %add3A_652 = arith.addf %add3A_578, %select_n3A_651 : vector<16xf32>
      %get3A_653 = arith.constant 6 : i32
      %get3A_654 = arith.index_cast %get3A_653 : i32 to index
      %get3A_655 = arith.constant 64 : index
      %get3A_656 = tpu.vector_load %arg10[%get3A_654, %get3A_655] {strides = array<i32>} : memref<16x128xf32, #tpu.memory_space<vmem>>, vector<1x16xf32>,
      %get3A_657 = vector.shape_cast %get3A_656 : vector<1x16xf32> to vector<16xf32>
      %jit3A_658 = arith.constant 0.000000e+00 : f32
      %broadcast_in_dim3A_659 = vector.broadcast %jit3A_658 : f32 to vector<16xf32>
      %select_n3A_660 = arith.select %gt3A_616, %get3A_657, %broadcast_in_dim3A_659 : vector<16xf32>
      %add3A_661 = arith.addf %add3A_587, %select_n3A_660 : vector<16xf32>
      %get3A_662 = arith.constant 6 : i32
      %get3A_663 = arith.index_cast %get3A_662 : i32 to index
      %get3A_664 = arith.constant 80 : index
      %get3A_665 = tpu.vector_load %arg10[%get3A_663, %get3A_664] {strides = array<i32>} : memref<16x128xf32, #tpu.memory_space<vmem>>, vector<1x16xf32>,
      %get3A_666 = vector.shape_cast %get3A_665 : vector<1x16xf32> to vector<16xf32>
      %jit3A_667 = arith.constant 0.000000e+00 : f32
      %broadcast_in_dim3A_668 = vector.broadcast %jit3A_667 : f32 to vector<16xf32>
      %select_n3A_669 = arith.select %gt3A_616, %get3A_666, %broadcast_in_dim3A_668 : vector<16xf32>
      %add3A_670 = arith.addf %add3A_596, %select_n3A_669 : vector<16xf32>
      %get3A_671 = arith.constant 6 : i32
      %get3A_672 = arith.index_cast %get3A_671 : i32 to index
      %get3A_673 = arith.constant 96 : index
      %get3A_674 = tpu.vector_load %arg10[%get3A_672, %get3A_673] {strides = array<i32>} : memref<16x128xf32, #tpu.memory_space<vmem>>, vector<1x16xf32>,
      %get3A_675 = vector.shape_cast %get3A_674 : vector<1x16xf32> to vector<16xf32>
      %jit3A_676 = arith.constant 0.000000e+00 : f32
      %broadcast_in_dim3A_677 = vector.broadcast %jit3A_676 : f32 to vector<16xf32>
      %select_n3A_678 = arith.select %gt3A_616, %get3A_675, %broadcast_in_dim3A_677 : vector<16xf32>
      %add3A_679 = arith.addf %add3A_605, %select_n3A_678 : vector<16xf32>
      %get3A_680 = arith.constant 6 : i32
      %get3A_681 = arith.index_cast %get3A_680 : i32 to index
      %get3A_682 = arith.constant 112 : index
      %get3A_683 = tpu.vector_load %arg10[%get3A_681, %get3A_682] {strides = array<i32>} : memref<16x128xf32, #tpu.memory_space<vmem>>, vector<1x16xf32>,
      %get3A_684 = vector.shape_cast %get3A_683 : vector<1x16xf32> to vector<16xf32>
      %jit3A_685 = arith.constant 0.000000e+00 : f32
      %broadcast_in_dim3A_686 = vector.broadcast %jit3A_685 : f32 to vector<16xf32>
      %select_n3A_687 = arith.select %gt3A_616, %get3A_684, %broadcast_in_dim3A_686 : vector<16xf32>
      %add3A_688 = arith.addf %add3A_614, %select_n3A_687 : vector<16xf32>
      %gt3A_689 = arith.constant 7 : i32
      %gt3A_690 = arith.cmpi sgt, %select_n3A_148, %gt3A_689 : i32
      %get3A_691 = arith.constant 7 : i32
      %get3A_692 = arith.index_cast %get3A_691 : i32 to index
      %get3A_693 = arith.constant 0 : index
      %get3A_694 = tpu.vector_load %arg10[%get3A_692, %get3A_693] {strides = array<i32>} : memref<16x128xf32, #tpu.memory_space<vmem>>, vector<1x16xf32>,
      %get3A_695 = vector.shape_cast %get3A_694 : vector<1x16xf32> to vector<16xf32>
      %jit3A_696 = arith.constant 0.000000e+00 : f32
      %broadcast_in_dim3A_697 = vector.broadcast %jit3A_696 : f32 to vector<16xf32>
      %select_n3A_698 = arith.select %gt3A_690, %get3A_695, %broadcast_in_dim3A_697 : vector<16xf32>
      %add3A_699 = arith.addf %add3A_625, %select_n3A_698 : vector<16xf32>
      %get3A_700 = arith.constant 7 : i32
      %get3A_701 = arith.index_cast %get3A_700 : i32 to index
      %get3A_702 = arith.constant 16 : index
      %get3A_703 = tpu.vector_load %arg10[%get3A_701, %get3A_702] {strides = array<i32>} : memref<16x128xf32, #tpu.memory_space<vmem>>, vector<1x16xf32>,
      %get3A_704 = vector.shape_cast %get3A_703 : vector<1x16xf32> to vector<16xf32>
      %jit3A_705 = arith.constant 0.000000e+00 : f32
      %broadcast_in_dim3A_706 = vector.broadcast %jit3A_705 : f32 to vector<16xf32>
      %select_n3A_707 = arith.select %gt3A_690, %get3A_704, %broadcast_in_dim3A_706 : vector<16xf32>
      %add3A_708 = arith.addf %add3A_634, %select_n3A_707 : vector<16xf32>
      %get3A_709 = arith.constant 7 : i32
      %get3A_710 = arith.index_cast %get3A_709 : i32 to index
      %get3A_711 = arith.constant 32 : index
      %get3A_712 = tpu.vector_load %arg10[%get3A_710, %get3A_711] {strides = array<i32>} : memref<16x128xf32, #tpu.memory_space<vmem>>, vector<1x16xf32>,
      %get3A_713 = vector.shape_cast %get3A_712 : vector<1x16xf32> to vector<16xf32>
      %jit3A_714 = arith.constant 0.000000e+00 : f32
      %broadcast_in_dim3A_715 = vector.broadcast %jit3A_714 : f32 to vector<16xf32>
      %select_n3A_716 = arith.select %gt3A_690, %get3A_713, %broadcast_in_dim3A_715 : vector<16xf32>
      %add3A_717 = arith.addf %add3A_643, %select_n3A_716 : vector<16xf32>
      %get3A_718 = arith.constant 7 : i32
      %get3A_719 = arith.index_cast %get3A_718 : i32 to index
      %get3A_720 = arith.constant 48 : index
      %get3A_721 = tpu.vector_load %arg10[%get3A_719, %get3A_720] {strides = array<i32>} : memref<16x128xf32, #tpu.memory_space<vmem>>, vector<1x16xf32>,
      %get3A_722 = vector.shape_cast %get3A_721 : vector<1x16xf32> to vector<16xf32>
      %jit3A_723 = arith.constant 0.000000e+00 : f32
      %broadcast_in_dim3A_724 = vector.broadcast %jit3A_723 : f32 to vector<16xf32>
      %select_n3A_725 = arith.select %gt3A_690, %get3A_722, %broadcast_in_dim3A_724 : vector<16xf32>
      %add3A_726 = arith.addf %add3A_652, %select_n3A_725 : vector<16xf32>
      %get3A_727 = arith.constant 7 : i32
      %get3A_728 = arith.index_cast %get3A_727 : i32 to index
      %get3A_729 = arith.constant 64 : index
      %get3A_730 = tpu.vector_load %arg10[%get3A_728, %get3A_729] {strides = array<i32>} : memref<16x128xf32, #tpu.memory_space<vmem>>, vector<1x16xf32>,
      %get3A_731 = vector.shape_cast %get3A_730 : vector<1x16xf32> to vector<16xf32>
      %jit3A_732 = arith.constant 0.000000e+00 : f32
      %broadcast_in_dim3A_733 = vector.broadcast %jit3A_732 : f32 to vector<16xf32>
      %select_n3A_734 = arith.select %gt3A_690, %get3A_731, %broadcast_in_dim3A_733 : vector<16xf32>
      %add3A_735 = arith.addf %add3A_661, %select_n3A_734 : vector<16xf32>
      %get3A_736 = arith.constant 7 : i32
      %get3A_737 = arith.index_cast %get3A_736 : i32 to index
      %get3A_738 = arith.constant 80 : index
      %get3A_739 = tpu.vector_load %arg10[%get3A_737, %get3A_738] {strides = array<i32>} : memref<16x128xf32, #tpu.memory_space<vmem>>, vector<1x16xf32>,
      %get3A_740 = vector.shape_cast %get3A_739 : vector<1x16xf32> to vector<16xf32>
      %jit3A_741 = arith.constant 0.000000e+00 : f32
      %broadcast_in_dim3A_742 = vector.broadcast %jit3A_741 : f32 to vector<16xf32>
      %select_n3A_743 = arith.select %gt3A_690, %get3A_740, %broadcast_in_dim3A_742 : vector<16xf32>
      %add3A_744 = arith.addf %add3A_670, %select_n3A_743 : vector<16xf32>
      %get3A_745 = arith.constant 7 : i32
      %get3A_746 = arith.index_cast %get3A_745 : i32 to index
      %get3A_747 = arith.constant 96 : index
      %get3A_748 = tpu.vector_load %arg10[%get3A_746, %get3A_747] {strides = array<i32>} : memref<16x128xf32, #tpu.memory_space<vmem>>, vector<1x16xf32>,
      %get3A_749 = vector.shape_cast %get3A_748 : vector<1x16xf32> to vector<16xf32>
      %jit3A_750 = arith.constant 0.000000e+00 : f32
      %broadcast_in_dim3A_751 = vector.broadcast %jit3A_750 : f32 to vector<16xf32>
      %select_n3A_752 = arith.select %gt3A_690, %get3A_749, %broadcast_in_dim3A_751 : vector<16xf32>
      %add3A_753 = arith.addf %add3A_679, %select_n3A_752 : vector<16xf32>
      %get3A_754 = arith.constant 7 : i32
      %get3A_755 = arith.index_cast %get3A_754 : i32 to index
      %get3A_756 = arith.constant 112 : index
      %get3A_757 = tpu.vector_load %arg10[%get3A_755, %get3A_756] {strides = array<i32>} : memref<16x128xf32, #tpu.memory_space<vmem>>, vector<1x16xf32>,
      %get3A_758 = vector.shape_cast %get3A_757 : vector<1x16xf32> to vector<16xf32>
      %jit3A_759 = arith.constant 0.000000e+00 : f32
      %broadcast_in_dim3A_760 = vector.broadcast %jit3A_759 : f32 to vector<16xf32>
      %select_n3A_761 = arith.select %gt3A_690, %get3A_758, %broadcast_in_dim3A_760 : vector<16xf32>
      %add3A_762 = arith.addf %add3A_688, %select_n3A_761 : vector<16xf32>
      %gt3A_763 = arith.constant 8 : i32
      %gt3A_764 = arith.cmpi sgt, %select_n3A_148, %gt3A_763 : i32
      %get3A_765 = arith.constant 8 : i32
      %get3A_766 = arith.index_cast %get3A_765 : i32 to index
      %get3A_767 = arith.constant 0 : index
      %get3A_768 = tpu.vector_load %arg10[%get3A_766, %get3A_767] {strides = array<i32>} : memref<16x128xf32, #tpu.memory_space<vmem>>, vector<1x16xf32>,
      %get3A_769 = vector.shape_cast %get3A_768 : vector<1x16xf32> to vector<16xf32>
      %jit3A_770 = arith.constant 0.000000e+00 : f32
      %broadcast_in_dim3A_771 = vector.broadcast %jit3A_770 : f32 to vector<16xf32>
      %select_n3A_772 = arith.select %gt3A_764, %get3A_769, %broadcast_in_dim3A_771 : vector<16xf32>
      %add3A_773 = arith.addf %add3A_699, %select_n3A_772 : vector<16xf32>
      %get3A_774 = arith.constant 8 : i32
      %get3A_775 = arith.index_cast %get3A_774 : i32 to index
      %get3A_776 = arith.constant 16 : index
      %get3A_777 = tpu.vector_load %arg10[%get3A_775, %get3A_776] {strides = array<i32>} : memref<16x128xf32, #tpu.memory_space<vmem>>, vector<1x16xf32>,
      %get3A_778 = vector.shape_cast %get3A_777 : vector<1x16xf32> to vector<16xf32>
      %jit3A_779 = arith.constant 0.000000e+00 : f32
      %broadcast_in_dim3A_780 = vector.broadcast %jit3A_779 : f32 to vector<16xf32>
      %select_n3A_781 = arith.select %gt3A_764, %get3A_778, %broadcast_in_dim3A_780 : vector<16xf32>
      %add3A_782 = arith.addf %add3A_708, %select_n3A_781 : vector<16xf32>
      %get3A_783 = arith.constant 8 : i32
      %get3A_784 = arith.index_cast %get3A_783 : i32 to index
      %get3A_785 = arith.constant 32 : index
      %get3A_786 = tpu.vector_load %arg10[%get3A_784, %get3A_785] {strides = array<i32>} : memref<16x128xf32, #tpu.memory_space<vmem>>, vector<1x16xf32>,
      %get3A_787 = vector.shape_cast %get3A_786 : vector<1x16xf32> to vector<16xf32>
      %jit3A_788 = arith.constant 0.000000e+00 : f32
      %broadcast_in_dim3A_789 = vector.broadcast %jit3A_788 : f32 to vector<16xf32>
      %select_n3A_790 = arith.select %gt3A_764, %get3A_787, %broadcast_in_dim3A_789 : vector<16xf32>
      %add3A_791 = arith.addf %add3A_717, %select_n3A_790 : vector<16xf32>
      %get3A_792 = arith.constant 8 : i32
      %get3A_793 = arith.index_cast %get3A_792 : i32 to index
      %get3A_794 = arith.constant 48 : index
      %get3A_795 = tpu.vector_load %arg10[%get3A_793, %get3A_794] {strides = array<i32>} : memref<16x128xf32, #tpu.memory_space<vmem>>, vector<1x16xf32>,
      %get3A_796 = vector.shape_cast %get3A_795 : vector<1x16xf32> to vector<16xf32>
      %jit3A_797 = arith.constant 0.000000e+00 : f32
      %broadcast_in_dim3A_798 = vector.broadcast %jit3A_797 : f32 to vector<16xf32>
      %select_n3A_799 = arith.select %gt3A_764, %get3A_796, %broadcast_in_dim3A_798 : vector<16xf32>
      %add3A_800 = arith.addf %add3A_726, %select_n3A_799 : vector<16xf32>
      %get3A_801 = arith.constant 8 : i32
      %get3A_802 = arith.index_cast %get3A_801 : i32 to index
      %get3A_803 = arith.constant 64 : index
      %get3A_804 = tpu.vector_load %arg10[%get3A_802, %get3A_803] {strides = array<i32>} : memref<16x128xf32, #tpu.memory_space<vmem>>, vector<1x16xf32>,
      %get3A_805 = vector.shape_cast %get3A_804 : vector<1x16xf32> to vector<16xf32>
      %jit3A_806 = arith.constant 0.000000e+00 : f32
      %broadcast_in_dim3A_807 = vector.broadcast %jit3A_806 : f32 to vector<16xf32>
      %select_n3A_808 = arith.select %gt3A_764, %get3A_805, %broadcast_in_dim3A_807 : vector<16xf32>
      %add3A_809 = arith.addf %add3A_735, %select_n3A_808 : vector<16xf32>
      %get3A_810 = arith.constant 8 : i32
      %get3A_811 = arith.index_cast %get3A_810 : i32 to index
      %get3A_812 = arith.constant 80 : index
      %get3A_813 = tpu.vector_load %arg10[%get3A_811, %get3A_812] {strides = array<i32>} : memref<16x128xf32, #tpu.memory_space<vmem>>, vector<1x16xf32>,
      %get3A_814 = vector.shape_cast %get3A_813 : vector<1x16xf32> to vector<16xf32>
      %jit3A_815 = arith.constant 0.000000e+00 : f32
      %broadcast_in_dim3A_816 = vector.broadcast %jit3A_815 : f32 to vector<16xf32>
      %select_n3A_817 = arith.select %gt3A_764, %get3A_814, %broadcast_in_dim3A_816 : vector<16xf32>
      %add3A_818 = arith.addf %add3A_744, %select_n3A_817 : vector<16xf32>
      %get3A_819 = arith.constant 8 : i32
      %get3A_820 = arith.index_cast %get3A_819 : i32 to index
      %get3A_821 = arith.constant 96 : index
      %get3A_822 = tpu.vector_load %arg10[%get3A_820, %get3A_821] {strides = array<i32>} : memref<16x128xf32, #tpu.memory_space<vmem>>, vector<1x16xf32>,
      %get3A_823 = vector.shape_cast %get3A_822 : vector<1x16xf32> to vector<16xf32>
      %jit3A_824 = arith.constant 0.000000e+00 : f32
      %broadcast_in_dim3A_825 = vector.broadcast %jit3A_824 : f32 to vector<16xf32>
      %select_n3A_826 = arith.select %gt3A_764, %get3A_823, %broadcast_in_dim3A_825 : vector<16xf32>
      %add3A_827 = arith.addf %add3A_753, %select_n3A_826 : vector<16xf32>
      %get3A_828 = arith.constant 8 : i32
      %get3A_829 = arith.index_cast %get3A_828 : i32 to index
      %get3A_830 = arith.constant 112 : index
      %get3A_831 = tpu.vector_load %arg10[%get3A_829, %get3A_830] {strides = array<i32>} : memref<16x128xf32, #tpu.memory_space<vmem>>, vector<1x16xf32>,
      %get3A_832 = vector.shape_cast %get3A_831 : vector<1x16xf32> to vector<16xf32>
      %jit3A_833 = arith.constant 0.000000e+00 : f32
      %broadcast_in_dim3A_834 = vector.broadcast %jit3A_833 : f32 to vector<16xf32>
      %select_n3A_835 = arith.select %gt3A_764, %get3A_832, %broadcast_in_dim3A_834 : vector<16xf32>
      %add3A_836 = arith.addf %add3A_762, %select_n3A_835 : vector<16xf32>
      %gt3A_837 = arith.constant 9 : i32
      %gt3A_838 = arith.cmpi sgt, %select_n3A_148, %gt3A_837 : i32
      %get3A_839 = arith.constant 9 : i32
      %get3A_840 = arith.index_cast %get3A_839 : i32 to index
      %get3A_841 = arith.constant 0 : index
      %get3A_842 = tpu.vector_load %arg10[%get3A_840, %get3A_841] {strides = array<i32>} : memref<16x128xf32, #tpu.memory_space<vmem>>, vector<1x16xf32>,
      %get3A_843 = vector.shape_cast %get3A_842 : vector<1x16xf32> to vector<16xf32>
      %jit3A_844 = arith.constant 0.000000e+00 : f32
      %broadcast_in_dim3A_845 = vector.broadcast %jit3A_844 : f32 to vector<16xf32>
      %select_n3A_846 = arith.select %gt3A_838, %get3A_843, %broadcast_in_dim3A_845 : vector<16xf32>
      %add3A_847 = arith.addf %add3A_773, %select_n3A_846 : vector<16xf32>
      %get3A_848 = arith.constant 9 : i32
      %get3A_849 = arith.index_cast %get3A_848 : i32 to index
      %get3A_850 = arith.constant 16 : index
      %get3A_851 = tpu.vector_load %arg10[%get3A_849, %get3A_850] {strides = array<i32>} : memref<16x128xf32, #tpu.memory_space<vmem>>, vector<1x16xf32>,
      %get3A_852 = vector.shape_cast %get3A_851 : vector<1x16xf32> to vector<16xf32>
      %jit3A_853 = arith.constant 0.000000e+00 : f32
      %broadcast_in_dim3A_854 = vector.broadcast %jit3A_853 : f32 to vector<16xf32>
      %select_n3A_855 = arith.select %gt3A_838, %get3A_852, %broadcast_in_dim3A_854 : vector<16xf32>
      %add3A_856 = arith.addf %add3A_782, %select_n3A_855 : vector<16xf32>
      %get3A_857 = arith.constant 9 : i32
      %get3A_858 = arith.index_cast %get3A_857 : i32 to index
      %get3A_859 = arith.constant 32 : index
      %get3A_860 = tpu.vector_load %arg10[%get3A_858, %get3A_859] {strides = array<i32>} : memref<16x128xf32, #tpu.memory_space<vmem>>, vector<1x16xf32>,
      %get3A_861 = vector.shape_cast %get3A_860 : vector<1x16xf32> to vector<16xf32>
      %jit3A_862 = arith.constant 0.000000e+00 : f32
      %broadcast_in_dim3A_863 = vector.broadcast %jit3A_862 : f32 to vector<16xf32>
      %select_n3A_864 = arith.select %gt3A_838, %get3A_861, %broadcast_in_dim3A_863 : vector<16xf32>
      %add3A_865 = arith.addf %add3A_791, %select_n3A_864 : vector<16xf32>
      %get3A_866 = arith.constant 9 : i32
      %get3A_867 = arith.index_cast %get3A_866 : i32 to index
      %get3A_868 = arith.constant 48 : index
      %get3A_869 = tpu.vector_load %arg10[%get3A_867, %get3A_868] {strides = array<i32>} : memref<16x128xf32, #tpu.memory_space<vmem>>, vector<1x16xf32>,
      %get3A_870 = vector.shape_cast %get3A_869 : vector<1x16xf32> to vector<16xf32>
      %jit3A_871 = arith.constant 0.000000e+00 : f32
      %broadcast_in_dim3A_872 = vector.broadcast %jit3A_871 : f32 to vector<16xf32>
      %select_n3A_873 = arith.select %gt3A_838, %get3A_870, %broadcast_in_dim3A_872 : vector<16xf32>
      %add3A_874 = arith.addf %add3A_800, %select_n3A_873 : vector<16xf32>
      %get3A_875 = arith.constant 9 : i32
      %get3A_876 = arith.index_cast %get3A_875 : i32 to index
      %get3A_877 = arith.constant 64 : index
      %get3A_878 = tpu.vector_load %arg10[%get3A_876, %get3A_877] {strides = array<i32>} : memref<16x128xf32, #tpu.memory_space<vmem>>, vector<1x16xf32>,
      %get3A_879 = vector.shape_cast %get3A_878 : vector<1x16xf32> to vector<16xf32>
      %jit3A_880 = arith.constant 0.000000e+00 : f32
      %broadcast_in_dim3A_881 = vector.broadcast %jit3A_880 : f32 to vector<16xf32>
      %select_n3A_882 = arith.select %gt3A_838, %get3A_879, %broadcast_in_dim3A_881 : vector<16xf32>
      %add3A_883 = arith.addf %add3A_809, %select_n3A_882 : vector<16xf32>
      %get3A_884 = arith.constant 9 : i32
      %get3A_885 = arith.index_cast %get3A_884 : i32 to index
      %get3A_886 = arith.constant 80 : index
      %get3A_887 = tpu.vector_load %arg10[%get3A_885, %get3A_886] {strides = array<i32>} : memref<16x128xf32, #tpu.memory_space<vmem>>, vector<1x16xf32>,
      %get3A_888 = vector.shape_cast %get3A_887 : vector<1x16xf32> to vector<16xf32>
      %jit3A_889 = arith.constant 0.000000e+00 : f32
      %broadcast_in_dim3A_890 = vector.broadcast %jit3A_889 : f32 to vector<16xf32>
      %select_n3A_891 = arith.select %gt3A_838, %get3A_888, %broadcast_in_dim3A_890 : vector<16xf32>
      %add3A_892 = arith.addf %add3A_818, %select_n3A_891 : vector<16xf32>
      %get3A_893 = arith.constant 9 : i32
      %get3A_894 = arith.index_cast %get3A_893 : i32 to index
      %get3A_895 = arith.constant 96 : index
      %get3A_896 = tpu.vector_load %arg10[%get3A_894, %get3A_895] {strides = array<i32>} : memref<16x128xf32, #tpu.memory_space<vmem>>, vector<1x16xf32>,
      %get3A_897 = vector.shape_cast %get3A_896 : vector<1x16xf32> to vector<16xf32>
      %jit3A_898 = arith.constant 0.000000e+00 : f32
      %broadcast_in_dim3A_899 = vector.broadcast %jit3A_898 : f32 to vector<16xf32>
      %select_n3A_900 = arith.select %gt3A_838, %get3A_897, %broadcast_in_dim3A_899 : vector<16xf32>
      %add3A_901 = arith.addf %add3A_827, %select_n3A_900 : vector<16xf32>
      %get3A_902 = arith.constant 9 : i32
      %get3A_903 = arith.index_cast %get3A_902 : i32 to index
      %get3A_904 = arith.constant 112 : index
      %get3A_905 = tpu.vector_load %arg10[%get3A_903, %get3A_904] {strides = array<i32>} : memref<16x128xf32, #tpu.memory_space<vmem>>, vector<1x16xf32>,
      %get3A_906 = vector.shape_cast %get3A_905 : vector<1x16xf32> to vector<16xf32>
      %jit3A_907 = arith.constant 0.000000e+00 : f32
      %broadcast_in_dim3A_908 = vector.broadcast %jit3A_907 : f32 to vector<16xf32>
      %select_n3A_909 = arith.select %gt3A_838, %get3A_906, %broadcast_in_dim3A_908 : vector<16xf32>
      %add3A_910 = arith.addf %add3A_836, %select_n3A_909 : vector<16xf32>
      %gt3A_911 = arith.constant 10 : i32
      %gt3A_912 = arith.cmpi sgt, %select_n3A_148, %gt3A_911 : i32
      %get3A_913 = arith.constant 10 : i32
      %get3A_914 = arith.index_cast %get3A_913 : i32 to index
      %get3A_915 = arith.constant 0 : index
      %get3A_916 = tpu.vector_load %arg10[%get3A_914, %get3A_915] {strides = array<i32>} : memref<16x128xf32, #tpu.memory_space<vmem>>, vector<1x16xf32>,
      %get3A_917 = vector.shape_cast %get3A_916 : vector<1x16xf32> to vector<16xf32>
      %jit3A_918 = arith.constant 0.000000e+00 : f32
      %broadcast_in_dim3A_919 = vector.broadcast %jit3A_918 : f32 to vector<16xf32>
      %select_n3A_920 = arith.select %gt3A_912, %get3A_917, %broadcast_in_dim3A_919 : vector<16xf32>
      %add3A_921 = arith.addf %add3A_847, %select_n3A_920 : vector<16xf32>
      %get3A_922 = arith.constant 10 : i32
      %get3A_923 = arith.index_cast %get3A_922 : i32 to index
      %get3A_924 = arith.constant 16 : index
      %get3A_925 = tpu.vector_load %arg10[%get3A_923, %get3A_924] {strides = array<i32>} : memref<16x128xf32, #tpu.memory_space<vmem>>, vector<1x16xf32>,
      %get3A_926 = vector.shape_cast %get3A_925 : vector<1x16xf32> to vector<16xf32>
      %jit3A_927 = arith.constant 0.000000e+00 : f32
      %broadcast_in_dim3A_928 = vector.broadcast %jit3A_927 : f32 to vector<16xf32>
      %select_n3A_929 = arith.select %gt3A_912, %get3A_926, %broadcast_in_dim3A_928 : vector<16xf32>
      %add3A_930 = arith.addf %add3A_856, %select_n3A_929 : vector<16xf32>
      %get3A_931 = arith.constant 10 : i32
      %get3A_932 = arith.index_cast %get3A_931 : i32 to index
      %get3A_933 = arith.constant 32 : index
      %get3A_934 = tpu.vector_load %arg10[%get3A_932, %get3A_933] {strides = array<i32>} : memref<16x128xf32, #tpu.memory_space<vmem>>, vector<1x16xf32>,
      %get3A_935 = vector.shape_cast %get3A_934 : vector<1x16xf32> to vector<16xf32>
      %jit3A_936 = arith.constant 0.000000e+00 : f32
      %broadcast_in_dim3A_937 = vector.broadcast %jit3A_936 : f32 to vector<16xf32>
      %select_n3A_938 = arith.select %gt3A_912, %get3A_935, %broadcast_in_dim3A_937 : vector<16xf32>
      %add3A_939 = arith.addf %add3A_865, %select_n3A_938 : vector<16xf32>
      %get3A_940 = arith.constant 10 : i32
      %get3A_941 = arith.index_cast %get3A_940 : i32 to index
      %get3A_942 = arith.constant 48 : index
      %get3A_943 = tpu.vector_load %arg10[%get3A_941, %get3A_942] {strides = array<i32>} : memref<16x128xf32, #tpu.memory_space<vmem>>, vector<1x16xf32>,
      %get3A_944 = vector.shape_cast %get3A_943 : vector<1x16xf32> to vector<16xf32>
      %jit3A_945 = arith.constant 0.000000e+00 : f32
      %broadcast_in_dim3A_946 = vector.broadcast %jit3A_945 : f32 to vector<16xf32>
      %select_n3A_947 = arith.select %gt3A_912, %get3A_944, %broadcast_in_dim3A_946 : vector<16xf32>
      %add3A_948 = arith.addf %add3A_874, %select_n3A_947 : vector<16xf32>
      %get3A_949 = arith.constant 10 : i32
      %get3A_950 = arith.index_cast %get3A_949 : i32 to index
      %get3A_951 = arith.constant 64 : index
      %get3A_952 = tpu.vector_load %arg10[%get3A_950, %get3A_951] {strides = array<i32>} : memref<16x128xf32, #tpu.memory_space<vmem>>, vector<1x16xf32>,
      %get3A_953 = vector.shape_cast %get3A_952 : vector<1x16xf32> to vector<16xf32>
      %jit3A_954 = arith.constant 0.000000e+00 : f32
      %broadcast_in_dim3A_955 = vector.broadcast %jit3A_954 : f32 to vector<16xf32>
      %select_n3A_956 = arith.select %gt3A_912, %get3A_953, %broadcast_in_dim3A_955 : vector<16xf32>
      %add3A_957 = arith.addf %add3A_883, %select_n3A_956 : vector<16xf32>
      %get3A_958 = arith.constant 10 : i32
      %get3A_959 = arith.index_cast %get3A_958 : i32 to index
      %get3A_960 = arith.constant 80 : index
      %get3A_961 = tpu.vector_load %arg10[%get3A_959, %get3A_960] {strides = array<i32>} : memref<16x128xf32, #tpu.memory_space<vmem>>, vector<1x16xf32>,
      %get3A_962 = vector.shape_cast %get3A_961 : vector<1x16xf32> to vector<16xf32>
      %jit3A_963 = arith.constant 0.000000e+00 : f32
      %broadcast_in_dim3A_964 = vector.broadcast %jit3A_963 : f32 to vector<16xf32>
      %select_n3A_965 = arith.select %gt3A_912, %get3A_962, %broadcast_in_dim3A_964 : vector<16xf32>
      %add3A_966 = arith.addf %add3A_892, %select_n3A_965 : vector<16xf32>
      %get3A_967 = arith.constant 10 : i32
      %get3A_968 = arith.index_cast %get3A_967 : i32 to index
      %get3A_969 = arith.constant 96 : index
      %get3A_970 = tpu.vector_load %arg10[%get3A_968, %get3A_969] {strides = array<i32>} : memref<16x128xf32, #tpu.memory_space<vmem>>, vector<1x16xf32>,
      %get3A_971 = vector.shape_cast %get3A_970 : vector<1x16xf32> to vector<16xf32>
      %jit3A_972 = arith.constant 0.000000e+00 : f32
      %broadcast_in_dim3A_973 = vector.broadcast %jit3A_972 : f32 to vector<16xf32>
      %select_n3A_974 = arith.select %gt3A_912, %get3A_971, %broadcast_in_dim3A_973 : vector<16xf32>
      %add3A_975 = arith.addf %add3A_901, %select_n3A_974 : vector<16xf32>
      %get3A_976 = arith.constant 10 : i32
      %get3A_977 = arith.index_cast %get3A_976 : i32 to index
      %get3A_978 = arith.constant 112 : index
      %get3A_979 = tpu.vector_load %arg10[%get3A_977, %get3A_978] {strides = array<i32>} : memref<16x128xf32, #tpu.memory_space<vmem>>, vector<1x16xf32>,
      %get3A_980 = vector.shape_cast %get3A_979 : vector<1x16xf32> to vector<16xf32>
      %jit3A_981 = arith.constant 0.000000e+00 : f32
      %broadcast_in_dim3A_982 = vector.broadcast %jit3A_981 : f32 to vector<16xf32>
      %select_n3A_983 = arith.select %gt3A_912, %get3A_980, %broadcast_in_dim3A_982 : vector<16xf32>
      %add3A_984 = arith.addf %add3A_910, %select_n3A_983 : vector<16xf32>
      %gt3A_985 = arith.constant 11 : i32
      %gt3A_986 = arith.cmpi sgt, %select_n3A_148, %gt3A_985 : i32
      %get3A_987 = arith.constant 11 : i32
      %get3A_988 = arith.index_cast %get3A_987 : i32 to index
      %get3A_989 = arith.constant 0 : index
      %get3A_990 = tpu.vector_load %arg10[%get3A_988, %get3A_989] {strides = array<i32>} : memref<16x128xf32, #tpu.memory_space<vmem>>, vector<1x16xf32>,
      %get3A_991 = vector.shape_cast %get3A_990 : vector<1x16xf32> to vector<16xf32>
      %jit3A_992 = arith.constant 0.000000e+00 : f32
      %broadcast_in_dim3A_993 = vector.broadcast %jit3A_992 : f32 to vector<16xf32>
      %select_n3A_994 = arith.select %gt3A_986, %get3A_991, %broadcast_in_dim3A_993 : vector<16xf32>
      %add3A_995 = arith.addf %add3A_921, %select_n3A_994 : vector<16xf32>
      %get3A_996 = arith.constant 11 : i32
      %get3A_997 = arith.index_cast %get3A_996 : i32 to index
      %get3A_998 = arith.constant 16 : index
      %get3A_999 = tpu.vector_load %arg10[%get3A_997, %get3A_998] {strides = array<i32>} : memref<16x128xf32, #tpu.memory_space<vmem>>, vector<1x16xf32>,
      %get3A_1000 = vector.shape_cast %get3A_999 : vector<1x16xf32> to vector<16xf32>
      %jit3A_1001 = arith.constant 0.000000e+00 : f32
      %broadcast_in_dim3A_1002 = vector.broadcast %jit3A_1001 : f32 to vector<16xf32>
      %select_n3A_1003 = arith.select %gt3A_986, %get3A_1000, %broadcast_in_dim3A_1002 : vector<16xf32>
      %add3A_1004 = arith.addf %add3A_930, %select_n3A_1003 : vector<16xf32>
      %get3A_1005 = arith.constant 11 : i32
      %get3A_1006 = arith.index_cast %get3A_1005 : i32 to index
      %get3A_1007 = arith.constant 32 : index
      %get3A_1008 = tpu.vector_load %arg10[%get3A_1006, %get3A_1007] {strides = array<i32>} : memref<16x128xf32, #tpu.memory_space<vmem>>, vector<1x16xf32>,
      %get3A_1009 = vector.shape_cast %get3A_1008 : vector<1x16xf32> to vector<16xf32>
      %jit3A_1010 = arith.constant 0.000000e+00 : f32
      %broadcast_in_dim3A_1011 = vector.broadcast %jit3A_1010 : f32 to vector<16xf32>
      %select_n3A_1012 = arith.select %gt3A_986, %get3A_1009, %broadcast_in_dim3A_1011 : vector<16xf32>
      %add3A_1013 = arith.addf %add3A_939, %select_n3A_1012 : vector<16xf32>
      %get3A_1014 = arith.constant 11 : i32
      %get3A_1015 = arith.index_cast %get3A_1014 : i32 to index
      %get3A_1016 = arith.constant 48 : index
      %get3A_1017 = tpu.vector_load %arg10[%get3A_1015, %get3A_1016] {strides = array<i32>} : memref<16x128xf32, #tpu.memory_space<vmem>>, vector<1x16xf32>,
      %get3A_1018 = vector.shape_cast %get3A_1017 : vector<1x16xf32> to vector<16xf32>
      %jit3A_1019 = arith.constant 0.000000e+00 : f32
      %broadcast_in_dim3A_1020 = vector.broadcast %jit3A_1019 : f32 to vector<16xf32>
      %select_n3A_1021 = arith.select %gt3A_986, %get3A_1018, %broadcast_in_dim3A_1020 : vector<16xf32>
      %add3A_1022 = arith.addf %add3A_948, %select_n3A_1021 : vector<16xf32>
      %get3A_1023 = arith.constant 11 : i32
      %get3A_1024 = arith.index_cast %get3A_1023 : i32 to index
      %get3A_1025 = arith.constant 64 : index
      %get3A_1026 = tpu.vector_load %arg10[%get3A_1024, %get3A_1025] {strides = array<i32>} : memref<16x128xf32, #tpu.memory_space<vmem>>, vector<1x16xf32>,
      %get3A_1027 = vector.shape_cast %get3A_1026 : vector<1x16xf32> to vector<16xf32>
      %jit3A_1028 = arith.constant 0.000000e+00 : f32
      %broadcast_in_dim3A_1029 = vector.broadcast %jit3A_1028 : f32 to vector<16xf32>
      %select_n3A_1030 = arith.select %gt3A_986, %get3A_1027, %broadcast_in_dim3A_1029 : vector<16xf32>
      %add3A_1031 = arith.addf %add3A_957, %select_n3A_1030 : vector<16xf32>
      %get3A_1032 = arith.constant 11 : i32
      %get3A_1033 = arith.index_cast %get3A_1032 : i32 to index
      %get3A_1034 = arith.constant 80 : index
      %get3A_1035 = tpu.vector_load %arg10[%get3A_1033, %get3A_1034] {strides = array<i32>} : memref<16x128xf32, #tpu.memory_space<vmem>>, vector<1x16xf32>,
      %get3A_1036 = vector.shape_cast %get3A_1035 : vector<1x16xf32> to vector<16xf32>
      %jit3A_1037 = arith.constant 0.000000e+00 : f32
      %broadcast_in_dim3A_1038 = vector.broadcast %jit3A_1037 : f32 to vector<16xf32>
      %select_n3A_1039 = arith.select %gt3A_986, %get3A_1036, %broadcast_in_dim3A_1038 : vector<16xf32>
      %add3A_1040 = arith.addf %add3A_966, %select_n3A_1039 : vector<16xf32>
      %get3A_1041 = arith.constant 11 : i32
      %get3A_1042 = arith.index_cast %get3A_1041 : i32 to index
      %get3A_1043 = arith.constant 96 : index
      %get3A_1044 = tpu.vector_load %arg10[%get3A_1042, %get3A_1043] {strides = array<i32>} : memref<16x128xf32, #tpu.memory_space<vmem>>, vector<1x16xf32>,
      %get3A_1045 = vector.shape_cast %get3A_1044 : vector<1x16xf32> to vector<16xf32>
      %jit3A_1046 = arith.constant 0.000000e+00 : f32
      %broadcast_in_dim3A_1047 = vector.broadcast %jit3A_1046 : f32 to vector<16xf32>
      %select_n3A_1048 = arith.select %gt3A_986, %get3A_1045, %broadcast_in_dim3A_1047 : vector<16xf32>
      %add3A_1049 = arith.addf %add3A_975, %select_n3A_1048 : vector<16xf32>
      %get3A_1050 = arith.constant 11 : i32
      %get3A_1051 = arith.index_cast %get3A_1050 : i32 to index
      %get3A_1052 = arith.constant 112 : index
      %get3A_1053 = tpu.vector_load %arg10[%get3A_1051, %get3A_1052] {strides = array<i32>} : memref<16x128xf32, #tpu.memory_space<vmem>>, vector<1x16xf32>,
      %get3A_1054 = vector.shape_cast %get3A_1053 : vector<1x16xf32> to vector<16xf32>
      %jit3A_1055 = arith.constant 0.000000e+00 : f32
      %broadcast_in_dim3A_1056 = vector.broadcast %jit3A_1055 : f32 to vector<16xf32>
      %select_n3A_1057 = arith.select %gt3A_986, %get3A_1054, %broadcast_in_dim3A_1056 : vector<16xf32>
      %add3A_1058 = arith.addf %add3A_984, %select_n3A_1057 : vector<16xf32>
      %gt3A_1059 = arith.constant 12 : i32
      %gt3A_1060 = arith.cmpi sgt, %select_n3A_148, %gt3A_1059 : i32
      %get3A_1061 = arith.constant 12 : i32
      %get3A_1062 = arith.index_cast %get3A_1061 : i32 to index
      %get3A_1063 = arith.constant 0 : index
      %get3A_1064 = tpu.vector_load %arg10[%get3A_1062, %get3A_1063] {strides = array<i32>} : memref<16x128xf32, #tpu.memory_space<vmem>>, vector<1x16xf32>,
      %get3A_1065 = vector.shape_cast %get3A_1064 : vector<1x16xf32> to vector<16xf32>
      %jit3A_1066 = arith.constant 0.000000e+00 : f32
      %broadcast_in_dim3A_1067 = vector.broadcast %jit3A_1066 : f32 to vector<16xf32>
      %select_n3A_1068 = arith.select %gt3A_1060, %get3A_1065, %broadcast_in_dim3A_1067 : vector<16xf32>
      %add3A_1069 = arith.addf %add3A_995, %select_n3A_1068 : vector<16xf32>
      %get3A_1070 = arith.constant 12 : i32
      %get3A_1071 = arith.index_cast %get3A_1070 : i32 to index
      %get3A_1072 = arith.constant 16 : index
      %get3A_1073 = tpu.vector_load %arg10[%get3A_1071, %get3A_1072] {strides = array<i32>} : memref<16x128xf32, #tpu.memory_space<vmem>>, vector<1x16xf32>,
      %get3A_1074 = vector.shape_cast %get3A_1073 : vector<1x16xf32> to vector<16xf32>
      %jit3A_1075 = arith.constant 0.000000e+00 : f32
      %broadcast_in_dim3A_1076 = vector.broadcast %jit3A_1075 : f32 to vector<16xf32>
      %select_n3A_1077 = arith.select %gt3A_1060, %get3A_1074, %broadcast_in_dim3A_1076 : vector<16xf32>
      %add3A_1078 = arith.addf %add3A_1004, %select_n3A_1077 : vector<16xf32>
      %get3A_1079 = arith.constant 12 : i32
      %get3A_1080 = arith.index_cast %get3A_1079 : i32 to index
      %get3A_1081 = arith.constant 32 : index
      %get3A_1082 = tpu.vector_load %arg10[%get3A_1080, %get3A_1081] {strides = array<i32>} : memref<16x128xf32, #tpu.memory_space<vmem>>, vector<1x16xf32>,
      %get3A_1083 = vector.shape_cast %get3A_1082 : vector<1x16xf32> to vector<16xf32>
      %jit3A_1084 = arith.constant 0.000000e+00 : f32
      %broadcast_in_dim3A_1085 = vector.broadcast %jit3A_1084 : f32 to vector<16xf32>
      %select_n3A_1086 = arith.select %gt3A_1060, %get3A_1083, %broadcast_in_dim3A_1085 : vector<16xf32>
      %add3A_1087 = arith.addf %add3A_1013, %select_n3A_1086 : vector<16xf32>
      %get3A_1088 = arith.constant 12 : i32
      %get3A_1089 = arith.index_cast %get3A_1088 : i32 to index
      %get3A_1090 = arith.constant 48 : index
      %get3A_1091 = tpu.vector_load %arg10[%get3A_1089, %get3A_1090] {strides = array<i32>} : memref<16x128xf32, #tpu.memory_space<vmem>>, vector<1x16xf32>,
      %get3A_1092 = vector.shape_cast %get3A_1091 : vector<1x16xf32> to vector<16xf32>
      %jit3A_1093 = arith.constant 0.000000e+00 : f32
      %broadcast_in_dim3A_1094 = vector.broadcast %jit3A_1093 : f32 to vector<16xf32>
      %select_n3A_1095 = arith.select %gt3A_1060, %get3A_1092, %broadcast_in_dim3A_1094 : vector<16xf32>
      %add3A_1096 = arith.addf %add3A_1022, %select_n3A_1095 : vector<16xf32>
      %get3A_1097 = arith.constant 12 : i32
      %get3A_1098 = arith.index_cast %get3A_1097 : i32 to index
      %get3A_1099 = arith.constant 64 : index
      %get3A_1100 = tpu.vector_load %arg10[%get3A_1098, %get3A_1099] {strides = array<i32>} : memref<16x128xf32, #tpu.memory_space<vmem>>, vector<1x16xf32>,
      %get3A_1101 = vector.shape_cast %get3A_1100 : vector<1x16xf32> to vector<16xf32>
      %jit3A_1102 = arith.constant 0.000000e+00 : f32
      %broadcast_in_dim3A_1103 = vector.broadcast %jit3A_1102 : f32 to vector<16xf32>
      %select_n3A_1104 = arith.select %gt3A_1060, %get3A_1101, %broadcast_in_dim3A_1103 : vector<16xf32>
      %add3A_1105 = arith.addf %add3A_1031, %select_n3A_1104 : vector<16xf32>
      %get3A_1106 = arith.constant 12 : i32
      %get3A_1107 = arith.index_cast %get3A_1106 : i32 to index
      %get3A_1108 = arith.constant 80 : index
      %get3A_1109 = tpu.vector_load %arg10[%get3A_1107, %get3A_1108] {strides = array<i32>} : memref<16x128xf32, #tpu.memory_space<vmem>>, vector<1x16xf32>,
      %get3A_1110 = vector.shape_cast %get3A_1109 : vector<1x16xf32> to vector<16xf32>
      %jit3A_1111 = arith.constant 0.000000e+00 : f32
      %broadcast_in_dim3A_1112 = vector.broadcast %jit3A_1111 : f32 to vector<16xf32>
      %select_n3A_1113 = arith.select %gt3A_1060, %get3A_1110, %broadcast_in_dim3A_1112 : vector<16xf32>
      %add3A_1114 = arith.addf %add3A_1040, %select_n3A_1113 : vector<16xf32>
      %get3A_1115 = arith.constant 12 : i32
      %get3A_1116 = arith.index_cast %get3A_1115 : i32 to index
      %get3A_1117 = arith.constant 96 : index
      %get3A_1118 = tpu.vector_load %arg10[%get3A_1116, %get3A_1117] {strides = array<i32>} : memref<16x128xf32, #tpu.memory_space<vmem>>, vector<1x16xf32>,
      %get3A_1119 = vector.shape_cast %get3A_1118 : vector<1x16xf32> to vector<16xf32>
      %jit3A_1120 = arith.constant 0.000000e+00 : f32
      %broadcast_in_dim3A_1121 = vector.broadcast %jit3A_1120 : f32 to vector<16xf32>
      %select_n3A_1122 = arith.select %gt3A_1060, %get3A_1119, %broadcast_in_dim3A_1121 : vector<16xf32>
      %add3A_1123 = arith.addf %add3A_1049, %select_n3A_1122 : vector<16xf32>
      %get3A_1124 = arith.constant 12 : i32
      %get3A_1125 = arith.index_cast %get3A_1124 : i32 to index
      %get3A_1126 = arith.constant 112 : index
      %get3A_1127 = tpu.vector_load %arg10[%get3A_1125, %get3A_1126] {strides = array<i32>} : memref<16x128xf32, #tpu.memory_space<vmem>>, vector<1x16xf32>,
      %get3A_1128 = vector.shape_cast %get3A_1127 : vector<1x16xf32> to vector<16xf32>
      %jit3A_1129 = arith.constant 0.000000e+00 : f32
      %broadcast_in_dim3A_1130 = vector.broadcast %jit3A_1129 : f32 to vector<16xf32>
      %select_n3A_1131 = arith.select %gt3A_1060, %get3A_1128, %broadcast_in_dim3A_1130 : vector<16xf32>
      %add3A_1132 = arith.addf %add3A_1058, %select_n3A_1131 : vector<16xf32>
      %gt3A_1133 = arith.constant 13 : i32
      %gt3A_1134 = arith.cmpi sgt, %select_n3A_148, %gt3A_1133 : i32
      %get3A_1135 = arith.constant 13 : i32
      %get3A_1136 = arith.index_cast %get3A_1135 : i32 to index
      %get3A_1137 = arith.constant 0 : index
      %get3A_1138 = tpu.vector_load %arg10[%get3A_1136, %get3A_1137] {strides = array<i32>} : memref<16x128xf32, #tpu.memory_space<vmem>>, vector<1x16xf32>,
      %get3A_1139 = vector.shape_cast %get3A_1138 : vector<1x16xf32> to vector<16xf32>
      %jit3A_1140 = arith.constant 0.000000e+00 : f32
      %broadcast_in_dim3A_1141 = vector.broadcast %jit3A_1140 : f32 to vector<16xf32>
      %select_n3A_1142 = arith.select %gt3A_1134, %get3A_1139, %broadcast_in_dim3A_1141 : vector<16xf32>
      %add3A_1143 = arith.addf %add3A_1069, %select_n3A_1142 : vector<16xf32>
      %get3A_1144 = arith.constant 13 : i32
      %get3A_1145 = arith.index_cast %get3A_1144 : i32 to index
      %get3A_1146 = arith.constant 16 : index
      %get3A_1147 = tpu.vector_load %arg10[%get3A_1145, %get3A_1146] {strides = array<i32>} : memref<16x128xf32, #tpu.memory_space<vmem>>, vector<1x16xf32>,
      %get3A_1148 = vector.shape_cast %get3A_1147 : vector<1x16xf32> to vector<16xf32>
      %jit3A_1149 = arith.constant 0.000000e+00 : f32
      %broadcast_in_dim3A_1150 = vector.broadcast %jit3A_1149 : f32 to vector<16xf32>
      %select_n3A_1151 = arith.select %gt3A_1134, %get3A_1148, %broadcast_in_dim3A_1150 : vector<16xf32>
      %add3A_1152 = arith.addf %add3A_1078, %select_n3A_1151 : vector<16xf32>
      %get3A_1153 = arith.constant 13 : i32
      %get3A_1154 = arith.index_cast %get3A_1153 : i32 to index
      %get3A_1155 = arith.constant 32 : index
      %get3A_1156 = tpu.vector_load %arg10[%get3A_1154, %get3A_1155] {strides = array<i32>} : memref<16x128xf32, #tpu.memory_space<vmem>>, vector<1x16xf32>,
      %get3A_1157 = vector.shape_cast %get3A_1156 : vector<1x16xf32> to vector<16xf32>
      %jit3A_1158 = arith.constant 0.000000e+00 : f32
      %broadcast_in_dim3A_1159 = vector.broadcast %jit3A_1158 : f32 to vector<16xf32>
      %select_n3A_1160 = arith.select %gt3A_1134, %get3A_1157, %broadcast_in_dim3A_1159 : vector<16xf32>
      %add3A_1161 = arith.addf %add3A_1087, %select_n3A_1160 : vector<16xf32>
      %get3A_1162 = arith.constant 13 : i32
      %get3A_1163 = arith.index_cast %get3A_1162 : i32 to index
      %get3A_1164 = arith.constant 48 : index
      %get3A_1165 = tpu.vector_load %arg10[%get3A_1163, %get3A_1164] {strides = array<i32>} : memref<16x128xf32, #tpu.memory_space<vmem>>, vector<1x16xf32>,
      %get3A_1166 = vector.shape_cast %get3A_1165 : vector<1x16xf32> to vector<16xf32>
      %jit3A_1167 = arith.constant 0.000000e+00 : f32
      %broadcast_in_dim3A_1168 = vector.broadcast %jit3A_1167 : f32 to vector<16xf32>
      %select_n3A_1169 = arith.select %gt3A_1134, %get3A_1166, %broadcast_in_dim3A_1168 : vector<16xf32>
      %add3A_1170 = arith.addf %add3A_1096, %select_n3A_1169 : vector<16xf32>
      %get3A_1171 = arith.constant 13 : i32
      %get3A_1172 = arith.index_cast %get3A_1171 : i32 to index
      %get3A_1173 = arith.constant 64 : index
      %get3A_1174 = tpu.vector_load %arg10[%get3A_1172, %get3A_1173] {strides = array<i32>} : memref<16x128xf32, #tpu.memory_space<vmem>>, vector<1x16xf32>,
      %get3A_1175 = vector.shape_cast %get3A_1174 : vector<1x16xf32> to vector<16xf32>
      %jit3A_1176 = arith.constant 0.000000e+00 : f32
      %broadcast_in_dim3A_1177 = vector.broadcast %jit3A_1176 : f32 to vector<16xf32>
      %select_n3A_1178 = arith.select %gt3A_1134, %get3A_1175, %broadcast_in_dim3A_1177 : vector<16xf32>
      %add3A_1179 = arith.addf %add3A_1105, %select_n3A_1178 : vector<16xf32>
      %get3A_1180 = arith.constant 13 : i32
      %get3A_1181 = arith.index_cast %get3A_1180 : i32 to index
      %get3A_1182 = arith.constant 80 : index
      %get3A_1183 = tpu.vector_load %arg10[%get3A_1181, %get3A_1182] {strides = array<i32>} : memref<16x128xf32, #tpu.memory_space<vmem>>, vector<1x16xf32>,
      %get3A_1184 = vector.shape_cast %get3A_1183 : vector<1x16xf32> to vector<16xf32>
      %jit3A_1185 = arith.constant 0.000000e+00 : f32
      %broadcast_in_dim3A_1186 = vector.broadcast %jit3A_1185 : f32 to vector<16xf32>
      %select_n3A_1187 = arith.select %gt3A_1134, %get3A_1184, %broadcast_in_dim3A_1186 : vector<16xf32>
      %add3A_1188 = arith.addf %add3A_1114, %select_n3A_1187 : vector<16xf32>
      %get3A_1189 = arith.constant 13 : i32
      %get3A_1190 = arith.index_cast %get3A_1189 : i32 to index
      %get3A_1191 = arith.constant 96 : index
      %get3A_1192 = tpu.vector_load %arg10[%get3A_1190, %get3A_1191] {strides = array<i32>} : memref<16x128xf32, #tpu.memory_space<vmem>>, vector<1x16xf32>,
      %get3A_1193 = vector.shape_cast %get3A_1192 : vector<1x16xf32> to vector<16xf32>
      %jit3A_1194 = arith.constant 0.000000e+00 : f32
      %broadcast_in_dim3A_1195 = vector.broadcast %jit3A_1194 : f32 to vector<16xf32>
      %select_n3A_1196 = arith.select %gt3A_1134, %get3A_1193, %broadcast_in_dim3A_1195 : vector<16xf32>
      %add3A_1197 = arith.addf %add3A_1123, %select_n3A_1196 : vector<16xf32>
      %get3A_1198 = arith.constant 13 : i32
      %get3A_1199 = arith.index_cast %get3A_1198 : i32 to index
      %get3A_1200 = arith.constant 112 : index
      %get3A_1201 = tpu.vector_load %arg10[%get3A_1199, %get3A_1200] {strides = array<i32>} : memref<16x128xf32, #tpu.memory_space<vmem>>, vector<1x16xf32>,
      %get3A_1202 = vector.shape_cast %get3A_1201 : vector<1x16xf32> to vector<16xf32>
      %jit3A_1203 = arith.constant 0.000000e+00 : f32
      %broadcast_in_dim3A_1204 = vector.broadcast %jit3A_1203 : f32 to vector<16xf32>
      %select_n3A_1205 = arith.select %gt3A_1134, %get3A_1202, %broadcast_in_dim3A_1204 : vector<16xf32>
      %add3A_1206 = arith.addf %add3A_1132, %select_n3A_1205 : vector<16xf32>
      %gt3A_1207 = arith.constant 14 : i32
      %gt3A_1208 = arith.cmpi sgt, %select_n3A_148, %gt3A_1207 : i32
      %get3A_1209 = arith.constant 14 : i32
      %get3A_1210 = arith.index_cast %get3A_1209 : i32 to index
      %get3A_1211 = arith.constant 0 : index
      %get3A_1212 = tpu.vector_load %arg10[%get3A_1210, %get3A_1211] {strides = array<i32>} : memref<16x128xf32, #tpu.memory_space<vmem>>, vector<1x16xf32>,
      %get3A_1213 = vector.shape_cast %get3A_1212 : vector<1x16xf32> to vector<16xf32>
      %jit3A_1214 = arith.constant 0.000000e+00 : f32
      %broadcast_in_dim3A_1215 = vector.broadcast %jit3A_1214 : f32 to vector<16xf32>
      %select_n3A_1216 = arith.select %gt3A_1208, %get3A_1213, %broadcast_in_dim3A_1215 : vector<16xf32>
      %add3A_1217 = arith.addf %add3A_1143, %select_n3A_1216 : vector<16xf32>
      %get3A_1218 = arith.constant 14 : i32
      %get3A_1219 = arith.index_cast %get3A_1218 : i32 to index
      %get3A_1220 = arith.constant 16 : index
      %get3A_1221 = tpu.vector_load %arg10[%get3A_1219, %get3A_1220] {strides = array<i32>} : memref<16x128xf32, #tpu.memory_space<vmem>>, vector<1x16xf32>,
      %get3A_1222 = vector.shape_cast %get3A_1221 : vector<1x16xf32> to vector<16xf32>
      %jit3A_1223 = arith.constant 0.000000e+00 : f32
      %broadcast_in_dim3A_1224 = vector.broadcast %jit3A_1223 : f32 to vector<16xf32>
      %select_n3A_1225 = arith.select %gt3A_1208, %get3A_1222, %broadcast_in_dim3A_1224 : vector<16xf32>
      %add3A_1226 = arith.addf %add3A_1152, %select_n3A_1225 : vector<16xf32>
      %get3A_1227 = arith.constant 14 : i32
      %get3A_1228 = arith.index_cast %get3A_1227 : i32 to index
      %get3A_1229 = arith.constant 32 : index
      %get3A_1230 = tpu.vector_load %arg10[%get3A_1228, %get3A_1229] {strides = array<i32>} : memref<16x128xf32, #tpu.memory_space<vmem>>, vector<1x16xf32>,
      %get3A_1231 = vector.shape_cast %get3A_1230 : vector<1x16xf32> to vector<16xf32>
      %jit3A_1232 = arith.constant 0.000000e+00 : f32
      %broadcast_in_dim3A_1233 = vector.broadcast %jit3A_1232 : f32 to vector<16xf32>
      %select_n3A_1234 = arith.select %gt3A_1208, %get3A_1231, %broadcast_in_dim3A_1233 : vector<16xf32>
      %add3A_1235 = arith.addf %add3A_1161, %select_n3A_1234 : vector<16xf32>
      %get3A_1236 = arith.constant 14 : i32
      %get3A_1237 = arith.index_cast %get3A_1236 : i32 to index
      %get3A_1238 = arith.constant 48 : index
      %get3A_1239 = tpu.vector_load %arg10[%get3A_1237, %get3A_1238] {strides = array<i32>} : memref<16x128xf32, #tpu.memory_space<vmem>>, vector<1x16xf32>,
      %get3A_1240 = vector.shape_cast %get3A_1239 : vector<1x16xf32> to vector<16xf32>
      %jit3A_1241 = arith.constant 0.000000e+00 : f32
      %broadcast_in_dim3A_1242 = vector.broadcast %jit3A_1241 : f32 to vector<16xf32>
      %select_n3A_1243 = arith.select %gt3A_1208, %get3A_1240, %broadcast_in_dim3A_1242 : vector<16xf32>
      %add3A_1244 = arith.addf %add3A_1170, %select_n3A_1243 : vector<16xf32>
      %get3A_1245 = arith.constant 14 : i32
      %get3A_1246 = arith.index_cast %get3A_1245 : i32 to index
      %get3A_1247 = arith.constant 64 : index
      %get3A_1248 = tpu.vector_load %arg10[%get3A_1246, %get3A_1247] {strides = array<i32>} : memref<16x128xf32, #tpu.memory_space<vmem>>, vector<1x16xf32>,
      %get3A_1249 = vector.shape_cast %get3A_1248 : vector<1x16xf32> to vector<16xf32>
      %jit3A_1250 = arith.constant 0.000000e+00 : f32
      %broadcast_in_dim3A_1251 = vector.broadcast %jit3A_1250 : f32 to vector<16xf32>
      %select_n3A_1252 = arith.select %gt3A_1208, %get3A_1249, %broadcast_in_dim3A_1251 : vector<16xf32>
      %add3A_1253 = arith.addf %add3A_1179, %select_n3A_1252 : vector<16xf32>
      %get3A_1254 = arith.constant 14 : i32
      %get3A_1255 = arith.index_cast %get3A_1254 : i32 to index
      %get3A_1256 = arith.constant 80 : index
      %get3A_1257 = tpu.vector_load %arg10[%get3A_1255, %get3A_1256] {strides = array<i32>} : memref<16x128xf32, #tpu.memory_space<vmem>>, vector<1x16xf32>,
      %get3A_1258 = vector.shape_cast %get3A_1257 : vector<1x16xf32> to vector<16xf32>
      %jit3A_1259 = arith.constant 0.000000e+00 : f32
      %broadcast_in_dim3A_1260 = vector.broadcast %jit3A_1259 : f32 to vector<16xf32>
      %select_n3A_1261 = arith.select %gt3A_1208, %get3A_1258, %broadcast_in_dim3A_1260 : vector<16xf32>
      %add3A_1262 = arith.addf %add3A_1188, %select_n3A_1261 : vector<16xf32>
      %get3A_1263 = arith.constant 14 : i32
      %get3A_1264 = arith.index_cast %get3A_1263 : i32 to index
      %get3A_1265 = arith.constant 96 : index
      %get3A_1266 = tpu.vector_load %arg10[%get3A_1264, %get3A_1265] {strides = array<i32>} : memref<16x128xf32, #tpu.memory_space<vmem>>, vector<1x16xf32>,
      %get3A_1267 = vector.shape_cast %get3A_1266 : vector<1x16xf32> to vector<16xf32>
      %jit3A_1268 = arith.constant 0.000000e+00 : f32
      %broadcast_in_dim3A_1269 = vector.broadcast %jit3A_1268 : f32 to vector<16xf32>
      %select_n3A_1270 = arith.select %gt3A_1208, %get3A_1267, %broadcast_in_dim3A_1269 : vector<16xf32>
      %add3A_1271 = arith.addf %add3A_1197, %select_n3A_1270 : vector<16xf32>
      %get3A_1272 = arith.constant 14 : i32
      %get3A_1273 = arith.index_cast %get3A_1272 : i32 to index
      %get3A_1274 = arith.constant 112 : index
      %get3A_1275 = tpu.vector_load %arg10[%get3A_1273, %get3A_1274] {strides = array<i32>} : memref<16x128xf32, #tpu.memory_space<vmem>>, vector<1x16xf32>,
      %get3A_1276 = vector.shape_cast %get3A_1275 : vector<1x16xf32> to vector<16xf32>
      %jit3A_1277 = arith.constant 0.000000e+00 : f32
      %broadcast_in_dim3A_1278 = vector.broadcast %jit3A_1277 : f32 to vector<16xf32>
      %select_n3A_1279 = arith.select %gt3A_1208, %get3A_1276, %broadcast_in_dim3A_1278 : vector<16xf32>
      %add3A_1280 = arith.addf %add3A_1206, %select_n3A_1279 : vector<16xf32>
      %gt3A_1281 = arith.constant 15 : i32
      %gt3A_1282 = arith.cmpi sgt, %select_n3A_148, %gt3A_1281 : i32
      %get3A_1283 = arith.constant 15 : i32
      %get3A_1284 = arith.index_cast %get3A_1283 : i32 to index
      %get3A_1285 = arith.constant 0 : index
      %get3A_1286 = tpu.vector_load %arg10[%get3A_1284, %get3A_1285] {strides = array<i32>} : memref<16x128xf32, #tpu.memory_space<vmem>>, vector<1x16xf32>,
      %get3A_1287 = vector.shape_cast %get3A_1286 : vector<1x16xf32> to vector<16xf32>
      %jit3A_1288 = arith.constant 0.000000e+00 : f32
      %broadcast_in_dim3A_1289 = vector.broadcast %jit3A_1288 : f32 to vector<16xf32>
      %select_n3A_1290 = arith.select %gt3A_1282, %get3A_1287, %broadcast_in_dim3A_1289 : vector<16xf32>
      %add3A_1291 = arith.addf %add3A_1217, %select_n3A_1290 : vector<16xf32>
      %get3A_1292 = arith.constant 15 : i32
      %get3A_1293 = arith.index_cast %get3A_1292 : i32 to index
      %get3A_1294 = arith.constant 16 : index
      %get3A_1295 = tpu.vector_load %arg10[%get3A_1293, %get3A_1294] {strides = array<i32>} : memref<16x128xf32, #tpu.memory_space<vmem>>, vector<1x16xf32>,
      %get3A_1296 = vector.shape_cast %get3A_1295 : vector<1x16xf32> to vector<16xf32>
      %jit3A_1297 = arith.constant 0.000000e+00 : f32
      %broadcast_in_dim3A_1298 = vector.broadcast %jit3A_1297 : f32 to vector<16xf32>
      %select_n3A_1299 = arith.select %gt3A_1282, %get3A_1296, %broadcast_in_dim3A_1298 : vector<16xf32>
      %add3A_1300 = arith.addf %add3A_1226, %select_n3A_1299 : vector<16xf32>
      %get3A_1301 = arith.constant 15 : i32
      %get3A_1302 = arith.index_cast %get3A_1301 : i32 to index
      %get3A_1303 = arith.constant 32 : index
      %get3A_1304 = tpu.vector_load %arg10[%get3A_1302, %get3A_1303] {strides = array<i32>} : memref<16x128xf32, #tpu.memory_space<vmem>>, vector<1x16xf32>,
      %get3A_1305 = vector.shape_cast %get3A_1304 : vector<1x16xf32> to vector<16xf32>
      %jit3A_1306 = arith.constant 0.000000e+00 : f32
      %broadcast_in_dim3A_1307 = vector.broadcast %jit3A_1306 : f32 to vector<16xf32>
      %select_n3A_1308 = arith.select %gt3A_1282, %get3A_1305, %broadcast_in_dim3A_1307 : vector<16xf32>
      %add3A_1309 = arith.addf %add3A_1235, %select_n3A_1308 : vector<16xf32>
      %get3A_1310 = arith.constant 15 : i32
      %get3A_1311 = arith.index_cast %get3A_1310 : i32 to index
      %get3A_1312 = arith.constant 48 : index
      %get3A_1313 = tpu.vector_load %arg10[%get3A_1311, %get3A_1312] {strides = array<i32>} : memref<16x128xf32, #tpu.memory_space<vmem>>, vector<1x16xf32>,
      %get3A_1314 = vector.shape_cast %get3A_1313 : vector<1x16xf32> to vector<16xf32>
      %jit3A_1315 = arith.constant 0.000000e+00 : f32
      %broadcast_in_dim3A_1316 = vector.broadcast %jit3A_1315 : f32 to vector<16xf32>
      %select_n3A_1317 = arith.select %gt3A_1282, %get3A_1314, %broadcast_in_dim3A_1316 : vector<16xf32>
      %add3A_1318 = arith.addf %add3A_1244, %select_n3A_1317 : vector<16xf32>
      %get3A_1319 = arith.constant 15 : i32
      %get3A_1320 = arith.index_cast %get3A_1319 : i32 to index
      %get3A_1321 = arith.constant 64 : index
      %get3A_1322 = tpu.vector_load %arg10[%get3A_1320, %get3A_1321] {strides = array<i32>} : memref<16x128xf32, #tpu.memory_space<vmem>>, vector<1x16xf32>,
      %get3A_1323 = vector.shape_cast %get3A_1322 : vector<1x16xf32> to vector<16xf32>
      %jit3A_1324 = arith.constant 0.000000e+00 : f32
      %broadcast_in_dim3A_1325 = vector.broadcast %jit3A_1324 : f32 to vector<16xf32>
      %select_n3A_1326 = arith.select %gt3A_1282, %get3A_1323, %broadcast_in_dim3A_1325 : vector<16xf32>
      %add3A_1327 = arith.addf %add3A_1253, %select_n3A_1326 : vector<16xf32>
      %get3A_1328 = arith.constant 15 : i32
      %get3A_1329 = arith.index_cast %get3A_1328 : i32 to index
      %get3A_1330 = arith.constant 80 : index
      %get3A_1331 = tpu.vector_load %arg10[%get3A_1329, %get3A_1330] {strides = array<i32>} : memref<16x128xf32, #tpu.memory_space<vmem>>, vector<1x16xf32>,
      %get3A_1332 = vector.shape_cast %get3A_1331 : vector<1x16xf32> to vector<16xf32>
      %jit3A_1333 = arith.constant 0.000000e+00 : f32
      %broadcast_in_dim3A_1334 = vector.broadcast %jit3A_1333 : f32 to vector<16xf32>
      %select_n3A_1335 = arith.select %gt3A_1282, %get3A_1332, %broadcast_in_dim3A_1334 : vector<16xf32>
      %add3A_1336 = arith.addf %add3A_1262, %select_n3A_1335 : vector<16xf32>
      %get3A_1337 = arith.constant 15 : i32
      %get3A_1338 = arith.index_cast %get3A_1337 : i32 to index
      %get3A_1339 = arith.constant 96 : index
      %get3A_1340 = tpu.vector_load %arg10[%get3A_1338, %get3A_1339] {strides = array<i32>} : memref<16x128xf32, #tpu.memory_space<vmem>>, vector<1x16xf32>,
      %get3A_1341 = vector.shape_cast %get3A_1340 : vector<1x16xf32> to vector<16xf32>
      %jit3A_1342 = arith.constant 0.000000e+00 : f32
      %broadcast_in_dim3A_1343 = vector.broadcast %jit3A_1342 : f32 to vector<16xf32>
      %select_n3A_1344 = arith.select %gt3A_1282, %get3A_1341, %broadcast_in_dim3A_1343 : vector<16xf32>
      %add3A_1345 = arith.addf %add3A_1271, %select_n3A_1344 : vector<16xf32>
      %get3A_1346 = arith.constant 15 : i32
      %get3A_1347 = arith.index_cast %get3A_1346 : i32 to index
      %get3A_1348 = arith.constant 112 : index
      %get3A_1349 = tpu.vector_load %arg10[%get3A_1347, %get3A_1348] {strides = array<i32>} : memref<16x128xf32, #tpu.memory_space<vmem>>, vector<1x16xf32>,
      %get3A_1350 = vector.shape_cast %get3A_1349 : vector<1x16xf32> to vector<16xf32>
      %jit3A_1351 = arith.constant 0.000000e+00 : f32
      %broadcast_in_dim3A_1352 = vector.broadcast %jit3A_1351 : f32 to vector<16xf32>
      %select_n3A_1353 = arith.select %gt3A_1282, %get3A_1350, %broadcast_in_dim3A_1352 : vector<16xf32>
      %add3A_1354 = arith.addf %add3A_1280, %select_n3A_1353 : vector<16xf32>
      %add3A_1355 = arith.constant 0 : i32
      %add3A_1356 = vector.broadcast %add3A_1355 : i32 to vector<16xi32>
      %add3A_1357 = arith.addi %iota3A, %add3A_1356 : vector<16xi32>
      %lt3A_1358 = vector.broadcast %squeeze3A_155 : i32 to vector<16xi32>
      %lt3A_1359 = arith.cmpi slt, %add3A_1357, %lt3A_1358 : vector<16xi32>
      %jit3A_1360 = arith.constant 0.000000e+00 : f32
      %broadcast_in_dim3A_1361 = vector.broadcast %jit3A_1360 : f32 to vector<16xf32>
      %select_n3A_1362 = arith.select %lt3A_1359, %add3A_1291, %broadcast_in_dim3A_1361 : vector<16xi1>, vector<16xf32>
      %max3A_1363 = arith.constant 0.000000e+00 : f32
      %max3A_1364 = vector.broadcast %max3A_1363 : f32 to vector<16xf32>
      %max3A_1365 = arith.maximumf %select_n3A_1362, %max3A_1364 : vector<16xf32>
      %swap3A = arith.constant 0 : index
      %swap3A_1366 = tpu.vector_load %arg11[%swap3A] {strides = array<i32>} : memref<128xf32, #tpu.memory_space<vmem>>, vector<16xf32>,
      %swap3A_1367 = vector.shape_cast %swap3A_1366 : vector<16xf32> to vector<16xf32>
      %swap3A_1368 = vector.shape_cast %max3A_1365 : vector<16xf32> to vector<16xf32>
      tpu.vector_store %arg11[%swap3A], %swap3A_1368 {strides = array<i32>} : memref<128xf32, #tpu.memory_space<vmem>>, vector<16xf32>,
      %add3A_1369 = arith.constant 16 : i32
      %add3A_1370 = vector.broadcast %add3A_1369 : i32 to vector<16xi32>
      %add3A_1371 = arith.addi %iota3A, %add3A_1370 : vector<16xi32>
      %lt3A_1372 = vector.broadcast %squeeze3A_155 : i32 to vector<16xi32>
      %lt3A_1373 = arith.cmpi slt, %add3A_1371, %lt3A_1372 : vector<16xi32>
      %jit3A_1374 = arith.constant 0.000000e+00 : f32
      %broadcast_in_dim3A_1375 = vector.broadcast %jit3A_1374 : f32 to vector<16xf32>
      %select_n3A_1376 = arith.select %lt3A_1373, %add3A_1300, %broadcast_in_dim3A_1375 : vector<16xi1>, vector<16xf32>
      %max3A_1377 = arith.constant 0.000000e+00 : f32
      %max3A_1378 = vector.broadcast %max3A_1377 : f32 to vector<16xf32>
      %max3A_1379 = arith.maximumf %select_n3A_1376, %max3A_1378 : vector<16xf32>
      %swap3A_1380 = arith.constant 16 : index
      %swap3A_1381 = tpu.vector_load %arg11[%swap3A_1380] {strides = array<i32>} : memref<128xf32, #tpu.memory_space<vmem>>, vector<16xf32>,
      %swap3A_1382 = vector.shape_cast %swap3A_1381 : vector<16xf32> to vector<16xf32>
      %swap3A_1383 = vector.shape_cast %max3A_1379 : vector<16xf32> to vector<16xf32>
      tpu.vector_store %arg11[%swap3A_1380], %swap3A_1383 {strides = array<i32>} : memref<128xf32, #tpu.memory_space<vmem>>, vector<16xf32>,
      %add3A_1384 = arith.constant 32 : i32
      %add3A_1385 = vector.broadcast %add3A_1384 : i32 to vector<16xi32>
      %add3A_1386 = arith.addi %iota3A, %add3A_1385 : vector<16xi32>
      %lt3A_1387 = vector.broadcast %squeeze3A_155 : i32 to vector<16xi32>
      %lt3A_1388 = arith.cmpi slt, %add3A_1386, %lt3A_1387 : vector<16xi32>
      %jit3A_1389 = arith.constant 0.000000e+00 : f32
      %broadcast_in_dim3A_1390 = vector.broadcast %jit3A_1389 : f32 to vector<16xf32>
      %select_n3A_1391 = arith.select %lt3A_1388, %add3A_1309, %broadcast_in_dim3A_1390 : vector<16xi1>, vector<16xf32>
      %max3A_1392 = arith.constant 0.000000e+00 : f32
      %max3A_1393 = vector.broadcast %max3A_1392 : f32 to vector<16xf32>
      %max3A_1394 = arith.maximumf %select_n3A_1391, %max3A_1393 : vector<16xf32>
      %swap3A_1395 = arith.constant 32 : index
      %swap3A_1396 = tpu.vector_load %arg11[%swap3A_1395] {strides = array<i32>} : memref<128xf32, #tpu.memory_space<vmem>>, vector<16xf32>,
      %swap3A_1397 = vector.shape_cast %swap3A_1396 : vector<16xf32> to vector<16xf32>
      %swap3A_1398 = vector.shape_cast %max3A_1394 : vector<16xf32> to vector<16xf32>
      tpu.vector_store %arg11[%swap3A_1395], %swap3A_1398 {strides = array<i32>} : memref<128xf32, #tpu.memory_space<vmem>>, vector<16xf32>,
      %add3A_1399 = arith.constant 48 : i32
      %add3A_1400 = vector.broadcast %add3A_1399 : i32 to vector<16xi32>
      %add3A_1401 = arith.addi %iota3A, %add3A_1400 : vector<16xi32>
      %lt3A_1402 = vector.broadcast %squeeze3A_155 : i32 to vector<16xi32>
      %lt3A_1403 = arith.cmpi slt, %add3A_1401, %lt3A_1402 : vector<16xi32>
      %jit3A_1404 = arith.constant 0.000000e+00 : f32
      %broadcast_in_dim3A_1405 = vector.broadcast %jit3A_1404 : f32 to vector<16xf32>
      %select_n3A_1406 = arith.select %lt3A_1403, %add3A_1318, %broadcast_in_dim3A_1405 : vector<16xi1>, vector<16xf32>
      %max3A_1407 = arith.constant 0.000000e+00 : f32
      %max3A_1408 = vector.broadcast %max3A_1407 : f32 to vector<16xf32>
      %max3A_1409 = arith.maximumf %select_n3A_1406, %max3A_1408 : vector<16xf32>
      %swap3A_1410 = arith.constant 48 : index
      %swap3A_1411 = tpu.vector_load %arg11[%swap3A_1410] {strides = array<i32>} : memref<128xf32, #tpu.memory_space<vmem>>, vector<16xf32>,
      %swap3A_1412 = vector.shape_cast %swap3A_1411 : vector<16xf32> to vector<16xf32>
      %swap3A_1413 = vector.shape_cast %max3A_1409 : vector<16xf32> to vector<16xf32>
      tpu.vector_store %arg11[%swap3A_1410], %swap3A_1413 {strides = array<i32>} : memref<128xf32, #tpu.memory_space<vmem>>, vector<16xf32>,
      %add3A_1414 = arith.constant 64 : i32
      %add3A_1415 = vector.broadcast %add3A_1414 : i32 to vector<16xi32>
      %add3A_1416 = arith.addi %iota3A, %add3A_1415 : vector<16xi32>
      %lt3A_1417 = vector.broadcast %squeeze3A_155 : i32 to vector<16xi32>
      %lt3A_1418 = arith.cmpi slt, %add3A_1416, %lt3A_1417 : vector<16xi32>
      %jit3A_1419 = arith.constant 0.000000e+00 : f32
      %broadcast_in_dim3A_1420 = vector.broadcast %jit3A_1419 : f32 to vector<16xf32>
      %select_n3A_1421 = arith.select %lt3A_1418, %add3A_1327, %broadcast_in_dim3A_1420 : vector<16xi1>, vector<16xf32>
      %max3A_1422 = arith.constant 0.000000e+00 : f32
      %max3A_1423 = vector.broadcast %max3A_1422 : f32 to vector<16xf32>
      %max3A_1424 = arith.maximumf %select_n3A_1421, %max3A_1423 : vector<16xf32>
      %swap3A_1425 = arith.constant 64 : index
      %swap3A_1426 = tpu.vector_load %arg11[%swap3A_1425] {strides = array<i32>} : memref<128xf32, #tpu.memory_space<vmem>>, vector<16xf32>,
      %swap3A_1427 = vector.shape_cast %swap3A_1426 : vector<16xf32> to vector<16xf32>
      %swap3A_1428 = vector.shape_cast %max3A_1424 : vector<16xf32> to vector<16xf32>
      tpu.vector_store %arg11[%swap3A_1425], %swap3A_1428 {strides = array<i32>} : memref<128xf32, #tpu.memory_space<vmem>>, vector<16xf32>,
      %add3A_1429 = arith.constant 80 : i32
      %add3A_1430 = vector.broadcast %add3A_1429 : i32 to vector<16xi32>
      %add3A_1431 = arith.addi %iota3A, %add3A_1430 : vector<16xi32>
      %lt3A_1432 = vector.broadcast %squeeze3A_155 : i32 to vector<16xi32>
      %lt3A_1433 = arith.cmpi slt, %add3A_1431, %lt3A_1432 : vector<16xi32>
      %jit3A_1434 = arith.constant 0.000000e+00 : f32
      %broadcast_in_dim3A_1435 = vector.broadcast %jit3A_1434 : f32 to vector<16xf32>
      %select_n3A_1436 = arith.select %lt3A_1433, %add3A_1336, %broadcast_in_dim3A_1435 : vector<16xi1>, vector<16xf32>
      %max3A_1437 = arith.constant 0.000000e+00 : f32
      %max3A_1438 = vector.broadcast %max3A_1437 : f32 to vector<16xf32>
      %max3A_1439 = arith.maximumf %select_n3A_1436, %max3A_1438 : vector<16xf32>
      %swap3A_1440 = arith.constant 80 : index
      %swap3A_1441 = tpu.vector_load %arg11[%swap3A_1440] {strides = array<i32>} : memref<128xf32, #tpu.memory_space<vmem>>, vector<16xf32>,
      %swap3A_1442 = vector.shape_cast %swap3A_1441 : vector<16xf32> to vector<16xf32>
      %swap3A_1443 = vector.shape_cast %max3A_1439 : vector<16xf32> to vector<16xf32>
      tpu.vector_store %arg11[%swap3A_1440], %swap3A_1443 {strides = array<i32>} : memref<128xf32, #tpu.memory_space<vmem>>, vector<16xf32>,
      %add3A_1444 = arith.constant 96 : i32
      %add3A_1445 = vector.broadcast %add3A_1444 : i32 to vector<16xi32>
      %add3A_1446 = arith.addi %iota3A, %add3A_1445 : vector<16xi32>
      %lt3A_1447 = vector.broadcast %squeeze3A_155 : i32 to vector<16xi32>
      %lt3A_1448 = arith.cmpi slt, %add3A_1446, %lt3A_1447 : vector<16xi32>
      %jit3A_1449 = arith.constant 0.000000e+00 : f32
      %broadcast_in_dim3A_1450 = vector.broadcast %jit3A_1449 : f32 to vector<16xf32>
      %select_n3A_1451 = arith.select %lt3A_1448, %add3A_1345, %broadcast_in_dim3A_1450 : vector<16xi1>, vector<16xf32>
      %max3A_1452 = arith.constant 0.000000e+00 : f32
      %max3A_1453 = vector.broadcast %max3A_1452 : f32 to vector<16xf32>
      %max3A_1454 = arith.maximumf %select_n3A_1451, %max3A_1453 : vector<16xf32>
      %swap3A_1455 = arith.constant 96 : index
      %swap3A_1456 = tpu.vector_load %arg11[%swap3A_1455] {strides = array<i32>} : memref<128xf32, #tpu.memory_space<vmem>>, vector<16xf32>,
      %swap3A_1457 = vector.shape_cast %swap3A_1456 : vector<16xf32> to vector<16xf32>
      %swap3A_1458 = vector.shape_cast %max3A_1454 : vector<16xf32> to vector<16xf32>
      tpu.vector_store %arg11[%swap3A_1455], %swap3A_1458 {strides = array<i32>} : memref<128xf32, #tpu.memory_space<vmem>>, vector<16xf32>,
      %add3A_1459 = arith.constant 112 : i32
      %add3A_1460 = vector.broadcast %add3A_1459 : i32 to vector<16xi32>
      %add3A_1461 = arith.addi %iota3A, %add3A_1460 : vector<16xi32>
      %lt3A_1462 = vector.broadcast %squeeze3A_155 : i32 to vector<16xi32>
      %lt3A_1463 = arith.cmpi slt, %add3A_1461, %lt3A_1462 : vector<16xi32>
      %jit3A_1464 = arith.constant 0.000000e+00 : f32
      %broadcast_in_dim3A_1465 = vector.broadcast %jit3A_1464 : f32 to vector<16xf32>
      %select_n3A_1466 = arith.select %lt3A_1463, %add3A_1354, %broadcast_in_dim3A_1465 : vector<16xi1>, vector<16xf32>
      %max3A_1467 = arith.constant 0.000000e+00 : f32
      %max3A_1468 = vector.broadcast %max3A_1467 : f32 to vector<16xf32>
      %max3A_1469 = arith.maximumf %select_n3A_1466, %max3A_1468 : vector<16xf32>
      %swap3A_1470 = arith.constant 112 : index
      %swap3A_1471 = tpu.vector_load %arg11[%swap3A_1470] {strides = array<i32>} : memref<128xf32, #tpu.memory_space<vmem>>, vector<16xf32>,
      %swap3A_1472 = vector.shape_cast %swap3A_1471 : vector<16xf32> to vector<16xf32>
      %swap3A_1473 = vector.shape_cast %max3A_1469 : vector<16xf32> to vector<16xf32>
      tpu.vector_store %arg11[%swap3A_1470], %swap3A_1473 {strides = array<i32>} : memref<128xf32, #tpu.memory_space<vmem>>, vector<16xf32>,
      "tpu.region"() ({
        %run_scoped3A = tpu.sem_alloc : memref<!tpu.dma_semaphore, #tpu.memory_space<semaphore_mem>>
        %dma_start3A_1474 = arith.constant 0 : i32
        %dma_start3A_1475 = tpu.memref_slice %arg4[%add3A_141, %dma_start3A_1474] : memref<2x128xf32, #tpu.memory_space<hbm>> -> memref<1x128xf32, #tpu.memory_space<hbm>>
        %dma_start3A_1476 = tpu.memref_squeeze %dma_start3A_1475 : memref<1x128xf32, #tpu.memory_space<hbm>> -> memref<128xf32, #tpu.memory_space<hbm>>
        %dma_start3A_1477 = arith.constant 0 : i32
        %dma_start3A_1478 = tpu.memref_slice %arg4[%add3A_141, %dma_start3A_1477] : memref<2x128xf32, #tpu.memory_space<hbm>> -> memref<1x128xf32, #tpu.memory_space<hbm>>
        %dma_start3A_1479 = tpu.memref_squeeze %dma_start3A_1478 : memref<1x128xf32, #tpu.memory_space<hbm>> -> memref<128xf32, #tpu.memory_space<hbm>>
        tpu.enqueue_dma source(%arg11 : memref<128xf32, #tpu.memory_space<vmem>>) target(%dma_start3A_1479 : memref<128xf32, #tpu.memory_space<hbm>>) target_semaphore(%run_scoped3A : memref<!tpu.dma_semaphore, #tpu.memory_space<semaphore_mem>>)
        %dma_wait3A_1480 = arith.constant 0 : i32
        %dma_wait3A_1481 = tpu.memref_slice %arg4[%add3A_141, %dma_wait3A_1480] : memref<2x128xf32, #tpu.memory_space<hbm>> -> memref<1x128xf32, #tpu.memory_space<hbm>>
        %dma_wait3A_1482 = tpu.memref_squeeze %dma_wait3A_1481 : memref<1x128xf32, #tpu.memory_space<hbm>> -> memref<128xf32, #tpu.memory_space<hbm>>
        %dma_wait3A_1483 = arith.constant 0 : i32
        %dma_wait3A_1484 = tpu.memref_slice %arg4[%add3A_141, %dma_wait3A_1483] : memref<2x128xf32, #tpu.memory_space<hbm>> -> memref<1x128xf32, #tpu.memory_space<hbm>>
        %dma_wait3A_1485 = tpu.memref_squeeze %dma_wait3A_1484 : memref<1x128xf32, #tpu.memory_space<hbm>> -> memref<128xf32, #tpu.memory_space<hbm>>
        tpu.wait_dma2 semaphore(%run_scoped3A : memref<!tpu.dma_semaphore, #tpu.memory_space<semaphore_mem>>) src(%arg11 : memref<128xf32, #tpu.memory_space<vmem>>) dst(%dma_wait3A_1485 : memref<128xf32, #tpu.memory_space<hbm>>)
        tpu.yield
      }) : () -> ()
    } else {
    }
    return
  }
}

module attributes {stable_mosaic.version = 14 : i64} {
  func.func @_tc_mol_kernel(%arg0: i32, %arg1: memref<16xi32, #tpu.memory_space<smem>>, %arg2: memref<16xi32, #tpu.memory_space<smem>>, %arg3: memref<16xi32, #tpu.memory_space<smem>>, %arg4: memref<16x4096x128xf32, #tpu.memory_space<any>>, %arg5: memref<1x8x128xf32, #tpu.memory_space<vmem>>, %arg6: memref<256x128xf32, #tpu.memory_space<vmem>>, %arg7: memref<256x128xf32, #tpu.memory_space<vmem>>, %arg8: memref<256x128xf32, #tpu.memory_space<vmem>>, %arg9: memref<256x128xf32, #tpu.memory_space<vmem>>, %arg10: memref<256x128xf32, #tpu.memory_space<vmem>>, %arg11: memref<!tpu.dma_semaphore, #tpu.memory_space<semaphore_mem>>, %arg12: memref<!tpu.dma_semaphore, #tpu.memory_space<semaphore_mem>>, %arg13: memref<!tpu.dma_semaphore, #tpu.memory_space<semaphore_mem>>, %arg14: memref<!tpu.dma_semaphore, #tpu.memory_space<semaphore_mem>>) attributes {dimension_semantics = [#tpu.dimension_semantics<arbitrary>], iteration_bounds = array<i64: 14>, scalar_prefetch = 3 : i64, scratch_operands = 9 : i64, tpu.core_type = #tpu.core_type<tc>, window_params = [{}, {transform_indices = @transform_1, window_bounds = array<i64: 1, 8, 128>}]} {
    %add3A = arith.constant 2 : i32
    %add3A_0 = arith.addi %arg0, %add3A : i32
    %get3A = arith.index_cast %add3A_0 : i32 to index
    %get3A_1 = memref.load %arg2[%get3A] : memref<16xi32, #tpu.memory_space<smem>>
    %get3A_2 = arith.index_cast %add3A_0 : i32 to index
    %get3A_3 = memref.load %arg1[%get3A_2] : memref<16xi32, #tpu.memory_space<smem>>
    %add3A_4 = arith.constant 1 : i32
    %add3A_5 = arith.addi %get3A_3, %add3A_4 : i32
    %gt3A = arith.constant 0 : i32
    %gt3A_6 = arith.cmpi sgt, %add3A_5, %gt3A : i32
    %convert_element_type3A = arith.extui %gt3A_6 : i1 to i32
    %cond3A = arith.constant 0 : i32
    %cond3A_7 = arith.cmpi ne, %convert_element_type3A, %cond3A : i32
    scf.if %cond3A_7 {
      %dma_start3A = arith.constant 0 : i32
      %dma_start3A_184 = arith.constant 0 : i32
      %dma_start3A_185 = tpu.memref_slice %arg4[%add3A_0, %dma_start3A, %dma_start3A_184] : memref<16x4096x128xf32, #tpu.memory_space<any>> -> memref<1x256x128xf32, #tpu.memory_space<any>>
      %dma_start3A_186 = tpu.memref_squeeze %dma_start3A_185 : memref<1x256x128xf32, #tpu.memory_space<any>> -> memref<256x128xf32, #tpu.memory_space<any>>
      tpu.enqueue_dma source(%dma_start3A_186 : memref<256x128xf32, #tpu.memory_space<any>>) target(%arg6 : memref<256x128xf32, #tpu.memory_space<vmem>>) target_semaphore(%arg11 : memref<!tpu.dma_semaphore, #tpu.memory_space<semaphore_mem>>)
    } else {
    }
    %gt3A_8 = arith.constant 1 : i32
    %gt3A_9 = arith.cmpi sgt, %add3A_5, %gt3A_8 : i32
    %convert_element_type3A_10 = arith.extui %gt3A_9 : i1 to i32
    %cond3A_11 = arith.constant 0 : i32
    %cond3A_12 = arith.cmpi ne, %convert_element_type3A_10, %cond3A_11 : i32
    scf.if %cond3A_12 {
      %dma_start3A = arith.constant 256 : i32
      %dma_start3A_184 = arith.constant 0 : i32
      %dma_start3A_185 = tpu.memref_slice %arg4[%add3A_0, %dma_start3A, %dma_start3A_184] : memref<16x4096x128xf32, #tpu.memory_space<any>> -> memref<1x256x128xf32, #tpu.memory_space<any>>
      %dma_start3A_186 = tpu.memref_squeeze %dma_start3A_185 : memref<1x256x128xf32, #tpu.memory_space<any>> -> memref<256x128xf32, #tpu.memory_space<any>>
      tpu.enqueue_dma source(%dma_start3A_186 : memref<256x128xf32, #tpu.memory_space<any>>) target(%arg7 : memref<256x128xf32, #tpu.memory_space<vmem>>) target_semaphore(%arg12 : memref<!tpu.dma_semaphore, #tpu.memory_space<semaphore_mem>>)
    } else {
    }
    %gt3A_13 = arith.constant 2 : i32
    %gt3A_14 = arith.cmpi sgt, %add3A_5, %gt3A_13 : i32
    %convert_element_type3A_15 = arith.extui %gt3A_14 : i1 to i32
    %cond3A_16 = arith.constant 0 : i32
    %cond3A_17 = arith.cmpi ne, %convert_element_type3A_15, %cond3A_16 : i32
    scf.if %cond3A_17 {
      %dma_start3A = arith.constant 512 : i32
      %dma_start3A_184 = arith.constant 0 : i32
      %dma_start3A_185 = tpu.memref_slice %arg4[%add3A_0, %dma_start3A, %dma_start3A_184] : memref<16x4096x128xf32, #tpu.memory_space<any>> -> memref<1x256x128xf32, #tpu.memory_space<any>>
      %dma_start3A_186 = tpu.memref_squeeze %dma_start3A_185 : memref<1x256x128xf32, #tpu.memory_space<any>> -> memref<256x128xf32, #tpu.memory_space<any>>
      tpu.enqueue_dma source(%dma_start3A_186 : memref<256x128xf32, #tpu.memory_space<any>>) target(%arg8 : memref<256x128xf32, #tpu.memory_space<vmem>>) target_semaphore(%arg13 : memref<!tpu.dma_semaphore, #tpu.memory_space<semaphore_mem>>)
    } else {
    }
    %broadcast_in_dim3A = arith.constant 0.000000e+00 : f32
    %broadcast_in_dim3A_18 = vector.broadcast %broadcast_in_dim3A : f32 to vector<256x128xf32>
    %swap3A = arith.constant 0 : index
    %swap3A_19 = arith.constant 0 : index
    %swap3A_20 = vector.load %arg10[%swap3A, %swap3A_19] : memref<256x128xf32, #tpu.memory_space<vmem>>, vector<256x128xf32>
    tpu.vector_store %arg10[%swap3A, %swap3A_19], %broadcast_in_dim3A_18 {strides = array<i32>} : memref<256x128xf32, #tpu.memory_space<vmem>>, vector<256x128xf32>,
    %gt3A_21 = arith.constant 3 : i32
    %gt3A_22 = arith.cmpi sgt, %add3A_5, %gt3A_21 : i32
    %convert_element_type3A_23 = arith.extui %gt3A_22 : i1 to i32
    %cond3A_24 = arith.constant 0 : i32
    %cond3A_25 = arith.cmpi ne, %convert_element_type3A_23, %cond3A_24 : i32
    scf.if %cond3A_25 {
      %dma_start3A = arith.constant 768 : i32
      %dma_start3A_184 = arith.constant 0 : i32
      %dma_start3A_185 = tpu.memref_slice %arg4[%add3A_0, %dma_start3A, %dma_start3A_184] : memref<16x4096x128xf32, #tpu.memory_space<any>> -> memref<1x256x128xf32, #tpu.memory_space<any>>
      %dma_start3A_186 = tpu.memref_squeeze %dma_start3A_185 : memref<1x256x128xf32, #tpu.memory_space<any>> -> memref<256x128xf32, #tpu.memory_space<any>>
      tpu.enqueue_dma source(%dma_start3A_186 : memref<256x128xf32, #tpu.memory_space<any>>) target(%arg9 : memref<256x128xf32, #tpu.memory_space<vmem>>) target_semaphore(%arg14 : memref<!tpu.dma_semaphore, #tpu.memory_space<semaphore_mem>>)
    } else {
    }
    %gt3A_26 = arith.constant 0 : i32
    %gt3A_27 = arith.cmpi sgt, %add3A_5, %gt3A_26 : i32
    %convert_element_type3A_28 = arith.extui %gt3A_27 : i1 to i32
    %cond3A_29 = arith.constant 0 : i32
    %cond3A_30 = arith.cmpi ne, %convert_element_type3A_28, %cond3A_29 : i32
    scf.if %cond3A_30 {
      %dma_wait3A = arith.constant 0 : i32
      %dma_wait3A_184 = arith.constant 0 : i32
      %dma_wait3A_185 = tpu.memref_slice %arg4[%add3A_0, %dma_wait3A, %dma_wait3A_184] : memref<16x4096x128xf32, #tpu.memory_space<any>> -> memref<1x256x128xf32, #tpu.memory_space<any>>
      %dma_wait3A_186 = tpu.memref_squeeze %dma_wait3A_185 : memref<1x256x128xf32, #tpu.memory_space<any>> -> memref<256x128xf32, #tpu.memory_space<any>>
      tpu.wait_dma2 semaphore(%arg11 : memref<!tpu.dma_semaphore, #tpu.memory_space<semaphore_mem>>) src(%dma_wait3A_186 : memref<256x128xf32, #tpu.memory_space<any>>) dst(%arg6 : memref<256x128xf32, #tpu.memory_space<vmem>>)
      %ge3A = arith.constant 256 : i32
      %ge3A_187 = arith.cmpi sge, %get3A_1, %ge3A : i32
      %convert_element_type3A_188 = arith.extui %ge3A_187 : i1 to i32
      %cond3A_189 = arith.constant 0 : i32
      %cond3A_190 = arith.cmpi ne, %convert_element_type3A_188, %cond3A_189 : i32
      scf.if %cond3A_190 {
        %get3A_198 = arith.constant 0 : index
        %get3A_199 = arith.constant 0 : index
        %get3A_200 = vector.load %arg10[%get3A_198, %get3A_199] : memref<256x128xf32, #tpu.memory_space<vmem>>, vector<256x128xf32>
        %get3A_201 = arith.constant 0 : index
        %get3A_202 = arith.constant 0 : index
        %get3A_203 = vector.load %arg6[%get3A_201, %get3A_202] : memref<256x128xf32, #tpu.memory_space<vmem>>, vector<256x128xf32>
        %add3A_204 = arith.addf %get3A_200, %get3A_203 : vector<256x128xf32>
        %swap3A_205 = arith.constant 0 : index
        %swap3A_206 = arith.constant 0 : index
        %swap3A_207 = vector.load %arg10[%swap3A_205, %swap3A_206] : memref<256x128xf32, #tpu.memory_space<vmem>>, vector<256x128xf32>
        tpu.vector_store %arg10[%swap3A_205, %swap3A_206], %add3A_204 {strides = array<i32>} : memref<256x128xf32, #tpu.memory_space<vmem>>, vector<256x128xf32>,
      } else {
      }
      %lt3A_191 = arith.constant 256 : i32
      %lt3A_192 = arith.cmpi slt, %get3A_1, %lt3A_191 : i32
      %gt3A_193 = arith.constant 0 : i32
      %gt3A_194 = arith.cmpi sgt, %get3A_1, %gt3A_193 : i32
      %and3A = arith.andi %lt3A_192, %gt3A_194 : i1
      %convert_element_type3A_195 = arith.extui %and3A : i1 to i32
      %cond3A_196 = arith.constant 0 : i32
      %cond3A_197 = arith.cmpi ne, %convert_element_type3A_195, %cond3A_196 : i32
      scf.if %cond3A_197 {
        %iota3A_198 = tpu.iota {dimensions = array<i32: 0>} : vector<256x1xi32>
        %add3A_199 = arith.constant 0 : i32
        %add3A_200 = vector.broadcast %add3A_199 : i32 to vector<256x1xi32>
        %add3A_201 = arith.addi %iota3A_198, %add3A_200 : vector<256x1xi32>
        %get3A_202 = arith.constant 0 : index
        %get3A_203 = arith.constant 0 : index
        %get3A_204 = vector.load %arg10[%get3A_202, %get3A_203] : memref<256x128xf32, #tpu.memory_space<vmem>>, vector<256x128xf32>
        %lt3A_205 = vector.broadcast %get3A_1 : i32 to vector<256x1xi32>
        %lt3A_206 = arith.cmpi slt, %add3A_201, %lt3A_205 : vector<256x1xi32>
        %get3A_207 = arith.constant 0 : index
        %get3A_208 = arith.constant 0 : index
        %get3A_209 = vector.load %arg6[%get3A_207, %get3A_208] : memref<256x128xf32, #tpu.memory_space<vmem>>, vector<256x128xf32>
        %jit3A_210 = arith.constant 0.000000e+00 : f32
        %broadcast_in_dim3A_211 = vector.shape_cast %lt3A_206 : vector<256x1xi1> to vector<256x1xi1>
        %broadcast_in_dim3A_212 = vector.broadcast %broadcast_in_dim3A_211 : vector<256x1xi1> to vector<256x128xi1>
        %broadcast_in_dim3A_213 = vector.broadcast %jit3A_210 : f32 to vector<256x128xf32>
        %select_n3A_214 = arith.select %broadcast_in_dim3A_212, %get3A_209, %broadcast_in_dim3A_213 : vector<256x128xi1>, vector<256x128xf32>
        %add3A_215 = arith.addf %get3A_204, %select_n3A_214 : vector<256x128xf32>
        %swap3A_216 = arith.constant 0 : index
        %swap3A_217 = arith.constant 0 : index
        %swap3A_218 = vector.load %arg10[%swap3A_216, %swap3A_217] : memref<256x128xf32, #tpu.memory_space<vmem>>, vector<256x128xf32>
        tpu.vector_store %arg10[%swap3A_216, %swap3A_217], %add3A_215 {strides = array<i32>} : memref<256x128xf32, #tpu.memory_space<vmem>>, vector<256x128xf32>,
      } else {
      }
    } else {
    }
    %gt3A_31 = arith.constant 4 : i32
    %gt3A_32 = arith.cmpi sgt, %add3A_5, %gt3A_31 : i32
    %convert_element_type3A_33 = arith.extui %gt3A_32 : i1 to i32
    %cond3A_34 = arith.constant 0 : i32
    %cond3A_35 = arith.cmpi ne, %convert_element_type3A_33, %cond3A_34 : i32
    scf.if %cond3A_35 {
      %dma_start3A = arith.constant 1024 : i32
      %dma_start3A_184 = arith.constant 0 : i32
      %dma_start3A_185 = tpu.memref_slice %arg4[%add3A_0, %dma_start3A, %dma_start3A_184] : memref<16x4096x128xf32, #tpu.memory_space<any>> -> memref<1x256x128xf32, #tpu.memory_space<any>>
      %dma_start3A_186 = tpu.memref_squeeze %dma_start3A_185 : memref<1x256x128xf32, #tpu.memory_space<any>> -> memref<256x128xf32, #tpu.memory_space<any>>
      tpu.enqueue_dma source(%dma_start3A_186 : memref<256x128xf32, #tpu.memory_space<any>>) target(%arg6 : memref<256x128xf32, #tpu.memory_space<vmem>>) target_semaphore(%arg11 : memref<!tpu.dma_semaphore, #tpu.memory_space<semaphore_mem>>)
    } else {
    }
    %gt3A_36 = arith.constant 1 : i32
    %gt3A_37 = arith.cmpi sgt, %add3A_5, %gt3A_36 : i32
    %convert_element_type3A_38 = arith.extui %gt3A_37 : i1 to i32
    %cond3A_39 = arith.constant 0 : i32
    %cond3A_40 = arith.cmpi ne, %convert_element_type3A_38, %cond3A_39 : i32
    scf.if %cond3A_40 {
      %dma_wait3A = arith.constant 256 : i32
      %dma_wait3A_184 = arith.constant 0 : i32
      %dma_wait3A_185 = tpu.memref_slice %arg4[%add3A_0, %dma_wait3A, %dma_wait3A_184] : memref<16x4096x128xf32, #tpu.memory_space<any>> -> memref<1x256x128xf32, #tpu.memory_space<any>>
      %dma_wait3A_186 = tpu.memref_squeeze %dma_wait3A_185 : memref<1x256x128xf32, #tpu.memory_space<any>> -> memref<256x128xf32, #tpu.memory_space<any>>
      tpu.wait_dma2 semaphore(%arg12 : memref<!tpu.dma_semaphore, #tpu.memory_space<semaphore_mem>>) src(%dma_wait3A_186 : memref<256x128xf32, #tpu.memory_space<any>>) dst(%arg7 : memref<256x128xf32, #tpu.memory_space<vmem>>)
      %ge3A = arith.constant 512 : i32
      %ge3A_187 = arith.cmpi sge, %get3A_1, %ge3A : i32
      %convert_element_type3A_188 = arith.extui %ge3A_187 : i1 to i32
      %cond3A_189 = arith.constant 0 : i32
      %cond3A_190 = arith.cmpi ne, %convert_element_type3A_188, %cond3A_189 : i32
      scf.if %cond3A_190 {
        %get3A_198 = arith.constant 0 : index
        %get3A_199 = arith.constant 0 : index
        %get3A_200 = vector.load %arg10[%get3A_198, %get3A_199] : memref<256x128xf32, #tpu.memory_space<vmem>>, vector<256x128xf32>
        %get3A_201 = arith.constant 0 : index
        %get3A_202 = arith.constant 0 : index
        %get3A_203 = vector.load %arg7[%get3A_201, %get3A_202] : memref<256x128xf32, #tpu.memory_space<vmem>>, vector<256x128xf32>
        %add3A_204 = arith.addf %get3A_200, %get3A_203 : vector<256x128xf32>
        %swap3A_205 = arith.constant 0 : index
        %swap3A_206 = arith.constant 0 : index
        %swap3A_207 = vector.load %arg10[%swap3A_205, %swap3A_206] : memref<256x128xf32, #tpu.memory_space<vmem>>, vector<256x128xf32>
        tpu.vector_store %arg10[%swap3A_205, %swap3A_206], %add3A_204 {strides = array<i32>} : memref<256x128xf32, #tpu.memory_space<vmem>>, vector<256x128xf32>,
      } else {
      }
      %lt3A_191 = arith.constant 512 : i32
      %lt3A_192 = arith.cmpi slt, %get3A_1, %lt3A_191 : i32
      %gt3A_193 = arith.constant 256 : i32
      %gt3A_194 = arith.cmpi sgt, %get3A_1, %gt3A_193 : i32
      %and3A = arith.andi %lt3A_192, %gt3A_194 : i1
      %convert_element_type3A_195 = arith.extui %and3A : i1 to i32
      %cond3A_196 = arith.constant 0 : i32
      %cond3A_197 = arith.cmpi ne, %convert_element_type3A_195, %cond3A_196 : i32
      scf.if %cond3A_197 {
        %iota3A_198 = tpu.iota {dimensions = array<i32: 0>} : vector<256x1xi32>
        %add3A_199 = arith.constant 256 : i32
        %add3A_200 = vector.broadcast %add3A_199 : i32 to vector<256x1xi32>
        %add3A_201 = arith.addi %iota3A_198, %add3A_200 : vector<256x1xi32>
        %get3A_202 = arith.constant 0 : index
        %get3A_203 = arith.constant 0 : index
        %get3A_204 = vector.load %arg10[%get3A_202, %get3A_203] : memref<256x128xf32, #tpu.memory_space<vmem>>, vector<256x128xf32>
        %lt3A_205 = vector.broadcast %get3A_1 : i32 to vector<256x1xi32>
        %lt3A_206 = arith.cmpi slt, %add3A_201, %lt3A_205 : vector<256x1xi32>
        %get3A_207 = arith.constant 0 : index
        %get3A_208 = arith.constant 0 : index
        %get3A_209 = vector.load %arg7[%get3A_207, %get3A_208] : memref<256x128xf32, #tpu.memory_space<vmem>>, vector<256x128xf32>
        %jit3A_210 = arith.constant 0.000000e+00 : f32
        %broadcast_in_dim3A_211 = vector.shape_cast %lt3A_206 : vector<256x1xi1> to vector<256x1xi1>
        %broadcast_in_dim3A_212 = vector.broadcast %broadcast_in_dim3A_211 : vector<256x1xi1> to vector<256x128xi1>
        %broadcast_in_dim3A_213 = vector.broadcast %jit3A_210 : f32 to vector<256x128xf32>
        %select_n3A_214 = arith.select %broadcast_in_dim3A_212, %get3A_209, %broadcast_in_dim3A_213 : vector<256x128xi1>, vector<256x128xf32>
        %add3A_215 = arith.addf %get3A_204, %select_n3A_214 : vector<256x128xf32>
        %swap3A_216 = arith.constant 0 : index
        %swap3A_217 = arith.constant 0 : index
        %swap3A_218 = vector.load %arg10[%swap3A_216, %swap3A_217] : memref<256x128xf32, #tpu.memory_space<vmem>>, vector<256x128xf32>
        tpu.vector_store %arg10[%swap3A_216, %swap3A_217], %add3A_215 {strides = array<i32>} : memref<256x128xf32, #tpu.memory_space<vmem>>, vector<256x128xf32>,
      } else {
      }
    } else {
    }
    %gt3A_41 = arith.constant 5 : i32
    %gt3A_42 = arith.cmpi sgt, %add3A_5, %gt3A_41 : i32
    %convert_element_type3A_43 = arith.extui %gt3A_42 : i1 to i32
    %cond3A_44 = arith.constant 0 : i32
    %cond3A_45 = arith.cmpi ne, %convert_element_type3A_43, %cond3A_44 : i32
    scf.if %cond3A_45 {
      %dma_start3A = arith.constant 1280 : i32
      %dma_start3A_184 = arith.constant 0 : i32
      %dma_start3A_185 = tpu.memref_slice %arg4[%add3A_0, %dma_start3A, %dma_start3A_184] : memref<16x4096x128xf32, #tpu.memory_space<any>> -> memref<1x256x128xf32, #tpu.memory_space<any>>
      %dma_start3A_186 = tpu.memref_squeeze %dma_start3A_185 : memref<1x256x128xf32, #tpu.memory_space<any>> -> memref<256x128xf32, #tpu.memory_space<any>>
      tpu.enqueue_dma source(%dma_start3A_186 : memref<256x128xf32, #tpu.memory_space<any>>) target(%arg7 : memref<256x128xf32, #tpu.memory_space<vmem>>) target_semaphore(%arg12 : memref<!tpu.dma_semaphore, #tpu.memory_space<semaphore_mem>>)
    } else {
    }
    %gt3A_46 = arith.constant 2 : i32
    %gt3A_47 = arith.cmpi sgt, %add3A_5, %gt3A_46 : i32
    %convert_element_type3A_48 = arith.extui %gt3A_47 : i1 to i32
    %cond3A_49 = arith.constant 0 : i32
    %cond3A_50 = arith.cmpi ne, %convert_element_type3A_48, %cond3A_49 : i32
    scf.if %cond3A_50 {
      %dma_wait3A = arith.constant 512 : i32
      %dma_wait3A_184 = arith.constant 0 : i32
      %dma_wait3A_185 = tpu.memref_slice %arg4[%add3A_0, %dma_wait3A, %dma_wait3A_184] : memref<16x4096x128xf32, #tpu.memory_space<any>> -> memref<1x256x128xf32, #tpu.memory_space<any>>
      %dma_wait3A_186 = tpu.memref_squeeze %dma_wait3A_185 : memref<1x256x128xf32, #tpu.memory_space<any>> -> memref<256x128xf32, #tpu.memory_space<any>>
      tpu.wait_dma2 semaphore(%arg13 : memref<!tpu.dma_semaphore, #tpu.memory_space<semaphore_mem>>) src(%dma_wait3A_186 : memref<256x128xf32, #tpu.memory_space<any>>) dst(%arg8 : memref<256x128xf32, #tpu.memory_space<vmem>>)
      %ge3A = arith.constant 768 : i32
      %ge3A_187 = arith.cmpi sge, %get3A_1, %ge3A : i32
      %convert_element_type3A_188 = arith.extui %ge3A_187 : i1 to i32
      %cond3A_189 = arith.constant 0 : i32
      %cond3A_190 = arith.cmpi ne, %convert_element_type3A_188, %cond3A_189 : i32
      scf.if %cond3A_190 {
        %get3A_198 = arith.constant 0 : index
        %get3A_199 = arith.constant 0 : index
        %get3A_200 = vector.load %arg10[%get3A_198, %get3A_199] : memref<256x128xf32, #tpu.memory_space<vmem>>, vector<256x128xf32>
        %get3A_201 = arith.constant 0 : index
        %get3A_202 = arith.constant 0 : index
        %get3A_203 = vector.load %arg8[%get3A_201, %get3A_202] : memref<256x128xf32, #tpu.memory_space<vmem>>, vector<256x128xf32>
        %add3A_204 = arith.addf %get3A_200, %get3A_203 : vector<256x128xf32>
        %swap3A_205 = arith.constant 0 : index
        %swap3A_206 = arith.constant 0 : index
        %swap3A_207 = vector.load %arg10[%swap3A_205, %swap3A_206] : memref<256x128xf32, #tpu.memory_space<vmem>>, vector<256x128xf32>
        tpu.vector_store %arg10[%swap3A_205, %swap3A_206], %add3A_204 {strides = array<i32>} : memref<256x128xf32, #tpu.memory_space<vmem>>, vector<256x128xf32>,
      } else {
      }
      %lt3A_191 = arith.constant 768 : i32
      %lt3A_192 = arith.cmpi slt, %get3A_1, %lt3A_191 : i32
      %gt3A_193 = arith.constant 512 : i32
      %gt3A_194 = arith.cmpi sgt, %get3A_1, %gt3A_193 : i32
      %and3A = arith.andi %lt3A_192, %gt3A_194 : i1
      %convert_element_type3A_195 = arith.extui %and3A : i1 to i32
      %cond3A_196 = arith.constant 0 : i32
      %cond3A_197 = arith.cmpi ne, %convert_element_type3A_195, %cond3A_196 : i32
      scf.if %cond3A_197 {
        %iota3A_198 = tpu.iota {dimensions = array<i32: 0>} : vector<256x1xi32>
        %add3A_199 = arith.constant 512 : i32
        %add3A_200 = vector.broadcast %add3A_199 : i32 to vector<256x1xi32>
        %add3A_201 = arith.addi %iota3A_198, %add3A_200 : vector<256x1xi32>
        %get3A_202 = arith.constant 0 : index
        %get3A_203 = arith.constant 0 : index
        %get3A_204 = vector.load %arg10[%get3A_202, %get3A_203] : memref<256x128xf32, #tpu.memory_space<vmem>>, vector<256x128xf32>
        %lt3A_205 = vector.broadcast %get3A_1 : i32 to vector<256x1xi32>
        %lt3A_206 = arith.cmpi slt, %add3A_201, %lt3A_205 : vector<256x1xi32>
        %get3A_207 = arith.constant 0 : index
        %get3A_208 = arith.constant 0 : index
        %get3A_209 = vector.load %arg8[%get3A_207, %get3A_208] : memref<256x128xf32, #tpu.memory_space<vmem>>, vector<256x128xf32>
        %jit3A_210 = arith.constant 0.000000e+00 : f32
        %broadcast_in_dim3A_211 = vector.shape_cast %lt3A_206 : vector<256x1xi1> to vector<256x1xi1>
        %broadcast_in_dim3A_212 = vector.broadcast %broadcast_in_dim3A_211 : vector<256x1xi1> to vector<256x128xi1>
        %broadcast_in_dim3A_213 = vector.broadcast %jit3A_210 : f32 to vector<256x128xf32>
        %select_n3A_214 = arith.select %broadcast_in_dim3A_212, %get3A_209, %broadcast_in_dim3A_213 : vector<256x128xi1>, vector<256x128xf32>
        %add3A_215 = arith.addf %get3A_204, %select_n3A_214 : vector<256x128xf32>
        %swap3A_216 = arith.constant 0 : index
        %swap3A_217 = arith.constant 0 : index
        %swap3A_218 = vector.load %arg10[%swap3A_216, %swap3A_217] : memref<256x128xf32, #tpu.memory_space<vmem>>, vector<256x128xf32>
        tpu.vector_store %arg10[%swap3A_216, %swap3A_217], %add3A_215 {strides = array<i32>} : memref<256x128xf32, #tpu.memory_space<vmem>>, vector<256x128xf32>,
      } else {
      }
    } else {
    }
    %gt3A_51 = arith.constant 6 : i32
    %gt3A_52 = arith.cmpi sgt, %add3A_5, %gt3A_51 : i32
    %convert_element_type3A_53 = arith.extui %gt3A_52 : i1 to i32
    %cond3A_54 = arith.constant 0 : i32
    %cond3A_55 = arith.cmpi ne, %convert_element_type3A_53, %cond3A_54 : i32
    scf.if %cond3A_55 {
      %dma_start3A = arith.constant 1536 : i32
      %dma_start3A_184 = arith.constant 0 : i32
      %dma_start3A_185 = tpu.memref_slice %arg4[%add3A_0, %dma_start3A, %dma_start3A_184] : memref<16x4096x128xf32, #tpu.memory_space<any>> -> memref<1x256x128xf32, #tpu.memory_space<any>>
      %dma_start3A_186 = tpu.memref_squeeze %dma_start3A_185 : memref<1x256x128xf32, #tpu.memory_space<any>> -> memref<256x128xf32, #tpu.memory_space<any>>
      tpu.enqueue_dma source(%dma_start3A_186 : memref<256x128xf32, #tpu.memory_space<any>>) target(%arg8 : memref<256x128xf32, #tpu.memory_space<vmem>>) target_semaphore(%arg13 : memref<!tpu.dma_semaphore, #tpu.memory_space<semaphore_mem>>)
    } else {
    }
    %gt3A_56 = arith.constant 3 : i32
    %gt3A_57 = arith.cmpi sgt, %add3A_5, %gt3A_56 : i32
    %convert_element_type3A_58 = arith.extui %gt3A_57 : i1 to i32
    %cond3A_59 = arith.constant 0 : i32
    %cond3A_60 = arith.cmpi ne, %convert_element_type3A_58, %cond3A_59 : i32
    scf.if %cond3A_60 {
      %dma_wait3A = arith.constant 768 : i32
      %dma_wait3A_184 = arith.constant 0 : i32
      %dma_wait3A_185 = tpu.memref_slice %arg4[%add3A_0, %dma_wait3A, %dma_wait3A_184] : memref<16x4096x128xf32, #tpu.memory_space<any>> -> memref<1x256x128xf32, #tpu.memory_space<any>>
      %dma_wait3A_186 = tpu.memref_squeeze %dma_wait3A_185 : memref<1x256x128xf32, #tpu.memory_space<any>> -> memref<256x128xf32, #tpu.memory_space<any>>
      tpu.wait_dma2 semaphore(%arg14 : memref<!tpu.dma_semaphore, #tpu.memory_space<semaphore_mem>>) src(%dma_wait3A_186 : memref<256x128xf32, #tpu.memory_space<any>>) dst(%arg9 : memref<256x128xf32, #tpu.memory_space<vmem>>)
      %ge3A = arith.constant 1024 : i32
      %ge3A_187 = arith.cmpi sge, %get3A_1, %ge3A : i32
      %convert_element_type3A_188 = arith.extui %ge3A_187 : i1 to i32
      %cond3A_189 = arith.constant 0 : i32
      %cond3A_190 = arith.cmpi ne, %convert_element_type3A_188, %cond3A_189 : i32
      scf.if %cond3A_190 {
        %get3A_198 = arith.constant 0 : index
        %get3A_199 = arith.constant 0 : index
        %get3A_200 = vector.load %arg10[%get3A_198, %get3A_199] : memref<256x128xf32, #tpu.memory_space<vmem>>, vector<256x128xf32>
        %get3A_201 = arith.constant 0 : index
        %get3A_202 = arith.constant 0 : index
        %get3A_203 = vector.load %arg9[%get3A_201, %get3A_202] : memref<256x128xf32, #tpu.memory_space<vmem>>, vector<256x128xf32>
        %add3A_204 = arith.addf %get3A_200, %get3A_203 : vector<256x128xf32>
        %swap3A_205 = arith.constant 0 : index
        %swap3A_206 = arith.constant 0 : index
        %swap3A_207 = vector.load %arg10[%swap3A_205, %swap3A_206] : memref<256x128xf32, #tpu.memory_space<vmem>>, vector<256x128xf32>
        tpu.vector_store %arg10[%swap3A_205, %swap3A_206], %add3A_204 {strides = array<i32>} : memref<256x128xf32, #tpu.memory_space<vmem>>, vector<256x128xf32>,
      } else {
      }
      %lt3A_191 = arith.constant 1024 : i32
      %lt3A_192 = arith.cmpi slt, %get3A_1, %lt3A_191 : i32
      %gt3A_193 = arith.constant 768 : i32
      %gt3A_194 = arith.cmpi sgt, %get3A_1, %gt3A_193 : i32
      %and3A = arith.andi %lt3A_192, %gt3A_194 : i1
      %convert_element_type3A_195 = arith.extui %and3A : i1 to i32
      %cond3A_196 = arith.constant 0 : i32
      %cond3A_197 = arith.cmpi ne, %convert_element_type3A_195, %cond3A_196 : i32
      scf.if %cond3A_197 {
        %iota3A_198 = tpu.iota {dimensions = array<i32: 0>} : vector<256x1xi32>
        %add3A_199 = arith.constant 768 : i32
        %add3A_200 = vector.broadcast %add3A_199 : i32 to vector<256x1xi32>
        %add3A_201 = arith.addi %iota3A_198, %add3A_200 : vector<256x1xi32>
        %get3A_202 = arith.constant 0 : index
        %get3A_203 = arith.constant 0 : index
        %get3A_204 = vector.load %arg10[%get3A_202, %get3A_203] : memref<256x128xf32, #tpu.memory_space<vmem>>, vector<256x128xf32>
        %lt3A_205 = vector.broadcast %get3A_1 : i32 to vector<256x1xi32>
        %lt3A_206 = arith.cmpi slt, %add3A_201, %lt3A_205 : vector<256x1xi32>
        %get3A_207 = arith.constant 0 : index
        %get3A_208 = arith.constant 0 : index
        %get3A_209 = vector.load %arg9[%get3A_207, %get3A_208] : memref<256x128xf32, #tpu.memory_space<vmem>>, vector<256x128xf32>
        %jit3A_210 = arith.constant 0.000000e+00 : f32
        %broadcast_in_dim3A_211 = vector.shape_cast %lt3A_206 : vector<256x1xi1> to vector<256x1xi1>
        %broadcast_in_dim3A_212 = vector.broadcast %broadcast_in_dim3A_211 : vector<256x1xi1> to vector<256x128xi1>
        %broadcast_in_dim3A_213 = vector.broadcast %jit3A_210 : f32 to vector<256x128xf32>
        %select_n3A_214 = arith.select %broadcast_in_dim3A_212, %get3A_209, %broadcast_in_dim3A_213 : vector<256x128xi1>, vector<256x128xf32>
        %add3A_215 = arith.addf %get3A_204, %select_n3A_214 : vector<256x128xf32>
        %swap3A_216 = arith.constant 0 : index
        %swap3A_217 = arith.constant 0 : index
        %swap3A_218 = vector.load %arg10[%swap3A_216, %swap3A_217] : memref<256x128xf32, #tpu.memory_space<vmem>>, vector<256x128xf32>
        tpu.vector_store %arg10[%swap3A_216, %swap3A_217], %add3A_215 {strides = array<i32>} : memref<256x128xf32, #tpu.memory_space<vmem>>, vector<256x128xf32>,
      } else {
      }
    } else {
    }
    %gt3A_61 = arith.constant 7 : i32
    %gt3A_62 = arith.cmpi sgt, %add3A_5, %gt3A_61 : i32
    %convert_element_type3A_63 = arith.extui %gt3A_62 : i1 to i32
    %cond3A_64 = arith.constant 0 : i32
    %cond3A_65 = arith.cmpi ne, %convert_element_type3A_63, %cond3A_64 : i32
    scf.if %cond3A_65 {
      %dma_start3A = arith.constant 1792 : i32
      %dma_start3A_184 = arith.constant 0 : i32
      %dma_start3A_185 = tpu.memref_slice %arg4[%add3A_0, %dma_start3A, %dma_start3A_184] : memref<16x4096x128xf32, #tpu.memory_space<any>> -> memref<1x256x128xf32, #tpu.memory_space<any>>
      %dma_start3A_186 = tpu.memref_squeeze %dma_start3A_185 : memref<1x256x128xf32, #tpu.memory_space<any>> -> memref<256x128xf32, #tpu.memory_space<any>>
      tpu.enqueue_dma source(%dma_start3A_186 : memref<256x128xf32, #tpu.memory_space<any>>) target(%arg9 : memref<256x128xf32, #tpu.memory_space<vmem>>) target_semaphore(%arg14 : memref<!tpu.dma_semaphore, #tpu.memory_space<semaphore_mem>>)
    } else {
    }
    %gt3A_66 = arith.constant 4 : i32
    %gt3A_67 = arith.cmpi sgt, %add3A_5, %gt3A_66 : i32
    %convert_element_type3A_68 = arith.extui %gt3A_67 : i1 to i32
    %cond3A_69 = arith.constant 0 : i32
    %cond3A_70 = arith.cmpi ne, %convert_element_type3A_68, %cond3A_69 : i32
    scf.if %cond3A_70 {
      %dma_wait3A = arith.constant 1024 : i32
      %dma_wait3A_184 = arith.constant 0 : i32
      %dma_wait3A_185 = tpu.memref_slice %arg4[%add3A_0, %dma_wait3A, %dma_wait3A_184] : memref<16x4096x128xf32, #tpu.memory_space<any>> -> memref<1x256x128xf32, #tpu.memory_space<any>>
      %dma_wait3A_186 = tpu.memref_squeeze %dma_wait3A_185 : memref<1x256x128xf32, #tpu.memory_space<any>> -> memref<256x128xf32, #tpu.memory_space<any>>
      tpu.wait_dma2 semaphore(%arg11 : memref<!tpu.dma_semaphore, #tpu.memory_space<semaphore_mem>>) src(%dma_wait3A_186 : memref<256x128xf32, #tpu.memory_space<any>>) dst(%arg6 : memref<256x128xf32, #tpu.memory_space<vmem>>)
      %ge3A = arith.constant 1280 : i32
      %ge3A_187 = arith.cmpi sge, %get3A_1, %ge3A : i32
      %convert_element_type3A_188 = arith.extui %ge3A_187 : i1 to i32
      %cond3A_189 = arith.constant 0 : i32
      %cond3A_190 = arith.cmpi ne, %convert_element_type3A_188, %cond3A_189 : i32
      scf.if %cond3A_190 {
        %get3A_198 = arith.constant 0 : index
        %get3A_199 = arith.constant 0 : index
        %get3A_200 = vector.load %arg10[%get3A_198, %get3A_199] : memref<256x128xf32, #tpu.memory_space<vmem>>, vector<256x128xf32>
        %get3A_201 = arith.constant 0 : index
        %get3A_202 = arith.constant 0 : index
        %get3A_203 = vector.load %arg6[%get3A_201, %get3A_202] : memref<256x128xf32, #tpu.memory_space<vmem>>, vector<256x128xf32>
        %add3A_204 = arith.addf %get3A_200, %get3A_203 : vector<256x128xf32>
        %swap3A_205 = arith.constant 0 : index
        %swap3A_206 = arith.constant 0 : index
        %swap3A_207 = vector.load %arg10[%swap3A_205, %swap3A_206] : memref<256x128xf32, #tpu.memory_space<vmem>>, vector<256x128xf32>
        tpu.vector_store %arg10[%swap3A_205, %swap3A_206], %add3A_204 {strides = array<i32>} : memref<256x128xf32, #tpu.memory_space<vmem>>, vector<256x128xf32>,
      } else {
      }
      %lt3A_191 = arith.constant 1280 : i32
      %lt3A_192 = arith.cmpi slt, %get3A_1, %lt3A_191 : i32
      %gt3A_193 = arith.constant 1024 : i32
      %gt3A_194 = arith.cmpi sgt, %get3A_1, %gt3A_193 : i32
      %and3A = arith.andi %lt3A_192, %gt3A_194 : i1
      %convert_element_type3A_195 = arith.extui %and3A : i1 to i32
      %cond3A_196 = arith.constant 0 : i32
      %cond3A_197 = arith.cmpi ne, %convert_element_type3A_195, %cond3A_196 : i32
      scf.if %cond3A_197 {
        %iota3A_198 = tpu.iota {dimensions = array<i32: 0>} : vector<256x1xi32>
        %add3A_199 = arith.constant 1024 : i32
        %add3A_200 = vector.broadcast %add3A_199 : i32 to vector<256x1xi32>
        %add3A_201 = arith.addi %iota3A_198, %add3A_200 : vector<256x1xi32>
        %get3A_202 = arith.constant 0 : index
        %get3A_203 = arith.constant 0 : index
        %get3A_204 = vector.load %arg10[%get3A_202, %get3A_203] : memref<256x128xf32, #tpu.memory_space<vmem>>, vector<256x128xf32>
        %lt3A_205 = vector.broadcast %get3A_1 : i32 to vector<256x1xi32>
        %lt3A_206 = arith.cmpi slt, %add3A_201, %lt3A_205 : vector<256x1xi32>
        %get3A_207 = arith.constant 0 : index
        %get3A_208 = arith.constant 0 : index
        %get3A_209 = vector.load %arg6[%get3A_207, %get3A_208] : memref<256x128xf32, #tpu.memory_space<vmem>>, vector<256x128xf32>
        %jit3A_210 = arith.constant 0.000000e+00 : f32
        %broadcast_in_dim3A_211 = vector.shape_cast %lt3A_206 : vector<256x1xi1> to vector<256x1xi1>
        %broadcast_in_dim3A_212 = vector.broadcast %broadcast_in_dim3A_211 : vector<256x1xi1> to vector<256x128xi1>
        %broadcast_in_dim3A_213 = vector.broadcast %jit3A_210 : f32 to vector<256x128xf32>
        %select_n3A_214 = arith.select %broadcast_in_dim3A_212, %get3A_209, %broadcast_in_dim3A_213 : vector<256x128xi1>, vector<256x128xf32>
        %add3A_215 = arith.addf %get3A_204, %select_n3A_214 : vector<256x128xf32>
        %swap3A_216 = arith.constant 0 : index
        %swap3A_217 = arith.constant 0 : index
        %swap3A_218 = vector.load %arg10[%swap3A_216, %swap3A_217] : memref<256x128xf32, #tpu.memory_space<vmem>>, vector<256x128xf32>
        tpu.vector_store %arg10[%swap3A_216, %swap3A_217], %add3A_215 {strides = array<i32>} : memref<256x128xf32, #tpu.memory_space<vmem>>, vector<256x128xf32>,
      } else {
      }
    } else {
    }
    %gt3A_71 = arith.constant 8 : i32
    %gt3A_72 = arith.cmpi sgt, %add3A_5, %gt3A_71 : i32
    %convert_element_type3A_73 = arith.extui %gt3A_72 : i1 to i32
    %cond3A_74 = arith.constant 0 : i32
    %cond3A_75 = arith.cmpi ne, %convert_element_type3A_73, %cond3A_74 : i32
    scf.if %cond3A_75 {
      %dma_start3A = arith.constant 2048 : i32
      %dma_start3A_184 = arith.constant 0 : i32
      %dma_start3A_185 = tpu.memref_slice %arg4[%add3A_0, %dma_start3A, %dma_start3A_184] : memref<16x4096x128xf32, #tpu.memory_space<any>> -> memref<1x256x128xf32, #tpu.memory_space<any>>
      %dma_start3A_186 = tpu.memref_squeeze %dma_start3A_185 : memref<1x256x128xf32, #tpu.memory_space<any>> -> memref<256x128xf32, #tpu.memory_space<any>>
      tpu.enqueue_dma source(%dma_start3A_186 : memref<256x128xf32, #tpu.memory_space<any>>) target(%arg6 : memref<256x128xf32, #tpu.memory_space<vmem>>) target_semaphore(%arg11 : memref<!tpu.dma_semaphore, #tpu.memory_space<semaphore_mem>>)
    } else {
    }
    %gt3A_76 = arith.constant 5 : i32
    %gt3A_77 = arith.cmpi sgt, %add3A_5, %gt3A_76 : i32
    %convert_element_type3A_78 = arith.extui %gt3A_77 : i1 to i32
    %cond3A_79 = arith.constant 0 : i32
    %cond3A_80 = arith.cmpi ne, %convert_element_type3A_78, %cond3A_79 : i32
    scf.if %cond3A_80 {
      %dma_wait3A = arith.constant 1280 : i32
      %dma_wait3A_184 = arith.constant 0 : i32
      %dma_wait3A_185 = tpu.memref_slice %arg4[%add3A_0, %dma_wait3A, %dma_wait3A_184] : memref<16x4096x128xf32, #tpu.memory_space<any>> -> memref<1x256x128xf32, #tpu.memory_space<any>>
      %dma_wait3A_186 = tpu.memref_squeeze %dma_wait3A_185 : memref<1x256x128xf32, #tpu.memory_space<any>> -> memref<256x128xf32, #tpu.memory_space<any>>
      tpu.wait_dma2 semaphore(%arg12 : memref<!tpu.dma_semaphore, #tpu.memory_space<semaphore_mem>>) src(%dma_wait3A_186 : memref<256x128xf32, #tpu.memory_space<any>>) dst(%arg7 : memref<256x128xf32, #tpu.memory_space<vmem>>)
      %ge3A = arith.constant 1536 : i32
      %ge3A_187 = arith.cmpi sge, %get3A_1, %ge3A : i32
      %convert_element_type3A_188 = arith.extui %ge3A_187 : i1 to i32
      %cond3A_189 = arith.constant 0 : i32
      %cond3A_190 = arith.cmpi ne, %convert_element_type3A_188, %cond3A_189 : i32
      scf.if %cond3A_190 {
        %get3A_198 = arith.constant 0 : index
        %get3A_199 = arith.constant 0 : index
        %get3A_200 = vector.load %arg10[%get3A_198, %get3A_199] : memref<256x128xf32, #tpu.memory_space<vmem>>, vector<256x128xf32>
        %get3A_201 = arith.constant 0 : index
        %get3A_202 = arith.constant 0 : index
        %get3A_203 = vector.load %arg7[%get3A_201, %get3A_202] : memref<256x128xf32, #tpu.memory_space<vmem>>, vector<256x128xf32>
        %add3A_204 = arith.addf %get3A_200, %get3A_203 : vector<256x128xf32>
        %swap3A_205 = arith.constant 0 : index
        %swap3A_206 = arith.constant 0 : index
        %swap3A_207 = vector.load %arg10[%swap3A_205, %swap3A_206] : memref<256x128xf32, #tpu.memory_space<vmem>>, vector<256x128xf32>
        tpu.vector_store %arg10[%swap3A_205, %swap3A_206], %add3A_204 {strides = array<i32>} : memref<256x128xf32, #tpu.memory_space<vmem>>, vector<256x128xf32>,
      } else {
      }
      %lt3A_191 = arith.constant 1536 : i32
      %lt3A_192 = arith.cmpi slt, %get3A_1, %lt3A_191 : i32
      %gt3A_193 = arith.constant 1280 : i32
      %gt3A_194 = arith.cmpi sgt, %get3A_1, %gt3A_193 : i32
      %and3A = arith.andi %lt3A_192, %gt3A_194 : i1
      %convert_element_type3A_195 = arith.extui %and3A : i1 to i32
      %cond3A_196 = arith.constant 0 : i32
      %cond3A_197 = arith.cmpi ne, %convert_element_type3A_195, %cond3A_196 : i32
      scf.if %cond3A_197 {
        %iota3A_198 = tpu.iota {dimensions = array<i32: 0>} : vector<256x1xi32>
        %add3A_199 = arith.constant 1280 : i32
        %add3A_200 = vector.broadcast %add3A_199 : i32 to vector<256x1xi32>
        %add3A_201 = arith.addi %iota3A_198, %add3A_200 : vector<256x1xi32>
        %get3A_202 = arith.constant 0 : index
        %get3A_203 = arith.constant 0 : index
        %get3A_204 = vector.load %arg10[%get3A_202, %get3A_203] : memref<256x128xf32, #tpu.memory_space<vmem>>, vector<256x128xf32>
        %lt3A_205 = vector.broadcast %get3A_1 : i32 to vector<256x1xi32>
        %lt3A_206 = arith.cmpi slt, %add3A_201, %lt3A_205 : vector<256x1xi32>
        %get3A_207 = arith.constant 0 : index
        %get3A_208 = arith.constant 0 : index
        %get3A_209 = vector.load %arg7[%get3A_207, %get3A_208] : memref<256x128xf32, #tpu.memory_space<vmem>>, vector<256x128xf32>
        %jit3A_210 = arith.constant 0.000000e+00 : f32
        %broadcast_in_dim3A_211 = vector.shape_cast %lt3A_206 : vector<256x1xi1> to vector<256x1xi1>
        %broadcast_in_dim3A_212 = vector.broadcast %broadcast_in_dim3A_211 : vector<256x1xi1> to vector<256x128xi1>
        %broadcast_in_dim3A_213 = vector.broadcast %jit3A_210 : f32 to vector<256x128xf32>
        %select_n3A_214 = arith.select %broadcast_in_dim3A_212, %get3A_209, %broadcast_in_dim3A_213 : vector<256x128xi1>, vector<256x128xf32>
        %add3A_215 = arith.addf %get3A_204, %select_n3A_214 : vector<256x128xf32>
        %swap3A_216 = arith.constant 0 : index
        %swap3A_217 = arith.constant 0 : index
        %swap3A_218 = vector.load %arg10[%swap3A_216, %swap3A_217] : memref<256x128xf32, #tpu.memory_space<vmem>>, vector<256x128xf32>
        tpu.vector_store %arg10[%swap3A_216, %swap3A_217], %add3A_215 {strides = array<i32>} : memref<256x128xf32, #tpu.memory_space<vmem>>, vector<256x128xf32>,
      } else {
      }
    } else {
    }
    %gt3A_81 = arith.constant 9 : i32
    %gt3A_82 = arith.cmpi sgt, %add3A_5, %gt3A_81 : i32
    %convert_element_type3A_83 = arith.extui %gt3A_82 : i1 to i32
    %cond3A_84 = arith.constant 0 : i32
    %cond3A_85 = arith.cmpi ne, %convert_element_type3A_83, %cond3A_84 : i32
    scf.if %cond3A_85 {
      %dma_start3A = arith.constant 2304 : i32
      %dma_start3A_184 = arith.constant 0 : i32
      %dma_start3A_185 = tpu.memref_slice %arg4[%add3A_0, %dma_start3A, %dma_start3A_184] : memref<16x4096x128xf32, #tpu.memory_space<any>> -> memref<1x256x128xf32, #tpu.memory_space<any>>
      %dma_start3A_186 = tpu.memref_squeeze %dma_start3A_185 : memref<1x256x128xf32, #tpu.memory_space<any>> -> memref<256x128xf32, #tpu.memory_space<any>>
      tpu.enqueue_dma source(%dma_start3A_186 : memref<256x128xf32, #tpu.memory_space<any>>) target(%arg7 : memref<256x128xf32, #tpu.memory_space<vmem>>) target_semaphore(%arg12 : memref<!tpu.dma_semaphore, #tpu.memory_space<semaphore_mem>>)
    } else {
    }
    %gt3A_86 = arith.constant 6 : i32
    %gt3A_87 = arith.cmpi sgt, %add3A_5, %gt3A_86 : i32
    %convert_element_type3A_88 = arith.extui %gt3A_87 : i1 to i32
    %cond3A_89 = arith.constant 0 : i32
    %cond3A_90 = arith.cmpi ne, %convert_element_type3A_88, %cond3A_89 : i32
    scf.if %cond3A_90 {
      %dma_wait3A = arith.constant 1536 : i32
      %dma_wait3A_184 = arith.constant 0 : i32
      %dma_wait3A_185 = tpu.memref_slice %arg4[%add3A_0, %dma_wait3A, %dma_wait3A_184] : memref<16x4096x128xf32, #tpu.memory_space<any>> -> memref<1x256x128xf32, #tpu.memory_space<any>>
      %dma_wait3A_186 = tpu.memref_squeeze %dma_wait3A_185 : memref<1x256x128xf32, #tpu.memory_space<any>> -> memref<256x128xf32, #tpu.memory_space<any>>
      tpu.wait_dma2 semaphore(%arg13 : memref<!tpu.dma_semaphore, #tpu.memory_space<semaphore_mem>>) src(%dma_wait3A_186 : memref<256x128xf32, #tpu.memory_space<any>>) dst(%arg8 : memref<256x128xf32, #tpu.memory_space<vmem>>)
      %ge3A = arith.constant 1792 : i32
      %ge3A_187 = arith.cmpi sge, %get3A_1, %ge3A : i32
      %convert_element_type3A_188 = arith.extui %ge3A_187 : i1 to i32
      %cond3A_189 = arith.constant 0 : i32
      %cond3A_190 = arith.cmpi ne, %convert_element_type3A_188, %cond3A_189 : i32
      scf.if %cond3A_190 {
        %get3A_198 = arith.constant 0 : index
        %get3A_199 = arith.constant 0 : index
        %get3A_200 = vector.load %arg10[%get3A_198, %get3A_199] : memref<256x128xf32, #tpu.memory_space<vmem>>, vector<256x128xf32>
        %get3A_201 = arith.constant 0 : index
        %get3A_202 = arith.constant 0 : index
        %get3A_203 = vector.load %arg8[%get3A_201, %get3A_202] : memref<256x128xf32, #tpu.memory_space<vmem>>, vector<256x128xf32>
        %add3A_204 = arith.addf %get3A_200, %get3A_203 : vector<256x128xf32>
        %swap3A_205 = arith.constant 0 : index
        %swap3A_206 = arith.constant 0 : index
        %swap3A_207 = vector.load %arg10[%swap3A_205, %swap3A_206] : memref<256x128xf32, #tpu.memory_space<vmem>>, vector<256x128xf32>
        tpu.vector_store %arg10[%swap3A_205, %swap3A_206], %add3A_204 {strides = array<i32>} : memref<256x128xf32, #tpu.memory_space<vmem>>, vector<256x128xf32>,
      } else {
      }
      %lt3A_191 = arith.constant 1792 : i32
      %lt3A_192 = arith.cmpi slt, %get3A_1, %lt3A_191 : i32
      %gt3A_193 = arith.constant 1536 : i32
      %gt3A_194 = arith.cmpi sgt, %get3A_1, %gt3A_193 : i32
      %and3A = arith.andi %lt3A_192, %gt3A_194 : i1
      %convert_element_type3A_195 = arith.extui %and3A : i1 to i32
      %cond3A_196 = arith.constant 0 : i32
      %cond3A_197 = arith.cmpi ne, %convert_element_type3A_195, %cond3A_196 : i32
      scf.if %cond3A_197 {
        %iota3A_198 = tpu.iota {dimensions = array<i32: 0>} : vector<256x1xi32>
        %add3A_199 = arith.constant 1536 : i32
        %add3A_200 = vector.broadcast %add3A_199 : i32 to vector<256x1xi32>
        %add3A_201 = arith.addi %iota3A_198, %add3A_200 : vector<256x1xi32>
        %get3A_202 = arith.constant 0 : index
        %get3A_203 = arith.constant 0 : index
        %get3A_204 = vector.load %arg10[%get3A_202, %get3A_203] : memref<256x128xf32, #tpu.memory_space<vmem>>, vector<256x128xf32>
        %lt3A_205 = vector.broadcast %get3A_1 : i32 to vector<256x1xi32>
        %lt3A_206 = arith.cmpi slt, %add3A_201, %lt3A_205 : vector<256x1xi32>
        %get3A_207 = arith.constant 0 : index
        %get3A_208 = arith.constant 0 : index
        %get3A_209 = vector.load %arg8[%get3A_207, %get3A_208] : memref<256x128xf32, #tpu.memory_space<vmem>>, vector<256x128xf32>
        %jit3A_210 = arith.constant 0.000000e+00 : f32
        %broadcast_in_dim3A_211 = vector.shape_cast %lt3A_206 : vector<256x1xi1> to vector<256x1xi1>
        %broadcast_in_dim3A_212 = vector.broadcast %broadcast_in_dim3A_211 : vector<256x1xi1> to vector<256x128xi1>
        %broadcast_in_dim3A_213 = vector.broadcast %jit3A_210 : f32 to vector<256x128xf32>
        %select_n3A_214 = arith.select %broadcast_in_dim3A_212, %get3A_209, %broadcast_in_dim3A_213 : vector<256x128xi1>, vector<256x128xf32>
        %add3A_215 = arith.addf %get3A_204, %select_n3A_214 : vector<256x128xf32>
        %swap3A_216 = arith.constant 0 : index
        %swap3A_217 = arith.constant 0 : index
        %swap3A_218 = vector.load %arg10[%swap3A_216, %swap3A_217] : memref<256x128xf32, #tpu.memory_space<vmem>>, vector<256x128xf32>
        tpu.vector_store %arg10[%swap3A_216, %swap3A_217], %add3A_215 {strides = array<i32>} : memref<256x128xf32, #tpu.memory_space<vmem>>, vector<256x128xf32>,
      } else {
      }
    } else {
    }
    %gt3A_91 = arith.constant 10 : i32
    %gt3A_92 = arith.cmpi sgt, %add3A_5, %gt3A_91 : i32
    %convert_element_type3A_93 = arith.extui %gt3A_92 : i1 to i32
    %cond3A_94 = arith.constant 0 : i32
    %cond3A_95 = arith.cmpi ne, %convert_element_type3A_93, %cond3A_94 : i32
    scf.if %cond3A_95 {
      %dma_start3A = arith.constant 2560 : i32
      %dma_start3A_184 = arith.constant 0 : i32
      %dma_start3A_185 = tpu.memref_slice %arg4[%add3A_0, %dma_start3A, %dma_start3A_184] : memref<16x4096x128xf32, #tpu.memory_space<any>> -> memref<1x256x128xf32, #tpu.memory_space<any>>
      %dma_start3A_186 = tpu.memref_squeeze %dma_start3A_185 : memref<1x256x128xf32, #tpu.memory_space<any>> -> memref<256x128xf32, #tpu.memory_space<any>>
      tpu.enqueue_dma source(%dma_start3A_186 : memref<256x128xf32, #tpu.memory_space<any>>) target(%arg8 : memref<256x128xf32, #tpu.memory_space<vmem>>) target_semaphore(%arg13 : memref<!tpu.dma_semaphore, #tpu.memory_space<semaphore_mem>>)
    } else {
    }
    %gt3A_96 = arith.constant 7 : i32
    %gt3A_97 = arith.cmpi sgt, %add3A_5, %gt3A_96 : i32
    %convert_element_type3A_98 = arith.extui %gt3A_97 : i1 to i32
    %cond3A_99 = arith.constant 0 : i32
    %cond3A_100 = arith.cmpi ne, %convert_element_type3A_98, %cond3A_99 : i32
    scf.if %cond3A_100 {
      %dma_wait3A = arith.constant 1792 : i32
      %dma_wait3A_184 = arith.constant 0 : i32
      %dma_wait3A_185 = tpu.memref_slice %arg4[%add3A_0, %dma_wait3A, %dma_wait3A_184] : memref<16x4096x128xf32, #tpu.memory_space<any>> -> memref<1x256x128xf32, #tpu.memory_space<any>>
      %dma_wait3A_186 = tpu.memref_squeeze %dma_wait3A_185 : memref<1x256x128xf32, #tpu.memory_space<any>> -> memref<256x128xf32, #tpu.memory_space<any>>
      tpu.wait_dma2 semaphore(%arg14 : memref<!tpu.dma_semaphore, #tpu.memory_space<semaphore_mem>>) src(%dma_wait3A_186 : memref<256x128xf32, #tpu.memory_space<any>>) dst(%arg9 : memref<256x128xf32, #tpu.memory_space<vmem>>)
      %ge3A = arith.constant 2048 : i32
      %ge3A_187 = arith.cmpi sge, %get3A_1, %ge3A : i32
      %convert_element_type3A_188 = arith.extui %ge3A_187 : i1 to i32
      %cond3A_189 = arith.constant 0 : i32
      %cond3A_190 = arith.cmpi ne, %convert_element_type3A_188, %cond3A_189 : i32
      scf.if %cond3A_190 {
        %get3A_198 = arith.constant 0 : index
        %get3A_199 = arith.constant 0 : index
        %get3A_200 = vector.load %arg10[%get3A_198, %get3A_199] : memref<256x128xf32, #tpu.memory_space<vmem>>, vector<256x128xf32>
        %get3A_201 = arith.constant 0 : index
        %get3A_202 = arith.constant 0 : index
        %get3A_203 = vector.load %arg9[%get3A_201, %get3A_202] : memref<256x128xf32, #tpu.memory_space<vmem>>, vector<256x128xf32>
        %add3A_204 = arith.addf %get3A_200, %get3A_203 : vector<256x128xf32>
        %swap3A_205 = arith.constant 0 : index
        %swap3A_206 = arith.constant 0 : index
        %swap3A_207 = vector.load %arg10[%swap3A_205, %swap3A_206] : memref<256x128xf32, #tpu.memory_space<vmem>>, vector<256x128xf32>
        tpu.vector_store %arg10[%swap3A_205, %swap3A_206], %add3A_204 {strides = array<i32>} : memref<256x128xf32, #tpu.memory_space<vmem>>, vector<256x128xf32>,
      } else {
      }
      %lt3A_191 = arith.constant 2048 : i32
      %lt3A_192 = arith.cmpi slt, %get3A_1, %lt3A_191 : i32
      %gt3A_193 = arith.constant 1792 : i32
      %gt3A_194 = arith.cmpi sgt, %get3A_1, %gt3A_193 : i32
      %and3A = arith.andi %lt3A_192, %gt3A_194 : i1
      %convert_element_type3A_195 = arith.extui %and3A : i1 to i32
      %cond3A_196 = arith.constant 0 : i32
      %cond3A_197 = arith.cmpi ne, %convert_element_type3A_195, %cond3A_196 : i32
      scf.if %cond3A_197 {
        %iota3A_198 = tpu.iota {dimensions = array<i32: 0>} : vector<256x1xi32>
        %add3A_199 = arith.constant 1792 : i32
        %add3A_200 = vector.broadcast %add3A_199 : i32 to vector<256x1xi32>
        %add3A_201 = arith.addi %iota3A_198, %add3A_200 : vector<256x1xi32>
        %get3A_202 = arith.constant 0 : index
        %get3A_203 = arith.constant 0 : index
        %get3A_204 = vector.load %arg10[%get3A_202, %get3A_203] : memref<256x128xf32, #tpu.memory_space<vmem>>, vector<256x128xf32>
        %lt3A_205 = vector.broadcast %get3A_1 : i32 to vector<256x1xi32>
        %lt3A_206 = arith.cmpi slt, %add3A_201, %lt3A_205 : vector<256x1xi32>
        %get3A_207 = arith.constant 0 : index
        %get3A_208 = arith.constant 0 : index
        %get3A_209 = vector.load %arg9[%get3A_207, %get3A_208] : memref<256x128xf32, #tpu.memory_space<vmem>>, vector<256x128xf32>
        %jit3A_210 = arith.constant 0.000000e+00 : f32
        %broadcast_in_dim3A_211 = vector.shape_cast %lt3A_206 : vector<256x1xi1> to vector<256x1xi1>
        %broadcast_in_dim3A_212 = vector.broadcast %broadcast_in_dim3A_211 : vector<256x1xi1> to vector<256x128xi1>
        %broadcast_in_dim3A_213 = vector.broadcast %jit3A_210 : f32 to vector<256x128xf32>
        %select_n3A_214 = arith.select %broadcast_in_dim3A_212, %get3A_209, %broadcast_in_dim3A_213 : vector<256x128xi1>, vector<256x128xf32>
        %add3A_215 = arith.addf %get3A_204, %select_n3A_214 : vector<256x128xf32>
        %swap3A_216 = arith.constant 0 : index
        %swap3A_217 = arith.constant 0 : index
        %swap3A_218 = vector.load %arg10[%swap3A_216, %swap3A_217] : memref<256x128xf32, #tpu.memory_space<vmem>>, vector<256x128xf32>
        tpu.vector_store %arg10[%swap3A_216, %swap3A_217], %add3A_215 {strides = array<i32>} : memref<256x128xf32, #tpu.memory_space<vmem>>, vector<256x128xf32>,
      } else {
      }
    } else {
    }
    %gt3A_101 = arith.constant 11 : i32
    %gt3A_102 = arith.cmpi sgt, %add3A_5, %gt3A_101 : i32
    %convert_element_type3A_103 = arith.extui %gt3A_102 : i1 to i32
    %cond3A_104 = arith.constant 0 : i32
    %cond3A_105 = arith.cmpi ne, %convert_element_type3A_103, %cond3A_104 : i32
    scf.if %cond3A_105 {
      %dma_start3A = arith.constant 2816 : i32
      %dma_start3A_184 = arith.constant 0 : i32
      %dma_start3A_185 = tpu.memref_slice %arg4[%add3A_0, %dma_start3A, %dma_start3A_184] : memref<16x4096x128xf32, #tpu.memory_space<any>> -> memref<1x256x128xf32, #tpu.memory_space<any>>
      %dma_start3A_186 = tpu.memref_squeeze %dma_start3A_185 : memref<1x256x128xf32, #tpu.memory_space<any>> -> memref<256x128xf32, #tpu.memory_space<any>>
      tpu.enqueue_dma source(%dma_start3A_186 : memref<256x128xf32, #tpu.memory_space<any>>) target(%arg9 : memref<256x128xf32, #tpu.memory_space<vmem>>) target_semaphore(%arg14 : memref<!tpu.dma_semaphore, #tpu.memory_space<semaphore_mem>>)
    } else {
    }
    %gt3A_106 = arith.constant 8 : i32
    %gt3A_107 = arith.cmpi sgt, %add3A_5, %gt3A_106 : i32
    %convert_element_type3A_108 = arith.extui %gt3A_107 : i1 to i32
    %cond3A_109 = arith.constant 0 : i32
    %cond3A_110 = arith.cmpi ne, %convert_element_type3A_108, %cond3A_109 : i32
    scf.if %cond3A_110 {
      %dma_wait3A = arith.constant 2048 : i32
      %dma_wait3A_184 = arith.constant 0 : i32
      %dma_wait3A_185 = tpu.memref_slice %arg4[%add3A_0, %dma_wait3A, %dma_wait3A_184] : memref<16x4096x128xf32, #tpu.memory_space<any>> -> memref<1x256x128xf32, #tpu.memory_space<any>>
      %dma_wait3A_186 = tpu.memref_squeeze %dma_wait3A_185 : memref<1x256x128xf32, #tpu.memory_space<any>> -> memref<256x128xf32, #tpu.memory_space<any>>
      tpu.wait_dma2 semaphore(%arg11 : memref<!tpu.dma_semaphore, #tpu.memory_space<semaphore_mem>>) src(%dma_wait3A_186 : memref<256x128xf32, #tpu.memory_space<any>>) dst(%arg6 : memref<256x128xf32, #tpu.memory_space<vmem>>)
      %ge3A = arith.constant 2304 : i32
      %ge3A_187 = arith.cmpi sge, %get3A_1, %ge3A : i32
      %convert_element_type3A_188 = arith.extui %ge3A_187 : i1 to i32
      %cond3A_189 = arith.constant 0 : i32
      %cond3A_190 = arith.cmpi ne, %convert_element_type3A_188, %cond3A_189 : i32
      scf.if %cond3A_190 {
        %get3A_198 = arith.constant 0 : index
        %get3A_199 = arith.constant 0 : index
        %get3A_200 = vector.load %arg10[%get3A_198, %get3A_199] : memref<256x128xf32, #tpu.memory_space<vmem>>, vector<256x128xf32>
        %get3A_201 = arith.constant 0 : index
        %get3A_202 = arith.constant 0 : index
        %get3A_203 = vector.load %arg6[%get3A_201, %get3A_202] : memref<256x128xf32, #tpu.memory_space<vmem>>, vector<256x128xf32>
        %add3A_204 = arith.addf %get3A_200, %get3A_203 : vector<256x128xf32>
        %swap3A_205 = arith.constant 0 : index
        %swap3A_206 = arith.constant 0 : index
        %swap3A_207 = vector.load %arg10[%swap3A_205, %swap3A_206] : memref<256x128xf32, #tpu.memory_space<vmem>>, vector<256x128xf32>
        tpu.vector_store %arg10[%swap3A_205, %swap3A_206], %add3A_204 {strides = array<i32>} : memref<256x128xf32, #tpu.memory_space<vmem>>, vector<256x128xf32>,
      } else {
      }
      %lt3A_191 = arith.constant 2304 : i32
      %lt3A_192 = arith.cmpi slt, %get3A_1, %lt3A_191 : i32
      %gt3A_193 = arith.constant 2048 : i32
      %gt3A_194 = arith.cmpi sgt, %get3A_1, %gt3A_193 : i32
      %and3A = arith.andi %lt3A_192, %gt3A_194 : i1
      %convert_element_type3A_195 = arith.extui %and3A : i1 to i32
      %cond3A_196 = arith.constant 0 : i32
      %cond3A_197 = arith.cmpi ne, %convert_element_type3A_195, %cond3A_196 : i32
      scf.if %cond3A_197 {
        %iota3A_198 = tpu.iota {dimensions = array<i32: 0>} : vector<256x1xi32>
        %add3A_199 = arith.constant 2048 : i32
        %add3A_200 = vector.broadcast %add3A_199 : i32 to vector<256x1xi32>
        %add3A_201 = arith.addi %iota3A_198, %add3A_200 : vector<256x1xi32>
        %get3A_202 = arith.constant 0 : index
        %get3A_203 = arith.constant 0 : index
        %get3A_204 = vector.load %arg10[%get3A_202, %get3A_203] : memref<256x128xf32, #tpu.memory_space<vmem>>, vector<256x128xf32>
        %lt3A_205 = vector.broadcast %get3A_1 : i32 to vector<256x1xi32>
        %lt3A_206 = arith.cmpi slt, %add3A_201, %lt3A_205 : vector<256x1xi32>
        %get3A_207 = arith.constant 0 : index
        %get3A_208 = arith.constant 0 : index
        %get3A_209 = vector.load %arg6[%get3A_207, %get3A_208] : memref<256x128xf32, #tpu.memory_space<vmem>>, vector<256x128xf32>
        %jit3A_210 = arith.constant 0.000000e+00 : f32
        %broadcast_in_dim3A_211 = vector.shape_cast %lt3A_206 : vector<256x1xi1> to vector<256x1xi1>
        %broadcast_in_dim3A_212 = vector.broadcast %broadcast_in_dim3A_211 : vector<256x1xi1> to vector<256x128xi1>
        %broadcast_in_dim3A_213 = vector.broadcast %jit3A_210 : f32 to vector<256x128xf32>
        %select_n3A_214 = arith.select %broadcast_in_dim3A_212, %get3A_209, %broadcast_in_dim3A_213 : vector<256x128xi1>, vector<256x128xf32>
        %add3A_215 = arith.addf %get3A_204, %select_n3A_214 : vector<256x128xf32>
        %swap3A_216 = arith.constant 0 : index
        %swap3A_217 = arith.constant 0 : index
        %swap3A_218 = vector.load %arg10[%swap3A_216, %swap3A_217] : memref<256x128xf32, #tpu.memory_space<vmem>>, vector<256x128xf32>
        tpu.vector_store %arg10[%swap3A_216, %swap3A_217], %add3A_215 {strides = array<i32>} : memref<256x128xf32, #tpu.memory_space<vmem>>, vector<256x128xf32>,
      } else {
      }
    } else {
    }
    %gt3A_111 = arith.constant 12 : i32
    %gt3A_112 = arith.cmpi sgt, %add3A_5, %gt3A_111 : i32
    %convert_element_type3A_113 = arith.extui %gt3A_112 : i1 to i32
    %cond3A_114 = arith.constant 0 : i32
    %cond3A_115 = arith.cmpi ne, %convert_element_type3A_113, %cond3A_114 : i32
    scf.if %cond3A_115 {
      %dma_start3A = arith.constant 3072 : i32
      %dma_start3A_184 = arith.constant 0 : i32
      %dma_start3A_185 = tpu.memref_slice %arg4[%add3A_0, %dma_start3A, %dma_start3A_184] : memref<16x4096x128xf32, #tpu.memory_space<any>> -> memref<1x256x128xf32, #tpu.memory_space<any>>
      %dma_start3A_186 = tpu.memref_squeeze %dma_start3A_185 : memref<1x256x128xf32, #tpu.memory_space<any>> -> memref<256x128xf32, #tpu.memory_space<any>>
      tpu.enqueue_dma source(%dma_start3A_186 : memref<256x128xf32, #tpu.memory_space<any>>) target(%arg6 : memref<256x128xf32, #tpu.memory_space<vmem>>) target_semaphore(%arg11 : memref<!tpu.dma_semaphore, #tpu.memory_space<semaphore_mem>>)
    } else {
    }
    %gt3A_116 = arith.constant 9 : i32
    %gt3A_117 = arith.cmpi sgt, %add3A_5, %gt3A_116 : i32
    %convert_element_type3A_118 = arith.extui %gt3A_117 : i1 to i32
    %cond3A_119 = arith.constant 0 : i32
    %cond3A_120 = arith.cmpi ne, %convert_element_type3A_118, %cond3A_119 : i32
    scf.if %cond3A_120 {
      %dma_wait3A = arith.constant 2304 : i32
      %dma_wait3A_184 = arith.constant 0 : i32
      %dma_wait3A_185 = tpu.memref_slice %arg4[%add3A_0, %dma_wait3A, %dma_wait3A_184] : memref<16x4096x128xf32, #tpu.memory_space<any>> -> memref<1x256x128xf32, #tpu.memory_space<any>>
      %dma_wait3A_186 = tpu.memref_squeeze %dma_wait3A_185 : memref<1x256x128xf32, #tpu.memory_space<any>> -> memref<256x128xf32, #tpu.memory_space<any>>
      tpu.wait_dma2 semaphore(%arg12 : memref<!tpu.dma_semaphore, #tpu.memory_space<semaphore_mem>>) src(%dma_wait3A_186 : memref<256x128xf32, #tpu.memory_space<any>>) dst(%arg7 : memref<256x128xf32, #tpu.memory_space<vmem>>)
      %ge3A = arith.constant 2560 : i32
      %ge3A_187 = arith.cmpi sge, %get3A_1, %ge3A : i32
      %convert_element_type3A_188 = arith.extui %ge3A_187 : i1 to i32
      %cond3A_189 = arith.constant 0 : i32
      %cond3A_190 = arith.cmpi ne, %convert_element_type3A_188, %cond3A_189 : i32
      scf.if %cond3A_190 {
        %get3A_198 = arith.constant 0 : index
        %get3A_199 = arith.constant 0 : index
        %get3A_200 = vector.load %arg10[%get3A_198, %get3A_199] : memref<256x128xf32, #tpu.memory_space<vmem>>, vector<256x128xf32>
        %get3A_201 = arith.constant 0 : index
        %get3A_202 = arith.constant 0 : index
        %get3A_203 = vector.load %arg7[%get3A_201, %get3A_202] : memref<256x128xf32, #tpu.memory_space<vmem>>, vector<256x128xf32>
        %add3A_204 = arith.addf %get3A_200, %get3A_203 : vector<256x128xf32>
        %swap3A_205 = arith.constant 0 : index
        %swap3A_206 = arith.constant 0 : index
        %swap3A_207 = vector.load %arg10[%swap3A_205, %swap3A_206] : memref<256x128xf32, #tpu.memory_space<vmem>>, vector<256x128xf32>
        tpu.vector_store %arg10[%swap3A_205, %swap3A_206], %add3A_204 {strides = array<i32>} : memref<256x128xf32, #tpu.memory_space<vmem>>, vector<256x128xf32>,
      } else {
      }
      %lt3A_191 = arith.constant 2560 : i32
      %lt3A_192 = arith.cmpi slt, %get3A_1, %lt3A_191 : i32
      %gt3A_193 = arith.constant 2304 : i32
      %gt3A_194 = arith.cmpi sgt, %get3A_1, %gt3A_193 : i32
      %and3A = arith.andi %lt3A_192, %gt3A_194 : i1
      %convert_element_type3A_195 = arith.extui %and3A : i1 to i32
      %cond3A_196 = arith.constant 0 : i32
      %cond3A_197 = arith.cmpi ne, %convert_element_type3A_195, %cond3A_196 : i32
      scf.if %cond3A_197 {
        %iota3A_198 = tpu.iota {dimensions = array<i32: 0>} : vector<256x1xi32>
        %add3A_199 = arith.constant 2304 : i32
        %add3A_200 = vector.broadcast %add3A_199 : i32 to vector<256x1xi32>
        %add3A_201 = arith.addi %iota3A_198, %add3A_200 : vector<256x1xi32>
        %get3A_202 = arith.constant 0 : index
        %get3A_203 = arith.constant 0 : index
        %get3A_204 = vector.load %arg10[%get3A_202, %get3A_203] : memref<256x128xf32, #tpu.memory_space<vmem>>, vector<256x128xf32>
        %lt3A_205 = vector.broadcast %get3A_1 : i32 to vector<256x1xi32>
        %lt3A_206 = arith.cmpi slt, %add3A_201, %lt3A_205 : vector<256x1xi32>
        %get3A_207 = arith.constant 0 : index
        %get3A_208 = arith.constant 0 : index
        %get3A_209 = vector.load %arg7[%get3A_207, %get3A_208] : memref<256x128xf32, #tpu.memory_space<vmem>>, vector<256x128xf32>
        %jit3A_210 = arith.constant 0.000000e+00 : f32
        %broadcast_in_dim3A_211 = vector.shape_cast %lt3A_206 : vector<256x1xi1> to vector<256x1xi1>
        %broadcast_in_dim3A_212 = vector.broadcast %broadcast_in_dim3A_211 : vector<256x1xi1> to vector<256x128xi1>
        %broadcast_in_dim3A_213 = vector.broadcast %jit3A_210 : f32 to vector<256x128xf32>
        %select_n3A_214 = arith.select %broadcast_in_dim3A_212, %get3A_209, %broadcast_in_dim3A_213 : vector<256x128xi1>, vector<256x128xf32>
        %add3A_215 = arith.addf %get3A_204, %select_n3A_214 : vector<256x128xf32>
        %swap3A_216 = arith.constant 0 : index
        %swap3A_217 = arith.constant 0 : index
        %swap3A_218 = vector.load %arg10[%swap3A_216, %swap3A_217] : memref<256x128xf32, #tpu.memory_space<vmem>>, vector<256x128xf32>
        tpu.vector_store %arg10[%swap3A_216, %swap3A_217], %add3A_215 {strides = array<i32>} : memref<256x128xf32, #tpu.memory_space<vmem>>, vector<256x128xf32>,
      } else {
      }
    } else {
    }
    %gt3A_121 = arith.constant 13 : i32
    %gt3A_122 = arith.cmpi sgt, %add3A_5, %gt3A_121 : i32
    %convert_element_type3A_123 = arith.extui %gt3A_122 : i1 to i32
    %cond3A_124 = arith.constant 0 : i32
    %cond3A_125 = arith.cmpi ne, %convert_element_type3A_123, %cond3A_124 : i32
    scf.if %cond3A_125 {
      %dma_start3A = arith.constant 3328 : i32
      %dma_start3A_184 = arith.constant 0 : i32
      %dma_start3A_185 = tpu.memref_slice %arg4[%add3A_0, %dma_start3A, %dma_start3A_184] : memref<16x4096x128xf32, #tpu.memory_space<any>> -> memref<1x256x128xf32, #tpu.memory_space<any>>
      %dma_start3A_186 = tpu.memref_squeeze %dma_start3A_185 : memref<1x256x128xf32, #tpu.memory_space<any>> -> memref<256x128xf32, #tpu.memory_space<any>>
      tpu.enqueue_dma source(%dma_start3A_186 : memref<256x128xf32, #tpu.memory_space<any>>) target(%arg7 : memref<256x128xf32, #tpu.memory_space<vmem>>) target_semaphore(%arg12 : memref<!tpu.dma_semaphore, #tpu.memory_space<semaphore_mem>>)
    } else {
    }
    %gt3A_126 = arith.constant 10 : i32
    %gt3A_127 = arith.cmpi sgt, %add3A_5, %gt3A_126 : i32
    %convert_element_type3A_128 = arith.extui %gt3A_127 : i1 to i32
    %cond3A_129 = arith.constant 0 : i32
    %cond3A_130 = arith.cmpi ne, %convert_element_type3A_128, %cond3A_129 : i32
    scf.if %cond3A_130 {
      %dma_wait3A = arith.constant 2560 : i32
      %dma_wait3A_184 = arith.constant 0 : i32
      %dma_wait3A_185 = tpu.memref_slice %arg4[%add3A_0, %dma_wait3A, %dma_wait3A_184] : memref<16x4096x128xf32, #tpu.memory_space<any>> -> memref<1x256x128xf32, #tpu.memory_space<any>>
      %dma_wait3A_186 = tpu.memref_squeeze %dma_wait3A_185 : memref<1x256x128xf32, #tpu.memory_space<any>> -> memref<256x128xf32, #tpu.memory_space<any>>
      tpu.wait_dma2 semaphore(%arg13 : memref<!tpu.dma_semaphore, #tpu.memory_space<semaphore_mem>>) src(%dma_wait3A_186 : memref<256x128xf32, #tpu.memory_space<any>>) dst(%arg8 : memref<256x128xf32, #tpu.memory_space<vmem>>)
      %ge3A = arith.constant 2816 : i32
      %ge3A_187 = arith.cmpi sge, %get3A_1, %ge3A : i32
      %convert_element_type3A_188 = arith.extui %ge3A_187 : i1 to i32
      %cond3A_189 = arith.constant 0 : i32
      %cond3A_190 = arith.cmpi ne, %convert_element_type3A_188, %cond3A_189 : i32
      scf.if %cond3A_190 {
        %get3A_198 = arith.constant 0 : index
        %get3A_199 = arith.constant 0 : index
        %get3A_200 = vector.load %arg10[%get3A_198, %get3A_199] : memref<256x128xf32, #tpu.memory_space<vmem>>, vector<256x128xf32>
        %get3A_201 = arith.constant 0 : index
        %get3A_202 = arith.constant 0 : index
        %get3A_203 = vector.load %arg8[%get3A_201, %get3A_202] : memref<256x128xf32, #tpu.memory_space<vmem>>, vector<256x128xf32>
        %add3A_204 = arith.addf %get3A_200, %get3A_203 : vector<256x128xf32>
        %swap3A_205 = arith.constant 0 : index
        %swap3A_206 = arith.constant 0 : index
        %swap3A_207 = vector.load %arg10[%swap3A_205, %swap3A_206] : memref<256x128xf32, #tpu.memory_space<vmem>>, vector<256x128xf32>
        tpu.vector_store %arg10[%swap3A_205, %swap3A_206], %add3A_204 {strides = array<i32>} : memref<256x128xf32, #tpu.memory_space<vmem>>, vector<256x128xf32>,
      } else {
      }
      %lt3A_191 = arith.constant 2816 : i32
      %lt3A_192 = arith.cmpi slt, %get3A_1, %lt3A_191 : i32
      %gt3A_193 = arith.constant 2560 : i32
      %gt3A_194 = arith.cmpi sgt, %get3A_1, %gt3A_193 : i32
      %and3A = arith.andi %lt3A_192, %gt3A_194 : i1
      %convert_element_type3A_195 = arith.extui %and3A : i1 to i32
      %cond3A_196 = arith.constant 0 : i32
      %cond3A_197 = arith.cmpi ne, %convert_element_type3A_195, %cond3A_196 : i32
      scf.if %cond3A_197 {
        %iota3A_198 = tpu.iota {dimensions = array<i32: 0>} : vector<256x1xi32>
        %add3A_199 = arith.constant 2560 : i32
        %add3A_200 = vector.broadcast %add3A_199 : i32 to vector<256x1xi32>
        %add3A_201 = arith.addi %iota3A_198, %add3A_200 : vector<256x1xi32>
        %get3A_202 = arith.constant 0 : index
        %get3A_203 = arith.constant 0 : index
        %get3A_204 = vector.load %arg10[%get3A_202, %get3A_203] : memref<256x128xf32, #tpu.memory_space<vmem>>, vector<256x128xf32>
        %lt3A_205 = vector.broadcast %get3A_1 : i32 to vector<256x1xi32>
        %lt3A_206 = arith.cmpi slt, %add3A_201, %lt3A_205 : vector<256x1xi32>
        %get3A_207 = arith.constant 0 : index
        %get3A_208 = arith.constant 0 : index
        %get3A_209 = vector.load %arg8[%get3A_207, %get3A_208] : memref<256x128xf32, #tpu.memory_space<vmem>>, vector<256x128xf32>
        %jit3A_210 = arith.constant 0.000000e+00 : f32
        %broadcast_in_dim3A_211 = vector.shape_cast %lt3A_206 : vector<256x1xi1> to vector<256x1xi1>
        %broadcast_in_dim3A_212 = vector.broadcast %broadcast_in_dim3A_211 : vector<256x1xi1> to vector<256x128xi1>
        %broadcast_in_dim3A_213 = vector.broadcast %jit3A_210 : f32 to vector<256x128xf32>
        %select_n3A_214 = arith.select %broadcast_in_dim3A_212, %get3A_209, %broadcast_in_dim3A_213 : vector<256x128xi1>, vector<256x128xf32>
        %add3A_215 = arith.addf %get3A_204, %select_n3A_214 : vector<256x128xf32>
        %swap3A_216 = arith.constant 0 : index
        %swap3A_217 = arith.constant 0 : index
        %swap3A_218 = vector.load %arg10[%swap3A_216, %swap3A_217] : memref<256x128xf32, #tpu.memory_space<vmem>>, vector<256x128xf32>
        tpu.vector_store %arg10[%swap3A_216, %swap3A_217], %add3A_215 {strides = array<i32>} : memref<256x128xf32, #tpu.memory_space<vmem>>, vector<256x128xf32>,
      } else {
      }
    } else {
    }
    %gt3A_131 = arith.constant 14 : i32
    %gt3A_132 = arith.cmpi sgt, %add3A_5, %gt3A_131 : i32
    %convert_element_type3A_133 = arith.extui %gt3A_132 : i1 to i32
    %cond3A_134 = arith.constant 0 : i32
    %cond3A_135 = arith.cmpi ne, %convert_element_type3A_133, %cond3A_134 : i32
    scf.if %cond3A_135 {
      %dma_start3A = arith.constant 3584 : i32
      %dma_start3A_184 = arith.constant 0 : i32
      %dma_start3A_185 = tpu.memref_slice %arg4[%add3A_0, %dma_start3A, %dma_start3A_184] : memref<16x4096x128xf32, #tpu.memory_space<any>> -> memref<1x256x128xf32, #tpu.memory_space<any>>
      %dma_start3A_186 = tpu.memref_squeeze %dma_start3A_185 : memref<1x256x128xf32, #tpu.memory_space<any>> -> memref<256x128xf32, #tpu.memory_space<any>>
      tpu.enqueue_dma source(%dma_start3A_186 : memref<256x128xf32, #tpu.memory_space<any>>) target(%arg8 : memref<256x128xf32, #tpu.memory_space<vmem>>) target_semaphore(%arg13 : memref<!tpu.dma_semaphore, #tpu.memory_space<semaphore_mem>>)
    } else {
    }
    %gt3A_136 = arith.constant 11 : i32
    %gt3A_137 = arith.cmpi sgt, %add3A_5, %gt3A_136 : i32
    %convert_element_type3A_138 = arith.extui %gt3A_137 : i1 to i32
    %cond3A_139 = arith.constant 0 : i32
    %cond3A_140 = arith.cmpi ne, %convert_element_type3A_138, %cond3A_139 : i32
    scf.if %cond3A_140 {
      %dma_wait3A = arith.constant 2816 : i32
      %dma_wait3A_184 = arith.constant 0 : i32
      %dma_wait3A_185 = tpu.memref_slice %arg4[%add3A_0, %dma_wait3A, %dma_wait3A_184] : memref<16x4096x128xf32, #tpu.memory_space<any>> -> memref<1x256x128xf32, #tpu.memory_space<any>>
      %dma_wait3A_186 = tpu.memref_squeeze %dma_wait3A_185 : memref<1x256x128xf32, #tpu.memory_space<any>> -> memref<256x128xf32, #tpu.memory_space<any>>
      tpu.wait_dma2 semaphore(%arg14 : memref<!tpu.dma_semaphore, #tpu.memory_space<semaphore_mem>>) src(%dma_wait3A_186 : memref<256x128xf32, #tpu.memory_space<any>>) dst(%arg9 : memref<256x128xf32, #tpu.memory_space<vmem>>)
      %ge3A = arith.constant 3072 : i32
      %ge3A_187 = arith.cmpi sge, %get3A_1, %ge3A : i32
      %convert_element_type3A_188 = arith.extui %ge3A_187 : i1 to i32
      %cond3A_189 = arith.constant 0 : i32
      %cond3A_190 = arith.cmpi ne, %convert_element_type3A_188, %cond3A_189 : i32
      scf.if %cond3A_190 {
        %get3A_198 = arith.constant 0 : index
        %get3A_199 = arith.constant 0 : index
        %get3A_200 = vector.load %arg10[%get3A_198, %get3A_199] : memref<256x128xf32, #tpu.memory_space<vmem>>, vector<256x128xf32>
        %get3A_201 = arith.constant 0 : index
        %get3A_202 = arith.constant 0 : index
        %get3A_203 = vector.load %arg9[%get3A_201, %get3A_202] : memref<256x128xf32, #tpu.memory_space<vmem>>, vector<256x128xf32>
        %add3A_204 = arith.addf %get3A_200, %get3A_203 : vector<256x128xf32>
        %swap3A_205 = arith.constant 0 : index
        %swap3A_206 = arith.constant 0 : index
        %swap3A_207 = vector.load %arg10[%swap3A_205, %swap3A_206] : memref<256x128xf32, #tpu.memory_space<vmem>>, vector<256x128xf32>
        tpu.vector_store %arg10[%swap3A_205, %swap3A_206], %add3A_204 {strides = array<i32>} : memref<256x128xf32, #tpu.memory_space<vmem>>, vector<256x128xf32>,
      } else {
      }
      %lt3A_191 = arith.constant 3072 : i32
      %lt3A_192 = arith.cmpi slt, %get3A_1, %lt3A_191 : i32
      %gt3A_193 = arith.constant 2816 : i32
      %gt3A_194 = arith.cmpi sgt, %get3A_1, %gt3A_193 : i32
      %and3A = arith.andi %lt3A_192, %gt3A_194 : i1
      %convert_element_type3A_195 = arith.extui %and3A : i1 to i32
      %cond3A_196 = arith.constant 0 : i32
      %cond3A_197 = arith.cmpi ne, %convert_element_type3A_195, %cond3A_196 : i32
      scf.if %cond3A_197 {
        %iota3A_198 = tpu.iota {dimensions = array<i32: 0>} : vector<256x1xi32>
        %add3A_199 = arith.constant 2816 : i32
        %add3A_200 = vector.broadcast %add3A_199 : i32 to vector<256x1xi32>
        %add3A_201 = arith.addi %iota3A_198, %add3A_200 : vector<256x1xi32>
        %get3A_202 = arith.constant 0 : index
        %get3A_203 = arith.constant 0 : index
        %get3A_204 = vector.load %arg10[%get3A_202, %get3A_203] : memref<256x128xf32, #tpu.memory_space<vmem>>, vector<256x128xf32>
        %lt3A_205 = vector.broadcast %get3A_1 : i32 to vector<256x1xi32>
        %lt3A_206 = arith.cmpi slt, %add3A_201, %lt3A_205 : vector<256x1xi32>
        %get3A_207 = arith.constant 0 : index
        %get3A_208 = arith.constant 0 : index
        %get3A_209 = vector.load %arg9[%get3A_207, %get3A_208] : memref<256x128xf32, #tpu.memory_space<vmem>>, vector<256x128xf32>
        %jit3A_210 = arith.constant 0.000000e+00 : f32
        %broadcast_in_dim3A_211 = vector.shape_cast %lt3A_206 : vector<256x1xi1> to vector<256x1xi1>
        %broadcast_in_dim3A_212 = vector.broadcast %broadcast_in_dim3A_211 : vector<256x1xi1> to vector<256x128xi1>
        %broadcast_in_dim3A_213 = vector.broadcast %jit3A_210 : f32 to vector<256x128xf32>
        %select_n3A_214 = arith.select %broadcast_in_dim3A_212, %get3A_209, %broadcast_in_dim3A_213 : vector<256x128xi1>, vector<256x128xf32>
        %add3A_215 = arith.addf %get3A_204, %select_n3A_214 : vector<256x128xf32>
        %swap3A_216 = arith.constant 0 : index
        %swap3A_217 = arith.constant 0 : index
        %swap3A_218 = vector.load %arg10[%swap3A_216, %swap3A_217] : memref<256x128xf32, #tpu.memory_space<vmem>>, vector<256x128xf32>
        tpu.vector_store %arg10[%swap3A_216, %swap3A_217], %add3A_215 {strides = array<i32>} : memref<256x128xf32, #tpu.memory_space<vmem>>, vector<256x128xf32>,
      } else {
      }
    } else {
    }
    %gt3A_141 = arith.constant 15 : i32
    %gt3A_142 = arith.cmpi sgt, %add3A_5, %gt3A_141 : i32
    %convert_element_type3A_143 = arith.extui %gt3A_142 : i1 to i32
    %cond3A_144 = arith.constant 0 : i32
    %cond3A_145 = arith.cmpi ne, %convert_element_type3A_143, %cond3A_144 : i32
    scf.if %cond3A_145 {
      %dma_start3A = arith.constant 3840 : i32
      %dma_start3A_184 = arith.constant 0 : i32
      %dma_start3A_185 = tpu.memref_slice %arg4[%add3A_0, %dma_start3A, %dma_start3A_184] : memref<16x4096x128xf32, #tpu.memory_space<any>> -> memref<1x256x128xf32, #tpu.memory_space<any>>
      %dma_start3A_186 = tpu.memref_squeeze %dma_start3A_185 : memref<1x256x128xf32, #tpu.memory_space<any>> -> memref<256x128xf32, #tpu.memory_space<any>>
      tpu.enqueue_dma source(%dma_start3A_186 : memref<256x128xf32, #tpu.memory_space<any>>) target(%arg9 : memref<256x128xf32, #tpu.memory_space<vmem>>) target_semaphore(%arg14 : memref<!tpu.dma_semaphore, #tpu.memory_space<semaphore_mem>>)
    } else {
    }
    %gt3A_146 = arith.constant 12 : i32
    %gt3A_147 = arith.cmpi sgt, %add3A_5, %gt3A_146 : i32
    %convert_element_type3A_148 = arith.extui %gt3A_147 : i1 to i32
    %cond3A_149 = arith.constant 0 : i32
    %cond3A_150 = arith.cmpi ne, %convert_element_type3A_148, %cond3A_149 : i32
    scf.if %cond3A_150 {
      %dma_wait3A = arith.constant 3072 : i32
      %dma_wait3A_184 = arith.constant 0 : i32
      %dma_wait3A_185 = tpu.memref_slice %arg4[%add3A_0, %dma_wait3A, %dma_wait3A_184] : memref<16x4096x128xf32, #tpu.memory_space<any>> -> memref<1x256x128xf32, #tpu.memory_space<any>>
      %dma_wait3A_186 = tpu.memref_squeeze %dma_wait3A_185 : memref<1x256x128xf32, #tpu.memory_space<any>> -> memref<256x128xf32, #tpu.memory_space<any>>
      tpu.wait_dma2 semaphore(%arg11 : memref<!tpu.dma_semaphore, #tpu.memory_space<semaphore_mem>>) src(%dma_wait3A_186 : memref<256x128xf32, #tpu.memory_space<any>>) dst(%arg6 : memref<256x128xf32, #tpu.memory_space<vmem>>)
      %ge3A = arith.constant 3328 : i32
      %ge3A_187 = arith.cmpi sge, %get3A_1, %ge3A : i32
      %convert_element_type3A_188 = arith.extui %ge3A_187 : i1 to i32
      %cond3A_189 = arith.constant 0 : i32
      %cond3A_190 = arith.cmpi ne, %convert_element_type3A_188, %cond3A_189 : i32
      scf.if %cond3A_190 {
        %get3A_198 = arith.constant 0 : index
        %get3A_199 = arith.constant 0 : index
        %get3A_200 = vector.load %arg10[%get3A_198, %get3A_199] : memref<256x128xf32, #tpu.memory_space<vmem>>, vector<256x128xf32>
        %get3A_201 = arith.constant 0 : index
        %get3A_202 = arith.constant 0 : index
        %get3A_203 = vector.load %arg6[%get3A_201, %get3A_202] : memref<256x128xf32, #tpu.memory_space<vmem>>, vector<256x128xf32>
        %add3A_204 = arith.addf %get3A_200, %get3A_203 : vector<256x128xf32>
        %swap3A_205 = arith.constant 0 : index
        %swap3A_206 = arith.constant 0 : index
        %swap3A_207 = vector.load %arg10[%swap3A_205, %swap3A_206] : memref<256x128xf32, #tpu.memory_space<vmem>>, vector<256x128xf32>
        tpu.vector_store %arg10[%swap3A_205, %swap3A_206], %add3A_204 {strides = array<i32>} : memref<256x128xf32, #tpu.memory_space<vmem>>, vector<256x128xf32>,
      } else {
      }
      %lt3A_191 = arith.constant 3328 : i32
      %lt3A_192 = arith.cmpi slt, %get3A_1, %lt3A_191 : i32
      %gt3A_193 = arith.constant 3072 : i32
      %gt3A_194 = arith.cmpi sgt, %get3A_1, %gt3A_193 : i32
      %and3A = arith.andi %lt3A_192, %gt3A_194 : i1
      %convert_element_type3A_195 = arith.extui %and3A : i1 to i32
      %cond3A_196 = arith.constant 0 : i32
      %cond3A_197 = arith.cmpi ne, %convert_element_type3A_195, %cond3A_196 : i32
      scf.if %cond3A_197 {
        %iota3A_198 = tpu.iota {dimensions = array<i32: 0>} : vector<256x1xi32>
        %add3A_199 = arith.constant 3072 : i32
        %add3A_200 = vector.broadcast %add3A_199 : i32 to vector<256x1xi32>
        %add3A_201 = arith.addi %iota3A_198, %add3A_200 : vector<256x1xi32>
        %get3A_202 = arith.constant 0 : index
        %get3A_203 = arith.constant 0 : index
        %get3A_204 = vector.load %arg10[%get3A_202, %get3A_203] : memref<256x128xf32, #tpu.memory_space<vmem>>, vector<256x128xf32>
        %lt3A_205 = vector.broadcast %get3A_1 : i32 to vector<256x1xi32>
        %lt3A_206 = arith.cmpi slt, %add3A_201, %lt3A_205 : vector<256x1xi32>
        %get3A_207 = arith.constant 0 : index
        %get3A_208 = arith.constant 0 : index
        %get3A_209 = vector.load %arg6[%get3A_207, %get3A_208] : memref<256x128xf32, #tpu.memory_space<vmem>>, vector<256x128xf32>
        %jit3A_210 = arith.constant 0.000000e+00 : f32
        %broadcast_in_dim3A_211 = vector.shape_cast %lt3A_206 : vector<256x1xi1> to vector<256x1xi1>
        %broadcast_in_dim3A_212 = vector.broadcast %broadcast_in_dim3A_211 : vector<256x1xi1> to vector<256x128xi1>
        %broadcast_in_dim3A_213 = vector.broadcast %jit3A_210 : f32 to vector<256x128xf32>
        %select_n3A_214 = arith.select %broadcast_in_dim3A_212, %get3A_209, %broadcast_in_dim3A_213 : vector<256x128xi1>, vector<256x128xf32>
        %add3A_215 = arith.addf %get3A_204, %select_n3A_214 : vector<256x128xf32>
        %swap3A_216 = arith.constant 0 : index
        %swap3A_217 = arith.constant 0 : index
        %swap3A_218 = vector.load %arg10[%swap3A_216, %swap3A_217] : memref<256x128xf32, #tpu.memory_space<vmem>>, vector<256x128xf32>
        tpu.vector_store %arg10[%swap3A_216, %swap3A_217], %add3A_215 {strides = array<i32>} : memref<256x128xf32, #tpu.memory_space<vmem>>, vector<256x128xf32>,
      } else {
      }
    } else {
    }
    %gt3A_151 = arith.constant 13 : i32
    %gt3A_152 = arith.cmpi sgt, %add3A_5, %gt3A_151 : i32
    %convert_element_type3A_153 = arith.extui %gt3A_152 : i1 to i32
    %cond3A_154 = arith.constant 0 : i32
    %cond3A_155 = arith.cmpi ne, %convert_element_type3A_153, %cond3A_154 : i32
    scf.if %cond3A_155 {
      %dma_wait3A = arith.constant 3328 : i32
      %dma_wait3A_184 = arith.constant 0 : i32
      %dma_wait3A_185 = tpu.memref_slice %arg4[%add3A_0, %dma_wait3A, %dma_wait3A_184] : memref<16x4096x128xf32, #tpu.memory_space<any>> -> memref<1x256x128xf32, #tpu.memory_space<any>>
      %dma_wait3A_186 = tpu.memref_squeeze %dma_wait3A_185 : memref<1x256x128xf32, #tpu.memory_space<any>> -> memref<256x128xf32, #tpu.memory_space<any>>
      tpu.wait_dma2 semaphore(%arg12 : memref<!tpu.dma_semaphore, #tpu.memory_space<semaphore_mem>>) src(%dma_wait3A_186 : memref<256x128xf32, #tpu.memory_space<any>>) dst(%arg7 : memref<256x128xf32, #tpu.memory_space<vmem>>)
      %ge3A = arith.constant 3584 : i32
      %ge3A_187 = arith.cmpi sge, %get3A_1, %ge3A : i32
      %convert_element_type3A_188 = arith.extui %ge3A_187 : i1 to i32
      %cond3A_189 = arith.constant 0 : i32
      %cond3A_190 = arith.cmpi ne, %convert_element_type3A_188, %cond3A_189 : i32
      scf.if %cond3A_190 {
        %get3A_198 = arith.constant 0 : index
        %get3A_199 = arith.constant 0 : index
        %get3A_200 = vector.load %arg10[%get3A_198, %get3A_199] : memref<256x128xf32, #tpu.memory_space<vmem>>, vector<256x128xf32>
        %get3A_201 = arith.constant 0 : index
        %get3A_202 = arith.constant 0 : index
        %get3A_203 = vector.load %arg7[%get3A_201, %get3A_202] : memref<256x128xf32, #tpu.memory_space<vmem>>, vector<256x128xf32>
        %add3A_204 = arith.addf %get3A_200, %get3A_203 : vector<256x128xf32>
        %swap3A_205 = arith.constant 0 : index
        %swap3A_206 = arith.constant 0 : index
        %swap3A_207 = vector.load %arg10[%swap3A_205, %swap3A_206] : memref<256x128xf32, #tpu.memory_space<vmem>>, vector<256x128xf32>
        tpu.vector_store %arg10[%swap3A_205, %swap3A_206], %add3A_204 {strides = array<i32>} : memref<256x128xf32, #tpu.memory_space<vmem>>, vector<256x128xf32>,
      } else {
      }
      %lt3A_191 = arith.constant 3584 : i32
      %lt3A_192 = arith.cmpi slt, %get3A_1, %lt3A_191 : i32
      %gt3A_193 = arith.constant 3328 : i32
      %gt3A_194 = arith.cmpi sgt, %get3A_1, %gt3A_193 : i32
      %and3A = arith.andi %lt3A_192, %gt3A_194 : i1
      %convert_element_type3A_195 = arith.extui %and3A : i1 to i32
      %cond3A_196 = arith.constant 0 : i32
      %cond3A_197 = arith.cmpi ne, %convert_element_type3A_195, %cond3A_196 : i32
      scf.if %cond3A_197 {
        %iota3A_198 = tpu.iota {dimensions = array<i32: 0>} : vector<256x1xi32>
        %add3A_199 = arith.constant 3328 : i32
        %add3A_200 = vector.broadcast %add3A_199 : i32 to vector<256x1xi32>
        %add3A_201 = arith.addi %iota3A_198, %add3A_200 : vector<256x1xi32>
        %get3A_202 = arith.constant 0 : index
        %get3A_203 = arith.constant 0 : index
        %get3A_204 = vector.load %arg10[%get3A_202, %get3A_203] : memref<256x128xf32, #tpu.memory_space<vmem>>, vector<256x128xf32>
        %lt3A_205 = vector.broadcast %get3A_1 : i32 to vector<256x1xi32>
        %lt3A_206 = arith.cmpi slt, %add3A_201, %lt3A_205 : vector<256x1xi32>
        %get3A_207 = arith.constant 0 : index
        %get3A_208 = arith.constant 0 : index
        %get3A_209 = vector.load %arg7[%get3A_207, %get3A_208] : memref<256x128xf32, #tpu.memory_space<vmem>>, vector<256x128xf32>
        %jit3A_210 = arith.constant 0.000000e+00 : f32
        %broadcast_in_dim3A_211 = vector.shape_cast %lt3A_206 : vector<256x1xi1> to vector<256x1xi1>
        %broadcast_in_dim3A_212 = vector.broadcast %broadcast_in_dim3A_211 : vector<256x1xi1> to vector<256x128xi1>
        %broadcast_in_dim3A_213 = vector.broadcast %jit3A_210 : f32 to vector<256x128xf32>
        %select_n3A_214 = arith.select %broadcast_in_dim3A_212, %get3A_209, %broadcast_in_dim3A_213 : vector<256x128xi1>, vector<256x128xf32>
        %add3A_215 = arith.addf %get3A_204, %select_n3A_214 : vector<256x128xf32>
        %swap3A_216 = arith.constant 0 : index
        %swap3A_217 = arith.constant 0 : index
        %swap3A_218 = vector.load %arg10[%swap3A_216, %swap3A_217] : memref<256x128xf32, #tpu.memory_space<vmem>>, vector<256x128xf32>
        tpu.vector_store %arg10[%swap3A_216, %swap3A_217], %add3A_215 {strides = array<i32>} : memref<256x128xf32, #tpu.memory_space<vmem>>, vector<256x128xf32>,
      } else {
      }
    } else {
    }
    %gt3A_156 = arith.constant 14 : i32
    %gt3A_157 = arith.cmpi sgt, %add3A_5, %gt3A_156 : i32
    %convert_element_type3A_158 = arith.extui %gt3A_157 : i1 to i32
    %cond3A_159 = arith.constant 0 : i32
    %cond3A_160 = arith.cmpi ne, %convert_element_type3A_158, %cond3A_159 : i32
    scf.if %cond3A_160 {
      %dma_wait3A = arith.constant 3584 : i32
      %dma_wait3A_184 = arith.constant 0 : i32
      %dma_wait3A_185 = tpu.memref_slice %arg4[%add3A_0, %dma_wait3A, %dma_wait3A_184] : memref<16x4096x128xf32, #tpu.memory_space<any>> -> memref<1x256x128xf32, #tpu.memory_space<any>>
      %dma_wait3A_186 = tpu.memref_squeeze %dma_wait3A_185 : memref<1x256x128xf32, #tpu.memory_space<any>> -> memref<256x128xf32, #tpu.memory_space<any>>
      tpu.wait_dma2 semaphore(%arg13 : memref<!tpu.dma_semaphore, #tpu.memory_space<semaphore_mem>>) src(%dma_wait3A_186 : memref<256x128xf32, #tpu.memory_space<any>>) dst(%arg8 : memref<256x128xf32, #tpu.memory_space<vmem>>)
      %ge3A = arith.constant 3840 : i32
      %ge3A_187 = arith.cmpi sge, %get3A_1, %ge3A : i32
      %convert_element_type3A_188 = arith.extui %ge3A_187 : i1 to i32
      %cond3A_189 = arith.constant 0 : i32
      %cond3A_190 = arith.cmpi ne, %convert_element_type3A_188, %cond3A_189 : i32
      scf.if %cond3A_190 {
        %get3A_198 = arith.constant 0 : index
        %get3A_199 = arith.constant 0 : index
        %get3A_200 = vector.load %arg10[%get3A_198, %get3A_199] : memref<256x128xf32, #tpu.memory_space<vmem>>, vector<256x128xf32>
        %get3A_201 = arith.constant 0 : index
        %get3A_202 = arith.constant 0 : index
        %get3A_203 = vector.load %arg8[%get3A_201, %get3A_202] : memref<256x128xf32, #tpu.memory_space<vmem>>, vector<256x128xf32>
        %add3A_204 = arith.addf %get3A_200, %get3A_203 : vector<256x128xf32>
        %swap3A_205 = arith.constant 0 : index
        %swap3A_206 = arith.constant 0 : index
        %swap3A_207 = vector.load %arg10[%swap3A_205, %swap3A_206] : memref<256x128xf32, #tpu.memory_space<vmem>>, vector<256x128xf32>
        tpu.vector_store %arg10[%swap3A_205, %swap3A_206], %add3A_204 {strides = array<i32>} : memref<256x128xf32, #tpu.memory_space<vmem>>, vector<256x128xf32>,
      } else {
      }
      %lt3A_191 = arith.constant 3840 : i32
      %lt3A_192 = arith.cmpi slt, %get3A_1, %lt3A_191 : i32
      %gt3A_193 = arith.constant 3584 : i32
      %gt3A_194 = arith.cmpi sgt, %get3A_1, %gt3A_193 : i32
      %and3A = arith.andi %lt3A_192, %gt3A_194 : i1
      %convert_element_type3A_195 = arith.extui %and3A : i1 to i32
      %cond3A_196 = arith.constant 0 : i32
      %cond3A_197 = arith.cmpi ne, %convert_element_type3A_195, %cond3A_196 : i32
      scf.if %cond3A_197 {
        %iota3A_198 = tpu.iota {dimensions = array<i32: 0>} : vector<256x1xi32>
        %add3A_199 = arith.constant 3584 : i32
        %add3A_200 = vector.broadcast %add3A_199 : i32 to vector<256x1xi32>
        %add3A_201 = arith.addi %iota3A_198, %add3A_200 : vector<256x1xi32>
        %get3A_202 = arith.constant 0 : index
        %get3A_203 = arith.constant 0 : index
        %get3A_204 = vector.load %arg10[%get3A_202, %get3A_203] : memref<256x128xf32, #tpu.memory_space<vmem>>, vector<256x128xf32>
        %lt3A_205 = vector.broadcast %get3A_1 : i32 to vector<256x1xi32>
        %lt3A_206 = arith.cmpi slt, %add3A_201, %lt3A_205 : vector<256x1xi32>
        %get3A_207 = arith.constant 0 : index
        %get3A_208 = arith.constant 0 : index
        %get3A_209 = vector.load %arg8[%get3A_207, %get3A_208] : memref<256x128xf32, #tpu.memory_space<vmem>>, vector<256x128xf32>
        %jit3A_210 = arith.constant 0.000000e+00 : f32
        %broadcast_in_dim3A_211 = vector.shape_cast %lt3A_206 : vector<256x1xi1> to vector<256x1xi1>
        %broadcast_in_dim3A_212 = vector.broadcast %broadcast_in_dim3A_211 : vector<256x1xi1> to vector<256x128xi1>
        %broadcast_in_dim3A_213 = vector.broadcast %jit3A_210 : f32 to vector<256x128xf32>
        %select_n3A_214 = arith.select %broadcast_in_dim3A_212, %get3A_209, %broadcast_in_dim3A_213 : vector<256x128xi1>, vector<256x128xf32>
        %add3A_215 = arith.addf %get3A_204, %select_n3A_214 : vector<256x128xf32>
        %swap3A_216 = arith.constant 0 : index
        %swap3A_217 = arith.constant 0 : index
        %swap3A_218 = vector.load %arg10[%swap3A_216, %swap3A_217] : memref<256x128xf32, #tpu.memory_space<vmem>>, vector<256x128xf32>
        tpu.vector_store %arg10[%swap3A_216, %swap3A_217], %add3A_215 {strides = array<i32>} : memref<256x128xf32, #tpu.memory_space<vmem>>, vector<256x128xf32>,
      } else {
      }
    } else {
    }
    %gt3A_161 = arith.constant 15 : i32
    %gt3A_162 = arith.cmpi sgt, %add3A_5, %gt3A_161 : i32
    %convert_element_type3A_163 = arith.extui %gt3A_162 : i1 to i32
    %cond3A_164 = arith.constant 0 : i32
    %cond3A_165 = arith.cmpi ne, %convert_element_type3A_163, %cond3A_164 : i32
    scf.if %cond3A_165 {
      %dma_wait3A = arith.constant 3840 : i32
      %dma_wait3A_184 = arith.constant 0 : i32
      %dma_wait3A_185 = tpu.memref_slice %arg4[%add3A_0, %dma_wait3A, %dma_wait3A_184] : memref<16x4096x128xf32, #tpu.memory_space<any>> -> memref<1x256x128xf32, #tpu.memory_space<any>>
      %dma_wait3A_186 = tpu.memref_squeeze %dma_wait3A_185 : memref<1x256x128xf32, #tpu.memory_space<any>> -> memref<256x128xf32, #tpu.memory_space<any>>
      tpu.wait_dma2 semaphore(%arg14 : memref<!tpu.dma_semaphore, #tpu.memory_space<semaphore_mem>>) src(%dma_wait3A_186 : memref<256x128xf32, #tpu.memory_space<any>>) dst(%arg9 : memref<256x128xf32, #tpu.memory_space<vmem>>)
      %ge3A = arith.constant 4096 : i32
      %ge3A_187 = arith.cmpi sge, %get3A_1, %ge3A : i32
      %convert_element_type3A_188 = arith.extui %ge3A_187 : i1 to i32
      %cond3A_189 = arith.constant 0 : i32
      %cond3A_190 = arith.cmpi ne, %convert_element_type3A_188, %cond3A_189 : i32
      scf.if %cond3A_190 {
        %get3A_198 = arith.constant 0 : index
        %get3A_199 = arith.constant 0 : index
        %get3A_200 = vector.load %arg10[%get3A_198, %get3A_199] : memref<256x128xf32, #tpu.memory_space<vmem>>, vector<256x128xf32>
        %get3A_201 = arith.constant 0 : index
        %get3A_202 = arith.constant 0 : index
        %get3A_203 = vector.load %arg9[%get3A_201, %get3A_202] : memref<256x128xf32, #tpu.memory_space<vmem>>, vector<256x128xf32>
        %add3A_204 = arith.addf %get3A_200, %get3A_203 : vector<256x128xf32>
        %swap3A_205 = arith.constant 0 : index
        %swap3A_206 = arith.constant 0 : index
        %swap3A_207 = vector.load %arg10[%swap3A_205, %swap3A_206] : memref<256x128xf32, #tpu.memory_space<vmem>>, vector<256x128xf32>
        tpu.vector_store %arg10[%swap3A_205, %swap3A_206], %add3A_204 {strides = array<i32>} : memref<256x128xf32, #tpu.memory_space<vmem>>, vector<256x128xf32>,
      } else {
      }
      %lt3A_191 = arith.constant 4096 : i32
      %lt3A_192 = arith.cmpi slt, %get3A_1, %lt3A_191 : i32
      %gt3A_193 = arith.constant 3840 : i32
      %gt3A_194 = arith.cmpi sgt, %get3A_1, %gt3A_193 : i32
      %and3A = arith.andi %lt3A_192, %gt3A_194 : i1
      %convert_element_type3A_195 = arith.extui %and3A : i1 to i32
      %cond3A_196 = arith.constant 0 : i32
      %cond3A_197 = arith.cmpi ne, %convert_element_type3A_195, %cond3A_196 : i32
      scf.if %cond3A_197 {
        %iota3A_198 = tpu.iota {dimensions = array<i32: 0>} : vector<256x1xi32>
        %add3A_199 = arith.constant 3840 : i32
        %add3A_200 = vector.broadcast %add3A_199 : i32 to vector<256x1xi32>
        %add3A_201 = arith.addi %iota3A_198, %add3A_200 : vector<256x1xi32>
        %get3A_202 = arith.constant 0 : index
        %get3A_203 = arith.constant 0 : index
        %get3A_204 = vector.load %arg10[%get3A_202, %get3A_203] : memref<256x128xf32, #tpu.memory_space<vmem>>, vector<256x128xf32>
        %lt3A_205 = vector.broadcast %get3A_1 : i32 to vector<256x1xi32>
        %lt3A_206 = arith.cmpi slt, %add3A_201, %lt3A_205 : vector<256x1xi32>
        %get3A_207 = arith.constant 0 : index
        %get3A_208 = arith.constant 0 : index
        %get3A_209 = vector.load %arg9[%get3A_207, %get3A_208] : memref<256x128xf32, #tpu.memory_space<vmem>>, vector<256x128xf32>
        %jit3A_210 = arith.constant 0.000000e+00 : f32
        %broadcast_in_dim3A_211 = vector.shape_cast %lt3A_206 : vector<256x1xi1> to vector<256x1xi1>
        %broadcast_in_dim3A_212 = vector.broadcast %broadcast_in_dim3A_211 : vector<256x1xi1> to vector<256x128xi1>
        %broadcast_in_dim3A_213 = vector.broadcast %jit3A_210 : f32 to vector<256x128xf32>
        %select_n3A_214 = arith.select %broadcast_in_dim3A_212, %get3A_209, %broadcast_in_dim3A_213 : vector<256x128xi1>, vector<256x128xf32>
        %add3A_215 = arith.addf %get3A_204, %select_n3A_214 : vector<256x128xf32>
        %swap3A_216 = arith.constant 0 : index
        %swap3A_217 = arith.constant 0 : index
        %swap3A_218 = vector.load %arg10[%swap3A_216, %swap3A_217] : memref<256x128xf32, #tpu.memory_space<vmem>>, vector<256x128xf32>
        tpu.vector_store %arg10[%swap3A_216, %swap3A_217], %add3A_215 {strides = array<i32>} : memref<256x128xf32, #tpu.memory_space<vmem>>, vector<256x128xf32>,
      } else {
      }
    } else {
    }
    %get3A_166 = arith.index_cast %add3A_0 : i32 to index
    %get3A_167 = memref.load %arg3[%get3A_166] : memref<16xi32, #tpu.memory_space<smem>>
    %get3A_168 = arith.constant 0 : index
    %get3A_169 = arith.constant 0 : index
    %get3A_170 = vector.load %arg10[%get3A_168, %get3A_169] : memref<256x128xf32, #tpu.memory_space<vmem>>, vector<256x128xf32>
    %reduce_sum3A = arith.constant dense<0.000000e+00> : vector<128xf32>
    %reduce_sum3A_171 = vector.multi_reduction <add>, %get3A_170, %reduce_sum3A [0] : vector<256x128xf32> to vector<128xf32>
    %iota3A = tpu.iota {dimensions = array<i32: 1>} : vector<1x128xi32>
    %iota3A_172 = vector.shape_cast %iota3A : vector<1x128xi32> to vector<128xi32>
    %lt3A = vector.broadcast %get3A_167 : i32 to vector<128xi32>
    %lt3A_173 = arith.cmpi slt, %iota3A_172, %lt3A : vector<128xi32>
    %jit3A = arith.constant 0.000000e+00 : f32
    %broadcast_in_dim3A_174 = vector.broadcast %jit3A : f32 to vector<128xf32>
    %select_n3A = arith.select %lt3A_173, %reduce_sum3A_171, %broadcast_in_dim3A_174 : vector<128xi1>, vector<128xf32>
    %max3A = arith.constant 0.000000e+00 : f32
    %max3A_175 = vector.broadcast %max3A : f32 to vector<128xf32>
    %max3A_176 = arith.maximumf %select_n3A, %max3A_175 : vector<128xf32>
    %broadcast_in_dim3A_177 = vector.shape_cast %max3A_176 : vector<128xf32> to vector<1x1x128xf32>
    %broadcast_in_dim3A_178 = vector.shape_cast %broadcast_in_dim3A_177 : vector<1x1x128xf32> to vector<1x1x128xf32>
    %broadcast_in_dim3A_179 = vector.broadcast %broadcast_in_dim3A_178 : vector<1x1x128xf32> to vector<1x8x128xf32>
    %swap3A_180 = arith.constant 0 : index
    %swap3A_181 = arith.constant 0 : index
    %swap3A_182 = arith.constant 0 : index
    %swap3A_183 = vector.load %arg5[%swap3A_180, %swap3A_181, %swap3A_182] : memref<1x8x128xf32, #tpu.memory_space<vmem>>, vector<1x8x128xf32>
    tpu.vector_store %arg5[%swap3A_180, %swap3A_181, %swap3A_182], %broadcast_in_dim3A_179 {strides = array<i32>} : memref<1x8x128xf32, #tpu.memory_space<vmem>>, vector<1x8x128xf32>,
    return
  }
  func.func @transform_1(%arg0: i32, %arg1: memref<16xi32, #tpu.memory_space<smem>>, %arg2: memref<16xi32, #tpu.memory_space<smem>>, %arg3: memref<16xi32, #tpu.memory_space<smem>>) -> (i32, i32, i32) {
    %c0_i32 = arith.constant 0 : i32
    %c0_i32_0 = arith.constant 0 : i32
    %c0_i32_1 = arith.constant 0 : i32
    return %arg0, %c0_i32, %c0_i32_0 : i32, i32, i32
  }
}

</mosaic_0001>

<sc_bundles>
// kernel: _run.4.cloned.1.call-start
scs
__scs_entry_jumppad:
0x0: {  	(pc) =	sbr.rel $0x88, $3  }
0x1: {  	(tag) =	ssettag $0x0;
	lr =	simm.s32 $0x1  }
0x2: {  	[smem:$0x3F9F] =	sst lr;
	_ =	strace $0xD0000000  }
0x3: {  	_ = 	snop  }
0x4: {  	_ = 	snop  }
0x5: {  	_ = 	snop  }
0x6: {  	_ = 	snop  }
0x7: {  	_ = 	snop  }
__scs_overlays_trampoline_lowered:
0x8: {  	[smem:$0x3FAE] =	sst s0  }
0x9: {  	[smem:$0x3FAF] =	sst s1  }
0xa: {  	[smem:$0x3FB0] =	sst s2  }
0xb: {  	[smem:$0x3FB1] =	sst s3  }
0xc: {  	[smem:$0x3FB2] =	sst s4  }
0xd: {  	[smem:$0x3FB3] =	sst s5  }
0xe: {  	[smem:$0x3FB4] =	sst s6  }
0xf: {  	[smem:$0x3FB5] =	sst s7  }
0x10: {  	[smem:$0x3FB6] =	sst s8  }
0x11: {  	[smem:$0x3FB7] =	sst s9;
	s0 =	simm.s32 @!p0 $0x0  }
0x12: {  	s1 =	sld [smem:$0x3F9D];
	s0 =	simm.s32 @p0 $0x1  }
0x13: {  	[smem:$0x3FB8] =	sst s0;
	s0 =	simm.s32 @!p1 $0x0  }
0x14: {  	s2 =	sld [smem:$0x3F9C];
	s0 =	simm.s32 @p1 $0x1  }
0x15: {  	[smem:$0x3FB9] =	sst s0;
	s0 =	simm.s32 @!p2 $0x0  }
0x16: {  	s3 =	sld [smem:$0x3FDB];
	s0 =	simm.s32 @p2 $0x1  }
0x17: {  	s4 =	simm.s32 $0x1BF5;
	[smem:$0x3FBB] =	sst s0  }
0x18: {  	s0 =	sld [smem:$0x3F9E];
	_ =	swait.ge [sflag:s4], $0x0  }
0x19: {  	s7 =	sld [smem:$0x3F9F]  }
0x1a: {  	s8 =	sadd.s32 $0xFFFFE003, lr  }
0x1b: {  	s9 =	sadd.s32 $0xFFFFFEF7, lr;
	s5 =	simm.s32 $0xFFFFFFFF;
	p2 =	slt.u32 s8, $0xFFFFF086  }
0x1c: {  	p1 =	slt.u32 s9, $0xF7A;
	s5 =	simm.s32 @!p2 $0x0  }
0x1d: {  	s5 =	simm.s32 @p1 $0x1;
	p0 =	seq.s32 s7, s2  }
0x1e: {  	s7 =	smul.u32 @!p0 $0xF7A, s2;
	p2 =	seq.s32 @!p0 s5, $0x0  }
0x1f: {  	s9 =	smul.u32 $0xF7A, s1;
	s8 =	simm.s32 @!p0 $0x1BF5;
	p2 =	por !p2, p0  }
0x20: {  	[sflag:s8] =	ssyncset.s32 @!p0 $0xFFFFF086;
	s6 =	sadd.s32 @!p0 s3, s7;
	s7 =	simm.s32 @!p0 $0x108  }
0x21: {  	s3 =	sadd.s32 s3, s9;
	s6 =	sadd.s32 @!p0 $0x88, s6;
	s7 =	simm.s32 @p2 $0x1082  }
0x22: {  	[simem:s7], [sflag:s8] =	dma.local @!p0 [hbm:s6], $0xF7A  }
0x23: {  	s9 =	sor.u32 $0xD0000000, s2;
	s6 =	simm.s32 $0x108;
	_ =	swait.ge @!p0 [sflag:s8], $0x0  }
0x24: {  	s3 =	sadd.s32 $0x88, s3;
	s6 =	simm.s32 @!p1 $0x1082;
	[sflag:s4] =	ssyncset.s32 $0xFFFFF086  }
0x25: {  	[simem:s6], [sflag:s4] =	dma.local [hbm:s3], $0xF7A  }
0x26: {  	[smem:$0x3F9F] =	sst s1;
	(tag) =	ssettag s2;
	_ =	strace s9  }
0x27: {  	s1 =	sld [smem:$0x3FAF]  }
0x28: {  	s2 =	sld [smem:$0x3FB0]  }
0x29: {  	s4 =	sld [smem:$0x3FB2]  }
0x2a: {  	p0 =	seq.s32 s5, $0x0;
	s5 =	sld [smem:$0x3FB3]  }
0x2b: {  	s6 =	sld [smem:$0x3FB4]  }
0x2c: {  	s7 =	sld [smem:$0x3FB5]  }
0x2d: {  	s3 =	simm.s32 $0x108;
	s8 =	sld [smem:$0x3FB6]  }
0x2e: {  	s3 =	simm.s32 @!p0 $0x1082;
	s9 =	sld [smem:$0x3FB7]  }
0x2f: {  	lr =	sadd.s32 s0, s3;
	s0 =	sld [smem:$0x3FAE]  }
0x30: {  	s3 =	sld [smem:$0x3FB1]  }
0x31: {  	[smem:$0x3FBA] =	sst s10  }
0x32: {  	s10 =	sld [smem:$0x3FB8];
	_ =	sdelay $0x3  }
0x33: {  	p0 =	seq.s32 s10, $0x1;
	s10 =	sld [smem:$0x3FBA];
	_ =	sdelay $0x3  }
0x34: {  	[smem:$0x3FBA] =	sst s10  }
0x35: {  	s10 =	sld [smem:$0x3FB9];
	_ =	sdelay $0x3  }
0x36: {  	p1 =	seq.s32 s10, $0x1;
	s10 =	sld [smem:$0x3FBA];
	_ =	sdelay $0x3  }
0x37: {  	[smem:$0x3FBA] =	sst s10  }
0x38: {  	s10 =	sld [smem:$0x3FBB]  }
0x39: {  	_ = 	snop;
	(pc) =	sbr.ind lr, $3  }
0x3a: {  	_ = 	snop  }
0x3b: {  	_ = 	snop  }
0x3c: {  	p2 =	seq.s32 s10, $0x1;
	s10 =	sld [smem:$0x3FBA]  }
0x3d: {  	_ =	shalt  }
0x3e: {  	_ =	shalt  }
0x3f: {  	_ =	shalt  }
0x40: {  	_ =	shalt  }
0x41: {  	_ =	shalt  }
0x42: {  	_ =	shalt  }
0x43: {  	_ =	shalt  }
0x44: {  	_ =	shalt  }
0x45: {  	_ =	shalt  }
0x46: {  	_ =	shalt  }
0x47: {  	_ =	shalt  }
0x48: {  	_ =	shalt  }
0x49: {  	_ =	shalt  }
0x4a: {  	_ =	shalt  }
0x4b: {  	_ =	shalt  }
0x4c: {  	_ =	shalt  }
0x4d: {  	_ =	shalt  }
0x4e: {  	_ =	shalt  }
0x4f: {  	_ =	shalt  }
0x50: {  	_ =	shalt  }
0x51: {  	_ =	shalt  }
0x52: {  	_ =	shalt  }
0x53: {  	_ =	shalt  }
0x54: {  	_ =	shalt  }
0x55: {  	_ =	shalt  }
0x56: {  	_ =	shalt  }
0x57: {  	_ =	shalt  }
0x58: {  	_ =	shalt  }
0x59: {  	_ =	shalt  }
0x5a: {  	_ =	shalt  }
0x5b: {  	_ =	shalt  }
0x5c: {  	_ =	shalt  }
0x5d: {  	_ =	shalt  }
0x5e: {  	_ =	shalt  }
0x5f: {  	_ =	shalt  }
0x60: {  	_ =	shalt  }
0x61: {  	_ =	shalt  }
0x62: {  	_ =	shalt  }
0x63: {  	_ =	shalt  }
0x64: {  	_ =	shalt  }
0x65: {  	_ =	shalt  }
0x66: {  	_ =	shalt  }
0x67: {  	_ =	shalt  }
0x68: {  	_ =	shalt  }
0x69: {  	_ =	shalt  }
0x6a: {  	_ =	shalt  }
0x6b: {  	_ =	shalt  }
0x6c: {  	_ =	shalt  }
0x6d: {  	_ =	shalt  }
0x6e: {  	_ =	shalt  }
0x6f: {  	_ =	shalt  }
0x70: {  	_ =	shalt  }
0x71: {  	_ =	shalt  }
0x72: {  	_ =	shalt  }
0x73: {  	_ =	shalt  }
0x74: {  	_ =	shalt  }
0x75: {  	_ =	shalt  }
0x76: {  	_ =	shalt  }
0x77: {  	_ =	shalt  }
0x78: {  	_ =	shalt  }
0x79: {  	_ =	shalt  }
0x7a: {  	_ =	shalt  }
0x7b: {  	_ =	shalt  }
0x7c: {  	_ =	shalt  }
0x7d: {  	_ =	shalt  }
0x7e: {  	_ =	shalt  }
0x7f: {  	_ =	shalt  }
0x80: {  	_ =	shalt  }
0x81: {  	_ =	shalt  }
0x82: {  	_ =	shalt  }
0x83: {  	_ =	shalt  }
0x84: {  	_ =	shalt  }
0x85: {  	_ =	shalt  }
0x86: {  	_ =	shalt  }
0x87: {  	_ =	shalt  }
.Lfunc_end0:
.L_simem_size_0:
called_computation_lowered:
.L_overlay_start_0:
0x88: {  	s2 =	sld [smem:$0x3FD9]  }
0x89: {  	s3 =	sld [smem:$0x3FFE];
	_ =	sdelay $0x1  }
0x8a: {  	s1 =	srdreg.scid  }
0x8b: {  	s0 =	sand.u32 $0x1, s1  }
0x8c: {  	s17 =	sshll.u32 s0, $0xA;
	s2 =	sadd.s32 s3, s2  }
0x8d: {  	s2 =	sadd.s32 s2, s17  }
0x8e: {  	[smem:$0x3FC6] =	sst s2  }
0x8f: {  	_ = 	snop  }
0x90: {  	s2 =	sld [smem:$0x3FC9]  }
0x91: {  	s18 =	sld [smem:$0x3FC8];
	(tm) =	ssettm $0x1  }
0x92: {  	s4 =	sld [smem:$0x3FFB];
	_ =	sdelay $0x3  }
0x93: {  	_ =	strace s4  }
0x94: {  	s4 =	sld [smem:$0x3FFC];
	_ =	sdelay $0x3  }
0x95: {  	_ =	strace s4  }
0x96: {  	s4 =	sld [smem:$0x3FFD];
	_ =	sdelay $0x3  }
0x97: {  	_ =	strace s4  }
0x98: {  	_ =	strace $0x8FFFFFFF  }
0x99: {  	s19 =	sld [smem:$0x3FDB];
	_ =	sdelay $0x1  }
0x9a: {  	s5 =	simm.s32 $_scs_section_size  }
0x9b: {  	s6 =	simm.s32 $_size__tile_overlayer_lowered;
	s7 =	simm.s32 $_tile_overlayer_lowered  }
0x9c: {  	s22 =	simm.s32 $0x1BFF;
	s21 =	sshll.u32 s7, $0x1;
	s4 =	sadd.s32 s5, s19  }
0x9d: {  	s8 =	simm.s32 $0x0;
	s20 =	sshll.u32 s6, $0x1;
	s6 =	sadd.s32 s21, s4  }
0x9e: {  	[timem:s8], [sflag:s22] =	dma.local [hbm:s6], s20  }
0x9f: {  	_ =	swait.ge [sflag:s22], s20  }
0xa0: {  	s5 =	ssub.s32 $0x0, s20;
	[sflag:s22] =	ssyncset.done $0x0  }
0xa1: {  	[sflag:s22] =	ssyncadd.s32 s5;
	_ =	sdelay $0x1  }
0xa2: {  	s23 =	simm.s32 $0x1B8B  }
0xa3: {  	_ =	swait.ge [sflag:s23], $0x1  }
0xa4: {  	[sflag:s23] =	ssyncset.done $0x0  }
0xa5: {  	s25 =	simm.s32 $0x1B8E;
	s24 =	sld [smem:$0x3FFE];
	[sflag:s23] =	ssyncadd.s32 $0xFFFFFFFF  }
0xa6: {  	s26 =	simm.s32 $execute0_lowered;
	[smem:$0x3FD2] =	sst s25  }
0xa7: {  	s6 =	sshll.u32 s26, $0x1;
	_ =	strace $0x80000046;
	[dreg:$0x1] =	wrdreg $0xFFFFFFFF  }
0xa8: {  	s28 =	simm.s32 $_size_execute0_lowered;
	s4 =	sadd.s32 s4, s6;
	[dreg:$0x0] =	wrdreg $0x0  }
0xa9: {  	s6 =	sshll.u32 s28, $0x1;
	[dreg:$0x2] =	wrdreg s4  }
0xaa: {  	[dreg:$0x3] =	wrdreg s6  }
0xab: {  	[dreg:$0x4] =	wrdreg $0xC0  }
0xac: {  	_ =	task [dreg:s8], $0x5FFFF  }
0xad: {  	[dreg:$0x1] =	wrdreg $0xFFFFFFFF  }
0xae: {  	[dreg:$0x0] =	wrdreg $0x60  }
0xaf: {  	[dreg:$0x2] =	wrdreg s2  }
0xb0: {  	[dreg:$0x3] =	wrdreg s18  }
0xb1: {  	[dreg:$0x4] =	wrdreg s24  }
0xb2: {  	[dreg:$0x5] =	wrdreg $0x89800  }
0xb3: {  	[dreg:$0x6] =	wrdreg $0x9  }
0xb4: {  	_ =	task.clear_ibuf [dreg:s8], $0x7FFFF;
	_ =	strace $0x90000046  }
0xb5: {  	s29 =	simm.s32 $0x9;
	_ =	strace $0x80000048  }
0xb6: {  	_ =	swait.ge [sflag:s29], $0x1  }
0xb7: {  	[sflag:s29] =	ssyncadd.s32 $0xFFFFFFFF  }
0xb8: {  	_ =	strace $0x90000048  }
0xb9: {  	_ =	sfence  }
0xba: {  	s30 =	sld [smem:$0x0];
	_ =	sdelay $0x2  }
0xbb: {  	s31 =	sshll.u32 s1, $0xD;
	s1 =	sshrl.u32 s1, $0x2  }
0xbc: {  	s3 =	sand.u32 $0x4000, s31;
	s1 =	sadd.s32 s1, s30  }
0xbd: {  	s0 =	sor.u32 s3, s0;
	s1 =	sshll.u32 s1, $0x11  }
0xbe: {  	s0 =	sor.u32 s1, s0  }
0xbf: {  	s0 =	sadd.s32 $0x8F2B, s0  }
0xc0: {  	[sflag:s0] =	ssyncadd.remote.s32 $0x1  }
0xc1: {  	_ =	sfence.sel $0xFFFF  }
0xc2: {  	[dreg:$0x0] =	wrdreg $0xFFFFFFFF;
	(pc) =	sbr.abs _section_cstart, $3  }
0xc3: {  	[dreg:$0x1] =	wrdreg $0xFFFFFFFF  }
0xc4: {  	_ =	task.clear_ibuf [dreg:s8], $0x2FFFF;
	_ =	strace $0x9FFFFFFF  }
0xc5: {  	(tm) =	ssettm $0x7FFFFFFF  }
tec
execute0_lowered:
.L_overlay_start_1:
0x0: {  	(tag) =	ssettag $0x1  }
0x1: {  	s1 =	rddreg [dreg:$0x0]  }
0x2: {  	s2 =	rddreg [dreg:$0x1]  }
0x3: {  	s6 =	rddreg [dreg:$0x2]  }
0x4: {  	s3 =	rddreg [dreg:$0x3]  }
0x5: {  	s5 =	srdreg.scid;
	s0 =	rddreg [dreg:$0x4]  }
0x6: {  	s4 =	simm.s32 $0x0;
	s11 =	simm.s32 $0x2;
	s12 =	simm.s32 $0x1  }
0x7: {  	s13 =	simm.s32 $0x8080;
	s15 =	simm.s32 $0x8100;
	s16 =	simm.s32 $0x3  }
0x8: {  	s17 =	simm.s32 $0x8900;
	s18 =	simm.s32 $0x0;
	s5 =	sand.u32 $0x1, s5  }
0x9: {  	[smem:$0x7FF] =	sst s4;
	s7 =	sshll.u32 s5, $0x4;
	s8 =	ssub.s32 $0x2, s5  }
.Ltmp0:
0xa: {  	s9 =	sadd.s32 s7, s6;
	s6 =	stileid.u32;
	(pc) =	sbr.rel .LBB2_1-.Ltmp0, $4  }
0xb: {  	v0 =	vlaneseq.u32;
	_ =	strace $0x80000047;
	s14 =	sor.u32 $0x8010, s5;
	p2 =	sne.s32 s6, $0x0  }
0xc: {  	v1 =	vor.u32 $0x10, v0;
	s31 =	sshrl.u32 s8, $0x1;
	s7 =	sshll.u32 s5, $0x13;
	s19 =	simm.s32 @!p2 $0x0  }
0xd: {  	v2 =	vor.u32 $0x20, v0;
	v3 =	vor.u32 $0x30, v0;
	v4 =	vor.u32 $0x40, v0;
	s10 =	ssub.s32 s8, s31;
	s8 =	sadd.s32 $0x800, s9;
	s19 =	simm.s32 @p2 $0x1  }
0xe: {  	v5 =	vor.u32 $0x50, v0;
	v6 =	vor.u32 $0x60, v0;
	v7 =	vor.u32 $0x70, v0;
	s9 =	smax.u32 s10, $0x1;
	s10 =	simm.s32 $0x8000;
	[smem:$0x7FD] =	sst s19  }
.LBB2_10:
0xf: {  	s18 =	sadd.s32 $0x1, s18  }
0x10: {  	p0 =	sne.s32 s18, s9  }
.Ltmp1:
0x11: {  	_ = 	snop;
	(pc) =	sbr.rel @!p0 .LBB2_11-.Ltmp1, $1  }
0x12: {  	_ =	sdelay $0x3  }
.LBB2_1:
0x13: {  	[tilespmem:s10], [sflag:$0x2] =	stream.linear.gather [hbm4b:s2+s4], $0x20, $0x38;
	[tilespmem:$0x8A80] =	vst v63  }
0x14: {  	_ =	swait.ge [sflag:s11], $0x20  }
0x15: {  	[sflag:s11] =	ssyncset.done $0x0  }
0x16: {  	[sflag:s11] =	ssyncadd.s32 $0xFFFFFFE0  }
0x17: {  	v8 =	vld [tilespmem:s5+$0x8000];
	_ =	sdelay $0x4  }
0x18: {  	(v2sf) =	vpush v8, $0x0;
	_ =	sdelay $0xe  }
0x19: {  	s21 =	spop (v2sf)  }
0x1a: {  	s19 =	sadd.s32 $0xFF, s21  }
0x1b: {  	s20 =	sand.u32 $0xFF, s19  }
0x1c: {  	s22 =	sshra.s32 s19, $0x1F;
	p0 =	slt.s32 s19, $0x1;
	p1 =	sne.s32 s20, $0x0  }
0x1d: {  	s29 =	sshrl.u32 s22, $0x18;
	p0 =	por !p0, !p1  }
0x1e: {  	s20 =	simm.s32 $0x1;
	s19 =	sadd.s32 s29, s19;
	p0 =	por !p0, !p0  }
0x1f: {  	s19 =	sshra.s32 s19, $0x8;
	s20 =	simm.s32 @!p0 $0x0  }
0x20: {  	s19 =	ssub.s32 s19, s20  }
0x21: {  	s20 =	sshra.s32 s19, $0x1F  }
0x22: {  	s20 =	sshrl.u32 s20, $0x1C  }
0x23: {  	s20 =	sadd.s32 s20, s19  }
0x24: {  	s30 =	sand.u32 $0xFFFFFFF0, s20  }
0x25: {  	p5 =	slt.s32 s19, $0x1;
	p6 =	sne.s32 s19, s30  }
0x26: {  	s23 =	simm.s32 $0x1;
	p0 =	por !p5, !p6  }
0x27: {  	s31 =	sshra.s32 s20, $0x4;
	s20 =	sand.u32 $0xF, s19;
	p0 =	por !p0, !p0  }
0x28: {  	s24 =	simm.s32 $0x1;
	s23 =	simm.s32 @!p0 $0x0;
	p0 =	slt.u32 s6, s20  }
0x29: {  	s22 =	ssub.s32 s31, s23;
	s24 =	simm.s32 @!p0 $0x0  }
0x2a: {  	s23 =	sadd.s32 s24, s22  }
0x2b: {  	p0 =	slt.s32 s23, $0x1  }
.Ltmp2:
0x2c: {  	_ = 	snop;
	(pc) =	sbr.rel @p0 .LBB2_8-.Ltmp2, $1  }
0x2d: {  	_ =	sdelay $0x3  }
0x2e: {  	s22 =	smul.u32 s6, s22  }
0x2f: {  	s20 =	smin.u32 s6, s20  }
0x30: {  	s20 =	sadd.s32 s20, s22  }
0x31: {  	s22 =	sshll.u32 s20, $0xF;
	s23 =	sshll.u32 s20, $0x8  }
0x32: {  	s22 =	sadd.s32 s7, s22;
	s21 =	ssub.s32 s21, s23  }
0x33: {  	s22 =	sshrl.u32 s22, $0x3;
	p0 =	sgt.s32 s21, $0x0  }
0x34: {  	s22 =	sadd.s32 s1, s22;
	s21 =	simm.s32 @!p0 $0x0  }
0x35: {  	[tilespmem:s4], [sflag:$0x1] =	stream.linear.gather [hbm4b:s22+s4], $0x8000, $0x38;
	[tilespmem:$0x8A80] =	vst v63  }
0x36: {  	s21 =	smin.u32 s21, $0x100  }
0x37: {  	s31 =	sadd.s32 $0x7, s21  }
0x38: {  	s22 =	sshrl.u32 s31, $0x3  }
0x39: {  	p0 =	seq.s32 s22, $0x0  }
.Ltmp3:
0x3a: {  	_ = 	snop;
	(pc) =	sbr.rel @p0 .LBB2_3-.Ltmp3, $4  }
0x3b: {  	_ = 	snop  }
0x3c: {  	_ =	swait.ge [sflag:s12], $0x8000  }
0x3d: {  	[sflag:s12] =	ssyncset.done $0x0  }
0x3e: {  	[sflag:s12] =	ssyncadd.s32 $0xFFFF8000  }
0x3f: {  	s24 =	simm.s32 $0x200  }
0x40: {  	v8 =	vld [tilespmem:s24+$0x180]  }
0x41: {  	v9 =	vld [tilespmem:s24+$0x190]  }
0x42: {  	v10 =	vld [tilespmem:s24+$0x100]  }
0x43: {  	v11 =	vld [tilespmem:s24+$0x110]  }
0x44: {  	v12 =	vld [tilespmem:s24+$0x80]  }
0x45: {  	v13 =	vld [tilespmem:s24+$0x90]  }
0x46: {  	v14 =	vld [tilespmem:s24+$0xFFFFFF80]  }
0x47: {  	v15 =	vld [tilespmem:s24+$0xFFFFFF90]  }
0x48: {  	v16 =	vld [tilespmem:s24+$0xFFFFFF00]  }
0x49: {  	v17 =	vld [tilespmem:s24+$0xFFFFFF10]  }
0x4a: {  	v18 =	vld [tilespmem:s24+$0xFFFFFE80]  }
0x4b: {  	v19 =	vld [tilespmem:s24+$0xFFFFFE90]  }
0x4c: {  	v20 =	vld [tilespmem:s24+$0xFFFFFE00]  }
0x4d: {  	v21 =	vld [tilespmem:s24+$0xFFFFFE10]  }
0x4e: {  	v22 =	vld [tilespmem:s24+$0xFFFFFE20]  }
0x4f: {  	v23 =	vld [tilespmem:s24+$0xFFFFFE30]  }
0x50: {  	v24 =	vld [tilespmem:s24+$0xFFFFFEA0]  }
0x51: {  	v25 =	vld [tilespmem:s24+$0xFFFFFEB0]  }
0x52: {  	v26 =	vld [tilespmem:s24+$0xFFFFFF20]  }
0x53: {  	v27 =	vld [tilespmem:s24+$0xFFFFFF30]  }
0x54: {  	v29 =	vld [tilespmem:s24+$0xFFFFFEC0]  }
0x55: {  	v30 =	vld [tilespmem:s24+$0xFFFFFE40]  }
0x56: {  	v31 =	vld [tilespmem:s24+$0xFFFFFE50]  }
0x57: {  	v32 =	vld [tilespmem:s24+$0xFFFFFE60]  }
0x58: {  	v33 =	vld [tilespmem:s24+$0xFFFFFE70]  }
0x59: {  	p1 =	sgt.u32 s21, $0x7;
	v35 =	vld [tilespmem:s24+$0xFFFFFED0]  }
0x5a: {  	v34 =	vimm.f32 $0.0e+00;
	p4 =	sgt.u32 s21, $0x6;
	v36 =	vld [tilespmem:s24+$0xFFFFFEE0];
	v8 =	vpsel !p1, $0x0, v8  }
0x5b: {  	p0 =	sgt.u32 s21, $0x0;
	v37 =	vld [tilespmem:s24+$0xFFFFFEF0];
	v9 =	vpsel !p1, $0x0, v9;
	v10 =	vpsel !p4, $0x0, v10;
	v11 =	vpsel !p4, $0x0, v11  }
0x5c: {  	v38 =	vld [tilespmem:s24+$0xFFFFFF40];
	v20 =	vpsel !p0, $0x0, v20;
	v21 =	vpsel !p0, $0x0, v21;
	v22 =	vpsel !p0, $0x0, v22  }
0x5d: {  	p3 =	sgt.u32 s21, $0x5;
	v39 =	vld [tilespmem:s24+$0xFFFFFF50];
	v23 =	vpsel !p0, $0x0, v23;
	v30 =	vpsel !p0, $0x0, v30;
	v31 =	vpsel !p0, $0x0, v31  }
0x5e: {  	p6 =	sgt.u32 s21, $0x1;
	v40 =	vld [tilespmem:s24+$0xFFFFFF60];
	v32 =	vpsel !p0, $0x0, v32;
	v33 =	vpsel !p0, $0x0, v33;
	v12 =	vpsel !p3, $0x0, v12  }
0x5f: {  	v41 =	vld [tilespmem:s24+$0xFFFFFF70];
	v18 =	vpsel !p6, $0x0, v18;
	v19 =	vpsel !p6, $0x0, v19;
	v24 =	vpsel !p6, $0x0, v24  }
0x60: {  	v28 =	vld [tilespmem:s24+$0xFFFFFFA0];
	v25 =	vpsel !p6, $0x0, v25;
	v29 =	vpsel !p6, $0x0, v29;
	v35 =	vpsel !p6, $0x0, v35  }
0x61: {  	p2 =	sgt.u32 s21, $0x2;
	v42 =	vld [tilespmem:s24+$0xFFFFFFB0];
	v36 =	vpsel !p6, $0x0, v36;
	v37 =	vpsel !p6, $0x0, v37;
	v13 =	vpsel !p3, $0x0, v13  }
0x62: {  	v43 =	vld [tilespmem:s24+$0xFFFFFFC0];
	v16 =	vpsel !p2, $0x0, v16;
	v17 =	vpsel !p2, $0x0, v17;
	v26 =	vpsel !p2, $0x0, v26  }
0x63: {  	v44 =	vld [tilespmem:s24+$0xFFFFFFD0];
	v27 =	vpsel !p2, $0x0, v27;
	v38 =	vpsel !p2, $0x0, v38;
	v39 =	vpsel !p2, $0x0, v39  }
0x64: {  	p5 =	sgt.u32 s21, $0x3;
	v45 =	vld [tilespmem:s24+$0xFFFFFFE0];
	v40 =	vpsel !p2, $0x0, v40;
	v41 =	vpsel !p2, $0x0, v41;
	v20 =	vadd.f32 v20, v34  }
0x65: {  	v47 =	vld [tilespmem:s24+$0x0];
	v14 =	vpsel !p5, $0x0, v14;
	v21 =	vadd.f32 v21, v34;
	v22 =	vadd.f32 v22, v34  }
0x66: {  	v15 =	vpsel !p5, $0x0, v15;
	v23 =	vadd.f32 v23, v34;
	v18 =	vadd.f32 v18, v20;
	v20 =	vld [tilespmem:s24+$0x10]  }
0x67: {  	v59 =	vpsel !p5, $0x0, v43;
	v19 =	vadd.f32 v19, v21;
	v21 =	vadd.f32 v24, v22;
	v22 =	vld [tilespmem:s24+$0x20]  }
0x68: {  	v23 =	vadd.f32 v25, v23;
	v24 =	vpsel !p5, $0x0, v28;
	v28 =	vld [tilespmem:s24+$0x30];
	v16 =	vadd.f32 v16, v18  }
0x69: {  	v46 =	vld [tilespmem:s24+$0xFFFFFFF0];
	v60 =	vpsel !p5, $0x0, v44;
	v17 =	vadd.f32 v17, v19;
	v21 =	vadd.f32 v26, v21  }
0x6a: {  	v62 =	vld [tilespmem:s24+$0xA0];
	p6 =	sgt.u32 s21, $0x4;
	v25 =	vpsel !p5, $0x0, v42;
	v23 =	vadd.f32 v27, v23;
	v14 =	vadd.f32 v14, v16  }
0x6b: {  	v18 =	vld [tilespmem:s24+$0xB0];
	v19 =	vpsel !p6, $0x0, v47;
	v15 =	vadd.f32 v15, v17;
	v21 =	vadd.f32 v24, v21  }
0x6c: {  	v26 =	vld [tilespmem:s24+$0x120];
	v20 =	vpsel !p6, $0x0, v20;
	v17 =	vpsel !p6, $0x0, v22;
	v22 =	vadd.f32 v25, v23  }
0x6d: {  	v16 =	vld [tilespmem:s24+$0x130];
	v24 =	vpsel !p6, $0x0, v28;
	v14 =	vadd.f32 v19, v14;
	v15 =	vadd.f32 v20, v15  }
0x6e: {  	v61 =	vpsel !p5, $0x0, v45;
	v23 =	vld [tilespmem:s24+$0x1A0];
	v17 =	vadd.f32 v17, v21;
	v21 =	vadd.f32 v24, v22  }
0x6f: {  	v19 =	vld [tilespmem:s24+$0x1B0];
	v20 =	vpsel !p3, $0x0, v62;
	v24 =	vadd.f32 v33, v34;
	v12 =	vadd.f32 v12, v14  }
0x70: {  	v22 =	vld [tilespmem:s24+$0x1C0];
	v18 =	vpsel !p3, $0x0, v18;
	v13 =	vadd.f32 v13, v15;
	v17 =	vadd.f32 v20, v17  }
0x71: {  	v14 =	vld [tilespmem:s24+$0x1D0];
	v15 =	vpsel !p4, $0x0, v26;
	v18 =	vadd.f32 v18, v21;
	v24 =	vadd.f32 v37, v24  }
0x72: {  	v20 =	vld [tilespmem:s24+$0x140];
	v16 =	vpsel !p4, $0x0, v16;
	v10 =	vadd.f32 v10, v12;
	v11 =	vadd.f32 v11, v13  }
0x73: {  	v21 =	vld [tilespmem:s24+$0x150];
	v13 =	vpsel !p1, $0x0, v23;
	v15 =	vadd.f32 v15, v17;
	v16 =	vadd.f32 v16, v18  }
0x74: {  	v17 =	vld [tilespmem:s24+$0xC0];
	v18 =	vpsel !p1, $0x0, v19;
	v8 =	vadd.f32 v8, v10;
	v9 =	vadd.f32 v9, v11  }
0x75: {  	v19 =	vld [tilespmem:s24+$0xD0];
	v12 =	vpsel !p1, $0x0, v22;
	v10 =	vadd.f32 v13, v15;
	v22 =	vadd.f32 v31, v34  }
0x76: {  	v46 =	vpsel !p5, $0x0, v46;
	v11 =	vadd.f32 v18, v16;
	v18 =	vld [tilespmem:s24+$0x40];
	v16 =	vadd.f32 v30, v34  }
0x77: {  	v23 =	vld [tilespmem:s24+$0x50];
	v13 =	vpsel !p1, $0x0, v14;
	v14 =	vpsel !p4, $0x0, v20;
	v20 =	vadd.f32 v32, v34  }
0x78: {  	v26 =	vld [tilespmem:s24+$0x70];
	v15 =	vpsel !p4, $0x0, v21;
	v22 =	vadd.f32 v35, v22;
	v21 =	vadd.f32 v29, v16  }
0x79: {  	s22 =	sshll.u32 s22, $0x3;
	v25 =	vld [tilespmem:s24+$0x60];
	v24 =	vadd.f32 v41, v24;
	v16 =	vpsel !p3, $0x0, v17;
	v20 =	vadd.f32 v36, v20  }
0x7a: {  	p0 =	sne.s32 s22, $0x8;
	v17 =	vpsel !p3, $0x0, v19;
	v19 =	vadd.f32 v38, v21;
	v21 =	vadd.f32 v39, v22;
	v22 =	vld [tilespmem:s24+$0xE0]  }
.Ltmp4:
0x7b: {  	v63 =	vadd.f32 v46, v24;
	v20 =	vadd.f32 v40, v20;
	v27 =	vpsel !p6, $0x0, v18;
	v18 =	vld [tilespmem:s24+$0xF0];
	(pc) =	sbr.rel @!p0 .LBB2_6-.Ltmp4, $4  }
0x7c: {  	v28 =	vpsel !p6, $0x0, v23;
	v23 =	vadd.f32 v59, v19;
	v21 =	vadd.f32 v60, v21;
	v19 =	vld [tilespmem:s24+$0x160]  }
0x7d: {  	v26 =	vpsel !p6, $0x0, v26;
	v29 =	vadd.f32 v61, v20;
	v20 =	vld [tilespmem:s24+$0x170]  }
0x7e: {  	v25 =	vpsel !p6, $0x0, v25;
	v26 =	vadd.f32 v26, v63;
	v24 =	vadd.f32 v28, v21;
	v21 =	vld [tilespmem:s24+$0x1E0]  }
0x7f: {  	s23 =	simm.s32 $0x8;
	v23 =	vadd.f32 v27, v23;
	v25 =	vadd.f32 v25, v29;
	v27 =	vpsel !p3, $0x0, v22;
	v22 =	vld [tilespmem:s24+$0x1F0];
	s24 =	simm.s32 $0x600  }
.LBB2_5:
0x80: {  	v28 =	vld [tilespmem:s24+$0x180]  }
0x81: {  	v16 =	vadd.f32 v16, v23;
	v23 =	vld [tilespmem:s24+$0x190]  }
0x82: {  	v29 =	vld [tilespmem:s24+$0x130]  }
0x83: {  	v30 =	vld [tilespmem:s24+$0x140]  }
0x84: {  	v31 =	vld [tilespmem:s24+$0x150]  }
0x85: {  	v32 =	vld [tilespmem:s24+$0x80]  }
0x86: {  	v33 =	vld [tilespmem:s24+$0x90]  }
0x87: {  	v34 =	vld [tilespmem:s24+$0xA0]  }
0x88: {  	v35 =	vld [tilespmem:s24+$0xB0]  }
0x89: {  	v36 =	vld [tilespmem:s24+$0xC0]  }
0x8a: {  	v37 =	vld [tilespmem:s24+$0xD0]  }
0x8b: {  	v38 =	vld [tilespmem:s24+$0x0]  }
0x8c: {  	v39 =	vld [tilespmem:s24+$0x10]  }
0x8d: {  	v40 =	vld [tilespmem:s24+$0x20]  }
0x8e: {  	v41 =	vld [tilespmem:s24+$0x30]  }
0x8f: {  	v42 =	vld [tilespmem:s24+$0x40]  }
0x90: {  	v44 =	vld [tilespmem:s24+$0xFFFFFF80]  }
0x91: {  	v45 =	vld [tilespmem:s24+$0xFFFFFF90]  }
0x92: {  	v46 =	vld [tilespmem:s24+$0xFFFFFF00]  }
0x93: {  	v47 =	vld [tilespmem:s24+$0xFFFFFF10]  }
0x94: {  	v48 =	vld [tilespmem:s24+$0xFFFFFE90];
	v17 =	vadd.f32 v17, v24  }
0x95: {  	v52 =	vld [tilespmem:s24+$0xFFFFFE00];
	v24 =	vadd.f32 v27, v25  }
0x96: {  	v56 =	vld [tilespmem:s24+$0xFFFFFE10];
	v14 =	vadd.f32 v14, v16;
	v15 =	vadd.f32 v15, v17  }
0x97: {  	s25 =	sadd.s32 $0x7, s23;
	s28 =	sadd.s32 $0x5, s23;
	v27 =	vld [tilespmem:s24+$0x1A0];
	v18 =	vpsel !p3, $0x0, v18;
	v19 =	vpsel !p4, $0x0, v19;
	v16 =	vpsel !p4, $0x0, v20  }
0x98: {  	s29 =	sadd.s32 $0x4, s23;
	s30 =	sadd.s32 $0x2, s23;
	p0 =	slt.u32 s25, s21;
	v17 =	vld [tilespmem:s24+$0x1B0];
	v21 =	vpsel !p1, $0x0, v21;
	v18 =	vadd.f32 v18, v26;
	v20 =	vadd.f32 v19, v24  }
0x99: {  	s31 =	sadd.s32 $0x3, s23;
	p2 =	slt.u32 s29, s21;
	p3 =	slt.u32 s28, s21;
	v24 =	vld [tilespmem:s24+$0x1C0];
	v19 =	vadd.f32 v13, v15;
	v25 =	vpsel !p0, $0x0, v28;
	v26 =	vpsel !p0, $0x0, v23  }
0x9a: {  	p6 =	slt.u32 s30, s21;
	p5 =	slt.u32 s31, s21;
	v13 =	vld [tilespmem:s24+$0x1D0];
	v35 =	vpsel !p3, $0x0, v35;
	v41 =	vpsel !p2, $0x0, v41;
	v23 =	vpsel !p2, $0x0, v42  }
0x9b: {  	v15 =	vld [tilespmem:s24+$0x110];
	v61 =	vpsel !p6, $0x0, v46;
	v44 =	vpsel !p5, $0x0, v44;
	v45 =	vpsel !p5, $0x0, v45  }
0x9c: {  	s26 =	sadd.s32 $0x6, s23;
	v28 =	vld [tilespmem:s24+$0xFFFFFE80];
	v47 =	vpsel !p6, $0x0, v47;
	v16 =	vadd.f32 v16, v18;
	v18 =	vadd.f32 v12, v14  }
0x9d: {  	v12 =	vpsel !p1, $0x0, v22;
	v20 =	vadd.f32 v21, v20;
	v14 =	vld [tilespmem:s24+$0x100];
	v22 =	vpsel !p0, $0x0, v27;
	p1 =	slt.u32 s26, s21  }
0x9e: {  	v27 =	vpsel !p0, $0x0, v17;
	v29 =	vpsel !p1, $0x0, v29;
	v21 =	vadd.f32 v12, v16;
	v16 =	vld [tilespmem:s24+$0x120]  }
0x9f: {  	v55 =	vld [tilespmem:s24+$0xFFFFFFA0];
	v17 =	vpsel !p3, $0x0, v37;
	v37 =	vpsel !p2, $0x0, v38;
	v38 =	vpsel !p2, $0x0, v39  }
0xa0: {  	v57 =	vld [tilespmem:s24+$0xFFFFFE20];
	s25 =	simm.s32 @!p0 $0x0;
	s28 =	sadd.s32 $0x1, s23;
	v12 =	vpsel !p0, $0x0, v24;
	v13 =	vpsel !p0, $0x0, v13;
	v50 =	vpsel !p1, $0x0, v15  }
0xa1: {  	v58 =	vld [tilespmem:s24+$0xFFFFFE30];
	s25 =	simm.s32 @p0 $0x1;
	v15 =	vpsel !p1, $0x0, v31;
	v31 =	vpsel !p3, $0x0, v32;
	v32 =	vpsel !p3, $0x0, v33;
	p0 =	slt.u32 s28, s21  }
0xa2: {  	v59 =	vld [tilespmem:s24+$0xFFFFFEA0];
	s26 =	simm.s32 @!p1 $0x0;
	v33 =	vpsel !p3, $0x0, v34;
	v28 =	vpsel !p0, $0x0, v28;
	v62 =	vpsel !p0, $0x0, v48  }
0xa3: {  	v60 =	vld [tilespmem:s24+$0xFFFFFEB0];
	s26 =	simm.s32 @p1 $0x1;
	v49 =	vpsel !p1, $0x0, v14;
	v14 =	vpsel !p1, $0x0, v30;
	v51 =	vpsel !p1, $0x0, v16;
	p1 =	slt.u32 s23, s21  }
0xa4: {  	v63 =	vld [tilespmem:s24+$0xFFFFFF20];
	v16 =	vpsel !p3, $0x0, v36;
	v36 =	vpsel !p5, $0x0, v55;
	v52 =	vpsel !p1, $0x0, v52  }
0xa5: {  	v53 =	vld [tilespmem:s24+$0xFFFFFF30];
	v30 =	vpsel !p1, $0x0, v56;
	v34 =	vpsel !p1, $0x0, v57;
	v8 =	vadd.f32 v52, v8  }
0xa6: {  	v54 =	vpsel !p1, $0x0, v58;
	v57 =	vld [tilespmem:s24+$0xFFFFFFB0];
	v9 =	vadd.f32 v30, v9;
	v10 =	vadd.f32 v34, v10  }
0xa7: {  	v56 =	vpsel !p0, $0x0, v59;
	v11 =	vadd.f32 v54, v11;
	v52 =	vld [tilespmem:s24+$0xFFFFFE40];
	v8 =	vadd.f32 v28, v8  }
0xa8: {  	v43 =	vld [tilespmem:s24+$0x50];
	v9 =	vadd.f32 v62, v9;
	v28 =	vpsel !p0, $0x0, v60;
	v10 =	vadd.f32 v56, v10  }
0xa9: {  	v58 =	vld [tilespmem:s24+$0xFFFFFFC0];
	v11 =	vadd.f32 v28, v11;
	v28 =	vpsel !p6, $0x0, v63;
	v8 =	vadd.f32 v61, v8  }
0xaa: {  	v59 =	vld [tilespmem:s24+$0xFFFFFFD0];
	v60 =	vpsel !p6, $0x0, v53;
	v9 =	vadd.f32 v47, v9;
	v10 =	vadd.f32 v28, v10  }
0xab: {  	v62 =	vld [tilespmem:s24+$0xFFFFFEC0];
	v34 =	vpsel !p5, $0x0, v57;
	v11 =	vadd.f32 v60, v11;
	v8 =	vadd.f32 v44, v8  }
0xac: {  	v63 =	vld [tilespmem:s24+$0xFFFFFED0];
	v9 =	vadd.f32 v45, v9;
	v10 =	vadd.f32 v36, v10;
	v36 =	vpsel !p1, $0x0, v52  }
0xad: {  	v39 =	vpsel !p2, $0x0, v40;
	v61 =	vld [tilespmem:s24+$0xFFFFFF40];
	v11 =	vadd.f32 v34, v11;
	v18 =	vadd.f32 v36, v18  }
0xae: {  	v28 =	vld [tilespmem:s24+$0xFFFFFF50];
	v48 =	vpsel !p5, $0x0, v58;
	v8 =	vadd.f32 v37, v8;
	v9 =	vadd.f32 v38, v9  }
0xaf: {  	v53 =	vld [tilespmem:s24+$0xFFFFFE50];
	v30 =	vpsel !p5, $0x0, v59;
	v10 =	vadd.f32 v39, v10;
	v11 =	vadd.f32 v41, v11  }
0xb0: {  	v55 =	vld [tilespmem:s24+$0xFFFFFE60];
	v57 =	vpsel !p0, $0x0, v62;
	v8 =	vadd.f32 v31, v8;
	v9 =	vadd.f32 v32, v9  }
0xb1: {  	v56 =	vld [tilespmem:s24+$0xFFFFFE70];
	v58 =	vpsel !p0, $0x0, v63;
	v10 =	vadd.f32 v33, v10;
	v11 =	vadd.f32 v35, v11  }
0xb2: {  	s23 =	sadd.s32 $0x8, s23;
	v59 =	vld [tilespmem:s24+$0xFFFFFEE0];
	v54 =	vpsel !p6, $0x0, v61;
	v8 =	vadd.f32 v49, v8;
	v9 =	vadd.f32 v50, v9  }
0xb3: {  	p4 =	sne.s32 s22, s23;
	v60 =	vld [tilespmem:s24+$0xFFFFFEF0];
	v28 =	vpsel !p6, $0x0, v28;
	v10 =	vadd.f32 v51, v10;
	v11 =	vadd.f32 v29, v11  }
0xb4: {  	[smem:$0x7FA] =	sst s25;
	s25 =	simm.s32 @!p4 $0x0;
	v61 =	vld [tilespmem:s24+$0xFFFFFF60];
	v29 =	vpsel !p1, $0x0, v53;
	v8 =	vadd.f32 v25, v8;
	v9 =	vadd.f32 v26, v9  }
0xb5: {  	s25 =	simm.s32 @p4 $0x1;
	v25 =	vpsel !p1, $0x0, v55;
	v26 =	vld [tilespmem:s24+$0xFFFFFF70];
	v10 =	vadd.f32 v22, v10;
	v19 =	vadd.f32 v29, v19  }
0xb6: {  	[smem:$0x7FC] =	sst s25;
	v22 =	vpsel !p1, $0x0, v56;
	v11 =	vadd.f32 v27, v11;
	v27 =	vld [tilespmem:s24+$0xFFFFFFE0];
	v20 =	vadd.f32 v25, v20  }
0xb7: {  	s31 =	sld [smem:$0x7FC];
	v18 =	vadd.f32 v57, v18;
	v21 =	vadd.f32 v22, v21;
	v22 =	vpsel !p0, $0x0, v59;
	v25 =	vld [tilespmem:s24+$0xFFFFFFF0]  }
0xb8: {  	v62 =	vld [tilespmem:s24+$0x60];
	v29 =	vpsel !p0, $0x0, v60;
	v19 =	vadd.f32 v58, v19;
	v20 =	vadd.f32 v22, v20  }
0xb9: {  	v32 =	vadd.f32 v54, v18;
	v21 =	vadd.f32 v29, v21;
	v22 =	vpsel !p6, $0x0, v61;
	v29 =	vld [tilespmem:s24+$0x70]  }
0xba: {  	s29 =	sld [smem:$0x7FA];
	p0 =	seq.s32 s31, $0x1;
	v19 =	vadd.f32 v28, v19;
	v28 =	vld [tilespmem:s24+$0xE0];
	v18 =	vpsel !p6, $0x0, v26;
	v20 =	vadd.f32 v22, v20  }
.Ltmp5:
0xbb: {  	[smem:$0x7FB] =	sst s26;
	v26 =	vadd.f32 v48, v32;
	v21 =	vadd.f32 v18, v21;
	v22 =	vpsel !p5, $0x0, v27;
	v18 =	vld [tilespmem:s24+$0xF0];
	(pc) =	sbr.rel @p0 .LBB2_5-.Ltmp5, $4  }
0xbc: {  	s30 =	sld [smem:$0x7FB];
	v27 =	vadd.f32 v30, v19;
	v25 =	vpsel !p5, $0x0, v25;
	v19 =	vld [tilespmem:s24+$0x160];
	v22 =	vadd.f32 v22, v20  }
0xbd: {  	v24 =	vpsel !p2, $0x0, v43;
	v20 =	vld [tilespmem:s24+$0x170];
	v23 =	vadd.f32 v23, v26;
	v63 =	vadd.f32 v25, v21  }
0xbe: {  	v25 =	vpsel !p2, $0x0, v62;
	v24 =	vadd.f32 v24, v27;
	v26 =	vpsel !p2, $0x0, v29;
	v21 =	vld [tilespmem:s24+$0x1E0]  }
0xbf: {  	p4 =	seq.s32 s30, $0x1;
	p1 =	seq.s32 s29, $0x1;
	v25 =	vadd.f32 v25, v22;
	v27 =	vpsel !p3, $0x0, v28;
	v22 =	vld [tilespmem:s24+$0x1F0];
	s24 =	sadd.s32 $0x400, s24;
	v26 =	vadd.f32 v26, v63  }
.LBB2_6:
0xc0: {  	_ = 	snop  }
0xc1: {  	v17 =	vadd.f32 v17, v24;
	v18 =	vpsel !p3, $0x0, v18;
	v16 =	vadd.f32 v16, v23  }
.Ltmp6:
0xc2: {  	v62 =	vadd.f32 v27, v25;
	v18 =	vadd.f32 v18, v26;
	v19 =	vpsel !p4, $0x0, v19;
	(pc) =	sbr.rel .LBB2_7-.Ltmp6, $4  }
0xc3: {  	s21 =	sld [smem:$0x7FD];
	v15 =	vadd.f32 v15, v17;
	v14 =	vadd.f32 v14, v16;
	v16 =	vpsel !p4, $0x0, v20  }
0xc4: {  	v17 =	vadd.f32 v19, v62;
	v63 =	vpsel !p1, $0x0, v21;
	v16 =	vadd.f32 v16, v18  }
0xc5: {  	v13 =	vadd.f32 v13, v15;
	v15 =	vpsel !p1, $0x0, v22;
	v12 =	vadd.f32 v12, v14  }
0xc6: {  	p2 =	seq.s32 s21, $0x1;
	v14 =	vadd.f32 v63, v17;
	v15 =	vadd.f32 v15, v16  }
.LBB2_3:
0xc7: {  	v8 =	vimm.f32 $0.0e+00;
	v9 =	vimm.f32 $0.0e+00  }
0xc8: {  	v10 =	vimm.f32 $0.0e+00;
	v11 =	vimm.f32 $0.0e+00;
	v12 =	vimm.f32 $0.0e+00  }
0xc9: {  	v13 =	vimm.f32 $0.0e+00;
	v14 =	vimm.f32 $0.0e+00;
	v15 =	vimm.f32 $0.0e+00  }
.LBB2_7:
0xca: {  	[tilespmem:$0x8080] =	vst v8  }
0xcb: {  	[tilespmem:$0x8090] =	vst v9  }
0xcc: {  	[tilespmem:$0x80A0] =	vst v10  }
0xcd: {  	[tilespmem:$0x80B0] =	vst v11  }
0xce: {  	[tilespmem:$0x80C0] =	vst v12  }
0xcf: {  	[tilespmem:$0x80D0] =	vst v13;
	s20 =	sshll.u32 s20, $0x9  }
0xd0: {  	[tilespmem:$0x80E0] =	vst v14;
	s20 =	sshra.s32 s20, $0x2  }
0xd1: {  	[tilespmem:$0x80F0] =	vst v15;
	s20 =	sadd.s32 s20, s3  }
0xd2: {  	[spmem:s20] =	stream.linear.scatter [tilespmem:s13], [sflag:$0x2], $0x80, $0x38;
	[tilespmem:$0x8A80] =	vst v63  }
0xd3: {  	_ =	swait.ge [sflag:s11], $0x80  }
0xd4: {  	[sflag:s11] =	ssyncset.done $0x0  }
0xd5: {  	[sflag:s11] =	ssyncadd.s32 $0xFFFFFF80  }
.LBB2_8:
.Ltmp7:
0xd6: {  	(pc) =	sbr.rel @p2 .LBB2_10-.Ltmp7, $2  }
0xd7: {  	_ =	sdelay $0x1  }
0xd8: {  	[bflag:$0x0] =	sbarrier.arrive $0xFFFF;
	_ =	sdelay $0x1  }
0xd9: {  	v8 =	vld.msk [tilespmem:s14+$0x0 ss:$0x0], $0xffff;
	[tilespmem:s15], [sflag:$0x3] =	stream.linear.gather [spmem:s3], $0x800, $0x38  }
0xda: {  	_ =	swait.ge [sflag:s16], $0x800  }
0xdb: {  	[sflag:s16] =	ssyncset.done $0x0  }
0xdc: {  	[sflag:s16] =	ssyncadd.s32 $0xFFFFF800  }
0xdd: {  	v9 =	vld [tilespmem:$0x8100]  }
0xde: {  	v10 =	vld [tilespmem:$0x8110]  }
0xdf: {  	v11 =	vld [tilespmem:$0x8120]  }
0xe0: {  	v12 =	vld [tilespmem:$0x8130]  }
0xe1: {  	v13 =	vld [tilespmem:$0x8140]  }
0xe2: {  	v14 =	vld [tilespmem:$0x8150]  }
0xe3: {  	v15 =	vld [tilespmem:$0x8160]  }
0xe4: {  	v16 =	vld [tilespmem:$0x8170]  }
0xe5: {  	v17 =	vld [tilespmem:$0x8180]  }
0xe6: {  	v18 =	vld [tilespmem:$0x8190]  }
0xe7: {  	v19 =	vld [tilespmem:$0x81A0]  }
0xe8: {  	v20 =	vld [tilespmem:$0x81B0]  }
0xe9: {  	v21 =	vld [tilespmem:$0x81C0]  }
0xea: {  	v22 =	vld [tilespmem:$0x81D0]  }
0xeb: {  	v23 =	vld [tilespmem:$0x81E0]  }
0xec: {  	v24 =	vld [tilespmem:$0x81F0]  }
0xed: {  	v25 =	vld [tilespmem:$0x8200]  }
0xee: {  	v26 =	vld [tilespmem:$0x8210]  }
0xef: {  	v27 =	vld [tilespmem:$0x8220]  }
0xf0: {  	v28 =	vld [tilespmem:$0x8230]  }
0xf1: {  	v29 =	vld [tilespmem:$0x8240]  }
0xf2: {  	v30 =	vld [tilespmem:$0x8250]  }
0xf3: {  	v31 =	vld [tilespmem:$0x8260]  }
0xf4: {  	v32 =	vld [tilespmem:$0x8270]  }
0xf5: {  	v33 =	vld [tilespmem:$0x8280]  }
0xf6: {  	v34 =	vld [tilespmem:$0x8290]  }
0xf7: {  	v35 =	vld [tilespmem:$0x82A0]  }
0xf8: {  	v36 =	vld [tilespmem:$0x82B0]  }
0xf9: {  	v37 =	vld [tilespmem:$0x82C0]  }
0xfa: {  	v38 =	vld [tilespmem:$0x82D0]  }
0xfb: {  	v39 =	vld [tilespmem:$0x82E0]  }
0xfc: {  	v40 =	vld [tilespmem:$0x82F0]  }
0xfd: {  	v41 =	vld [tilespmem:$0x8300]  }
0xfe: {  	v42 =	vld [tilespmem:$0x8310]  }
0xff: {  	v43 =	vld [tilespmem:$0x8320]  }
0x100: {  	v44 =	vld [tilespmem:$0x8330]  }
0x101: {  	v45 =	vld [tilespmem:$0x8340]  }
0x102: {  	v46 =	vld [tilespmem:$0x8350]  }
0x103: {  	v47 =	vld [tilespmem:$0x8360]  }
0x104: {  	v48 =	vld [tilespmem:$0x8370]  }
0x105: {  	v49 =	vld [tilespmem:$0x8380]  }
0x106: {  	v50 =	vld [tilespmem:$0x8390]  }
0x107: {  	v51 =	vld [tilespmem:$0x83A0]  }
0x108: {  	v52 =	vld [tilespmem:$0x83B0]  }
0x109: {  	v53 =	vld [tilespmem:$0x83C0]  }
0x10a: {  	v54 =	vld [tilespmem:$0x83D0]  }
0x10b: {  	v55 =	vld [tilespmem:$0x83E0]  }
0x10c: {  	v56 =	vld [tilespmem:$0x83F0];
	vm0 =	vgt.s32 v8, v0;
	vm9 =	vgt.s32 v8, v1;
	vm10 =	vgt.s32 v8, v2  }
0x10d: {  	v57 =	vld [tilespmem:$0x8400];
	vm11 =	vgt.s32 v8, v3;
	v9 =	vadd.f32 $0.0e+00, v9;
	v10 =	vadd.f32 $0.0e+00, v10  }
0x10e: {  	v58 =	vld [tilespmem:$0x8410];
	vm12 =	vgt.s32 v8, v4;
	v11 =	vadd.f32 $0.0e+00, v11;
	v12 =	vadd.f32 $0.0e+00, v12  }
0x10f: {  	p0 =	sgt.s32 s19, $0x1;
	v59 =	vld [tilespmem:$0x8420];
	vm13 =	vgt.s32 v8, v5;
	v13 =	vadd.f32 $0.0e+00, v13;
	v14 =	vadd.f32 $0.0e+00, v14  }
0x110: {  	v15 =	vadd.f32 $0.0e+00, v15;
	v16 =	vadd.f32 $0.0e+00, v16;
	v63 =	vpsel !p0, $0x0, v18;
	v18 =	vld [tilespmem:$0x8430]  }
0x111: {  	p3 =	sgt.s32 s19, $0x2;
	v17 =	vpsel !p0, $0x0, v17;
	v60 =	vpsel !p0, $0x0, v19;
	v61 =	vpsel !p0, $0x0, v20;
	v20 =	vld [tilespmem:$0x8440]  }
0x112: {  	p1 =	sgt.s32 s19, $0x0;
	p4 =	sgt.s32 s19, $0x3;
	v62 =	vpsel !p0, $0x0, v21;
	v19 =	vld [tilespmem:$0x8450];
	v27 =	vpsel !p3, $0x0, v27;
	v32 =	vpsel !p3, $0x0, v32  }
0x113: {  	v21 =	vld [tilespmem:$0x8470];
	v33 =	vpsel !p4, $0x0, v33;
	v34 =	vpsel !p4, $0x0, v34;
	v10 =	vpsel !p1, $0x0, v10  }
0x114: {  	v12 =	vpsel !p1, $0x0, v12;
	v10 =	vadd.f32 v63, v10;
	v63 =	vpsel !p0, $0x0, v22;
	v22 =	vld [tilespmem:$0x8460]  }
0x115: {  	v11 =	vpsel !p1, $0x0, v11;
	v12 =	vadd.f32 v61, v12;
	v61 =	vpsel !p0, $0x0, v24;
	v24 =	vld [tilespmem:$0x8480]  }
0x116: {  	v9 =	vpsel !p1, $0x0, v9;
	v11 =	vadd.f32 v60, v11;
	v60 =	vpsel !p0, $0x0, v23;
	v23 =	vld [tilespmem:$0x8490]  }
0x117: {  	v35 =	vpsel !p4, $0x0, v35;
	v13 =	vpsel !p1, $0x0, v13;
	v9 =	vadd.f32 v17, v9;
	v17 =	vld [tilespmem:$0x84B0]  }
0x118: {  	v14 =	vpsel !p1, $0x0, v14;
	v13 =	vadd.f32 v62, v13;
	v62 =	vpsel !p3, $0x0, v25;
	v25 =	vld [tilespmem:$0x8560]  }
0x119: {  	v16 =	vpsel !p1, $0x0, v16;
	v14 =	vadd.f32 v63, v14;
	v63 =	vpsel !p3, $0x0, v26;
	v26 =	vld [tilespmem:$0x84A0]  }
0x11a: {  	v15 =	vpsel !p1, $0x0, v15;
	v16 =	vadd.f32 v61, v16;
	v61 =	vpsel !p3, $0x0, v29;
	v29 =	vld [tilespmem:$0x84C0]  }
0x11b: {  	v36 =	vpsel !p4, $0x0, v36;
	v15 =	vadd.f32 v60, v15;
	v60 =	vpsel !p3, $0x0, v28;
	v28 =	vld [tilespmem:$0x84E0]  }
0x11c: {  	v37 =	vpsel !p4, $0x0, v37;
	v38 =	vpsel !p4, $0x0, v38;
	v11 =	vadd.f32 v27, v11;
	v27 =	vld [tilespmem:$0x84D0]  }
0x11d: {  	v39 =	vpsel !p4, $0x0, v39;
	v10 =	vadd.f32 v63, v10;
	v63 =	vpsel !p3, $0x0, v31;
	v31 =	vld [tilespmem:$0x84F0]  }
0x11e: {  	p5 =	sgt.s32 s19, $0x4;
	v40 =	vpsel !p4, $0x0, v40;
	v9 =	vadd.f32 v62, v9;
	v62 =	vpsel !p3, $0x0, v30;
	v30 =	vld [tilespmem:$0x8500]  }
0x11f: {  	v41 =	vpsel !p5, $0x0, v41;
	v42 =	vpsel !p5, $0x0, v42;
	v16 =	vadd.f32 v32, v16;
	v32 =	vld [tilespmem:$0x8520]  }
0x120: {  	v43 =	vpsel !p5, $0x0, v43;
	v44 =	vpsel !p5, $0x0, v44;
	v9 =	vadd.f32 v33, v9;
	v33 =	vld [tilespmem:$0x8510]  }
0x121: {  	v45 =	vpsel !p5, $0x0, v45;
	v13 =	vadd.f32 v61, v13;
	v11 =	vadd.f32 v35, v11;
	v35 =	vld [tilespmem:$0x8530]  }
0x122: {  	v46 =	vpsel !p5, $0x0, v46;
	v12 =	vadd.f32 v60, v12;
	v10 =	vadd.f32 v34, v10;
	v34 =	vld [tilespmem:$0x8540]  }
0x123: {  	p6 =	sgt.s32 s19, $0x5;
	v47 =	vpsel !p5, $0x0, v47;
	v48 =	vpsel !p5, $0x0, v48;
	v13 =	vadd.f32 v37, v13;
	v37 =	vld [tilespmem:$0x8550]  }
0x124: {  	v49 =	vpsel !p6, $0x0, v49;
	v14 =	vadd.f32 v62, v14;
	v12 =	vadd.f32 v36, v12;
	v36 =	vld [tilespmem:$0x8600]  }
0x125: {  	v50 =	vpsel !p6, $0x0, v50;
	v15 =	vadd.f32 v63, v15;
	v16 =	vadd.f32 v40, v16;
	v40 =	vld [tilespmem:$0x8570]  }
0x126: {  	v51 =	vpsel !p6, $0x0, v51;
	v52 =	vpsel !p6, $0x0, v52;
	v14 =	vadd.f32 v38, v14;
	v38 =	vld [tilespmem:$0x8580]  }
0x127: {  	v53 =	vpsel !p6, $0x0, v53;
	v54 =	vpsel !p6, $0x0, v54;
	v15 =	vadd.f32 v39, v15;
	v39 =	vld [tilespmem:$0x8590]  }
0x128: {  	p1 =	sgt.s32 s19, $0x6;
	v60 =	vpsel !p6, $0x0, v55;
	v61 =	vpsel !p6, $0x0, v56;
	v10 =	vadd.f32 v42, v10;
	v42 =	vld [tilespmem:$0x85A0]  }
0x129: {  	v18 =	vpsel !p1, $0x0, v18;
	v20 =	vpsel !p1, $0x0, v20;
	v9 =	vadd.f32 v41, v9;
	v41 =	vld [tilespmem:$0x85B0]  }
0x12a: {  	v19 =	vpsel !p1, $0x0, v19;
	v21 =	vpsel !p1, $0x0, v21;
	v12 =	vadd.f32 v44, v12;
	v44 =	vld [tilespmem:$0x85C0]  }
0x12b: {  	p3 =	sgt.s32 s19, $0x7;
	v62 =	vpsel !p1, $0x0, v57;
	v63 =	vpsel !p1, $0x0, v58;
	v11 =	vadd.f32 v43, v11;
	v43 =	vld [tilespmem:$0x85D0]  }
0x12c: {  	p4 =	sgt.s32 s19, $0x8;
	v17 =	vpsel !p3, $0x0, v17;
	v13 =	vadd.f32 v45, v13;
	v56 =	vpsel !p3, $0x0, v28;
	v28 =	vld [tilespmem:$0x8690]  }
0x12d: {  	v25 =	vpsel !p4, $0x0, v25;
	v14 =	vadd.f32 v46, v14;
	v15 =	vadd.f32 v47, v15;
	v46 =	vld [tilespmem:$0x85E0]  }
0x12e: {  	v16 =	vadd.f32 v48, v16;
	v48 =	vpsel !p1, $0x0, v59;
	v55 =	vpsel !p3, $0x0, v27;
	v27 =	vld [tilespmem:$0x86A0]  }
0x12f: {  	v58 =	vpsel !p4, $0x0, v30;
	v30 =	vld [tilespmem:$0x86B0];
	v9 =	vadd.f32 v49, v9;
	v10 =	vadd.f32 v50, v10  }
0x130: {  	v57 =	vpsel !p3, $0x0, v31;
	v31 =	vld [tilespmem:$0x86F0];
	v11 =	vadd.f32 v51, v11;
	v12 =	vadd.f32 v52, v12  }
0x131: {  	v13 =	vadd.f32 v53, v13;
	v49 =	vld [tilespmem:$0x85F0];
	v50 =	vpsel !p1, $0x0, v22;
	v51 =	vpsel !p3, $0x0, v24  }
0x132: {  	v22 =	vld [tilespmem:$0x8620];
	v52 =	vpsel !p3, $0x0, v23;
	v53 =	vpsel !p3, $0x0, v26;
	v14 =	vadd.f32 v54, v14  }
0x133: {  	v23 =	vld [tilespmem:$0x8650];
	v15 =	vadd.f32 v60, v15;
	v16 =	vadd.f32 v61, v16;
	v54 =	vpsel !p3, $0x0, v29  }
0x134: {  	v26 =	vld [tilespmem:$0x8670];
	v59 =	vpsel !p4, $0x0, v33;
	v60 =	vpsel !p4, $0x0, v32;
	v9 =	vadd.f32 v62, v9  }
0x135: {  	v24 =	vld [tilespmem:$0x8680];
	v61 =	vpsel !p4, $0x0, v35;
	v10 =	vadd.f32 v63, v10;
	v11 =	vadd.f32 v48, v11  }
0x136: {  	p5 =	sgt.s32 s19, $0x9;
	v32 =	vld [tilespmem:$0x86D0];
	v12 =	vadd.f32 v18, v12;
	v13 =	vadd.f32 v20, v13;
	v62 =	vpsel !p4, $0x0, v34  }
0x137: {  	v29 =	vld [tilespmem:$0x86E0];
	v63 =	vpsel !p4, $0x0, v37;
	v37 =	vpsel !p4, $0x0, v40;
	v38 =	vpsel !p5, $0x0, v38  }
0x138: {  	v33 =	vld [tilespmem:$0x8710];
	v39 =	vpsel !p5, $0x0, v39;
	v14 =	vadd.f32 v19, v14;
	v15 =	vadd.f32 v50, v15  }
0x139: {  	v35 =	vld [tilespmem:$0x8730];
	v16 =	vadd.f32 v21, v16;
	v40 =	vpsel !p5, $0x0, v42;
	v41 =	vpsel !p5, $0x0, v41  }
0x13a: {  	p6 =	sgt.s32 s19, $0xA;
	v18 =	vld [tilespmem:$0x8610];
	v42 =	vpsel !p5, $0x0, v44;
	v44 =	vpsel !p5, $0x0, v43;
	v9 =	vadd.f32 v51, v9  }
0x13b: {  	v20 =	vld [tilespmem:$0x8630];
	v50 =	vpsel !p6, $0x0, v36;
	v10 =	vadd.f32 v52, v10;
	v11 =	vadd.f32 v53, v11  }
0x13c: {  	p1 =	sgt.s32 s19, $0xB;
	v34 =	vld [tilespmem:$0x8700];
	v12 =	vadd.f32 v17, v12;
	v13 =	vadd.f32 v54, v13;
	v47 =	vpsel !p5, $0x0, v46  }
0x13d: {  	v48 =	vld [tilespmem:$0x8720];
	v30 =	vpsel !p1, $0x0, v30;
	v43 =	vpsel !p1, $0x0, v31;
	v14 =	vadd.f32 v55, v14  }
0x13e: {  	v21 =	vld [tilespmem:$0x8640];
	v15 =	vadd.f32 v56, v15;
	v16 =	vadd.f32 v57, v16;
	v49 =	vpsel !p5, $0x0, v49  }
0x13f: {  	v19 =	vld [tilespmem:$0x8660];
	v52 =	vpsel !p6, $0x0, v22;
	v9 =	vadd.f32 v58, v9;
	v10 =	vadd.f32 v59, v10  }
0x140: {  	v36 =	vld [tilespmem:$0x8890];
	v57 =	vpsel !p6, $0x0, v23;
	v11 =	vadd.f32 v60, v11;
	v12 =	vadd.f32 v61, v12  }
0x141: {  	v17 =	vld [tilespmem:$0x86C0];
	v13 =	vadd.f32 v62, v13;
	v58 =	vpsel !p6, $0x0, v26;
	v60 =	vpsel !p1, $0x0, v24  }
0x142: {  	p3 =	sgt.s32 s19, $0xC;
	v51 =	vld [tilespmem:$0x8740];
	v62 =	vpsel !p1, $0x0, v28;
	v28 =	vpsel !p1, $0x0, v27;
	v14 =	vadd.f32 v63, v14  }
0x143: {  	v22 =	vld [tilespmem:$0x8750];
	v46 =	vpsel !p3, $0x0, v33;
	v15 =	vadd.f32 v25, v15;
	v16 =	vadd.f32 v37, v16  }
0x144: {  	v55 =	vld [tilespmem:$0x8760];
	v18 =	vpsel !p6, $0x0, v18;
	v53 =	vpsel !p6, $0x0, v20;
	v9 =	vadd.f32 v38, v9  }
0x145: {  	v56 =	vld [tilespmem:$0x8770];
	v45 =	vpsel !p3, $0x0, v34;
	v10 =	vadd.f32 v39, v10;
	v11 =	vadd.f32 v40, v11  }
0x146: {  	v59 =	vld [tilespmem:$0x8780];
	v48 =	vpsel !p3, $0x0, v48;
	v12 =	vadd.f32 v41, v12;
	v13 =	vadd.f32 v42, v13  }
0x147: {  	v61 =	vld [tilespmem:$0x8790];
	v54 =	vpsel !p6, $0x0, v21;
	v19 =	vpsel !p6, $0x0, v19;
	v40 =	vpsel !p1, $0x0, v32  }
0x148: {  	v63 =	vld [tilespmem:$0x87A0];
	v41 =	vpsel !p1, $0x0, v29;
	v14 =	vadd.f32 v44, v14;
	v15 =	vadd.f32 v47, v15  }
0x149: {  	v34 =	vld [tilespmem:$0x8880];
	v16 =	vadd.f32 v49, v16;
	v17 =	vpsel !p1, $0x0, v17;
	v9 =	vadd.f32 v50, v9  }
0x14a: {  	v38 =	vld [tilespmem:$0x87B0];
	v51 =	vpsel !p3, $0x0, v51;
	v10 =	vadd.f32 v18, v10;
	v11 =	vadd.f32 v52, v11  }
0x14b: {  	v39 =	vld [tilespmem:$0x87C0];
	v12 =	vadd.f32 v53, v12;
	v13 =	vadd.f32 v54, v13;
	v50 =	vpsel !p3, $0x0, v35  }
0x14c: {  	v42 =	vld [tilespmem:$0x87D0];
	v22 =	vpsel !p3, $0x0, v22;
	v21 =	vpsel !p3, $0x0, v55;
	v14 =	vadd.f32 v57, v14  }
0x14d: {  	p4 =	sgt.s32 s19, $0xD;
	v44 =	vld [tilespmem:$0x87E0];
	v18 =	vpsel !p3, $0x0, v56;
	v15 =	vadd.f32 v19, v15;
	v16 =	vadd.f32 v58, v16  }
0x14e: {  	v47 =	vld [tilespmem:$0x87F0];
	v55 =	vpsel !p4, $0x0, v59;
	v9 =	vadd.f32 v60, v9;
	v10 =	vadd.f32 v62, v10  }
0x14f: {  	v49 =	vld [tilespmem:$0x8800];
	v57 =	vpsel !p4, $0x0, v61;
	v11 =	vadd.f32 v28, v11;
	v12 =	vadd.f32 v30, v12  }
0x150: {  	v52 =	vld [tilespmem:$0x8810];
	v13 =	vadd.f32 v17, v13;
	v59 =	vpsel !p4, $0x0, v63;
	v14 =	vadd.f32 v40, v14  }
0x151: {  	v53 =	vld [tilespmem:$0x8820];
	v15 =	vadd.f32 v41, v15;
	v16 =	vadd.f32 v43, v16;
	v60 =	vpsel !p4, $0x0, v38  }
0x152: {  	v54 =	vld [tilespmem:$0x8830];
	v62 =	vpsel !p4, $0x0, v39;
	v9 =	vadd.f32 v45, v9;
	v10 =	vadd.f32 v46, v10  }
0x153: {  	v56 =	vld [tilespmem:$0x8840];
	v32 =	vpsel !p4, $0x0, v42;
	v11 =	vadd.f32 v48, v11;
	v12 =	vadd.f32 v50, v12  }
0x154: {  	p5 =	sgt.s32 s19, $0xE;
	p6 =	sgt.s32 s19, $0xF;
	v58 =	vld [tilespmem:$0x8850];
	v13 =	vadd.f32 v51, v13;
	v33 =	vpsel !p4, $0x0, v44;
	v35 =	vpsel !p4, $0x0, v47  }
0x155: {  	v61 =	vld [tilespmem:$0x8860];
	v37 =	vpsel !p5, $0x0, v49;
	v46 =	vpsel !p6, $0x0, v34;
	v14 =	vadd.f32 v22, v14  }
0x156: {  	v63 =	vld [tilespmem:$0x8870];
	v48 =	vpsel !p6, $0x0, v36;
	v15 =	vadd.f32 v21, v15;
	v16 =	vadd.f32 v18, v16  }
0x157: {  	v39 =	vld [tilespmem:$0x88A0];
	v38 =	vpsel !p5, $0x0, v52;
	v17 =	vpsel !p5, $0x0, v53;
	v9 =	vadd.f32 v55, v9  }
0x158: {  	v40 =	vld [tilespmem:$0x88B0];
	v41 =	vpsel !p5, $0x0, v54;
	v10 =	vadd.f32 v57, v10;
	v11 =	vadd.f32 v59, v11  }
0x159: {  	v42 =	vld [tilespmem:$0x88C0];
	v22 =	vpsel !p5, $0x0, v56;
	v12 =	vadd.f32 v60, v12;
	v13 =	vadd.f32 v62, v13  }
0x15a: {  	v43 =	vld [tilespmem:$0x88D0];
	v20 =	vpsel !p5, $0x0, v58;
	v14 =	vadd.f32 v32, v14;
	v15 =	vadd.f32 v33, v15  }
0x15b: {  	v45 =	vld [tilespmem:$0x88E0];
	v44 =	vpsel !p5, $0x0, v61;
	v16 =	vadd.f32 v35, v16;
	v9 =	vadd.f32 v37, v9  }
0x15c: {  	v47 =	vld [tilespmem:$0x88F0];
	v19 =	vpsel !p5, $0x0, v63;
	v10 =	vadd.f32 v38, v10;
	v11 =	vadd.f32 v17, v11  }
0x15d: {  	v12 =	vadd.f32 v41, v12;
	v13 =	vadd.f32 v22, v13;
	v49 =	vpsel !p6, $0x0, v39  }
0x15e: {  	v18 =	vpsel !p6, $0x0, v40;
	v50 =	vpsel !p6, $0x0, v42;
	v14 =	vadd.f32 v20, v14  }
0x15f: {  	v17 =	vpsel !p6, $0x0, v43;
	v15 =	vadd.f32 v44, v15;
	v9 =	vadd.f32 v46, v9  }
0x160: {  	v16 =	vadd.f32 v19, v16;
	v51 =	vpsel !p6, $0x0, v45;
	v10 =	vadd.f32 v48, v10  }
0x161: {  	v52 =	vpsel !p6, $0x0, v47;
	v11 =	vadd.f32 v49, v11;
	v9 =	vmax.f32 v9, $0.0e+00  }
0x162: {  	v12 =	vadd.f32 v18, v12;
	v10 =	vmax.f32 v10, $0.0e+00;
	v9 =	vnsel vm0, $0x0, v9  }
0x163: {  	v13 =	vadd.f32 v50, v13;
	v54 =	vmax.f32 v11, $0.0e+00;
	v53 =	vnsel vm9, $0x0, v10;
	[tilespmem:$0x8900] =	vst v9  }
0x164: {  	v14 =	vadd.f32 v17, v14;
	v56 =	vmax.f32 v12, $0.0e+00;
	v55 =	vnsel vm10, $0x0, v54;
	[tilespmem:$0x8910] =	vst v53  }
0x165: {  	v15 =	vadd.f32 v51, v15;
	v58 =	vmax.f32 v13, $0.0e+00;
	v57 =	vnsel vm11, $0x0, v56;
	[tilespmem:$0x8920] =	vst v55  }
0x166: {  	v16 =	vadd.f32 v52, v16;
	v59 =	vnsel vm12, $0x0, v58;
	v60 =	vmax.f32 v14, $0.0e+00;
	[tilespmem:$0x8930] =	vst v57  }
0x167: {  	vm14 =	vgt.s32 v8, v6;
	v62 =	vmax.f32 v15, $0.0e+00;
	[tilespmem:$0x8940] =	vst v59;
	v61 =	vnsel vm13, $0x0, v60  }
0x168: {  	vm15 =	vgt.s32 v8, v7;
	v8 =	vmax.f32 v16, $0.0e+00;
	v63 =	vnsel vm14, $0x0, v62;
	[tilespmem:$0x8950] =	vst v61  }
0x169: {  	v8 =	vnsel vm15, $0x0, v8;
	[tilespmem:$0x8960] =	vst v63  }
.Ltmp8:
0x16a: {  	[tilespmem:$0x8970] =	vst v8;
	(pc) =	sbr.rel .LBB2_10-.Ltmp8, $4  }
0x16b: {  	[hbm4b:s8+s4] =	stream.linear.scatter [tilespmem:s17], [sflag:$0x3], $0x80, $0x38;
	[tilespmem:$0x8A80] =	vst v63  }
0x16c: {  	_ =	swait.ge [sflag:s16], $0x80  }
0x16d: {  	[sflag:s16] =	ssyncset.done $0x0  }
0x16e: {  	[sflag:s16] =	ssyncadd.s32 $0xFFFFFF80  }
.LBB2_11:
0x16f: {  	_ =	sfence.sel $0x180000  }
0x170: {  	[bflag:$0x0] =	sbarrier.arrive $0xFFFF  }
0x171: {  	_ =	strace $0x90000047  }
0x172: {  	s0 =	sadd.s32 @!p2 $0x100000, s0;
	[bflag:$0x2] =	sbarrier.arrive $0xFFFF  }
0x173: {  	[sflag:s0] =	ssyncadd.tile.s32 @!p2 $0x1;
	_ =	shalt  }
.Lfunc_end2:
_tile_overlayer_lowered:
.L_overlay_start_2:
0x174: {  	(tag) =	ssettag $0x2  }
0x175: {  	s0 =	rddreg [dreg:$0x0];
	s2 =	stileid.u32  }
0x176: {  	s1 =	rddreg [dreg:$0x1];
	p0 =	sne.s32 s2, $0x0  }
0x177: {  	s3 =	rddreg [dreg:$0x2];
	[bflag:$0x3] =	sbarrier.arrive $0xFFFF;
	s2 =	simm.s32 @!p0 $0x1C03  }
0x178: {  	[timem:s3], [sflag:s2] =	dma.local @!p0 [hbm:s0], s1  }
0x179: {  	s0 =	simm.s32 @!p0 $0x3  }
0x17a: {  	_ =	swait.ge @!p0 [sflag:s0], s1  }
0x17b: {  	s1 =	ssub.s32 @!p0 $0x0, s1;
	[sflag:s0] =	ssyncset.done @!p0 $0x0  }
0x17c: {  	[sflag:s0] =	ssyncadd.s32 @!p0 s1  }
0x17d: {  	[bflag:$0x3] =	sbarrier.arrive $0xFFFF  }
0x17e: {  	_ =	shalt  }

</sc_bundles>
